<compile_context>
chip_gen: v7x
topology: tpu7x:2x2x1
jax: 0.10.2.dev20260603
libtpu: 0.0.44.dev20260713+nightly
codegen_flags: <defaults>
</compile_context>

<pallas_src>
import functools

import jax
import jax.numpy as jnp
from jax import lax
from jax.experimental import pallas as pl
from jax.experimental.pallas import tpu as pltpu
from jax.experimental.pallas import tpu_sc as plsc

def _eye(n):
    r = lax.broadcasted_iota(jnp.int32, (n, n), 0)
    c = lax.broadcasted_iota(jnp.int32, (n, n), 1)
    return (r == c).astype(jnp.float32)


_N = 8192
_M = 2048
_D = 128
_C = 2048
_NS = 4096 // _C
_RPT = _N // 32
_L = 16


def _tc_a(feat_c, real_mem, fake_mem):

    def body(feat_ref, rmem_ref, fmem_ref, qt_ref, qr_ref, rm_ref,
             gi_ref, cm_ref, mt):
        b = pl.program_id(0)
        s = pl.program_id(1)

        @pl.when(jnp.logical_and(b == 0, s == 0))
        def _():
            eye = _eye(_D)
            mt[:, :_M] = lax.dot_general(eye, rmem_ref[...],
                                         (((1,), (1,)), ((), ())),
                                         preferred_element_type=jnp.float32)
            mt[:, _M:] = lax.dot_general(eye, fmem_ref[...],
                                         (((1,), (1,)), ((), ())),
                                         preferred_element_type=jnp.float32)

        f = feat_ref[0]
        nrm = jnp.sqrt(jnp.sum(f * f, axis=0, keepdims=True))
        q = f / jnp.maximum(nrm, 1e-12)
        qt_ref[0] = q
        qr = lax.dot_general(q, _eye(_D), (((0,), (0,)), ((), ())),
                             preferred_element_type=jnp.float32)
        qr_ref[...] = qr
        st = lax.dot_general(qr, mt[...], (((1,), (0,)), ((), ())),
                             preferred_element_type=jnp.float32)
        for br in range(2):
            sb = st[:, br * _M:(br + 1) * _M]
            rmax = jnp.max(sb, axis=1)
            gi = jnp.argmax(sb, axis=1).astype(jnp.int32)
            rm_ref[br, 0] = rmax.reshape(_C // 128, 128)
            gi_ref[br, 0] = gi.reshape(_C // 128, 128)
            cmt = jnp.max(sb, axis=0)

            @pl.when(jnp.logical_and(b == 0, s == 0))
            def _():
                cm_ref[br, 0, :] = cmt

            @pl.when(jnp.logical_or(b != 0, s != 0))
            def _():
                cm_ref[br, 0, :] = jnp.maximum(cm_ref[br, 0, :], cmt)

    f32 = jnp.float32
    i32 = jnp.int32
    nt = 2 * _NS
    return pl.pallas_call(
        body,
        grid=(2, _NS),
        in_specs=[
            pl.BlockSpec((1, _D, _C), lambda b, s: (b, 0, s)),
            pl.BlockSpec((_M, _D), lambda b, s: (0, 0)),
            pl.BlockSpec((_M, _D), lambda b, s: (0, 0)),
        ],
        out_specs=[
            pl.BlockSpec((1, _D, _C), lambda b, s: (b, 0, s)),
            pl.BlockSpec((_C, _D), lambda b, s: (b * _NS + s, 0)),
            pl.BlockSpec((2, 1, _C // 128, 128),
                         lambda b, s: (0, b * _NS + s, 0, 0)),
            pl.BlockSpec((2, 1, _C // 128, 128),
                         lambda b, s: (0, b * _NS + s, 0, 0)),
            pl.BlockSpec((2, 1, _M), lambda b, s: (0, 0, 0)),
        ],
        out_shape=[
            jax.ShapeDtypeStruct((2, _D, 4096), f32),
            jax.ShapeDtypeStruct((_N, _D), f32),
            jax.ShapeDtypeStruct((2, nt, _C // 128, 128), f32),
            jax.ShapeDtypeStruct((2, nt, _C // 128, 128), i32),
            jax.ShapeDtypeStruct((2, 1, _M), f32),
        ],
        scratch_shapes=[pltpu.VMEM((_D, 2 * _M), f32)],
    )(feat_c, real_mem, fake_mem)


def _sc_b(q_rows, rowmax, gidx, colmax, br):
    mesh = plsc.VectorSubcoreMesh(core_axis_name="c", subcore_axis_name="s")

    @functools.partial(
        pl.kernel,
        out_type=jax.ShapeDtypeStruct((2, _M, _D), jnp.float32),
        mesh=mesh,
        compiler_params=pltpu.CompilerParams(needs_layout_passes=False),
        scratch_types=[
            pltpu.VMEM((_RPT, _D), jnp.float32),
            pltpu.VMEM((_RPT,), jnp.float32),
            pltpu.VMEM((_RPT,), jnp.int32),
            pltpu.VMEM((_RPT // 128, 128), jnp.int32),
            pltpu.VMEM((_M,), jnp.float32),
            pltpu.VMEM((_M // 16, _D), jnp.float32),
            pltpu.VMEM_SHARED((_M, _D), jnp.float32),
            pltpu.SemaphoreType.DMA,
        ],
    )
    def k(q_hbm, rm_hbm, gi_hbm, cm_hbm, qu_hbm,
          qv, rmv, giv, giv2, cmv, zv, shared, sem):
        c = lax.axis_index("c")
        s = lax.axis_index("s")
        base = (s * 2 + c) * _RPT

        copies = [
            pltpu.async_copy(q_hbm.at[pl.ds(base, _RPT)], qv, sem),
            pltpu.async_copy(rm_hbm.at[br, pl.ds(base, _RPT)], rmv, sem),
            pltpu.async_copy(gi_hbm.at[br, pl.ds(base, _RPT)], giv, sem),
            pltpu.async_copy(cm_hbm.at[br], cmv, sem),
        ] + [
            pltpu.async_copy(gi_hbm.at[br, pl.ds(base + j * 128, 128)],
                             giv2.at[j], sem)
            for j in range(_RPT // 128)
        ]
        zero16 = jnp.zeros((_L,), jnp.float32)
        zrows = _M // 16

        def zloop(i, _):
            for k2 in range(_D // _L):
                zv[i, pl.ds(k2 * _L, _L)] = zero16
            return 0

        lax.fori_loop(0, zrows, zloop, 0)
        pltpu.sync_copy(zv, shared.at[pl.ds(s * zrows, zrows)])

        for cp in copies:
            cp.wait()

        def wsloop(i, _):
            off = i * _L
            g16 = giv[pl.ds(off, _L)]
            cm16 = plsc.load_gather(cmv, [g16])
            rm16 = rmv[pl.ds(off, _L)]
            w16 = jnp.exp(rm16 - cm16)
            for j in range(_L):
                wb = jnp.full((_L,), w16[j], jnp.float32)
                r = off + j
                for k2 in range(_D // _L):
                    qv[r, pl.ds(k2 * _L, _L)] = qv[r, pl.ds(k2 * _L, _L)] * wb
            return 0

        lax.fori_loop(0, _RPT // _L, wsloop, 0)

        plsc.subcore_barrier()
        scats = [
            pltpu.async_copy(qv.at[pl.ds(j * 128, 128)],
                             shared.at[giv2.at[j]], sem, add=True)
            for j in range(_RPT // 128)
        ]
        for cp in scats:
            cp.wait()
        plsc.subcore_barrier()
        pltpu.sync_copy(shared.at[pl.ds(s * zrows, zrows)],
                        qu_hbm.at[c, pl.ds(s * zrows, zrows)])

    return k(q_rows, rowmax, gidx, colmax)


def _tc_c(q_t, mem, qu):

    def body(q_ref, mem_ref, qu_ref, w1_ref, w2_ref, uq_ref, mem2_ref,
             m2s, m2ts):
        b = pl.program_id(0)
        s = pl.program_id(1)

        @pl.when(jnp.logical_and(b == 0, s == 0))
        def _():
            m = mem_ref[...] + qu_ref[0] + qu_ref[1]
            nrm = jnp.sqrt(jnp.sum(m * m, axis=1, keepdims=True))
            m2 = m / jnp.maximum(nrm, 1e-12)
            m2s[...] = m2
            mem2_ref[...] = m2
            m2ts[...] = lax.dot_general(_eye(_D), m2, (((1,), (1,)), ((), ())),
                                        preferred_element_type=jnp.float32)

        m2 = m2s[...]
        q = q_ref[0]
        st = lax.dot_general(m2, q, (((1,), (0,)), ((), ())),
                             preferred_element_type=jnp.float32)
        e = jnp.exp(st)
        den = jnp.sum(e, axis=0, keepdims=True)
        att2 = lax.dot_general(m2ts[...], e, (((1,), (0,)), ((), ())),
                               preferred_element_type=jnp.float32)
        att2 = att2 / den
        f1 = lax.dot_general(w1_ref[...], q, (((1,), (0,)), ((), ())),
                             preferred_element_type=jnp.float32)
        f2 = lax.dot_general(w2_ref[...], att2, (((1,), (0,)), ((), ())),
                             preferred_element_type=jnp.float32)
        num = jnp.sum(f1 * f2, axis=0)
        den2 = jnp.sqrt(jnp.sum(f1 * f1, axis=0)) * jnp.sqrt(jnp.sum(f2 * f2, axis=0))
        sim = num / jnp.maximum(den2, 1e-8)
        uq_ref[0] = q * sim[None, :]

    f32 = jnp.float32

    def call(w1, w2):
        return pl.pallas_call(
            body,
            grid=(2, _NS),
            in_specs=[
                pl.BlockSpec((1, _D, _C), lambda b, s: (b, 0, s)),
                pl.BlockSpec((_M, _D), lambda b, s: (0, 0)),
                pl.BlockSpec((2, _M, _D), lambda b, s: (0, 0, 0)),
                pl.BlockSpec((_D, _D), lambda b, s: (0, 0)),
                pl.BlockSpec((_D, _D), lambda b, s: (0, 0)),
            ],
            out_specs=[
                pl.BlockSpec((1, _D, _C), lambda b, s: (b, 0, s)),
                pl.BlockSpec((_M, _D), lambda b, s: (0, 0)),
            ],
            out_shape=[
                jax.ShapeDtypeStruct((2, _D, 4096), f32),
                jax.ShapeDtypeStruct((_M, _D), f32),
            ],
            scratch_shapes=[pltpu.VMEM((_M, _D), f32),
                            pltpu.VMEM((_D, _M), f32)],
        )(q_t, mem, qu, w1, w2)

    return call


def kernel(feat, tar, real_mem, fake_mem, theta1_w, theta2_w):
    del tar
    b, d, h, w = feat.shape
    feat_c = feat.reshape(b, d, h * w)
    (q_t, q_rows, rm, gi, cm) = _tc_a(feat_c, real_mem, fake_mem)
    rm2, gi2, cm2 = rm.reshape(2, _N), gi.reshape(2, _N), cm.reshape(2, _M)
    qu_r = _sc_b(q_rows, rm2, gi2, cm2, 0)
    qu_f = _sc_b(q_rows, rm2, gi2, cm2, 1)
    uq_r, mem2_r = _tc_c(q_t, real_mem, qu_r)(theta1_w, theta2_w)
    uq_f, mem2_f = _tc_c(q_t, fake_mem, qu_f)(theta1_w, theta2_w)
    feat_out = q_t.reshape(b, d, h, w)
    return (uq_r.reshape(b, d, h, w), feat_out, mem2_r,
            uq_f.reshape(b, d, h, w), feat_out, mem2_f)

# --- scband reference (transcript-rebuilt; emitter-appended) ---
"""Pipeline reference for scband-mem-net-66151086293669 (READ-ONLY COPY).

The authoritative reference and input builder live on the scoring server;
editing this copy changes nothing except your own understanding.
"""

import jax, jax.numpy as jnp
import numpy as np

MEM_DIM = 2048
FEA_DIM = 128
PATCH = 16
EPSILON = 1e-07

def _l2norm(x, axis):
    n = jnp.sqrt(jnp.sum(x * x, axis=axis, keepdims=True))
    return x / jnp.maximum(n, 1e-12)

def _avg_pool(mask, p):
    b, h, w = mask.shape
    return mask.reshape(b, h // p, p, w // p, p).mean(axis=(2, 4))

def _get_score(mem, query):
    bs, h, w, d = query.shape
    m = mem.shape[0]
    score = jnp.einsum('bhwd,md->bhwm', query, mem).reshape(bs * h * w, m)
    score_query = jax.nn.softmax(score, axis=0)
    score_memory = jax.nn.softmax(score, axis=1)
    return score_query, score_memory

def _update(query, keys):
    q = _l2norm(query, axis=1).transpose(0, 2, 3, 1)
    bs, h, w, d = q.shape
    n = bs * h * w
    score_query, score_memory = _get_score(keys, q)
    q_flat = q.reshape(n, d)
    gidx = jnp.argmax(score_memory, axis=1)
    colmax = jnp.max(score_query, axis=0)
    wgt = score_query[jnp.arange(n), gidx] / colmax[gidx]
    m = keys.shape[0]
    query_update = jnp.zeros((m, d), dtype=q.dtype).at[gidx].add(wgt[:, None] * q_flat)
    return _l2norm(query_update + keys, axis=1)

def _read(query, mem):
    q = query.transpose(0, 2, 3, 1)
    bs, h, w, d = q.shape
    _, score_memory = _get_score(mem, q)
    att2 = jnp.matmul(jax.lax.stop_gradient(score_memory), mem)
    return att2.reshape(bs, h, w, d).transpose(0, 3, 1, 2)

def _cosine_sim(old_feat, new_feat, w1, w2):
    f1 = jnp.einsum('bdhw,ed->behw', old_feat, w1)
    f2 = jnp.einsum('bdhw,ed->behw', new_feat, w2)
    num = jnp.sum(f1 * f2, axis=1)
    n1 = jnp.sqrt(jnp.sum(f1 * f1, axis=1))
    n2 = jnp.sqrt(jnp.sum(f2 * f2, axis=1))
    return num / jnp.maximum(n1 * n2, 1e-8)

def _mem_attention(feat, tar, type_real, mem, w1, w2):
    mask = _avg_pool(tar, PATCH)
    mask = (mask > 0.5).astype(jnp.float32)
    if type_real:
        mask = 1.0 - mask
    mask = jnp.where(mask == 0, jnp.float32(EPSILON), mask)
    feat = feat * mask[:, None, :, :]
    query = _l2norm(feat, axis=1)
    mem = _update(query, mem)
    att2 = _read(query, mem)
    sim = _cosine_sim(query, att2, w1, w2)
    updated_query = query * sim[:, None, :, :]
    return updated_query, query, mem

def setup_inputs(seed: int = 0):
    key = jax.random.key(seed)
    ks = jax.random.split(key, 6)
    feat = jax.random.normal(ks[0], (2, FEA_DIM, 64, 64), dtype=jnp.float32)
    tar = jax.random.uniform(ks[1], (2, 1024, 1024), dtype=jnp.float32)
    stdv = 1.0 / float(np.sqrt(FEA_DIM))
    real_mem = jax.random.uniform(ks[2], (MEM_DIM, FEA_DIM), minval=-stdv, maxval=stdv, dtype=jnp.float32)
    fake_mem = jax.random.uniform(ks[3], (MEM_DIM, FEA_DIM), minval=-stdv, maxval=stdv, dtype=jnp.float32)
    theta1_w = jax.random.normal(ks[4], (FEA_DIM, FEA_DIM), dtype=jnp.float32) * 0.02
    theta2_w = jax.random.normal(ks[5], (FEA_DIM, FEA_DIM), dtype=jnp.float32) * 0.02
    return {"feat": feat, "tar": tar, "real_mem": real_mem, "fake_mem": fake_mem, "theta1_w": theta1_w, "theta2_w": theta2_w}

def reference(feat, tar, real_mem, fake_mem, theta1_w, theta2_w):
    uq_r, feat_r, mem_r = _mem_attention(feat, tar, True, real_mem, theta1_w, theta2_w)
    uq_f, feat_f, mem_f = _mem_attention(feat, tar, False, fake_mem, theta1_w, theta2_w)
    return (uq_r, feat_r, mem_r, uq_f, feat_f, mem_f)

if __name__ == "__main__":
    import jax
    _d = setup_inputs()
    print(jax.jit(kernel)(*tuple(_d.values())))

</pallas_src>

<mosaic_0001>
#map = affine_map<(d0, d1) -> (0, 0)>
#map1 = affine_map<(d0, d1) -> (0, 0, 0)>
module attributes {stable_mosaic.version = 14 : i64} {
  func.func @k(%arg0: i32, %arg1: i32, %arg2: memref<8192x128xf32, #tpu.memory_space<hbm>>, %arg3: memref<2x8192xf32, #tpu.memory_space<hbm>>, %arg4: memref<2x8192xi32, #tpu.memory_space<hbm>>, %arg5: memref<2x2048xf32, #tpu.memory_space<hbm>>, %arg6: memref<2x2048x128xf32, #tpu.memory_space<hbm>>, %arg7: memref<256x128xf32, #tpu.memory_space<vmem>>, %arg8: memref<256xf32, #tpu.memory_space<vmem>>, %arg9: memref<256xi32, #tpu.memory_space<vmem>>, %arg10: memref<2x128xi32, #tpu.memory_space<vmem>>, %arg11: memref<2048xf32, #tpu.memory_space<vmem>>, %arg12: memref<128x128xf32, #tpu.memory_space<vmem>>, %arg13: memref<2048x128xf32, #tpu.memory_space<vmem_shared>>, %arg14: memref<!tpu.dma_semaphore, #tpu.memory_space<semaphore_mem>>) attributes {dimension_semantics = [#tpu.dimension_semantics<core_parallel>, #tpu.dimension_semantics<subcore_parallel>], iteration_bounds = array<i64: 2, 16>, scalar_prefetch = 0 : i64, scratch_operands = 8 : i64, tpu.core_type = #tpu.core_type<sc_vector_subcore>, window_params = [{transform_indices = #map}, {transform_indices = #map}, {transform_indices = #map}, {transform_indices = #map}, {transform_indices = #map1}]} {
    %mul3A = arith.constant 2 : i32
    %mul3A_0 = arith.muli %arg1, %mul3A : i32
    %add3A = arith.addi %mul3A_0, %arg0 : i32
    %mul3A_1 = arith.constant 256 : i32
    %mul3A_2 = arith.muli %add3A, %mul3A_1 : i32
    %dma_start3A = arith.constant 0 : i32
    %dma_start3A_3 = tpu.memref_slice %arg2[%mul3A_2, %dma_start3A] : memref<8192x128xf32, #tpu.memory_space<hbm>> -> memref<256x128xf32, #tpu.memory_space<hbm>>
    %dma_start3A_4 = arith.constant 0 : i32
    %dma_start3A_5 = tpu.memref_slice %arg2[%mul3A_2, %dma_start3A_4] : memref<8192x128xf32, #tpu.memory_space<hbm>> -> memref<256x128xf32, #tpu.memory_space<hbm>>
    tpu.enqueue_dma source(%dma_start3A_5 : memref<256x128xf32, #tpu.memory_space<hbm>>) target(%arg7 : memref<256x128xf32, #tpu.memory_space<vmem>>) target_semaphore(%arg14 : memref<!tpu.dma_semaphore, #tpu.memory_space<semaphore_mem>>)
    %dma_start3A_6 = arith.constant 0 : i32
    %dma_start3A_7 = tpu.memref_slice %arg3[%dma_start3A_6, %mul3A_2] : memref<2x8192xf32, #tpu.memory_space<hbm>> -> memref<1x256xf32, #tpu.memory_space<hbm>>
    %dma_start3A_8 = tpu.memref_squeeze %dma_start3A_7 : memref<1x256xf32, #tpu.memory_space<hbm>> -> memref<256xf32, #tpu.memory_space<hbm>>
    %dma_start3A_9 = tpu.memref_slice %arg3[%dma_start3A_6, %mul3A_2] : memref<2x8192xf32, #tpu.memory_space<hbm>> -> memref<1x256xf32, #tpu.memory_space<hbm>>
    %dma_start3A_10 = tpu.memref_squeeze %dma_start3A_9 : memref<1x256xf32, #tpu.memory_space<hbm>> -> memref<256xf32, #tpu.memory_space<hbm>>
    tpu.enqueue_dma source(%dma_start3A_10 : memref<256xf32, #tpu.memory_space<hbm>>) target(%arg8 : memref<256xf32, #tpu.memory_space<vmem>>) target_semaphore(%arg14 : memref<!tpu.dma_semaphore, #tpu.memory_space<semaphore_mem>>)
    %dma_start3A_11 = arith.constant 0 : i32
    %dma_start3A_12 = tpu.memref_slice %arg4[%dma_start3A_11, %mul3A_2] : memref<2x8192xi32, #tpu.memory_space<hbm>> -> memref<1x256xi32, #tpu.memory_space<hbm>>
    %dma_start3A_13 = tpu.memref_squeeze %dma_start3A_12 : memref<1x256xi32, #tpu.memory_space<hbm>> -> memref<256xi32, #tpu.memory_space<hbm>>
    %dma_start3A_14 = tpu.memref_slice %arg4[%dma_start3A_11, %mul3A_2] : memref<2x8192xi32, #tpu.memory_space<hbm>> -> memref<1x256xi32, #tpu.memory_space<hbm>>
    %dma_start3A_15 = tpu.memref_squeeze %dma_start3A_14 : memref<1x256xi32, #tpu.memory_space<hbm>> -> memref<256xi32, #tpu.memory_space<hbm>>
    tpu.enqueue_dma source(%dma_start3A_15 : memref<256xi32, #tpu.memory_space<hbm>>) target(%arg9 : memref<256xi32, #tpu.memory_space<vmem>>) target_semaphore(%arg14 : memref<!tpu.dma_semaphore, #tpu.memory_space<semaphore_mem>>)
    %dma_start3A_16 = arith.constant 0 : i32
    %dma_start3A_17 = arith.constant 0 : i32
    %dma_start3A_18 = tpu.memref_slice %arg5[%dma_start3A_16, %dma_start3A_17] : memref<2x2048xf32, #tpu.memory_space<hbm>> -> memref<1x2048xf32, #tpu.memory_space<hbm>>
    %dma_start3A_19 = tpu.memref_squeeze %dma_start3A_18 : memref<1x2048xf32, #tpu.memory_space<hbm>> -> memref<2048xf32, #tpu.memory_space<hbm>>
    %dma_start3A_20 = arith.constant 0 : i32
    %dma_start3A_21 = tpu.memref_slice %arg5[%dma_start3A_16, %dma_start3A_20] : memref<2x2048xf32, #tpu.memory_space<hbm>> -> memref<1x2048xf32, #tpu.memory_space<hbm>>
    %dma_start3A_22 = tpu.memref_squeeze %dma_start3A_21 : memref<1x2048xf32, #tpu.memory_space<hbm>> -> memref<2048xf32, #tpu.memory_space<hbm>>
    tpu.enqueue_dma source(%dma_start3A_22 : memref<2048xf32, #tpu.memory_space<hbm>>) target(%arg11 : memref<2048xf32, #tpu.memory_space<vmem>>) target_semaphore(%arg14 : memref<!tpu.dma_semaphore, #tpu.memory_space<semaphore_mem>>)
    %add3A_23 = arith.constant 0 : i32
    %add3A_24 = arith.addi %mul3A_2, %add3A_23 : i32
    %dma_start3A_25 = arith.constant 0 : i32
    %dma_start3A_26 = arith.constant 0 : i32
    %dma_start3A_27 = arith.constant 0 : i32
    %dma_start3A_28 = tpu.memref_slice %arg10[%dma_start3A_26, %dma_start3A_27] : memref<2x128xi32, #tpu.memory_space<vmem>> -> memref<1x128xi32, #tpu.memory_space<vmem>>
    %dma_start3A_29 = tpu.memref_squeeze %dma_start3A_28 : memref<1x128xi32, #tpu.memory_space<vmem>> -> memref<128xi32, #tpu.memory_space<vmem>>
    %dma_start3A_30 = tpu.memref_slice %arg4[%dma_start3A_25, %add3A_24] : memref<2x8192xi32, #tpu.memory_space<hbm>> -> memref<1x128xi32, #tpu.memory_space<hbm>>
    %dma_start3A_31 = tpu.memref_squeeze %dma_start3A_30 : memref<1x128xi32, #tpu.memory_space<hbm>> -> memref<128xi32, #tpu.memory_space<hbm>>
    %dma_start3A_32 = arith.constant 0 : i32
    %dma_start3A_33 = tpu.memref_slice %arg10[%dma_start3A_26, %dma_start3A_32] : memref<2x128xi32, #tpu.memory_space<vmem>> -> memref<1x128xi32, #tpu.memory_space<vmem>>
    %dma_start3A_34 = tpu.memref_squeeze %dma_start3A_33 : memref<1x128xi32, #tpu.memory_space<vmem>> -> memref<128xi32, #tpu.memory_space<vmem>>
    %dma_start3A_35 = tpu.memref_slice %arg4[%dma_start3A_25, %add3A_24] : memref<2x8192xi32, #tpu.memory_space<hbm>> -> memref<1x128xi32, #tpu.memory_space<hbm>>
    %dma_start3A_36 = tpu.memref_squeeze %dma_start3A_35 : memref<1x128xi32, #tpu.memory_space<hbm>> -> memref<128xi32, #tpu.memory_space<hbm>>
    tpu.enqueue_dma source(%dma_start3A_36 : memref<128xi32, #tpu.memory_space<hbm>>) target(%dma_start3A_34 : memref<128xi32, #tpu.memory_space<vmem>>) target_semaphore(%arg14 : memref<!tpu.dma_semaphore, #tpu.memory_space<semaphore_mem>>)
    %add3A_37 = arith.constant 128 : i32
    %add3A_38 = arith.addi %mul3A_2, %add3A_37 : i32
    %dma_start3A_39 = arith.constant 0 : i32
    %dma_start3A_40 = arith.constant 1 : i32
    %dma_start3A_41 = arith.constant 0 : i32
    %dma_start3A_42 = tpu.memref_slice %arg10[%dma_start3A_40, %dma_start3A_41] : memref<2x128xi32, #tpu.memory_space<vmem>> -> memref<1x128xi32, #tpu.memory_space<vmem>>
    %dma_start3A_43 = tpu.memref_squeeze %dma_start3A_42 : memref<1x128xi32, #tpu.memory_space<vmem>> -> memref<128xi32, #tpu.memory_space<vmem>>
    %dma_start3A_44 = tpu.memref_slice %arg4[%dma_start3A_39, %add3A_38] : memref<2x8192xi32, #tpu.memory_space<hbm>> -> memref<1x128xi32, #tpu.memory_space<hbm>>
    %dma_start3A_45 = tpu.memref_squeeze %dma_start3A_44 : memref<1x128xi32, #tpu.memory_space<hbm>> -> memref<128xi32, #tpu.memory_space<hbm>>
    %dma_start3A_46 = arith.constant 0 : i32
    %dma_start3A_47 = tpu.memref_slice %arg10[%dma_start3A_40, %dma_start3A_46] : memref<2x128xi32, #tpu.memory_space<vmem>> -> memref<1x128xi32, #tpu.memory_space<vmem>>
    %dma_start3A_48 = tpu.memref_squeeze %dma_start3A_47 : memref<1x128xi32, #tpu.memory_space<vmem>> -> memref<128xi32, #tpu.memory_space<vmem>>
    %dma_start3A_49 = tpu.memref_slice %arg4[%dma_start3A_39, %add3A_38] : memref<2x8192xi32, #tpu.memory_space<hbm>> -> memref<1x128xi32, #tpu.memory_space<hbm>>
    %dma_start3A_50 = tpu.memref_squeeze %dma_start3A_49 : memref<1x128xi32, #tpu.memory_space<hbm>> -> memref<128xi32, #tpu.memory_space<hbm>>
    tpu.enqueue_dma source(%dma_start3A_50 : memref<128xi32, #tpu.memory_space<hbm>>) target(%dma_start3A_48 : memref<128xi32, #tpu.memory_space<vmem>>) target_semaphore(%arg14 : memref<!tpu.dma_semaphore, #tpu.memory_space<semaphore_mem>>)
    %broadcast_in_dim3A = arith.constant 0.000000e+00 : f32
    %broadcast_in_dim3A_51 = vector.broadcast %broadcast_in_dim3A : f32 to vector<16xf32>
    %scan3A = arith.constant 0 : i32
    %scan3A_52 = arith.constant 0 : i32
    %scan3A_53 = arith.constant 128 : i32
    %scan3A_54 = arith.addi %scan3A_52, %scan3A_53 : i32
    %scan3A_55 = arith.constant 1 : i32
    %scan3A_56 = scf.for %scan3A_156 = %scan3A_52 to %scan3A_54 step %scan3A_55 iter_args(%scan3A_157 = %scan3A) -> (i32)  : i32 {
      %swap3A = arith.index_cast %scan3A_156 : i32 to index
      %swap3A_158 = arith.constant 0 : index
      %swap3A_159 = tpu.vector_load %arg12[%swap3A, %swap3A_158] {strides = array<i32>} : memref<128x128xf32, #tpu.memory_space<vmem>>, vector<16xf32>,
      tpu.vector_store %arg12[%swap3A, %swap3A_158], %broadcast_in_dim3A_51 {strides = array<i32>} : memref<128x128xf32, #tpu.memory_space<vmem>>, vector<16xf32>,
      %swap3A_160 = arith.index_cast %scan3A_156 : i32 to index
      %swap3A_161 = arith.constant 16 : index
      %swap3A_162 = tpu.vector_load %arg12[%swap3A_160, %swap3A_161] {strides = array<i32>} : memref<128x128xf32, #tpu.memory_space<vmem>>, vector<16xf32>,
      tpu.vector_store %arg12[%swap3A_160, %swap3A_161], %broadcast_in_dim3A_51 {strides = array<i32>} : memref<128x128xf32, #tpu.memory_space<vmem>>, vector<16xf32>,
      %swap3A_163 = arith.index_cast %scan3A_156 : i32 to index
      %swap3A_164 = arith.constant 32 : index
      %swap3A_165 = tpu.vector_load %arg12[%swap3A_163, %swap3A_164] {strides = array<i32>} : memref<128x128xf32, #tpu.memory_space<vmem>>, vector<16xf32>,
      tpu.vector_store %arg12[%swap3A_163, %swap3A_164], %broadcast_in_dim3A_51 {strides = array<i32>} : memref<128x128xf32, #tpu.memory_space<vmem>>, vector<16xf32>,
      %swap3A_166 = arith.index_cast %scan3A_156 : i32 to index
      %swap3A_167 = arith.constant 48 : index
      %swap3A_168 = tpu.vector_load %arg12[%swap3A_166, %swap3A_167] {strides = array<i32>} : memref<128x128xf32, #tpu.memory_space<vmem>>, vector<16xf32>,
      tpu.vector_store %arg12[%swap3A_166, %swap3A_167], %broadcast_in_dim3A_51 {strides = array<i32>} : memref<128x128xf32, #tpu.memory_space<vmem>>, vector<16xf32>,
      %swap3A_169 = arith.index_cast %scan3A_156 : i32 to index
      %swap3A_170 = arith.constant 64 : index
      %swap3A_171 = tpu.vector_load %arg12[%swap3A_169, %swap3A_170] {strides = array<i32>} : memref<128x128xf32, #tpu.memory_space<vmem>>, vector<16xf32>,
      tpu.vector_store %arg12[%swap3A_169, %swap3A_170], %broadcast_in_dim3A_51 {strides = array<i32>} : memref<128x128xf32, #tpu.memory_space<vmem>>, vector<16xf32>,
      %swap3A_172 = arith.index_cast %scan3A_156 : i32 to index
      %swap3A_173 = arith.constant 80 : index
      %swap3A_174 = tpu.vector_load %arg12[%swap3A_172, %swap3A_173] {strides = array<i32>} : memref<128x128xf32, #tpu.memory_space<vmem>>, vector<16xf32>,
      tpu.vector_store %arg12[%swap3A_172, %swap3A_173], %broadcast_in_dim3A_51 {strides = array<i32>} : memref<128x128xf32, #tpu.memory_space<vmem>>, vector<16xf32>,
      %swap3A_175 = arith.index_cast %scan3A_156 : i32 to index
      %swap3A_176 = arith.constant 96 : index
      %swap3A_177 = tpu.vector_load %arg12[%swap3A_175, %swap3A_176] {strides = array<i32>} : memref<128x128xf32, #tpu.memory_space<vmem>>, vector<16xf32>,
      tpu.vector_store %arg12[%swap3A_175, %swap3A_176], %broadcast_in_dim3A_51 {strides = array<i32>} : memref<128x128xf32, #tpu.memory_space<vmem>>, vector<16xf32>,
      %swap3A_178 = arith.index_cast %scan3A_156 : i32 to index
      %swap3A_179 = arith.constant 112 : index
      %swap3A_180 = tpu.vector_load %arg12[%swap3A_178, %swap3A_179] {strides = array<i32>} : memref<128x128xf32, #tpu.memory_space<vmem>>, vector<16xf32>,
      tpu.vector_store %arg12[%swap3A_178, %swap3A_179], %broadcast_in_dim3A_51 {strides = array<i32>} : memref<128x128xf32, #tpu.memory_space<vmem>>, vector<16xf32>,
      %scan3A_181 = arith.constant 0 : i32
      scf.yield %scan3A_181 : i32
    }
    %scan3A_57 = arith.constant 128 : i32
    %mul3A_58 = arith.constant 128 : i32
    %mul3A_59 = arith.muli %arg1, %mul3A_58 : i32
    "tpu.region"() ({
      %run_scoped3A = tpu.sem_alloc : memref<!tpu.dma_semaphore, #tpu.memory_space<semaphore_mem>>
      %dma_start3A_156 = arith.constant 0 : i32
      %dma_start3A_157 = tpu.memref_slice %arg13[%mul3A_59, %dma_start3A_156] : memref<2048x128xf32, #tpu.memory_space<vmem_shared>> -> memref<128x128xf32, #tpu.memory_space<vmem_shared>>
      %dma_start3A_158 = arith.constant 0 : i32
      %dma_start3A_159 = tpu.memref_slice %arg13[%mul3A_59, %dma_start3A_158] : memref<2048x128xf32, #tpu.memory_space<vmem_shared>> -> memref<128x128xf32, #tpu.memory_space<vmem_shared>>
      tpu.enqueue_dma source(%arg12 : memref<128x128xf32, #tpu.memory_space<vmem>>) target(%dma_start3A_159 : memref<128x128xf32, #tpu.memory_space<vmem_shared>>) target_semaphore(%run_scoped3A : memref<!tpu.dma_semaphore, #tpu.memory_space<semaphore_mem>>)
      %dma_wait3A_160 = arith.constant 0 : i32
      %dma_wait3A_161 = tpu.memref_slice %arg13[%mul3A_59, %dma_wait3A_160] : memref<2048x128xf32, #tpu.memory_space<vmem_shared>> -> memref<128x128xf32, #tpu.memory_space<vmem_shared>>
      %dma_wait3A_162 = arith.constant 0 : i32
      %dma_wait3A_163 = tpu.memref_slice %arg13[%mul3A_59, %dma_wait3A_162] : memref<2048x128xf32, #tpu.memory_space<vmem_shared>> -> memref<128x128xf32, #tpu.memory_space<vmem_shared>>
      tpu.wait_dma2 semaphore(%run_scoped3A : memref<!tpu.dma_semaphore, #tpu.memory_space<semaphore_mem>>) src(%arg12 : memref<128x128xf32, #tpu.memory_space<vmem>>) dst(%dma_wait3A_163 : memref<128x128xf32, #tpu.memory_space<vmem_shared>>)
      tpu.yield
    }) : () -> ()
    %dma_wait3A = arith.constant 0 : i32
    %dma_wait3A_60 = tpu.memref_slice %arg2[%mul3A_2, %dma_wait3A] : memref<8192x128xf32, #tpu.memory_space<hbm>> -> memref<256x128xf32, #tpu.memory_space<hbm>>
    %dma_wait3A_61 = arith.constant 0 : i32
    %dma_wait3A_62 = tpu.memref_slice %arg2[%mul3A_2, %dma_wait3A_61] : memref<8192x128xf32, #tpu.memory_space<hbm>> -> memref<256x128xf32, #tpu.memory_space<hbm>>
    tpu.wait_dma2 semaphore(%arg14 : memref<!tpu.dma_semaphore, #tpu.memory_space<semaphore_mem>>) src(%dma_wait3A_62 : memref<256x128xf32, #tpu.memory_space<hbm>>) dst(%arg7 : memref<256x128xf32, #tpu.memory_space<vmem>>)
    %dma_wait3A_63 = arith.constant 0 : i32
    %dma_wait3A_64 = tpu.memref_slice %arg3[%dma_wait3A_63, %mul3A_2] : memref<2x8192xf32, #tpu.memory_space<hbm>> -> memref<1x256xf32, #tpu.memory_space<hbm>>
    %dma_wait3A_65 = tpu.memref_squeeze %dma_wait3A_64 : memref<1x256xf32, #tpu.memory_space<hbm>> -> memref<256xf32, #tpu.memory_space<hbm>>
    %dma_wait3A_66 = tpu.memref_slice %arg3[%dma_wait3A_63, %mul3A_2] : memref<2x8192xf32, #tpu.memory_space<hbm>> -> memref<1x256xf32, #tpu.memory_space<hbm>>
    %dma_wait3A_67 = tpu.memref_squeeze %dma_wait3A_66 : memref<1x256xf32, #tpu.memory_space<hbm>> -> memref<256xf32, #tpu.memory_space<hbm>>
    tpu.wait_dma2 semaphore(%arg14 : memref<!tpu.dma_semaphore, #tpu.memory_space<semaphore_mem>>) src(%dma_wait3A_67 : memref<256xf32, #tpu.memory_space<hbm>>) dst(%arg8 : memref<256xf32, #tpu.memory_space<vmem>>)
    %dma_wait3A_68 = arith.constant 0 : i32
    %dma_wait3A_69 = tpu.memref_slice %arg4[%dma_wait3A_68, %mul3A_2] : memref<2x8192xi32, #tpu.memory_space<hbm>> -> memref<1x256xi32, #tpu.memory_space<hbm>>
    %dma_wait3A_70 = tpu.memref_squeeze %dma_wait3A_69 : memref<1x256xi32, #tpu.memory_space<hbm>> -> memref<256xi32, #tpu.memory_space<hbm>>
    %dma_wait3A_71 = tpu.memref_slice %arg4[%dma_wait3A_68, %mul3A_2] : memref<2x8192xi32, #tpu.memory_space<hbm>> -> memref<1x256xi32, #tpu.memory_space<hbm>>
    %dma_wait3A_72 = tpu.memref_squeeze %dma_wait3A_71 : memref<1x256xi32, #tpu.memory_space<hbm>> -> memref<256xi32, #tpu.memory_space<hbm>>
    tpu.wait_dma2 semaphore(%arg14 : memref<!tpu.dma_semaphore, #tpu.memory_space<semaphore_mem>>) src(%dma_wait3A_72 : memref<256xi32, #tpu.memory_space<hbm>>) dst(%arg9 : memref<256xi32, #tpu.memory_space<vmem>>)
    %dma_wait3A_73 = arith.constant 0 : i32
    %dma_wait3A_74 = arith.constant 0 : i32
    %dma_wait3A_75 = tpu.memref_slice %arg5[%dma_wait3A_73, %dma_wait3A_74] : memref<2x2048xf32, #tpu.memory_space<hbm>> -> memref<1x2048xf32, #tpu.memory_space<hbm>>
    %dma_wait3A_76 = tpu.memref_squeeze %dma_wait3A_75 : memref<1x2048xf32, #tpu.memory_space<hbm>> -> memref<2048xf32, #tpu.memory_space<hbm>>
    %dma_wait3A_77 = arith.constant 0 : i32
    %dma_wait3A_78 = tpu.memref_slice %arg5[%dma_wait3A_73, %dma_wait3A_77] : memref<2x2048xf32, #tpu.memory_space<hbm>> -> memref<1x2048xf32, #tpu.memory_space<hbm>>
    %dma_wait3A_79 = tpu.memref_squeeze %dma_wait3A_78 : memref<1x2048xf32, #tpu.memory_space<hbm>> -> memref<2048xf32, #tpu.memory_space<hbm>>
    tpu.wait_dma2 semaphore(%arg14 : memref<!tpu.dma_semaphore, #tpu.memory_space<semaphore_mem>>) src(%dma_wait3A_79 : memref<2048xf32, #tpu.memory_space<hbm>>) dst(%arg11 : memref<2048xf32, #tpu.memory_space<vmem>>)
    %dma_wait3A_80 = arith.constant 0 : i32
    %dma_wait3A_81 = arith.constant 0 : i32
    %dma_wait3A_82 = arith.constant 0 : i32
    %dma_wait3A_83 = tpu.memref_slice %arg10[%dma_wait3A_81, %dma_wait3A_82] : memref<2x128xi32, #tpu.memory_space<vmem>> -> memref<1x128xi32, #tpu.memory_space<vmem>>
    %dma_wait3A_84 = tpu.memref_squeeze %dma_wait3A_83 : memref<1x128xi32, #tpu.memory_space<vmem>> -> memref<128xi32, #tpu.memory_space<vmem>>
    %dma_wait3A_85 = tpu.memref_slice %arg4[%dma_wait3A_80, %add3A_24] : memref<2x8192xi32, #tpu.memory_space<hbm>> -> memref<1x128xi32, #tpu.memory_space<hbm>>
    %dma_wait3A_86 = tpu.memref_squeeze %dma_wait3A_85 : memref<1x128xi32, #tpu.memory_space<hbm>> -> memref<128xi32, #tpu.memory_space<hbm>>
    %dma_wait3A_87 = arith.constant 0 : i32
    %dma_wait3A_88 = tpu.memref_slice %arg10[%dma_wait3A_81, %dma_wait3A_87] : memref<2x128xi32, #tpu.memory_space<vmem>> -> memref<1x128xi32, #tpu.memory_space<vmem>>
    %dma_wait3A_89 = tpu.memref_squeeze %dma_wait3A_88 : memref<1x128xi32, #tpu.memory_space<vmem>> -> memref<128xi32, #tpu.memory_space<vmem>>
    %dma_wait3A_90 = tpu.memref_slice %arg4[%dma_wait3A_80, %add3A_24] : memref<2x8192xi32, #tpu.memory_space<hbm>> -> memref<1x128xi32, #tpu.memory_space<hbm>>
    %dma_wait3A_91 = tpu.memref_squeeze %dma_wait3A_90 : memref<1x128xi32, #tpu.memory_space<hbm>> -> memref<128xi32, #tpu.memory_space<hbm>>
    tpu.wait_dma2 semaphore(%arg14 : memref<!tpu.dma_semaphore, #tpu.memory_space<semaphore_mem>>) src(%dma_wait3A_91 : memref<128xi32, #tpu.memory_space<hbm>>) dst(%dma_wait3A_89 : memref<128xi32, #tpu.memory_space<vmem>>)
    %dma_wait3A_92 = arith.constant 0 : i32
    %dma_wait3A_93 = arith.constant 1 : i32
    %dma_wait3A_94 = arith.constant 0 : i32
    %dma_wait3A_95 = tpu.memref_slice %arg10[%dma_wait3A_93, %dma_wait3A_94] : memref<2x128xi32, #tpu.memory_space<vmem>> -> memref<1x128xi32, #tpu.memory_space<vmem>>
    %dma_wait3A_96 = tpu.memref_squeeze %dma_wait3A_95 : memref<1x128xi32, #tpu.memory_space<vmem>> -> memref<128xi32, #tpu.memory_space<vmem>>
    %dma_wait3A_97 = tpu.memref_slice %arg4[%dma_wait3A_92, %add3A_38] : memref<2x8192xi32, #tpu.memory_space<hbm>> -> memref<1x128xi32, #tpu.memory_space<hbm>>
    %dma_wait3A_98 = tpu.memref_squeeze %dma_wait3A_97 : memref<1x128xi32, #tpu.memory_space<hbm>> -> memref<128xi32, #tpu.memory_space<hbm>>
    %dma_wait3A_99 = arith.constant 0 : i32
    %dma_wait3A_100 = tpu.memref_slice %arg10[%dma_wait3A_93, %dma_wait3A_99] : memref<2x128xi32, #tpu.memory_space<vmem>> -> memref<1x128xi32, #tpu.memory_space<vmem>>
    %dma_wait3A_101 = tpu.memref_squeeze %dma_wait3A_100 : memref<1x128xi32, #tpu.memory_space<vmem>> -> memref<128xi32, #tpu.memory_space<vmem>>
    %dma_wait3A_102 = tpu.memref_slice %arg4[%dma_wait3A_92, %add3A_38] : memref<2x8192xi32, #tpu.memory_space<hbm>> -> memref<1x128xi32, #tpu.memory_space<hbm>>
    %dma_wait3A_103 = tpu.memref_squeeze %dma_wait3A_102 : memref<1x128xi32, #tpu.memory_space<hbm>> -> memref<128xi32, #tpu.memory_space<hbm>>
    tpu.wait_dma2 semaphore(%arg14 : memref<!tpu.dma_semaphore, #tpu.memory_space<semaphore_mem>>) src(%dma_wait3A_103 : memref<128xi32, #tpu.memory_space<hbm>>) dst(%dma_wait3A_101 : memref<128xi32, #tpu.memory_space<vmem>>)
    %scan3A_104 = arith.constant 0 : i32
    %scan3A_105 = arith.constant 0 : i32
    %scan3A_106 = arith.constant 16 : i32
    %scan3A_107 = arith.addi %scan3A_105, %scan3A_106 : i32
    %scan3A_108 = arith.constant 1 : i32
    %scan3A_109 = scf.for %scan3A_156 = %scan3A_105 to %scan3A_107 step %scan3A_108 iter_args(%scan3A_157 = %scan3A_104) -> (i32)  : i32 {
      %mul3A_158 = arith.constant 16 : i32
      %mul3A_159 = arith.muli %scan3A_156, %mul3A_158 : i32
      %get3A = arith.index_cast %mul3A_159 : i32 to index
      %get3A_160 = tpu.vector_load %arg9[%get3A] {strides = array<i32>} : memref<256xi32, #tpu.memory_space<vmem>>, vector<16xi32>,
      %gather3A = tpu.vector_load_idx %arg11[%get3A_160] : memref<2048xf32, #tpu.memory_space<vmem>>[vector<16xi32>], vector<16xf32>,
      %get3A_161 = arith.index_cast %mul3A_159 : i32 to index
      %get3A_162 = tpu.vector_load %arg8[%get3A_161] {strides = array<i32>} : memref<256xf32, #tpu.memory_space<vmem>>, vector<16xf32>,
      %sub3A = arith.subf %get3A_162, %gather3A : vector<16xf32>
      %exp3A = math.exp %sub3A : vector<16xf32>
      %slice3A = vector.extract_strided_slice %exp3A {offsets = [0], sizes = [1], strides = [1]} : vector<16xf32> to vector<1xf32>
      %squeeze3A = vector.extract %slice3A[0] : f32 from vector<1xf32>
      %broadcast_in_dim3A_163 = vector.broadcast %squeeze3A : f32 to vector<16xf32>
      %add3A_164 = arith.constant 0 : i32
      %add3A_165 = arith.addi %mul3A_159, %add3A_164 : i32
      %get3A_166 = arith.index_cast %add3A_165 : i32 to index
      %get3A_167 = arith.constant 0 : index
      %get3A_168 = tpu.vector_load %arg7[%get3A_166, %get3A_167] {strides = array<i32>} : memref<256x128xf32, #tpu.memory_space<vmem>>, vector<16xf32>,
      %mul3A_169 = arith.mulf %get3A_168, %broadcast_in_dim3A_163 : vector<16xf32>
      %swap3A = arith.index_cast %add3A_165 : i32 to index
      %swap3A_170 = arith.constant 0 : index
      %swap3A_171 = tpu.vector_load %arg7[%swap3A, %swap3A_170] {strides = array<i32>} : memref<256x128xf32, #tpu.memory_space<vmem>>, vector<16xf32>,
      tpu.vector_store %arg7[%swap3A, %swap3A_170], %mul3A_169 {strides = array<i32>} : memref<256x128xf32, #tpu.memory_space<vmem>>, vector<16xf32>,
      %get3A_172 = arith.index_cast %add3A_165 : i32 to index
      %get3A_173 = arith.constant 16 : index
      %get3A_174 = tpu.vector_load %arg7[%get3A_172, %get3A_173] {strides = array<i32>} : memref<256x128xf32, #tpu.memory_space<vmem>>, vector<16xf32>,
      %mul3A_175 = arith.mulf %get3A_174, %broadcast_in_dim3A_163 : vector<16xf32>
      %swap3A_176 = arith.index_cast %add3A_165 : i32 to index
      %swap3A_177 = arith.constant 16 : index
      %swap3A_178 = tpu.vector_load %arg7[%swap3A_176, %swap3A_177] {strides = array<i32>} : memref<256x128xf32, #tpu.memory_space<vmem>>, vector<16xf32>,
      tpu.vector_store %arg7[%swap3A_176, %swap3A_177], %mul3A_175 {strides = array<i32>} : memref<256x128xf32, #tpu.memory_space<vmem>>, vector<16xf32>,
      %get3A_179 = arith.index_cast %add3A_165 : i32 to index
      %get3A_180 = arith.constant 32 : index
      %get3A_181 = tpu.vector_load %arg7[%get3A_179, %get3A_180] {strides = array<i32>} : memref<256x128xf32, #tpu.memory_space<vmem>>, vector<16xf32>,
      %mul3A_182 = arith.mulf %get3A_181, %broadcast_in_dim3A_163 : vector<16xf32>
      %swap3A_183 = arith.index_cast %add3A_165 : i32 to index
      %swap3A_184 = arith.constant 32 : index
      %swap3A_185 = tpu.vector_load %arg7[%swap3A_183, %swap3A_184] {strides = array<i32>} : memref<256x128xf32, #tpu.memory_space<vmem>>, vector<16xf32>,
      tpu.vector_store %arg7[%swap3A_183, %swap3A_184], %mul3A_182 {strides = array<i32>} : memref<256x128xf32, #tpu.memory_space<vmem>>, vector<16xf32>,
      %get3A_186 = arith.index_cast %add3A_165 : i32 to index
      %get3A_187 = arith.constant 48 : index
      %get3A_188 = tpu.vector_load %arg7[%get3A_186, %get3A_187] {strides = array<i32>} : memref<256x128xf32, #tpu.memory_space<vmem>>, vector<16xf32>,
      %mul3A_189 = arith.mulf %get3A_188, %broadcast_in_dim3A_163 : vector<16xf32>
      %swap3A_190 = arith.index_cast %add3A_165 : i32 to index
      %swap3A_191 = arith.constant 48 : index
      %swap3A_192 = tpu.vector_load %arg7[%swap3A_190, %swap3A_191] {strides = array<i32>} : memref<256x128xf32, #tpu.memory_space<vmem>>, vector<16xf32>,
      tpu.vector_store %arg7[%swap3A_190, %swap3A_191], %mul3A_189 {strides = array<i32>} : memref<256x128xf32, #tpu.memory_space<vmem>>, vector<16xf32>,
      %get3A_193 = arith.index_cast %add3A_165 : i32 to index
      %get3A_194 = arith.constant 64 : index
      %get3A_195 = tpu.vector_load %arg7[%get3A_193, %get3A_194] {strides = array<i32>} : memref<256x128xf32, #tpu.memory_space<vmem>>, vector<16xf32>,
      %mul3A_196 = arith.mulf %get3A_195, %broadcast_in_dim3A_163 : vector<16xf32>
      %swap3A_197 = arith.index_cast %add3A_165 : i32 to index
      %swap3A_198 = arith.constant 64 : index
      %swap3A_199 = tpu.vector_load %arg7[%swap3A_197, %swap3A_198] {strides = array<i32>} : memref<256x128xf32, #tpu.memory_space<vmem>>, vector<16xf32>,
      tpu.vector_store %arg7[%swap3A_197, %swap3A_198], %mul3A_196 {strides = array<i32>} : memref<256x128xf32, #tpu.memory_space<vmem>>, vector<16xf32>,
      %get3A_200 = arith.index_cast %add3A_165 : i32 to index
      %get3A_201 = arith.constant 80 : index
      %get3A_202 = tpu.vector_load %arg7[%get3A_200, %get3A_201] {strides = array<i32>} : memref<256x128xf32, #tpu.memory_space<vmem>>, vector<16xf32>,
      %mul3A_203 = arith.mulf %get3A_202, %broadcast_in_dim3A_163 : vector<16xf32>
      %swap3A_204 = arith.index_cast %add3A_165 : i32 to index
      %swap3A_205 = arith.constant 80 : index
      %swap3A_206 = tpu.vector_load %arg7[%swap3A_204, %swap3A_205] {strides = array<i32>} : memref<256x128xf32, #tpu.memory_space<vmem>>, vector<16xf32>,
      tpu.vector_store %arg7[%swap3A_204, %swap3A_205], %mul3A_203 {strides = array<i32>} : memref<256x128xf32, #tpu.memory_space<vmem>>, vector<16xf32>,
      %get3A_207 = arith.index_cast %add3A_165 : i32 to index
      %get3A_208 = arith.constant 96 : index
      %get3A_209 = tpu.vector_load %arg7[%get3A_207, %get3A_208] {strides = array<i32>} : memref<256x128xf32, #tpu.memory_space<vmem>>, vector<16xf32>,
      %mul3A_210 = arith.mulf %get3A_209, %broadcast_in_dim3A_163 : vector<16xf32>
      %swap3A_211 = arith.index_cast %add3A_165 : i32 to index
      %swap3A_212 = arith.constant 96 : index
      %swap3A_213 = tpu.vector_load %arg7[%swap3A_211, %swap3A_212] {strides = array<i32>} : memref<256x128xf32, #tpu.memory_space<vmem>>, vector<16xf32>,
      tpu.vector_store %arg7[%swap3A_211, %swap3A_212], %mul3A_210 {strides = array<i32>} : memref<256x128xf32, #tpu.memory_space<vmem>>, vector<16xf32>,
      %get3A_214 = arith.index_cast %add3A_165 : i32 to index
      %get3A_215 = arith.constant 112 : index
      %get3A_216 = tpu.vector_load %arg7[%get3A_214, %get3A_215] {strides = array<i32>} : memref<256x128xf32, #tpu.memory_space<vmem>>, vector<16xf32>,
      %mul3A_217 = arith.mulf %get3A_216, %broadcast_in_dim3A_163 : vector<16xf32>
      %swap3A_218 = arith.index_cast %add3A_165 : i32 to index
      %swap3A_219 = arith.constant 112 : index
      %swap3A_220 = tpu.vector_load %arg7[%swap3A_218, %swap3A_219] {strides = array<i32>} : memref<256x128xf32, #tpu.memory_space<vmem>>, vector<16xf32>,
      tpu.vector_store %arg7[%swap3A_218, %swap3A_219], %mul3A_217 {strides = array<i32>} : memref<256x128xf32, #tpu.memory_space<vmem>>, vector<16xf32>,
      %slice3A_221 = vector.extract_strided_slice %exp3A {offsets = [1], sizes = [1], strides = [1]} : vector<16xf32> to vector<1xf32>
      %squeeze3A_222 = vector.extract %slice3A_221[0] : f32 from vector<1xf32>
      %broadcast_in_dim3A_223 = vector.broadcast %squeeze3A_222 : f32 to vector<16xf32>
      %add3A_224 = arith.constant 1 : i32
      %add3A_225 = arith.addi %mul3A_159, %add3A_224 : i32
      %get3A_226 = arith.index_cast %add3A_225 : i32 to index
      %get3A_227 = arith.constant 0 : index
      %get3A_228 = tpu.vector_load %arg7[%get3A_226, %get3A_227] {strides = array<i32>} : memref<256x128xf32, #tpu.memory_space<vmem>>, vector<16xf32>,
      %mul3A_229 = arith.mulf %get3A_228, %broadcast_in_dim3A_223 : vector<16xf32>
      %swap3A_230 = arith.index_cast %add3A_225 : i32 to index
      %swap3A_231 = arith.constant 0 : index
      %swap3A_232 = tpu.vector_load %arg7[%swap3A_230, %swap3A_231] {strides = array<i32>} : memref<256x128xf32, #tpu.memory_space<vmem>>, vector<16xf32>,
      tpu.vector_store %arg7[%swap3A_230, %swap3A_231], %mul3A_229 {strides = array<i32>} : memref<256x128xf32, #tpu.memory_space<vmem>>, vector<16xf32>,
      %get3A_233 = arith.index_cast %add3A_225 : i32 to index
      %get3A_234 = arith.constant 16 : index
      %get3A_235 = tpu.vector_load %arg7[%get3A_233, %get3A_234] {strides = array<i32>} : memref<256x128xf32, #tpu.memory_space<vmem>>, vector<16xf32>,
      %mul3A_236 = arith.mulf %get3A_235, %broadcast_in_dim3A_223 : vector<16xf32>
      %swap3A_237 = arith.index_cast %add3A_225 : i32 to index
      %swap3A_238 = arith.constant 16 : index
      %swap3A_239 = tpu.vector_load %arg7[%swap3A_237, %swap3A_238] {strides = array<i32>} : memref<256x128xf32, #tpu.memory_space<vmem>>, vector<16xf32>,
      tpu.vector_store %arg7[%swap3A_237, %swap3A_238], %mul3A_236 {strides = array<i32>} : memref<256x128xf32, #tpu.memory_space<vmem>>, vector<16xf32>,
      %get3A_240 = arith.index_cast %add3A_225 : i32 to index
      %get3A_241 = arith.constant 32 : index
      %get3A_242 = tpu.vector_load %arg7[%get3A_240, %get3A_241] {strides = array<i32>} : memref<256x128xf32, #tpu.memory_space<vmem>>, vector<16xf32>,
      %mul3A_243 = arith.mulf %get3A_242, %broadcast_in_dim3A_223 : vector<16xf32>
      %swap3A_244 = arith.index_cast %add3A_225 : i32 to index
      %swap3A_245 = arith.constant 32 : index
      %swap3A_246 = tpu.vector_load %arg7[%swap3A_244, %swap3A_245] {strides = array<i32>} : memref<256x128xf32, #tpu.memory_space<vmem>>, vector<16xf32>,
      tpu.vector_store %arg7[%swap3A_244, %swap3A_245], %mul3A_243 {strides = array<i32>} : memref<256x128xf32, #tpu.memory_space<vmem>>, vector<16xf32>,
      %get3A_247 = arith.index_cast %add3A_225 : i32 to index
      %get3A_248 = arith.constant 48 : index
      %get3A_249 = tpu.vector_load %arg7[%get3A_247, %get3A_248] {strides = array<i32>} : memref<256x128xf32, #tpu.memory_space<vmem>>, vector<16xf32>,
      %mul3A_250 = arith.mulf %get3A_249, %broadcast_in_dim3A_223 : vector<16xf32>
      %swap3A_251 = arith.index_cast %add3A_225 : i32 to index
      %swap3A_252 = arith.constant 48 : index
      %swap3A_253 = tpu.vector_load %arg7[%swap3A_251, %swap3A_252] {strides = array<i32>} : memref<256x128xf32, #tpu.memory_space<vmem>>, vector<16xf32>,
      tpu.vector_store %arg7[%swap3A_251, %swap3A_252], %mul3A_250 {strides = array<i32>} : memref<256x128xf32, #tpu.memory_space<vmem>>, vector<16xf32>,
      %get3A_254 = arith.index_cast %add3A_225 : i32 to index
      %get3A_255 = arith.constant 64 : index
      %get3A_256 = tpu.vector_load %arg7[%get3A_254, %get3A_255] {strides = array<i32>} : memref<256x128xf32, #tpu.memory_space<vmem>>, vector<16xf32>,
      %mul3A_257 = arith.mulf %get3A_256, %broadcast_in_dim3A_223 : vector<16xf32>
      %swap3A_258 = arith.index_cast %add3A_225 : i32 to index
      %swap3A_259 = arith.constant 64 : index
      %swap3A_260 = tpu.vector_load %arg7[%swap3A_258, %swap3A_259] {strides = array<i32>} : memref<256x128xf32, #tpu.memory_space<vmem>>, vector<16xf32>,
      tpu.vector_store %arg7[%swap3A_258, %swap3A_259], %mul3A_257 {strides = array<i32>} : memref<256x128xf32, #tpu.memory_space<vmem>>, vector<16xf32>,
      %get3A_261 = arith.index_cast %add3A_225 : i32 to index
      %get3A_262 = arith.constant 80 : index
      %get3A_263 = tpu.vector_load %arg7[%get3A_261, %get3A_262] {strides = array<i32>} : memref<256x128xf32, #tpu.memory_space<vmem>>, vector<16xf32>,
      %mul3A_264 = arith.mulf %get3A_263, %broadcast_in_dim3A_223 : vector<16xf32>
      %swap3A_265 = arith.index_cast %add3A_225 : i32 to index
      %swap3A_266 = arith.constant 80 : index
      %swap3A_267 = tpu.vector_load %arg7[%swap3A_265, %swap3A_266] {strides = array<i32>} : memref<256x128xf32, #tpu.memory_space<vmem>>, vector<16xf32>,
      tpu.vector_store %arg7[%swap3A_265, %swap3A_266], %mul3A_264 {strides = array<i32>} : memref<256x128xf32, #tpu.memory_space<vmem>>, vector<16xf32>,
      %get3A_268 = arith.index_cast %add3A_225 : i32 to index
      %get3A_269 = arith.constant 96 : index
      %get3A_270 = tpu.vector_load %arg7[%get3A_268, %get3A_269] {strides = array<i32>} : memref<256x128xf32, #tpu.memory_space<vmem>>, vector<16xf32>,
      %mul3A_271 = arith.mulf %get3A_270, %broadcast_in_dim3A_223 : vector<16xf32>
      %swap3A_272 = arith.index_cast %add3A_225 : i32 to index
      %swap3A_273 = arith.constant 96 : index
      %swap3A_274 = tpu.vector_load %arg7[%swap3A_272, %swap3A_273] {strides = array<i32>} : memref<256x128xf32, #tpu.memory_space<vmem>>, vector<16xf32>,
      tpu.vector_store %arg7[%swap3A_272, %swap3A_273], %mul3A_271 {strides = array<i32>} : memref<256x128xf32, #tpu.memory_space<vmem>>, vector<16xf32>,
      %get3A_275 = arith.index_cast %add3A_225 : i32 to index
      %get3A_276 = arith.constant 112 : index
      %get3A_277 = tpu.vector_load %arg7[%get3A_275, %get3A_276] {strides = array<i32>} : memref<256x128xf32, #tpu.memory_space<vmem>>, vector<16xf32>,
      %mul3A_278 = arith.mulf %get3A_277, %broadcast_in_dim3A_223 : vector<16xf32>
      %swap3A_279 = arith.index_cast %add3A_225 : i32 to index
      %swap3A_280 = arith.constant 112 : index
      %swap3A_281 = tpu.vector_load %arg7[%swap3A_279, %swap3A_280] {strides = array<i32>} : memref<256x128xf32, #tpu.memory_space<vmem>>, vector<16xf32>,
      tpu.vector_store %arg7[%swap3A_279, %swap3A_280], %mul3A_278 {strides = array<i32>} : memref<256x128xf32, #tpu.memory_space<vmem>>, vector<16xf32>,
      %slice3A_282 = vector.extract_strided_slice %exp3A {offsets = [2], sizes = [1], strides = [1]} : vector<16xf32> to vector<1xf32>
      %squeeze3A_283 = vector.extract %slice3A_282[0] : f32 from vector<1xf32>
      %broadcast_in_dim3A_284 = vector.broadcast %squeeze3A_283 : f32 to vector<16xf32>
      %add3A_285 = arith.constant 2 : i32
      %add3A_286 = arith.addi %mul3A_159, %add3A_285 : i32
      %get3A_287 = arith.index_cast %add3A_286 : i32 to index
      %get3A_288 = arith.constant 0 : index
      %get3A_289 = tpu.vector_load %arg7[%get3A_287, %get3A_288] {strides = array<i32>} : memref<256x128xf32, #tpu.memory_space<vmem>>, vector<16xf32>,
      %mul3A_290 = arith.mulf %get3A_289, %broadcast_in_dim3A_284 : vector<16xf32>
      %swap3A_291 = arith.index_cast %add3A_286 : i32 to index
      %swap3A_292 = arith.constant 0 : index
      %swap3A_293 = tpu.vector_load %arg7[%swap3A_291, %swap3A_292] {strides = array<i32>} : memref<256x128xf32, #tpu.memory_space<vmem>>, vector<16xf32>,
      tpu.vector_store %arg7[%swap3A_291, %swap3A_292], %mul3A_290 {strides = array<i32>} : memref<256x128xf32, #tpu.memory_space<vmem>>, vector<16xf32>,
      %get3A_294 = arith.index_cast %add3A_286 : i32 to index
      %get3A_295 = arith.constant 16 : index
      %get3A_296 = tpu.vector_load %arg7[%get3A_294, %get3A_295] {strides = array<i32>} : memref<256x128xf32, #tpu.memory_space<vmem>>, vector<16xf32>,
      %mul3A_297 = arith.mulf %get3A_296, %broadcast_in_dim3A_284 : vector<16xf32>
      %swap3A_298 = arith.index_cast %add3A_286 : i32 to index
      %swap3A_299 = arith.constant 16 : index
      %swap3A_300 = tpu.vector_load %arg7[%swap3A_298, %swap3A_299] {strides = array<i32>} : memref<256x128xf32, #tpu.memory_space<vmem>>, vector<16xf32>,
      tpu.vector_store %arg7[%swap3A_298, %swap3A_299], %mul3A_297 {strides = array<i32>} : memref<256x128xf32, #tpu.memory_space<vmem>>, vector<16xf32>,
      %get3A_301 = arith.index_cast %add3A_286 : i32 to index
      %get3A_302 = arith.constant 32 : index
      %get3A_303 = tpu.vector_load %arg7[%get3A_301, %get3A_302] {strides = array<i32>} : memref<256x128xf32, #tpu.memory_space<vmem>>, vector<16xf32>,
      %mul3A_304 = arith.mulf %get3A_303, %broadcast_in_dim3A_284 : vector<16xf32>
      %swap3A_305 = arith.index_cast %add3A_286 : i32 to index
      %swap3A_306 = arith.constant 32 : index
      %swap3A_307 = tpu.vector_load %arg7[%swap3A_305, %swap3A_306] {strides = array<i32>} : memref<256x128xf32, #tpu.memory_space<vmem>>, vector<16xf32>,
      tpu.vector_store %arg7[%swap3A_305, %swap3A_306], %mul3A_304 {strides = array<i32>} : memref<256x128xf32, #tpu.memory_space<vmem>>, vector<16xf32>,
      %get3A_308 = arith.index_cast %add3A_286 : i32 to index
      %get3A_309 = arith.constant 48 : index
      %get3A_310 = tpu.vector_load %arg7[%get3A_308, %get3A_309] {strides = array<i32>} : memref<256x128xf32, #tpu.memory_space<vmem>>, vector<16xf32>,
      %mul3A_311 = arith.mulf %get3A_310, %broadcast_in_dim3A_284 : vector<16xf32>
      %swap3A_312 = arith.index_cast %add3A_286 : i32 to index
      %swap3A_313 = arith.constant 48 : index
      %swap3A_314 = tpu.vector_load %arg7[%swap3A_312, %swap3A_313] {strides = array<i32>} : memref<256x128xf32, #tpu.memory_space<vmem>>, vector<16xf32>,
      tpu.vector_store %arg7[%swap3A_312, %swap3A_313], %mul3A_311 {strides = array<i32>} : memref<256x128xf32, #tpu.memory_space<vmem>>, vector<16xf32>,
      %get3A_315 = arith.index_cast %add3A_286 : i32 to index
      %get3A_316 = arith.constant 64 : index
      %get3A_317 = tpu.vector_load %arg7[%get3A_315, %get3A_316] {strides = array<i32>} : memref<256x128xf32, #tpu.memory_space<vmem>>, vector<16xf32>,
      %mul3A_318 = arith.mulf %get3A_317, %broadcast_in_dim3A_284 : vector<16xf32>
      %swap3A_319 = arith.index_cast %add3A_286 : i32 to index
      %swap3A_320 = arith.constant 64 : index
      %swap3A_321 = tpu.vector_load %arg7[%swap3A_319, %swap3A_320] {strides = array<i32>} : memref<256x128xf32, #tpu.memory_space<vmem>>, vector<16xf32>,
      tpu.vector_store %arg7[%swap3A_319, %swap3A_320], %mul3A_318 {strides = array<i32>} : memref<256x128xf32, #tpu.memory_space<vmem>>, vector<16xf32>,
      %get3A_322 = arith.index_cast %add3A_286 : i32 to index
      %get3A_323 = arith.constant 80 : index
      %get3A_324 = tpu.vector_load %arg7[%get3A_322, %get3A_323] {strides = array<i32>} : memref<256x128xf32, #tpu.memory_space<vmem>>, vector<16xf32>,
      %mul3A_325 = arith.mulf %get3A_324, %broadcast_in_dim3A_284 : vector<16xf32>
      %swap3A_326 = arith.index_cast %add3A_286 : i32 to index
      %swap3A_327 = arith.constant 80 : index
      %swap3A_328 = tpu.vector_load %arg7[%swap3A_326, %swap3A_327] {strides = array<i32>} : memref<256x128xf32, #tpu.memory_space<vmem>>, vector<16xf32>,
      tpu.vector_store %arg7[%swap3A_326, %swap3A_327], %mul3A_325 {strides = array<i32>} : memref<256x128xf32, #tpu.memory_space<vmem>>, vector<16xf32>,
      %get3A_329 = arith.index_cast %add3A_286 : i32 to index
      %get3A_330 = arith.constant 96 : index
      %get3A_331 = tpu.vector_load %arg7[%get3A_329, %get3A_330] {strides = array<i32>} : memref<256x128xf32, #tpu.memory_space<vmem>>, vector<16xf32>,
      %mul3A_332 = arith.mulf %get3A_331, %broadcast_in_dim3A_284 : vector<16xf32>
      %swap3A_333 = arith.index_cast %add3A_286 : i32 to index
      %swap3A_334 = arith.constant 96 : index
      %swap3A_335 = tpu.vector_load %arg7[%swap3A_333, %swap3A_334] {strides = array<i32>} : memref<256x128xf32, #tpu.memory_space<vmem>>, vector<16xf32>,
      tpu.vector_store %arg7[%swap3A_333, %swap3A_334], %mul3A_332 {strides = array<i32>} : memref<256x128xf32, #tpu.memory_space<vmem>>, vector<16xf32>,
      %get3A_336 = arith.index_cast %add3A_286 : i32 to index
      %get3A_337 = arith.constant 112 : index
      %get3A_338 = tpu.vector_load %arg7[%get3A_336, %get3A_337] {strides = array<i32>} : memref<256x128xf32, #tpu.memory_space<vmem>>, vector<16xf32>,
      %mul3A_339 = arith.mulf %get3A_338, %broadcast_in_dim3A_284 : vector<16xf32>
      %swap3A_340 = arith.index_cast %add3A_286 : i32 to index
      %swap3A_341 = arith.constant 112 : index
      %swap3A_342 = tpu.vector_load %arg7[%swap3A_340, %swap3A_341] {strides = array<i32>} : memref<256x128xf32, #tpu.memory_space<vmem>>, vector<16xf32>,
      tpu.vector_store %arg7[%swap3A_340, %swap3A_341], %mul3A_339 {strides = array<i32>} : memref<256x128xf32, #tpu.memory_space<vmem>>, vector<16xf32>,
      %slice3A_343 = vector.extract_strided_slice %exp3A {offsets = [3], sizes = [1], strides = [1]} : vector<16xf32> to vector<1xf32>
      %squeeze3A_344 = vector.extract %slice3A_343[0] : f32 from vector<1xf32>
      %broadcast_in_dim3A_345 = vector.broadcast %squeeze3A_344 : f32 to vector<16xf32>
      %add3A_346 = arith.constant 3 : i32
      %add3A_347 = arith.addi %mul3A_159, %add3A_346 : i32
      %get3A_348 = arith.index_cast %add3A_347 : i32 to index
      %get3A_349 = arith.constant 0 : index
      %get3A_350 = tpu.vector_load %arg7[%get3A_348, %get3A_349] {strides = array<i32>} : memref<256x128xf32, #tpu.memory_space<vmem>>, vector<16xf32>,
      %mul3A_351 = arith.mulf %get3A_350, %broadcast_in_dim3A_345 : vector<16xf32>
      %swap3A_352 = arith.index_cast %add3A_347 : i32 to index
      %swap3A_353 = arith.constant 0 : index
      %swap3A_354 = tpu.vector_load %arg7[%swap3A_352, %swap3A_353] {strides = array<i32>} : memref<256x128xf32, #tpu.memory_space<vmem>>, vector<16xf32>,
      tpu.vector_store %arg7[%swap3A_352, %swap3A_353], %mul3A_351 {strides = array<i32>} : memref<256x128xf32, #tpu.memory_space<vmem>>, vector<16xf32>,
      %get3A_355 = arith.index_cast %add3A_347 : i32 to index
      %get3A_356 = arith.constant 16 : index
      %get3A_357 = tpu.vector_load %arg7[%get3A_355, %get3A_356] {strides = array<i32>} : memref<256x128xf32, #tpu.memory_space<vmem>>, vector<16xf32>,
      %mul3A_358 = arith.mulf %get3A_357, %broadcast_in_dim3A_345 : vector<16xf32>
      %swap3A_359 = arith.index_cast %add3A_347 : i32 to index
      %swap3A_360 = arith.constant 16 : index
      %swap3A_361 = tpu.vector_load %arg7[%swap3A_359, %swap3A_360] {strides = array<i32>} : memref<256x128xf32, #tpu.memory_space<vmem>>, vector<16xf32>,
      tpu.vector_store %arg7[%swap3A_359, %swap3A_360], %mul3A_358 {strides = array<i32>} : memref<256x128xf32, #tpu.memory_space<vmem>>, vector<16xf32>,
      %get3A_362 = arith.index_cast %add3A_347 : i32 to index
      %get3A_363 = arith.constant 32 : index
      %get3A_364 = tpu.vector_load %arg7[%get3A_362, %get3A_363] {strides = array<i32>} : memref<256x128xf32, #tpu.memory_space<vmem>>, vector<16xf32>,
      %mul3A_365 = arith.mulf %get3A_364, %broadcast_in_dim3A_345 : vector<16xf32>
      %swap3A_366 = arith.index_cast %add3A_347 : i32 to index
      %swap3A_367 = arith.constant 32 : index
      %swap3A_368 = tpu.vector_load %arg7[%swap3A_366, %swap3A_367] {strides = array<i32>} : memref<256x128xf32, #tpu.memory_space<vmem>>, vector<16xf32>,
      tpu.vector_store %arg7[%swap3A_366, %swap3A_367], %mul3A_365 {strides = array<i32>} : memref<256x128xf32, #tpu.memory_space<vmem>>, vector<16xf32>,
      %get3A_369 = arith.index_cast %add3A_347 : i32 to index
      %get3A_370 = arith.constant 48 : index
      %get3A_371 = tpu.vector_load %arg7[%get3A_369, %get3A_370] {strides = array<i32>} : memref<256x128xf32, #tpu.memory_space<vmem>>, vector<16xf32>,
      %mul3A_372 = arith.mulf %get3A_371, %broadcast_in_dim3A_345 : vector<16xf32>
      %swap3A_373 = arith.index_cast %add3A_347 : i32 to index
      %swap3A_374 = arith.constant 48 : index
      %swap3A_375 = tpu.vector_load %arg7[%swap3A_373, %swap3A_374] {strides = array<i32>} : memref<256x128xf32, #tpu.memory_space<vmem>>, vector<16xf32>,
      tpu.vector_store %arg7[%swap3A_373, %swap3A_374], %mul3A_372 {strides = array<i32>} : memref<256x128xf32, #tpu.memory_space<vmem>>, vector<16xf32>,
      %get3A_376 = arith.index_cast %add3A_347 : i32 to index
      %get3A_377 = arith.constant 64 : index
      %get3A_378 = tpu.vector_load %arg7[%get3A_376, %get3A_377] {strides = array<i32>} : memref<256x128xf32, #tpu.memory_space<vmem>>, vector<16xf32>,
      %mul3A_379 = arith.mulf %get3A_378, %broadcast_in_dim3A_345 : vector<16xf32>
      %swap3A_380 = arith.index_cast %add3A_347 : i32 to index
      %swap3A_381 = arith.constant 64 : index
      %swap3A_382 = tpu.vector_load %arg7[%swap3A_380, %swap3A_381] {strides = array<i32>} : memref<256x128xf32, #tpu.memory_space<vmem>>, vector<16xf32>,
      tpu.vector_store %arg7[%swap3A_380, %swap3A_381], %mul3A_379 {strides = array<i32>} : memref<256x128xf32, #tpu.memory_space<vmem>>, vector<16xf32>,
      %get3A_383 = arith.index_cast %add3A_347 : i32 to index
      %get3A_384 = arith.constant 80 : index
      %get3A_385 = tpu.vector_load %arg7[%get3A_383, %get3A_384] {strides = array<i32>} : memref<256x128xf32, #tpu.memory_space<vmem>>, vector<16xf32>,
      %mul3A_386 = arith.mulf %get3A_385, %broadcast_in_dim3A_345 : vector<16xf32>
      %swap3A_387 = arith.index_cast %add3A_347 : i32 to index
      %swap3A_388 = arith.constant 80 : index
      %swap3A_389 = tpu.vector_load %arg7[%swap3A_387, %swap3A_388] {strides = array<i32>} : memref<256x128xf32, #tpu.memory_space<vmem>>, vector<16xf32>,
      tpu.vector_store %arg7[%swap3A_387, %swap3A_388], %mul3A_386 {strides = array<i32>} : memref<256x128xf32, #tpu.memory_space<vmem>>, vector<16xf32>,
      %get3A_390 = arith.index_cast %add3A_347 : i32 to index
      %get3A_391 = arith.constant 96 : index
      %get3A_392 = tpu.vector_load %arg7[%get3A_390, %get3A_391] {strides = array<i32>} : memref<256x128xf32, #tpu.memory_space<vmem>>, vector<16xf32>,
      %mul3A_393 = arith.mulf %get3A_392, %broadcast_in_dim3A_345 : vector<16xf32>
      %swap3A_394 = arith.index_cast %add3A_347 : i32 to index
      %swap3A_395 = arith.constant 96 : index
      %swap3A_396 = tpu.vector_load %arg7[%swap3A_394, %swap3A_395] {strides = array<i32>} : memref<256x128xf32, #tpu.memory_space<vmem>>, vector<16xf32>,
      tpu.vector_store %arg7[%swap3A_394, %swap3A_395], %mul3A_393 {strides = array<i32>} : memref<256x128xf32, #tpu.memory_space<vmem>>, vector<16xf32>,
      %get3A_397 = arith.index_cast %add3A_347 : i32 to index
      %get3A_398 = arith.constant 112 : index
      %get3A_399 = tpu.vector_load %arg7[%get3A_397, %get3A_398] {strides = array<i32>} : memref<256x128xf32, #tpu.memory_space<vmem>>, vector<16xf32>,
      %mul3A_400 = arith.mulf %get3A_399, %broadcast_in_dim3A_345 : vector<16xf32>
      %swap3A_401 = arith.index_cast %add3A_347 : i32 to index
      %swap3A_402 = arith.constant 112 : index
      %swap3A_403 = tpu.vector_load %arg7[%swap3A_401, %swap3A_402] {strides = array<i32>} : memref<256x128xf32, #tpu.memory_space<vmem>>, vector<16xf32>,
      tpu.vector_store %arg7[%swap3A_401, %swap3A_402], %mul3A_400 {strides = array<i32>} : memref<256x128xf32, #tpu.memory_space<vmem>>, vector<16xf32>,
      %slice3A_404 = vector.extract_strided_slice %exp3A {offsets = [4], sizes = [1], strides = [1]} : vector<16xf32> to vector<1xf32>
      %squeeze3A_405 = vector.extract %slice3A_404[0] : f32 from vector<1xf32>
      %broadcast_in_dim3A_406 = vector.broadcast %squeeze3A_405 : f32 to vector<16xf32>
      %add3A_407 = arith.constant 4 : i32
      %add3A_408 = arith.addi %mul3A_159, %add3A_407 : i32
      %get3A_409 = arith.index_cast %add3A_408 : i32 to index
      %get3A_410 = arith.constant 0 : index
      %get3A_411 = tpu.vector_load %arg7[%get3A_409, %get3A_410] {strides = array<i32>} : memref<256x128xf32, #tpu.memory_space<vmem>>, vector<16xf32>,
      %mul3A_412 = arith.mulf %get3A_411, %broadcast_in_dim3A_406 : vector<16xf32>
      %swap3A_413 = arith.index_cast %add3A_408 : i32 to index
      %swap3A_414 = arith.constant 0 : index
      %swap3A_415 = tpu.vector_load %arg7[%swap3A_413, %swap3A_414] {strides = array<i32>} : memref<256x128xf32, #tpu.memory_space<vmem>>, vector<16xf32>,
      tpu.vector_store %arg7[%swap3A_413, %swap3A_414], %mul3A_412 {strides = array<i32>} : memref<256x128xf32, #tpu.memory_space<vmem>>, vector<16xf32>,
      %get3A_416 = arith.index_cast %add3A_408 : i32 to index
      %get3A_417 = arith.constant 16 : index
      %get3A_418 = tpu.vector_load %arg7[%get3A_416, %get3A_417] {strides = array<i32>} : memref<256x128xf32, #tpu.memory_space<vmem>>, vector<16xf32>,
      %mul3A_419 = arith.mulf %get3A_418, %broadcast_in_dim3A_406 : vector<16xf32>
      %swap3A_420 = arith.index_cast %add3A_408 : i32 to index
      %swap3A_421 = arith.constant 16 : index
      %swap3A_422 = tpu.vector_load %arg7[%swap3A_420, %swap3A_421] {strides = array<i32>} : memref<256x128xf32, #tpu.memory_space<vmem>>, vector<16xf32>,
      tpu.vector_store %arg7[%swap3A_420, %swap3A_421], %mul3A_419 {strides = array<i32>} : memref<256x128xf32, #tpu.memory_space<vmem>>, vector<16xf32>,
      %get3A_423 = arith.index_cast %add3A_408 : i32 to index
      %get3A_424 = arith.constant 32 : index
      %get3A_425 = tpu.vector_load %arg7[%get3A_423, %get3A_424] {strides = array<i32>} : memref<256x128xf32, #tpu.memory_space<vmem>>, vector<16xf32>,
      %mul3A_426 = arith.mulf %get3A_425, %broadcast_in_dim3A_406 : vector<16xf32>
      %swap3A_427 = arith.index_cast %add3A_408 : i32 to index
      %swap3A_428 = arith.constant 32 : index
      %swap3A_429 = tpu.vector_load %arg7[%swap3A_427, %swap3A_428] {strides = array<i32>} : memref<256x128xf32, #tpu.memory_space<vmem>>, vector<16xf32>,
      tpu.vector_store %arg7[%swap3A_427, %swap3A_428], %mul3A_426 {strides = array<i32>} : memref<256x128xf32, #tpu.memory_space<vmem>>, vector<16xf32>,
      %get3A_430 = arith.index_cast %add3A_408 : i32 to index
      %get3A_431 = arith.constant 48 : index
      %get3A_432 = tpu.vector_load %arg7[%get3A_430, %get3A_431] {strides = array<i32>} : memref<256x128xf32, #tpu.memory_space<vmem>>, vector<16xf32>,
      %mul3A_433 = arith.mulf %get3A_432, %broadcast_in_dim3A_406 : vector<16xf32>
      %swap3A_434 = arith.index_cast %add3A_408 : i32 to index
      %swap3A_435 = arith.constant 48 : index
      %swap3A_436 = tpu.vector_load %arg7[%swap3A_434, %swap3A_435] {strides = array<i32>} : memref<256x128xf32, #tpu.memory_space<vmem>>, vector<16xf32>,
      tpu.vector_store %arg7[%swap3A_434, %swap3A_435], %mul3A_433 {strides = array<i32>} : memref<256x128xf32, #tpu.memory_space<vmem>>, vector<16xf32>,
      %get3A_437 = arith.index_cast %add3A_408 : i32 to index
      %get3A_438 = arith.constant 64 : index
      %get3A_439 = tpu.vector_load %arg7[%get3A_437, %get3A_438] {strides = array<i32>} : memref<256x128xf32, #tpu.memory_space<vmem>>, vector<16xf32>,
      %mul3A_440 = arith.mulf %get3A_439, %broadcast_in_dim3A_406 : vector<16xf32>
      %swap3A_441 = arith.index_cast %add3A_408 : i32 to index
      %swap3A_442 = arith.constant 64 : index
      %swap3A_443 = tpu.vector_load %arg7[%swap3A_441, %swap3A_442] {strides = array<i32>} : memref<256x128xf32, #tpu.memory_space<vmem>>, vector<16xf32>,
      tpu.vector_store %arg7[%swap3A_441, %swap3A_442], %mul3A_440 {strides = array<i32>} : memref<256x128xf32, #tpu.memory_space<vmem>>, vector<16xf32>,
      %get3A_444 = arith.index_cast %add3A_408 : i32 to index
      %get3A_445 = arith.constant 80 : index
      %get3A_446 = tpu.vector_load %arg7[%get3A_444, %get3A_445] {strides = array<i32>} : memref<256x128xf32, #tpu.memory_space<vmem>>, vector<16xf32>,
      %mul3A_447 = arith.mulf %get3A_446, %broadcast_in_dim3A_406 : vector<16xf32>
      %swap3A_448 = arith.index_cast %add3A_408 : i32 to index
      %swap3A_449 = arith.constant 80 : index
      %swap3A_450 = tpu.vector_load %arg7[%swap3A_448, %swap3A_449] {strides = array<i32>} : memref<256x128xf32, #tpu.memory_space<vmem>>, vector<16xf32>,
      tpu.vector_store %arg7[%swap3A_448, %swap3A_449], %mul3A_447 {strides = array<i32>} : memref<256x128xf32, #tpu.memory_space<vmem>>, vector<16xf32>,
      %get3A_451 = arith.index_cast %add3A_408 : i32 to index
      %get3A_452 = arith.constant 96 : index
      %get3A_453 = tpu.vector_load %arg7[%get3A_451, %get3A_452] {strides = array<i32>} : memref<256x128xf32, #tpu.memory_space<vmem>>, vector<16xf32>,
      %mul3A_454 = arith.mulf %get3A_453, %broadcast_in_dim3A_406 : vector<16xf32>
      %swap3A_455 = arith.index_cast %add3A_408 : i32 to index
      %swap3A_456 = arith.constant 96 : index
      %swap3A_457 = tpu.vector_load %arg7[%swap3A_455, %swap3A_456] {strides = array<i32>} : memref<256x128xf32, #tpu.memory_space<vmem>>, vector<16xf32>,
      tpu.vector_store %arg7[%swap3A_455, %swap3A_456], %mul3A_454 {strides = array<i32>} : memref<256x128xf32, #tpu.memory_space<vmem>>, vector<16xf32>,
      %get3A_458 = arith.index_cast %add3A_408 : i32 to index
      %get3A_459 = arith.constant 112 : index
      %get3A_460 = tpu.vector_load %arg7[%get3A_458, %get3A_459] {strides = array<i32>} : memref<256x128xf32, #tpu.memory_space<vmem>>, vector<16xf32>,
      %mul3A_461 = arith.mulf %get3A_460, %broadcast_in_dim3A_406 : vector<16xf32>
      %swap3A_462 = arith.index_cast %add3A_408 : i32 to index
      %swap3A_463 = arith.constant 112 : index
      %swap3A_464 = tpu.vector_load %arg7[%swap3A_462, %swap3A_463] {strides = array<i32>} : memref<256x128xf32, #tpu.memory_space<vmem>>, vector<16xf32>,
      tpu.vector_store %arg7[%swap3A_462, %swap3A_463], %mul3A_461 {strides = array<i32>} : memref<256x128xf32, #tpu.memory_space<vmem>>, vector<16xf32>,
      %slice3A_465 = vector.extract_strided_slice %exp3A {offsets = [5], sizes = [1], strides = [1]} : vector<16xf32> to vector<1xf32>
      %squeeze3A_466 = vector.extract %slice3A_465[0] : f32 from vector<1xf32>
      %broadcast_in_dim3A_467 = vector.broadcast %squeeze3A_466 : f32 to vector<16xf32>
      %add3A_468 = arith.constant 5 : i32
      %add3A_469 = arith.addi %mul3A_159, %add3A_468 : i32
      %get3A_470 = arith.index_cast %add3A_469 : i32 to index
      %get3A_471 = arith.constant 0 : index
      %get3A_472 = tpu.vector_load %arg7[%get3A_470, %get3A_471] {strides = array<i32>} : memref<256x128xf32, #tpu.memory_space<vmem>>, vector<16xf32>,
      %mul3A_473 = arith.mulf %get3A_472, %broadcast_in_dim3A_467 : vector<16xf32>
      %swap3A_474 = arith.index_cast %add3A_469 : i32 to index
      %swap3A_475 = arith.constant 0 : index
      %swap3A_476 = tpu.vector_load %arg7[%swap3A_474, %swap3A_475] {strides = array<i32>} : memref<256x128xf32, #tpu.memory_space<vmem>>, vector<16xf32>,
      tpu.vector_store %arg7[%swap3A_474, %swap3A_475], %mul3A_473 {strides = array<i32>} : memref<256x128xf32, #tpu.memory_space<vmem>>, vector<16xf32>,
      %get3A_477 = arith.index_cast %add3A_469 : i32 to index
      %get3A_478 = arith.constant 16 : index
      %get3A_479 = tpu.vector_load %arg7[%get3A_477, %get3A_478] {strides = array<i32>} : memref<256x128xf32, #tpu.memory_space<vmem>>, vector<16xf32>,
      %mul3A_480 = arith.mulf %get3A_479, %broadcast_in_dim3A_467 : vector<16xf32>
      %swap3A_481 = arith.index_cast %add3A_469 : i32 to index
      %swap3A_482 = arith.constant 16 : index
      %swap3A_483 = tpu.vector_load %arg7[%swap3A_481, %swap3A_482] {strides = array<i32>} : memref<256x128xf32, #tpu.memory_space<vmem>>, vector<16xf32>,
      tpu.vector_store %arg7[%swap3A_481, %swap3A_482], %mul3A_480 {strides = array<i32>} : memref<256x128xf32, #tpu.memory_space<vmem>>, vector<16xf32>,
      %get3A_484 = arith.index_cast %add3A_469 : i32 to index
      %get3A_485 = arith.constant 32 : index
      %get3A_486 = tpu.vector_load %arg7[%get3A_484, %get3A_485] {strides = array<i32>} : memref<256x128xf32, #tpu.memory_space<vmem>>, vector<16xf32>,
      %mul3A_487 = arith.mulf %get3A_486, %broadcast_in_dim3A_467 : vector<16xf32>
      %swap3A_488 = arith.index_cast %add3A_469 : i32 to index
      %swap3A_489 = arith.constant 32 : index
      %swap3A_490 = tpu.vector_load %arg7[%swap3A_488, %swap3A_489] {strides = array<i32>} : memref<256x128xf32, #tpu.memory_space<vmem>>, vector<16xf32>,
      tpu.vector_store %arg7[%swap3A_488, %swap3A_489], %mul3A_487 {strides = array<i32>} : memref<256x128xf32, #tpu.memory_space<vmem>>, vector<16xf32>,
      %get3A_491 = arith.index_cast %add3A_469 : i32 to index
      %get3A_492 = arith.constant 48 : index
      %get3A_493 = tpu.vector_load %arg7[%get3A_491, %get3A_492] {strides = array<i32>} : memref<256x128xf32, #tpu.memory_space<vmem>>, vector<16xf32>,
      %mul3A_494 = arith.mulf %get3A_493, %broadcast_in_dim3A_467 : vector<16xf32>
      %swap3A_495 = arith.index_cast %add3A_469 : i32 to index
      %swap3A_496 = arith.constant 48 : index
      %swap3A_497 = tpu.vector_load %arg7[%swap3A_495, %swap3A_496] {strides = array<i32>} : memref<256x128xf32, #tpu.memory_space<vmem>>, vector<16xf32>,
      tpu.vector_store %arg7[%swap3A_495, %swap3A_496], %mul3A_494 {strides = array<i32>} : memref<256x128xf32, #tpu.memory_space<vmem>>, vector<16xf32>,
      %get3A_498 = arith.index_cast %add3A_469 : i32 to index
      %get3A_499 = arith.constant 64 : index
      %get3A_500 = tpu.vector_load %arg7[%get3A_498, %get3A_499] {strides = array<i32>} : memref<256x128xf32, #tpu.memory_space<vmem>>, vector<16xf32>,
      %mul3A_501 = arith.mulf %get3A_500, %broadcast_in_dim3A_467 : vector<16xf32>
      %swap3A_502 = arith.index_cast %add3A_469 : i32 to index
      %swap3A_503 = arith.constant 64 : index
      %swap3A_504 = tpu.vector_load %arg7[%swap3A_502, %swap3A_503] {strides = array<i32>} : memref<256x128xf32, #tpu.memory_space<vmem>>, vector<16xf32>,
      tpu.vector_store %arg7[%swap3A_502, %swap3A_503], %mul3A_501 {strides = array<i32>} : memref<256x128xf32, #tpu.memory_space<vmem>>, vector<16xf32>,
      %get3A_505 = arith.index_cast %add3A_469 : i32 to index
      %get3A_506 = arith.constant 80 : index
      %get3A_507 = tpu.vector_load %arg7[%get3A_505, %get3A_506] {strides = array<i32>} : memref<256x128xf32, #tpu.memory_space<vmem>>, vector<16xf32>,
      %mul3A_508 = arith.mulf %get3A_507, %broadcast_in_dim3A_467 : vector<16xf32>
      %swap3A_509 = arith.index_cast %add3A_469 : i32 to index
      %swap3A_510 = arith.constant 80 : index
      %swap3A_511 = tpu.vector_load %arg7[%swap3A_509, %swap3A_510] {strides = array<i32>} : memref<256x128xf32, #tpu.memory_space<vmem>>, vector<16xf32>,
      tpu.vector_store %arg7[%swap3A_509, %swap3A_510], %mul3A_508 {strides = array<i32>} : memref<256x128xf32, #tpu.memory_space<vmem>>, vector<16xf32>,
      %get3A_512 = arith.index_cast %add3A_469 : i32 to index
      %get3A_513 = arith.constant 96 : index
      %get3A_514 = tpu.vector_load %arg7[%get3A_512, %get3A_513] {strides = array<i32>} : memref<256x128xf32, #tpu.memory_space<vmem>>, vector<16xf32>,
      %mul3A_515 = arith.mulf %get3A_514, %broadcast_in_dim3A_467 : vector<16xf32>
      %swap3A_516 = arith.index_cast %add3A_469 : i32 to index
      %swap3A_517 = arith.constant 96 : index
      %swap3A_518 = tpu.vector_load %arg7[%swap3A_516, %swap3A_517] {strides = array<i32>} : memref<256x128xf32, #tpu.memory_space<vmem>>, vector<16xf32>,
      tpu.vector_store %arg7[%swap3A_516, %swap3A_517], %mul3A_515 {strides = array<i32>} : memref<256x128xf32, #tpu.memory_space<vmem>>, vector<16xf32>,
      %get3A_519 = arith.index_cast %add3A_469 : i32 to index
      %get3A_520 = arith.constant 112 : index
      %get3A_521 = tpu.vector_load %arg7[%get3A_519, %get3A_520] {strides = array<i32>} : memref<256x128xf32, #tpu.memory_space<vmem>>, vector<16xf32>,
      %mul3A_522 = arith.mulf %get3A_521, %broadcast_in_dim3A_467 : vector<16xf32>
      %swap3A_523 = arith.index_cast %add3A_469 : i32 to index
      %swap3A_524 = arith.constant 112 : index
      %swap3A_525 = tpu.vector_load %arg7[%swap3A_523, %swap3A_524] {strides = array<i32>} : memref<256x128xf32, #tpu.memory_space<vmem>>, vector<16xf32>,
      tpu.vector_store %arg7[%swap3A_523, %swap3A_524], %mul3A_522 {strides = array<i32>} : memref<256x128xf32, #tpu.memory_space<vmem>>, vector<16xf32>,
      %slice3A_526 = vector.extract_strided_slice %exp3A {offsets = [6], sizes = [1], strides = [1]} : vector<16xf32> to vector<1xf32>
      %squeeze3A_527 = vector.extract %slice3A_526[0] : f32 from vector<1xf32>
      %broadcast_in_dim3A_528 = vector.broadcast %squeeze3A_527 : f32 to vector<16xf32>
      %add3A_529 = arith.constant 6 : i32
      %add3A_530 = arith.addi %mul3A_159, %add3A_529 : i32
      %get3A_531 = arith.index_cast %add3A_530 : i32 to index
      %get3A_532 = arith.constant 0 : index
      %get3A_533 = tpu.vector_load %arg7[%get3A_531, %get3A_532] {strides = array<i32>} : memref<256x128xf32, #tpu.memory_space<vmem>>, vector<16xf32>,
      %mul3A_534 = arith.mulf %get3A_533, %broadcast_in_dim3A_528 : vector<16xf32>
      %swap3A_535 = arith.index_cast %add3A_530 : i32 to index
      %swap3A_536 = arith.constant 0 : index
      %swap3A_537 = tpu.vector_load %arg7[%swap3A_535, %swap3A_536] {strides = array<i32>} : memref<256x128xf32, #tpu.memory_space<vmem>>, vector<16xf32>,
      tpu.vector_store %arg7[%swap3A_535, %swap3A_536], %mul3A_534 {strides = array<i32>} : memref<256x128xf32, #tpu.memory_space<vmem>>, vector<16xf32>,
      %get3A_538 = arith.index_cast %add3A_530 : i32 to index
      %get3A_539 = arith.constant 16 : index
      %get3A_540 = tpu.vector_load %arg7[%get3A_538, %get3A_539] {strides = array<i32>} : memref<256x128xf32, #tpu.memory_space<vmem>>, vector<16xf32>,
      %mul3A_541 = arith.mulf %get3A_540, %broadcast_in_dim3A_528 : vector<16xf32>
      %swap3A_542 = arith.index_cast %add3A_530 : i32 to index
      %swap3A_543 = arith.constant 16 : index
      %swap3A_544 = tpu.vector_load %arg7[%swap3A_542, %swap3A_543] {strides = array<i32>} : memref<256x128xf32, #tpu.memory_space<vmem>>, vector<16xf32>,
      tpu.vector_store %arg7[%swap3A_542, %swap3A_543], %mul3A_541 {strides = array<i32>} : memref<256x128xf32, #tpu.memory_space<vmem>>, vector<16xf32>,
      %get3A_545 = arith.index_cast %add3A_530 : i32 to index
      %get3A_546 = arith.constant 32 : index
      %get3A_547 = tpu.vector_load %arg7[%get3A_545, %get3A_546] {strides = array<i32>} : memref<256x128xf32, #tpu.memory_space<vmem>>, vector<16xf32>,
      %mul3A_548 = arith.mulf %get3A_547, %broadcast_in_dim3A_528 : vector<16xf32>
      %swap3A_549 = arith.index_cast %add3A_530 : i32 to index
      %swap3A_550 = arith.constant 32 : index
      %swap3A_551 = tpu.vector_load %arg7[%swap3A_549, %swap3A_550] {strides = array<i32>} : memref<256x128xf32, #tpu.memory_space<vmem>>, vector<16xf32>,
      tpu.vector_store %arg7[%swap3A_549, %swap3A_550], %mul3A_548 {strides = array<i32>} : memref<256x128xf32, #tpu.memory_space<vmem>>, vector<16xf32>,
      %get3A_552 = arith.index_cast %add3A_530 : i32 to index
      %get3A_553 = arith.constant 48 : index
      %get3A_554 = tpu.vector_load %arg7[%get3A_552, %get3A_553] {strides = array<i32>} : memref<256x128xf32, #tpu.memory_space<vmem>>, vector<16xf32>,
      %mul3A_555 = arith.mulf %get3A_554, %broadcast_in_dim3A_528 : vector<16xf32>
      %swap3A_556 = arith.index_cast %add3A_530 : i32 to index
      %swap3A_557 = arith.constant 48 : index
      %swap3A_558 = tpu.vector_load %arg7[%swap3A_556, %swap3A_557] {strides = array<i32>} : memref<256x128xf32, #tpu.memory_space<vmem>>, vector<16xf32>,
      tpu.vector_store %arg7[%swap3A_556, %swap3A_557], %mul3A_555 {strides = array<i32>} : memref<256x128xf32, #tpu.memory_space<vmem>>, vector<16xf32>,
      %get3A_559 = arith.index_cast %add3A_530 : i32 to index
      %get3A_560 = arith.constant 64 : index
      %get3A_561 = tpu.vector_load %arg7[%get3A_559, %get3A_560] {strides = array<i32>} : memref<256x128xf32, #tpu.memory_space<vmem>>, vector<16xf32>,
      %mul3A_562 = arith.mulf %get3A_561, %broadcast_in_dim3A_528 : vector<16xf32>
      %swap3A_563 = arith.index_cast %add3A_530 : i32 to index
      %swap3A_564 = arith.constant 64 : index
      %swap3A_565 = tpu.vector_load %arg7[%swap3A_563, %swap3A_564] {strides = array<i32>} : memref<256x128xf32, #tpu.memory_space<vmem>>, vector<16xf32>,
      tpu.vector_store %arg7[%swap3A_563, %swap3A_564], %mul3A_562 {strides = array<i32>} : memref<256x128xf32, #tpu.memory_space<vmem>>, vector<16xf32>,
      %get3A_566 = arith.index_cast %add3A_530 : i32 to index
      %get3A_567 = arith.constant 80 : index
      %get3A_568 = tpu.vector_load %arg7[%get3A_566, %get3A_567] {strides = array<i32>} : memref<256x128xf32, #tpu.memory_space<vmem>>, vector<16xf32>,
      %mul3A_569 = arith.mulf %get3A_568, %broadcast_in_dim3A_528 : vector<16xf32>
      %swap3A_570 = arith.index_cast %add3A_530 : i32 to index
      %swap3A_571 = arith.constant 80 : index
      %swap3A_572 = tpu.vector_load %arg7[%swap3A_570, %swap3A_571] {strides = array<i32>} : memref<256x128xf32, #tpu.memory_space<vmem>>, vector<16xf32>,
      tpu.vector_store %arg7[%swap3A_570, %swap3A_571], %mul3A_569 {strides = array<i32>} : memref<256x128xf32, #tpu.memory_space<vmem>>, vector<16xf32>,
      %get3A_573 = arith.index_cast %add3A_530 : i32 to index
      %get3A_574 = arith.constant 96 : index
      %get3A_575 = tpu.vector_load %arg7[%get3A_573, %get3A_574] {strides = array<i32>} : memref<256x128xf32, #tpu.memory_space<vmem>>, vector<16xf32>,
      %mul3A_576 = arith.mulf %get3A_575, %broadcast_in_dim3A_528 : vector<16xf32>
      %swap3A_577 = arith.index_cast %add3A_530 : i32 to index
      %swap3A_578 = arith.constant 96 : index
      %swap3A_579 = tpu.vector_load %arg7[%swap3A_577, %swap3A_578] {strides = array<i32>} : memref<256x128xf32, #tpu.memory_space<vmem>>, vector<16xf32>,
      tpu.vector_store %arg7[%swap3A_577, %swap3A_578], %mul3A_576 {strides = array<i32>} : memref<256x128xf32, #tpu.memory_space<vmem>>, vector<16xf32>,
      %get3A_580 = arith.index_cast %add3A_530 : i32 to index
      %get3A_581 = arith.constant 112 : index
      %get3A_582 = tpu.vector_load %arg7[%get3A_580, %get3A_581] {strides = array<i32>} : memref<256x128xf32, #tpu.memory_space<vmem>>, vector<16xf32>,
      %mul3A_583 = arith.mulf %get3A_582, %broadcast_in_dim3A_528 : vector<16xf32>
      %swap3A_584 = arith.index_cast %add3A_530 : i32 to index
      %swap3A_585 = arith.constant 112 : index
      %swap3A_586 = tpu.vector_load %arg7[%swap3A_584, %swap3A_585] {strides = array<i32>} : memref<256x128xf32, #tpu.memory_space<vmem>>, vector<16xf32>,
      tpu.vector_store %arg7[%swap3A_584, %swap3A_585], %mul3A_583 {strides = array<i32>} : memref<256x128xf32, #tpu.memory_space<vmem>>, vector<16xf32>,
      %slice3A_587 = vector.extract_strided_slice %exp3A {offsets = [7], sizes = [1], strides = [1]} : vector<16xf32> to vector<1xf32>
      %squeeze3A_588 = vector.extract %slice3A_587[0] : f32 from vector<1xf32>
      %broadcast_in_dim3A_589 = vector.broadcast %squeeze3A_588 : f32 to vector<16xf32>
      %add3A_590 = arith.constant 7 : i32
      %add3A_591 = arith.addi %mul3A_159, %add3A_590 : i32
      %get3A_592 = arith.index_cast %add3A_591 : i32 to index
      %get3A_593 = arith.constant 0 : index
      %get3A_594 = tpu.vector_load %arg7[%get3A_592, %get3A_593] {strides = array<i32>} : memref<256x128xf32, #tpu.memory_space<vmem>>, vector<16xf32>,
      %mul3A_595 = arith.mulf %get3A_594, %broadcast_in_dim3A_589 : vector<16xf32>
      %swap3A_596 = arith.index_cast %add3A_591 : i32 to index
      %swap3A_597 = arith.constant 0 : index
      %swap3A_598 = tpu.vector_load %arg7[%swap3A_596, %swap3A_597] {strides = array<i32>} : memref<256x128xf32, #tpu.memory_space<vmem>>, vector<16xf32>,
      tpu.vector_store %arg7[%swap3A_596, %swap3A_597], %mul3A_595 {strides = array<i32>} : memref<256x128xf32, #tpu.memory_space<vmem>>, vector<16xf32>,
      %get3A_599 = arith.index_cast %add3A_591 : i32 to index
      %get3A_600 = arith.constant 16 : index
      %get3A_601 = tpu.vector_load %arg7[%get3A_599, %get3A_600] {strides = array<i32>} : memref<256x128xf32, #tpu.memory_space<vmem>>, vector<16xf32>,
      %mul3A_602 = arith.mulf %get3A_601, %broadcast_in_dim3A_589 : vector<16xf32>
      %swap3A_603 = arith.index_cast %add3A_591 : i32 to index
      %swap3A_604 = arith.constant 16 : index
      %swap3A_605 = tpu.vector_load %arg7[%swap3A_603, %swap3A_604] {strides = array<i32>} : memref<256x128xf32, #tpu.memory_space<vmem>>, vector<16xf32>,
      tpu.vector_store %arg7[%swap3A_603, %swap3A_604], %mul3A_602 {strides = array<i32>} : memref<256x128xf32, #tpu.memory_space<vmem>>, vector<16xf32>,
      %get3A_606 = arith.index_cast %add3A_591 : i32 to index
      %get3A_607 = arith.constant 32 : index
      %get3A_608 = tpu.vector_load %arg7[%get3A_606, %get3A_607] {strides = array<i32>} : memref<256x128xf32, #tpu.memory_space<vmem>>, vector<16xf32>,
      %mul3A_609 = arith.mulf %get3A_608, %broadcast_in_dim3A_589 : vector<16xf32>
      %swap3A_610 = arith.index_cast %add3A_591 : i32 to index
      %swap3A_611 = arith.constant 32 : index
      %swap3A_612 = tpu.vector_load %arg7[%swap3A_610, %swap3A_611] {strides = array<i32>} : memref<256x128xf32, #tpu.memory_space<vmem>>, vector<16xf32>,
      tpu.vector_store %arg7[%swap3A_610, %swap3A_611], %mul3A_609 {strides = array<i32>} : memref<256x128xf32, #tpu.memory_space<vmem>>, vector<16xf32>,
      %get3A_613 = arith.index_cast %add3A_591 : i32 to index
      %get3A_614 = arith.constant 48 : index
      %get3A_615 = tpu.vector_load %arg7[%get3A_613, %get3A_614] {strides = array<i32>} : memref<256x128xf32, #tpu.memory_space<vmem>>, vector<16xf32>,
      %mul3A_616 = arith.mulf %get3A_615, %broadcast_in_dim3A_589 : vector<16xf32>
      %swap3A_617 = arith.index_cast %add3A_591 : i32 to index
      %swap3A_618 = arith.constant 48 : index
      %swap3A_619 = tpu.vector_load %arg7[%swap3A_617, %swap3A_618] {strides = array<i32>} : memref<256x128xf32, #tpu.memory_space<vmem>>, vector<16xf32>,
      tpu.vector_store %arg7[%swap3A_617, %swap3A_618], %mul3A_616 {strides = array<i32>} : memref<256x128xf32, #tpu.memory_space<vmem>>, vector<16xf32>,
      %get3A_620 = arith.index_cast %add3A_591 : i32 to index
      %get3A_621 = arith.constant 64 : index
      %get3A_622 = tpu.vector_load %arg7[%get3A_620, %get3A_621] {strides = array<i32>} : memref<256x128xf32, #tpu.memory_space<vmem>>, vector<16xf32>,
      %mul3A_623 = arith.mulf %get3A_622, %broadcast_in_dim3A_589 : vector<16xf32>
      %swap3A_624 = arith.index_cast %add3A_591 : i32 to index
      %swap3A_625 = arith.constant 64 : index
      %swap3A_626 = tpu.vector_load %arg7[%swap3A_624, %swap3A_625] {strides = array<i32>} : memref<256x128xf32, #tpu.memory_space<vmem>>, vector<16xf32>,
      tpu.vector_store %arg7[%swap3A_624, %swap3A_625], %mul3A_623 {strides = array<i32>} : memref<256x128xf32, #tpu.memory_space<vmem>>, vector<16xf32>,
      %get3A_627 = arith.index_cast %add3A_591 : i32 to index
      %get3A_628 = arith.constant 80 : index
      %get3A_629 = tpu.vector_load %arg7[%get3A_627, %get3A_628] {strides = array<i32>} : memref<256x128xf32, #tpu.memory_space<vmem>>, vector<16xf32>,
      %mul3A_630 = arith.mulf %get3A_629, %broadcast_in_dim3A_589 : vector<16xf32>
      %swap3A_631 = arith.index_cast %add3A_591 : i32 to index
      %swap3A_632 = arith.constant 80 : index
      %swap3A_633 = tpu.vector_load %arg7[%swap3A_631, %swap3A_632] {strides = array<i32>} : memref<256x128xf32, #tpu.memory_space<vmem>>, vector<16xf32>,
      tpu.vector_store %arg7[%swap3A_631, %swap3A_632], %mul3A_630 {strides = array<i32>} : memref<256x128xf32, #tpu.memory_space<vmem>>, vector<16xf32>,
      %get3A_634 = arith.index_cast %add3A_591 : i32 to index
      %get3A_635 = arith.constant 96 : index
      %get3A_636 = tpu.vector_load %arg7[%get3A_634, %get3A_635] {strides = array<i32>} : memref<256x128xf32, #tpu.memory_space<vmem>>, vector<16xf32>,
      %mul3A_637 = arith.mulf %get3A_636, %broadcast_in_dim3A_589 : vector<16xf32>
      %swap3A_638 = arith.index_cast %add3A_591 : i32 to index
      %swap3A_639 = arith.constant 96 : index
      %swap3A_640 = tpu.vector_load %arg7[%swap3A_638, %swap3A_639] {strides = array<i32>} : memref<256x128xf32, #tpu.memory_space<vmem>>, vector<16xf32>,
      tpu.vector_store %arg7[%swap3A_638, %swap3A_639], %mul3A_637 {strides = array<i32>} : memref<256x128xf32, #tpu.memory_space<vmem>>, vector<16xf32>,
      %get3A_641 = arith.index_cast %add3A_591 : i32 to index
      %get3A_642 = arith.constant 112 : index
      %get3A_643 = tpu.vector_load %arg7[%get3A_641, %get3A_642] {strides = array<i32>} : memref<256x128xf32, #tpu.memory_space<vmem>>, vector<16xf32>,
      %mul3A_644 = arith.mulf %get3A_643, %broadcast_in_dim3A_589 : vector<16xf32>
      %swap3A_645 = arith.index_cast %add3A_591 : i32 to index
      %swap3A_646 = arith.constant 112 : index
      %swap3A_647 = tpu.vector_load %arg7[%swap3A_645, %swap3A_646] {strides = array<i32>} : memref<256x128xf32, #tpu.memory_space<vmem>>, vector<16xf32>,
      tpu.vector_store %arg7[%swap3A_645, %swap3A_646], %mul3A_644 {strides = array<i32>} : memref<256x128xf32, #tpu.memory_space<vmem>>, vector<16xf32>,
      %slice3A_648 = vector.extract_strided_slice %exp3A {offsets = [8], sizes = [1], strides = [1]} : vector<16xf32> to vector<1xf32>
      %squeeze3A_649 = vector.extract %slice3A_648[0] : f32 from vector<1xf32>
      %broadcast_in_dim3A_650 = vector.broadcast %squeeze3A_649 : f32 to vector<16xf32>
      %add3A_651 = arith.constant 8 : i32
      %add3A_652 = arith.addi %mul3A_159, %add3A_651 : i32
      %get3A_653 = arith.index_cast %add3A_652 : i32 to index
      %get3A_654 = arith.constant 0 : index
      %get3A_655 = tpu.vector_load %arg7[%get3A_653, %get3A_654] {strides = array<i32>} : memref<256x128xf32, #tpu.memory_space<vmem>>, vector<16xf32>,
      %mul3A_656 = arith.mulf %get3A_655, %broadcast_in_dim3A_650 : vector<16xf32>
      %swap3A_657 = arith.index_cast %add3A_652 : i32 to index
      %swap3A_658 = arith.constant 0 : index
      %swap3A_659 = tpu.vector_load %arg7[%swap3A_657, %swap3A_658] {strides = array<i32>} : memref<256x128xf32, #tpu.memory_space<vmem>>, vector<16xf32>,
      tpu.vector_store %arg7[%swap3A_657, %swap3A_658], %mul3A_656 {strides = array<i32>} : memref<256x128xf32, #tpu.memory_space<vmem>>, vector<16xf32>,
      %get3A_660 = arith.index_cast %add3A_652 : i32 to index
      %get3A_661 = arith.constant 16 : index
      %get3A_662 = tpu.vector_load %arg7[%get3A_660, %get3A_661] {strides = array<i32>} : memref<256x128xf32, #tpu.memory_space<vmem>>, vector<16xf32>,
      %mul3A_663 = arith.mulf %get3A_662, %broadcast_in_dim3A_650 : vector<16xf32>
      %swap3A_664 = arith.index_cast %add3A_652 : i32 to index
      %swap3A_665 = arith.constant 16 : index
      %swap3A_666 = tpu.vector_load %arg7[%swap3A_664, %swap3A_665] {strides = array<i32>} : memref<256x128xf32, #tpu.memory_space<vmem>>, vector<16xf32>,
      tpu.vector_store %arg7[%swap3A_664, %swap3A_665], %mul3A_663 {strides = array<i32>} : memref<256x128xf32, #tpu.memory_space<vmem>>, vector<16xf32>,
      %get3A_667 = arith.index_cast %add3A_652 : i32 to index
      %get3A_668 = arith.constant 32 : index
      %get3A_669 = tpu.vector_load %arg7[%get3A_667, %get3A_668] {strides = array<i32>} : memref<256x128xf32, #tpu.memory_space<vmem>>, vector<16xf32>,
      %mul3A_670 = arith.mulf %get3A_669, %broadcast_in_dim3A_650 : vector<16xf32>
      %swap3A_671 = arith.index_cast %add3A_652 : i32 to index
      %swap3A_672 = arith.constant 32 : index
      %swap3A_673 = tpu.vector_load %arg7[%swap3A_671, %swap3A_672] {strides = array<i32>} : memref<256x128xf32, #tpu.memory_space<vmem>>, vector<16xf32>,
      tpu.vector_store %arg7[%swap3A_671, %swap3A_672], %mul3A_670 {strides = array<i32>} : memref<256x128xf32, #tpu.memory_space<vmem>>, vector<16xf32>,
      %get3A_674 = arith.index_cast %add3A_652 : i32 to index
      %get3A_675 = arith.constant 48 : index
      %get3A_676 = tpu.vector_load %arg7[%get3A_674, %get3A_675] {strides = array<i32>} : memref<256x128xf32, #tpu.memory_space<vmem>>, vector<16xf32>,
      %mul3A_677 = arith.mulf %get3A_676, %broadcast_in_dim3A_650 : vector<16xf32>
      %swap3A_678 = arith.index_cast %add3A_652 : i32 to index
      %swap3A_679 = arith.constant 48 : index
      %swap3A_680 = tpu.vector_load %arg7[%swap3A_678, %swap3A_679] {strides = array<i32>} : memref<256x128xf32, #tpu.memory_space<vmem>>, vector<16xf32>,
      tpu.vector_store %arg7[%swap3A_678, %swap3A_679], %mul3A_677 {strides = array<i32>} : memref<256x128xf32, #tpu.memory_space<vmem>>, vector<16xf32>,
      %get3A_681 = arith.index_cast %add3A_652 : i32 to index
      %get3A_682 = arith.constant 64 : index
      %get3A_683 = tpu.vector_load %arg7[%get3A_681, %get3A_682] {strides = array<i32>} : memref<256x128xf32, #tpu.memory_space<vmem>>, vector<16xf32>,
      %mul3A_684 = arith.mulf %get3A_683, %broadcast_in_dim3A_650 : vector<16xf32>
      %swap3A_685 = arith.index_cast %add3A_652 : i32 to index
      %swap3A_686 = arith.constant 64 : index
      %swap3A_687 = tpu.vector_load %arg7[%swap3A_685, %swap3A_686] {strides = array<i32>} : memref<256x128xf32, #tpu.memory_space<vmem>>, vector<16xf32>,
      tpu.vector_store %arg7[%swap3A_685, %swap3A_686], %mul3A_684 {strides = array<i32>} : memref<256x128xf32, #tpu.memory_space<vmem>>, vector<16xf32>,
      %get3A_688 = arith.index_cast %add3A_652 : i32 to index
      %get3A_689 = arith.constant 80 : index
      %get3A_690 = tpu.vector_load %arg7[%get3A_688, %get3A_689] {strides = array<i32>} : memref<256x128xf32, #tpu.memory_space<vmem>>, vector<16xf32>,
      %mul3A_691 = arith.mulf %get3A_690, %broadcast_in_dim3A_650 : vector<16xf32>
      %swap3A_692 = arith.index_cast %add3A_652 : i32 to index
      %swap3A_693 = arith.constant 80 : index
      %swap3A_694 = tpu.vector_load %arg7[%swap3A_692, %swap3A_693] {strides = array<i32>} : memref<256x128xf32, #tpu.memory_space<vmem>>, vector<16xf32>,
      tpu.vector_store %arg7[%swap3A_692, %swap3A_693], %mul3A_691 {strides = array<i32>} : memref<256x128xf32, #tpu.memory_space<vmem>>, vector<16xf32>,
      %get3A_695 = arith.index_cast %add3A_652 : i32 to index
      %get3A_696 = arith.constant 96 : index
      %get3A_697 = tpu.vector_load %arg7[%get3A_695, %get3A_696] {strides = array<i32>} : memref<256x128xf32, #tpu.memory_space<vmem>>, vector<16xf32>,
      %mul3A_698 = arith.mulf %get3A_697, %broadcast_in_dim3A_650 : vector<16xf32>
      %swap3A_699 = arith.index_cast %add3A_652 : i32 to index
      %swap3A_700 = arith.constant 96 : index
      %swap3A_701 = tpu.vector_load %arg7[%swap3A_699, %swap3A_700] {strides = array<i32>} : memref<256x128xf32, #tpu.memory_space<vmem>>, vector<16xf32>,
      tpu.vector_store %arg7[%swap3A_699, %swap3A_700], %mul3A_698 {strides = array<i32>} : memref<256x128xf32, #tpu.memory_space<vmem>>, vector<16xf32>,
      %get3A_702 = arith.index_cast %add3A_652 : i32 to index
      %get3A_703 = arith.constant 112 : index
      %get3A_704 = tpu.vector_load %arg7[%get3A_702, %get3A_703] {strides = array<i32>} : memref<256x128xf32, #tpu.memory_space<vmem>>, vector<16xf32>,
      %mul3A_705 = arith.mulf %get3A_704, %broadcast_in_dim3A_650 : vector<16xf32>
      %swap3A_706 = arith.index_cast %add3A_652 : i32 to index
      %swap3A_707 = arith.constant 112 : index
      %swap3A_708 = tpu.vector_load %arg7[%swap3A_706, %swap3A_707] {strides = array<i32>} : memref<256x128xf32, #tpu.memory_space<vmem>>, vector<16xf32>,
      tpu.vector_store %arg7[%swap3A_706, %swap3A_707], %mul3A_705 {strides = array<i32>} : memref<256x128xf32, #tpu.memory_space<vmem>>, vector<16xf32>,
      %slice3A_709 = vector.extract_strided_slice %exp3A {offsets = [9], sizes = [1], strides = [1]} : vector<16xf32> to vector<1xf32>
      %squeeze3A_710 = vector.extract %slice3A_709[0] : f32 from vector<1xf32>
      %broadcast_in_dim3A_711 = vector.broadcast %squeeze3A_710 : f32 to vector<16xf32>
      %add3A_712 = arith.constant 9 : i32
      %add3A_713 = arith.addi %mul3A_159, %add3A_712 : i32
      %get3A_714 = arith.index_cast %add3A_713 : i32 to index
      %get3A_715 = arith.constant 0 : index
      %get3A_716 = tpu.vector_load %arg7[%get3A_714, %get3A_715] {strides = array<i32>} : memref<256x128xf32, #tpu.memory_space<vmem>>, vector<16xf32>,
      %mul3A_717 = arith.mulf %get3A_716, %broadcast_in_dim3A_711 : vector<16xf32>
      %swap3A_718 = arith.index_cast %add3A_713 : i32 to index
      %swap3A_719 = arith.constant 0 : index
      %swap3A_720 = tpu.vector_load %arg7[%swap3A_718, %swap3A_719] {strides = array<i32>} : memref<256x128xf32, #tpu.memory_space<vmem>>, vector<16xf32>,
      tpu.vector_store %arg7[%swap3A_718, %swap3A_719], %mul3A_717 {strides = array<i32>} : memref<256x128xf32, #tpu.memory_space<vmem>>, vector<16xf32>,
      %get3A_721 = arith.index_cast %add3A_713 : i32 to index
      %get3A_722 = arith.constant 16 : index
      %get3A_723 = tpu.vector_load %arg7[%get3A_721, %get3A_722] {strides = array<i32>} : memref<256x128xf32, #tpu.memory_space<vmem>>, vector<16xf32>,
      %mul3A_724 = arith.mulf %get3A_723, %broadcast_in_dim3A_711 : vector<16xf32>
      %swap3A_725 = arith.index_cast %add3A_713 : i32 to index
      %swap3A_726 = arith.constant 16 : index
      %swap3A_727 = tpu.vector_load %arg7[%swap3A_725, %swap3A_726] {strides = array<i32>} : memref<256x128xf32, #tpu.memory_space<vmem>>, vector<16xf32>,
      tpu.vector_store %arg7[%swap3A_725, %swap3A_726], %mul3A_724 {strides = array<i32>} : memref<256x128xf32, #tpu.memory_space<vmem>>, vector<16xf32>,
      %get3A_728 = arith.index_cast %add3A_713 : i32 to index
      %get3A_729 = arith.constant 32 : index
      %get3A_730 = tpu.vector_load %arg7[%get3A_728, %get3A_729] {strides = array<i32>} : memref<256x128xf32, #tpu.memory_space<vmem>>, vector<16xf32>,
      %mul3A_731 = arith.mulf %get3A_730, %broadcast_in_dim3A_711 : vector<16xf32>
      %swap3A_732 = arith.index_cast %add3A_713 : i32 to index
      %swap3A_733 = arith.constant 32 : index
      %swap3A_734 = tpu.vector_load %arg7[%swap3A_732, %swap3A_733] {strides = array<i32>} : memref<256x128xf32, #tpu.memory_space<vmem>>, vector<16xf32>,
      tpu.vector_store %arg7[%swap3A_732, %swap3A_733], %mul3A_731 {strides = array<i32>} : memref<256x128xf32, #tpu.memory_space<vmem>>, vector<16xf32>,
      %get3A_735 = arith.index_cast %add3A_713 : i32 to index
      %get3A_736 = arith.constant 48 : index
      %get3A_737 = tpu.vector_load %arg7[%get3A_735, %get3A_736] {strides = array<i32>} : memref<256x128xf32, #tpu.memory_space<vmem>>, vector<16xf32>,
      %mul3A_738 = arith.mulf %get3A_737, %broadcast_in_dim3A_711 : vector<16xf32>
      %swap3A_739 = arith.index_cast %add3A_713 : i32 to index
      %swap3A_740 = arith.constant 48 : index
      %swap3A_741 = tpu.vector_load %arg7[%swap3A_739, %swap3A_740] {strides = array<i32>} : memref<256x128xf32, #tpu.memory_space<vmem>>, vector<16xf32>,
      tpu.vector_store %arg7[%swap3A_739, %swap3A_740], %mul3A_738 {strides = array<i32>} : memref<256x128xf32, #tpu.memory_space<vmem>>, vector<16xf32>,
      %get3A_742 = arith.index_cast %add3A_713 : i32 to index
      %get3A_743 = arith.constant 64 : index
      %get3A_744 = tpu.vector_load %arg7[%get3A_742, %get3A_743] {strides = array<i32>} : memref<256x128xf32, #tpu.memory_space<vmem>>, vector<16xf32>,
      %mul3A_745 = arith.mulf %get3A_744, %broadcast_in_dim3A_711 : vector<16xf32>
      %swap3A_746 = arith.index_cast %add3A_713 : i32 to index
      %swap3A_747 = arith.constant 64 : index
      %swap3A_748 = tpu.vector_load %arg7[%swap3A_746, %swap3A_747] {strides = array<i32>} : memref<256x128xf32, #tpu.memory_space<vmem>>, vector<16xf32>,
      tpu.vector_store %arg7[%swap3A_746, %swap3A_747], %mul3A_745 {strides = array<i32>} : memref<256x128xf32, #tpu.memory_space<vmem>>, vector<16xf32>,
      %get3A_749 = arith.index_cast %add3A_713 : i32 to index
      %get3A_750 = arith.constant 80 : index
      %get3A_751 = tpu.vector_load %arg7[%get3A_749, %get3A_750] {strides = array<i32>} : memref<256x128xf32, #tpu.memory_space<vmem>>, vector<16xf32>,
      %mul3A_752 = arith.mulf %get3A_751, %broadcast_in_dim3A_711 : vector<16xf32>
      %swap3A_753 = arith.index_cast %add3A_713 : i32 to index
      %swap3A_754 = arith.constant 80 : index
      %swap3A_755 = tpu.vector_load %arg7[%swap3A_753, %swap3A_754] {strides = array<i32>} : memref<256x128xf32, #tpu.memory_space<vmem>>, vector<16xf32>,
      tpu.vector_store %arg7[%swap3A_753, %swap3A_754], %mul3A_752 {strides = array<i32>} : memref<256x128xf32, #tpu.memory_space<vmem>>, vector<16xf32>,
      %get3A_756 = arith.index_cast %add3A_713 : i32 to index
      %get3A_757 = arith.constant 96 : index
      %get3A_758 = tpu.vector_load %arg7[%get3A_756, %get3A_757] {strides = array<i32>} : memref<256x128xf32, #tpu.memory_space<vmem>>, vector<16xf32>,
      %mul3A_759 = arith.mulf %get3A_758, %broadcast_in_dim3A_711 : vector<16xf32>
      %swap3A_760 = arith.index_cast %add3A_713 : i32 to index
      %swap3A_761 = arith.constant 96 : index
      %swap3A_762 = tpu.vector_load %arg7[%swap3A_760, %swap3A_761] {strides = array<i32>} : memref<256x128xf32, #tpu.memory_space<vmem>>, vector<16xf32>,
      tpu.vector_store %arg7[%swap3A_760, %swap3A_761], %mul3A_759 {strides = array<i32>} : memref<256x128xf32, #tpu.memory_space<vmem>>, vector<16xf32>,
      %get3A_763 = arith.index_cast %add3A_713 : i32 to index
      %get3A_764 = arith.constant 112 : index
      %get3A_765 = tpu.vector_load %arg7[%get3A_763, %get3A_764] {strides = array<i32>} : memref<256x128xf32, #tpu.memory_space<vmem>>, vector<16xf32>,
      %mul3A_766 = arith.mulf %get3A_765, %broadcast_in_dim3A_711 : vector<16xf32>
      %swap3A_767 = arith.index_cast %add3A_713 : i32 to index
      %swap3A_768 = arith.constant 112 : index
      %swap3A_769 = tpu.vector_load %arg7[%swap3A_767, %swap3A_768] {strides = array<i32>} : memref<256x128xf32, #tpu.memory_space<vmem>>, vector<16xf32>,
      tpu.vector_store %arg7[%swap3A_767, %swap3A_768], %mul3A_766 {strides = array<i32>} : memref<256x128xf32, #tpu.memory_space<vmem>>, vector<16xf32>,
      %slice3A_770 = vector.extract_strided_slice %exp3A {offsets = [10], sizes = [1], strides = [1]} : vector<16xf32> to vector<1xf32>
      %squeeze3A_771 = vector.extract %slice3A_770[0] : f32 from vector<1xf32>
      %broadcast_in_dim3A_772 = vector.broadcast %squeeze3A_771 : f32 to vector<16xf32>
      %add3A_773 = arith.constant 10 : i32
      %add3A_774 = arith.addi %mul3A_159, %add3A_773 : i32
      %get3A_775 = arith.index_cast %add3A_774 : i32 to index
      %get3A_776 = arith.constant 0 : index
      %get3A_777 = tpu.vector_load %arg7[%get3A_775, %get3A_776] {strides = array<i32>} : memref<256x128xf32, #tpu.memory_space<vmem>>, vector<16xf32>,
      %mul3A_778 = arith.mulf %get3A_777, %broadcast_in_dim3A_772 : vector<16xf32>
      %swap3A_779 = arith.index_cast %add3A_774 : i32 to index
      %swap3A_780 = arith.constant 0 : index
      %swap3A_781 = tpu.vector_load %arg7[%swap3A_779, %swap3A_780] {strides = array<i32>} : memref<256x128xf32, #tpu.memory_space<vmem>>, vector<16xf32>,
      tpu.vector_store %arg7[%swap3A_779, %swap3A_780], %mul3A_778 {strides = array<i32>} : memref<256x128xf32, #tpu.memory_space<vmem>>, vector<16xf32>,
      %get3A_782 = arith.index_cast %add3A_774 : i32 to index
      %get3A_783 = arith.constant 16 : index
      %get3A_784 = tpu.vector_load %arg7[%get3A_782, %get3A_783] {strides = array<i32>} : memref<256x128xf32, #tpu.memory_space<vmem>>, vector<16xf32>,
      %mul3A_785 = arith.mulf %get3A_784, %broadcast_in_dim3A_772 : vector<16xf32>
      %swap3A_786 = arith.index_cast %add3A_774 : i32 to index
      %swap3A_787 = arith.constant 16 : index
      %swap3A_788 = tpu.vector_load %arg7[%swap3A_786, %swap3A_787] {strides = array<i32>} : memref<256x128xf32, #tpu.memory_space<vmem>>, vector<16xf32>,
      tpu.vector_store %arg7[%swap3A_786, %swap3A_787], %mul3A_785 {strides = array<i32>} : memref<256x128xf32, #tpu.memory_space<vmem>>, vector<16xf32>,
      %get3A_789 = arith.index_cast %add3A_774 : i32 to index
      %get3A_790 = arith.constant 32 : index
      %get3A_791 = tpu.vector_load %arg7[%get3A_789, %get3A_790] {strides = array<i32>} : memref<256x128xf32, #tpu.memory_space<vmem>>, vector<16xf32>,
      %mul3A_792 = arith.mulf %get3A_791, %broadcast_in_dim3A_772 : vector<16xf32>
      %swap3A_793 = arith.index_cast %add3A_774 : i32 to index
      %swap3A_794 = arith.constant 32 : index
      %swap3A_795 = tpu.vector_load %arg7[%swap3A_793, %swap3A_794] {strides = array<i32>} : memref<256x128xf32, #tpu.memory_space<vmem>>, vector<16xf32>,
      tpu.vector_store %arg7[%swap3A_793, %swap3A_794], %mul3A_792 {strides = array<i32>} : memref<256x128xf32, #tpu.memory_space<vmem>>, vector<16xf32>,
      %get3A_796 = arith.index_cast %add3A_774 : i32 to index
      %get3A_797 = arith.constant 48 : index
      %get3A_798 = tpu.vector_load %arg7[%get3A_796, %get3A_797] {strides = array<i32>} : memref<256x128xf32, #tpu.memory_space<vmem>>, vector<16xf32>,
      %mul3A_799 = arith.mulf %get3A_798, %broadcast_in_dim3A_772 : vector<16xf32>
      %swap3A_800 = arith.index_cast %add3A_774 : i32 to index
      %swap3A_801 = arith.constant 48 : index
      %swap3A_802 = tpu.vector_load %arg7[%swap3A_800, %swap3A_801] {strides = array<i32>} : memref<256x128xf32, #tpu.memory_space<vmem>>, vector<16xf32>,
      tpu.vector_store %arg7[%swap3A_800, %swap3A_801], %mul3A_799 {strides = array<i32>} : memref<256x128xf32, #tpu.memory_space<vmem>>, vector<16xf32>,
      %get3A_803 = arith.index_cast %add3A_774 : i32 to index
      %get3A_804 = arith.constant 64 : index
      %get3A_805 = tpu.vector_load %arg7[%get3A_803, %get3A_804] {strides = array<i32>} : memref<256x128xf32, #tpu.memory_space<vmem>>, vector<16xf32>,
      %mul3A_806 = arith.mulf %get3A_805, %broadcast_in_dim3A_772 : vector<16xf32>
      %swap3A_807 = arith.index_cast %add3A_774 : i32 to index
      %swap3A_808 = arith.constant 64 : index
      %swap3A_809 = tpu.vector_load %arg7[%swap3A_807, %swap3A_808] {strides = array<i32>} : memref<256x128xf32, #tpu.memory_space<vmem>>, vector<16xf32>,
      tpu.vector_store %arg7[%swap3A_807, %swap3A_808], %mul3A_806 {strides = array<i32>} : memref<256x128xf32, #tpu.memory_space<vmem>>, vector<16xf32>,
      %get3A_810 = arith.index_cast %add3A_774 : i32 to index
      %get3A_811 = arith.constant 80 : index
      %get3A_812 = tpu.vector_load %arg7[%get3A_810, %get3A_811] {strides = array<i32>} : memref<256x128xf32, #tpu.memory_space<vmem>>, vector<16xf32>,
      %mul3A_813 = arith.mulf %get3A_812, %broadcast_in_dim3A_772 : vector<16xf32>
      %swap3A_814 = arith.index_cast %add3A_774 : i32 to index
      %swap3A_815 = arith.constant 80 : index
      %swap3A_816 = tpu.vector_load %arg7[%swap3A_814, %swap3A_815] {strides = array<i32>} : memref<256x128xf32, #tpu.memory_space<vmem>>, vector<16xf32>,
      tpu.vector_store %arg7[%swap3A_814, %swap3A_815], %mul3A_813 {strides = array<i32>} : memref<256x128xf32, #tpu.memory_space<vmem>>, vector<16xf32>,
      %get3A_817 = arith.index_cast %add3A_774 : i32 to index
      %get3A_818 = arith.constant 96 : index
      %get3A_819 = tpu.vector_load %arg7[%get3A_817, %get3A_818] {strides = array<i32>} : memref<256x128xf32, #tpu.memory_space<vmem>>, vector<16xf32>,
      %mul3A_820 = arith.mulf %get3A_819, %broadcast_in_dim3A_772 : vector<16xf32>
      %swap3A_821 = arith.index_cast %add3A_774 : i32 to index
      %swap3A_822 = arith.constant 96 : index
      %swap3A_823 = tpu.vector_load %arg7[%swap3A_821, %swap3A_822] {strides = array<i32>} : memref<256x128xf32, #tpu.memory_space<vmem>>, vector<16xf32>,
      tpu.vector_store %arg7[%swap3A_821, %swap3A_822], %mul3A_820 {strides = array<i32>} : memref<256x128xf32, #tpu.memory_space<vmem>>, vector<16xf32>,
      %get3A_824 = arith.index_cast %add3A_774 : i32 to index
      %get3A_825 = arith.constant 112 : index
      %get3A_826 = tpu.vector_load %arg7[%get3A_824, %get3A_825] {strides = array<i32>} : memref<256x128xf32, #tpu.memory_space<vmem>>, vector<16xf32>,
      %mul3A_827 = arith.mulf %get3A_826, %broadcast_in_dim3A_772 : vector<16xf32>
      %swap3A_828 = arith.index_cast %add3A_774 : i32 to index
      %swap3A_829 = arith.constant 112 : index
      %swap3A_830 = tpu.vector_load %arg7[%swap3A_828, %swap3A_829] {strides = array<i32>} : memref<256x128xf32, #tpu.memory_space<vmem>>, vector<16xf32>,
      tpu.vector_store %arg7[%swap3A_828, %swap3A_829], %mul3A_827 {strides = array<i32>} : memref<256x128xf32, #tpu.memory_space<vmem>>, vector<16xf32>,
      %slice3A_831 = vector.extract_strided_slice %exp3A {offsets = [11], sizes = [1], strides = [1]} : vector<16xf32> to vector<1xf32>
      %squeeze3A_832 = vector.extract %slice3A_831[0] : f32 from vector<1xf32>
      %broadcast_in_dim3A_833 = vector.broadcast %squeeze3A_832 : f32 to vector<16xf32>
      %add3A_834 = arith.constant 11 : i32
      %add3A_835 = arith.addi %mul3A_159, %add3A_834 : i32
      %get3A_836 = arith.index_cast %add3A_835 : i32 to index
      %get3A_837 = arith.constant 0 : index
      %get3A_838 = tpu.vector_load %arg7[%get3A_836, %get3A_837] {strides = array<i32>} : memref<256x128xf32, #tpu.memory_space<vmem>>, vector<16xf32>,
      %mul3A_839 = arith.mulf %get3A_838, %broadcast_in_dim3A_833 : vector<16xf32>
      %swap3A_840 = arith.index_cast %add3A_835 : i32 to index
      %swap3A_841 = arith.constant 0 : index
      %swap3A_842 = tpu.vector_load %arg7[%swap3A_840, %swap3A_841] {strides = array<i32>} : memref<256x128xf32, #tpu.memory_space<vmem>>, vector<16xf32>,
      tpu.vector_store %arg7[%swap3A_840, %swap3A_841], %mul3A_839 {strides = array<i32>} : memref<256x128xf32, #tpu.memory_space<vmem>>, vector<16xf32>,
      %get3A_843 = arith.index_cast %add3A_835 : i32 to index
      %get3A_844 = arith.constant 16 : index
      %get3A_845 = tpu.vector_load %arg7[%get3A_843, %get3A_844] {strides = array<i32>} : memref<256x128xf32, #tpu.memory_space<vmem>>, vector<16xf32>,
      %mul3A_846 = arith.mulf %get3A_845, %broadcast_in_dim3A_833 : vector<16xf32>
      %swap3A_847 = arith.index_cast %add3A_835 : i32 to index
      %swap3A_848 = arith.constant 16 : index
      %swap3A_849 = tpu.vector_load %arg7[%swap3A_847, %swap3A_848] {strides = array<i32>} : memref<256x128xf32, #tpu.memory_space<vmem>>, vector<16xf32>,
      tpu.vector_store %arg7[%swap3A_847, %swap3A_848], %mul3A_846 {strides = array<i32>} : memref<256x128xf32, #tpu.memory_space<vmem>>, vector<16xf32>,
      %get3A_850 = arith.index_cast %add3A_835 : i32 to index
      %get3A_851 = arith.constant 32 : index
      %get3A_852 = tpu.vector_load %arg7[%get3A_850, %get3A_851] {strides = array<i32>} : memref<256x128xf32, #tpu.memory_space<vmem>>, vector<16xf32>,
      %mul3A_853 = arith.mulf %get3A_852, %broadcast_in_dim3A_833 : vector<16xf32>
      %swap3A_854 = arith.index_cast %add3A_835 : i32 to index
      %swap3A_855 = arith.constant 32 : index
      %swap3A_856 = tpu.vector_load %arg7[%swap3A_854, %swap3A_855] {strides = array<i32>} : memref<256x128xf32, #tpu.memory_space<vmem>>, vector<16xf32>,
      tpu.vector_store %arg7[%swap3A_854, %swap3A_855], %mul3A_853 {strides = array<i32>} : memref<256x128xf32, #tpu.memory_space<vmem>>, vector<16xf32>,
      %get3A_857 = arith.index_cast %add3A_835 : i32 to index
      %get3A_858 = arith.constant 48 : index
      %get3A_859 = tpu.vector_load %arg7[%get3A_857, %get3A_858] {strides = array<i32>} : memref<256x128xf32, #tpu.memory_space<vmem>>, vector<16xf32>,
      %mul3A_860 = arith.mulf %get3A_859, %broadcast_in_dim3A_833 : vector<16xf32>
      %swap3A_861 = arith.index_cast %add3A_835 : i32 to index
      %swap3A_862 = arith.constant 48 : index
      %swap3A_863 = tpu.vector_load %arg7[%swap3A_861, %swap3A_862] {strides = array<i32>} : memref<256x128xf32, #tpu.memory_space<vmem>>, vector<16xf32>,
      tpu.vector_store %arg7[%swap3A_861, %swap3A_862], %mul3A_860 {strides = array<i32>} : memref<256x128xf32, #tpu.memory_space<vmem>>, vector<16xf32>,
      %get3A_864 = arith.index_cast %add3A_835 : i32 to index
      %get3A_865 = arith.constant 64 : index
      %get3A_866 = tpu.vector_load %arg7[%get3A_864, %get3A_865] {strides = array<i32>} : memref<256x128xf32, #tpu.memory_space<vmem>>, vector<16xf32>,
      %mul3A_867 = arith.mulf %get3A_866, %broadcast_in_dim3A_833 : vector<16xf32>
      %swap3A_868 = arith.index_cast %add3A_835 : i32 to index
      %swap3A_869 = arith.constant 64 : index
      %swap3A_870 = tpu.vector_load %arg7[%swap3A_868, %swap3A_869] {strides = array<i32>} : memref<256x128xf32, #tpu.memory_space<vmem>>, vector<16xf32>,
      tpu.vector_store %arg7[%swap3A_868, %swap3A_869], %mul3A_867 {strides = array<i32>} : memref<256x128xf32, #tpu.memory_space<vmem>>, vector<16xf32>,
      %get3A_871 = arith.index_cast %add3A_835 : i32 to index
      %get3A_872 = arith.constant 80 : index
      %get3A_873 = tpu.vector_load %arg7[%get3A_871, %get3A_872] {strides = array<i32>} : memref<256x128xf32, #tpu.memory_space<vmem>>, vector<16xf32>,
      %mul3A_874 = arith.mulf %get3A_873, %broadcast_in_dim3A_833 : vector<16xf32>
      %swap3A_875 = arith.index_cast %add3A_835 : i32 to index
      %swap3A_876 = arith.constant 80 : index
      %swap3A_877 = tpu.vector_load %arg7[%swap3A_875, %swap3A_876] {strides = array<i32>} : memref<256x128xf32, #tpu.memory_space<vmem>>, vector<16xf32>,
      tpu.vector_store %arg7[%swap3A_875, %swap3A_876], %mul3A_874 {strides = array<i32>} : memref<256x128xf32, #tpu.memory_space<vmem>>, vector<16xf32>,
      %get3A_878 = arith.index_cast %add3A_835 : i32 to index
      %get3A_879 = arith.constant 96 : index
      %get3A_880 = tpu.vector_load %arg7[%get3A_878, %get3A_879] {strides = array<i32>} : memref<256x128xf32, #tpu.memory_space<vmem>>, vector<16xf32>,
      %mul3A_881 = arith.mulf %get3A_880, %broadcast_in_dim3A_833 : vector<16xf32>
      %swap3A_882 = arith.index_cast %add3A_835 : i32 to index
      %swap3A_883 = arith.constant 96 : index
      %swap3A_884 = tpu.vector_load %arg7[%swap3A_882, %swap3A_883] {strides = array<i32>} : memref<256x128xf32, #tpu.memory_space<vmem>>, vector<16xf32>,
      tpu.vector_store %arg7[%swap3A_882, %swap3A_883], %mul3A_881 {strides = array<i32>} : memref<256x128xf32, #tpu.memory_space<vmem>>, vector<16xf32>,
      %get3A_885 = arith.index_cast %add3A_835 : i32 to index
      %get3A_886 = arith.constant 112 : index
      %get3A_887 = tpu.vector_load %arg7[%get3A_885, %get3A_886] {strides = array<i32>} : memref<256x128xf32, #tpu.memory_space<vmem>>, vector<16xf32>,
      %mul3A_888 = arith.mulf %get3A_887, %broadcast_in_dim3A_833 : vector<16xf32>
      %swap3A_889 = arith.index_cast %add3A_835 : i32 to index
      %swap3A_890 = arith.constant 112 : index
      %swap3A_891 = tpu.vector_load %arg7[%swap3A_889, %swap3A_890] {strides = array<i32>} : memref<256x128xf32, #tpu.memory_space<vmem>>, vector<16xf32>,
      tpu.vector_store %arg7[%swap3A_889, %swap3A_890], %mul3A_888 {strides = array<i32>} : memref<256x128xf32, #tpu.memory_space<vmem>>, vector<16xf32>,
      %slice3A_892 = vector.extract_strided_slice %exp3A {offsets = [12], sizes = [1], strides = [1]} : vector<16xf32> to vector<1xf32>
      %squeeze3A_893 = vector.extract %slice3A_892[0] : f32 from vector<1xf32>
      %broadcast_in_dim3A_894 = vector.broadcast %squeeze3A_893 : f32 to vector<16xf32>
      %add3A_895 = arith.constant 12 : i32
      %add3A_896 = arith.addi %mul3A_159, %add3A_895 : i32
      %get3A_897 = arith.index_cast %add3A_896 : i32 to index
      %get3A_898 = arith.constant 0 : index
      %get3A_899 = tpu.vector_load %arg7[%get3A_897, %get3A_898] {strides = array<i32>} : memref<256x128xf32, #tpu.memory_space<vmem>>, vector<16xf32>,
      %mul3A_900 = arith.mulf %get3A_899, %broadcast_in_dim3A_894 : vector<16xf32>
      %swap3A_901 = arith.index_cast %add3A_896 : i32 to index
      %swap3A_902 = arith.constant 0 : index
      %swap3A_903 = tpu.vector_load %arg7[%swap3A_901, %swap3A_902] {strides = array<i32>} : memref<256x128xf32, #tpu.memory_space<vmem>>, vector<16xf32>,
      tpu.vector_store %arg7[%swap3A_901, %swap3A_902], %mul3A_900 {strides = array<i32>} : memref<256x128xf32, #tpu.memory_space<vmem>>, vector<16xf32>,
      %get3A_904 = arith.index_cast %add3A_896 : i32 to index
      %get3A_905 = arith.constant 16 : index
      %get3A_906 = tpu.vector_load %arg7[%get3A_904, %get3A_905] {strides = array<i32>} : memref<256x128xf32, #tpu.memory_space<vmem>>, vector<16xf32>,
      %mul3A_907 = arith.mulf %get3A_906, %broadcast_in_dim3A_894 : vector<16xf32>
      %swap3A_908 = arith.index_cast %add3A_896 : i32 to index
      %swap3A_909 = arith.constant 16 : index
      %swap3A_910 = tpu.vector_load %arg7[%swap3A_908, %swap3A_909] {strides = array<i32>} : memref<256x128xf32, #tpu.memory_space<vmem>>, vector<16xf32>,
      tpu.vector_store %arg7[%swap3A_908, %swap3A_909], %mul3A_907 {strides = array<i32>} : memref<256x128xf32, #tpu.memory_space<vmem>>, vector<16xf32>,
      %get3A_911 = arith.index_cast %add3A_896 : i32 to index
      %get3A_912 = arith.constant 32 : index
      %get3A_913 = tpu.vector_load %arg7[%get3A_911, %get3A_912] {strides = array<i32>} : memref<256x128xf32, #tpu.memory_space<vmem>>, vector<16xf32>,
      %mul3A_914 = arith.mulf %get3A_913, %broadcast_in_dim3A_894 : vector<16xf32>
      %swap3A_915 = arith.index_cast %add3A_896 : i32 to index
      %swap3A_916 = arith.constant 32 : index
      %swap3A_917 = tpu.vector_load %arg7[%swap3A_915, %swap3A_916] {strides = array<i32>} : memref<256x128xf32, #tpu.memory_space<vmem>>, vector<16xf32>,
      tpu.vector_store %arg7[%swap3A_915, %swap3A_916], %mul3A_914 {strides = array<i32>} : memref<256x128xf32, #tpu.memory_space<vmem>>, vector<16xf32>,
      %get3A_918 = arith.index_cast %add3A_896 : i32 to index
      %get3A_919 = arith.constant 48 : index
      %get3A_920 = tpu.vector_load %arg7[%get3A_918, %get3A_919] {strides = array<i32>} : memref<256x128xf32, #tpu.memory_space<vmem>>, vector<16xf32>,
      %mul3A_921 = arith.mulf %get3A_920, %broadcast_in_dim3A_894 : vector<16xf32>
      %swap3A_922 = arith.index_cast %add3A_896 : i32 to index
      %swap3A_923 = arith.constant 48 : index
      %swap3A_924 = tpu.vector_load %arg7[%swap3A_922, %swap3A_923] {strides = array<i32>} : memref<256x128xf32, #tpu.memory_space<vmem>>, vector<16xf32>,
      tpu.vector_store %arg7[%swap3A_922, %swap3A_923], %mul3A_921 {strides = array<i32>} : memref<256x128xf32, #tpu.memory_space<vmem>>, vector<16xf32>,
      %get3A_925 = arith.index_cast %add3A_896 : i32 to index
      %get3A_926 = arith.constant 64 : index
      %get3A_927 = tpu.vector_load %arg7[%get3A_925, %get3A_926] {strides = array<i32>} : memref<256x128xf32, #tpu.memory_space<vmem>>, vector<16xf32>,
      %mul3A_928 = arith.mulf %get3A_927, %broadcast_in_dim3A_894 : vector<16xf32>
      %swap3A_929 = arith.index_cast %add3A_896 : i32 to index
      %swap3A_930 = arith.constant 64 : index
      %swap3A_931 = tpu.vector_load %arg7[%swap3A_929, %swap3A_930] {strides = array<i32>} : memref<256x128xf32, #tpu.memory_space<vmem>>, vector<16xf32>,
      tpu.vector_store %arg7[%swap3A_929, %swap3A_930], %mul3A_928 {strides = array<i32>} : memref<256x128xf32, #tpu.memory_space<vmem>>, vector<16xf32>,
      %get3A_932 = arith.index_cast %add3A_896 : i32 to index
      %get3A_933 = arith.constant 80 : index
      %get3A_934 = tpu.vector_load %arg7[%get3A_932, %get3A_933] {strides = array<i32>} : memref<256x128xf32, #tpu.memory_space<vmem>>, vector<16xf32>,
      %mul3A_935 = arith.mulf %get3A_934, %broadcast_in_dim3A_894 : vector<16xf32>
      %swap3A_936 = arith.index_cast %add3A_896 : i32 to index
      %swap3A_937 = arith.constant 80 : index
      %swap3A_938 = tpu.vector_load %arg7[%swap3A_936, %swap3A_937] {strides = array<i32>} : memref<256x128xf32, #tpu.memory_space<vmem>>, vector<16xf32>,
      tpu.vector_store %arg7[%swap3A_936, %swap3A_937], %mul3A_935 {strides = array<i32>} : memref<256x128xf32, #tpu.memory_space<vmem>>, vector<16xf32>,
      %get3A_939 = arith.index_cast %add3A_896 : i32 to index
      %get3A_940 = arith.constant 96 : index
      %get3A_941 = tpu.vector_load %arg7[%get3A_939, %get3A_940] {strides = array<i32>} : memref<256x128xf32, #tpu.memory_space<vmem>>, vector<16xf32>,
      %mul3A_942 = arith.mulf %get3A_941, %broadcast_in_dim3A_894 : vector<16xf32>
      %swap3A_943 = arith.index_cast %add3A_896 : i32 to index
      %swap3A_944 = arith.constant 96 : index
      %swap3A_945 = tpu.vector_load %arg7[%swap3A_943, %swap3A_944] {strides = array<i32>} : memref<256x128xf32, #tpu.memory_space<vmem>>, vector<16xf32>,
      tpu.vector_store %arg7[%swap3A_943, %swap3A_944], %mul3A_942 {strides = array<i32>} : memref<256x128xf32, #tpu.memory_space<vmem>>, vector<16xf32>,
      %get3A_946 = arith.index_cast %add3A_896 : i32 to index
      %get3A_947 = arith.constant 112 : index
      %get3A_948 = tpu.vector_load %arg7[%get3A_946, %get3A_947] {strides = array<i32>} : memref<256x128xf32, #tpu.memory_space<vmem>>, vector<16xf32>,
      %mul3A_949 = arith.mulf %get3A_948, %broadcast_in_dim3A_894 : vector<16xf32>
      %swap3A_950 = arith.index_cast %add3A_896 : i32 to index
      %swap3A_951 = arith.constant 112 : index
      %swap3A_952 = tpu.vector_load %arg7[%swap3A_950, %swap3A_951] {strides = array<i32>} : memref<256x128xf32, #tpu.memory_space<vmem>>, vector<16xf32>,
      tpu.vector_store %arg7[%swap3A_950, %swap3A_951], %mul3A_949 {strides = array<i32>} : memref<256x128xf32, #tpu.memory_space<vmem>>, vector<16xf32>,
      %slice3A_953 = vector.extract_strided_slice %exp3A {offsets = [13], sizes = [1], strides = [1]} : vector<16xf32> to vector<1xf32>
      %squeeze3A_954 = vector.extract %slice3A_953[0] : f32 from vector<1xf32>
      %broadcast_in_dim3A_955 = vector.broadcast %squeeze3A_954 : f32 to vector<16xf32>
      %add3A_956 = arith.constant 13 : i32
      %add3A_957 = arith.addi %mul3A_159, %add3A_956 : i32
      %get3A_958 = arith.index_cast %add3A_957 : i32 to index
      %get3A_959 = arith.constant 0 : index
      %get3A_960 = tpu.vector_load %arg7[%get3A_958, %get3A_959] {strides = array<i32>} : memref<256x128xf32, #tpu.memory_space<vmem>>, vector<16xf32>,
      %mul3A_961 = arith.mulf %get3A_960, %broadcast_in_dim3A_955 : vector<16xf32>
      %swap3A_962 = arith.index_cast %add3A_957 : i32 to index
      %swap3A_963 = arith.constant 0 : index
      %swap3A_964 = tpu.vector_load %arg7[%swap3A_962, %swap3A_963] {strides = array<i32>} : memref<256x128xf32, #tpu.memory_space<vmem>>, vector<16xf32>,
      tpu.vector_store %arg7[%swap3A_962, %swap3A_963], %mul3A_961 {strides = array<i32>} : memref<256x128xf32, #tpu.memory_space<vmem>>, vector<16xf32>,
      %get3A_965 = arith.index_cast %add3A_957 : i32 to index
      %get3A_966 = arith.constant 16 : index
      %get3A_967 = tpu.vector_load %arg7[%get3A_965, %get3A_966] {strides = array<i32>} : memref<256x128xf32, #tpu.memory_space<vmem>>, vector<16xf32>,
      %mul3A_968 = arith.mulf %get3A_967, %broadcast_in_dim3A_955 : vector<16xf32>
      %swap3A_969 = arith.index_cast %add3A_957 : i32 to index
      %swap3A_970 = arith.constant 16 : index
      %swap3A_971 = tpu.vector_load %arg7[%swap3A_969, %swap3A_970] {strides = array<i32>} : memref<256x128xf32, #tpu.memory_space<vmem>>, vector<16xf32>,
      tpu.vector_store %arg7[%swap3A_969, %swap3A_970], %mul3A_968 {strides = array<i32>} : memref<256x128xf32, #tpu.memory_space<vmem>>, vector<16xf32>,
      %get3A_972 = arith.index_cast %add3A_957 : i32 to index
      %get3A_973 = arith.constant 32 : index
      %get3A_974 = tpu.vector_load %arg7[%get3A_972, %get3A_973] {strides = array<i32>} : memref<256x128xf32, #tpu.memory_space<vmem>>, vector<16xf32>,
      %mul3A_975 = arith.mulf %get3A_974, %broadcast_in_dim3A_955 : vector<16xf32>
      %swap3A_976 = arith.index_cast %add3A_957 : i32 to index
      %swap3A_977 = arith.constant 32 : index
      %swap3A_978 = tpu.vector_load %arg7[%swap3A_976, %swap3A_977] {strides = array<i32>} : memref<256x128xf32, #tpu.memory_space<vmem>>, vector<16xf32>,
      tpu.vector_store %arg7[%swap3A_976, %swap3A_977], %mul3A_975 {strides = array<i32>} : memref<256x128xf32, #tpu.memory_space<vmem>>, vector<16xf32>,
      %get3A_979 = arith.index_cast %add3A_957 : i32 to index
      %get3A_980 = arith.constant 48 : index
      %get3A_981 = tpu.vector_load %arg7[%get3A_979, %get3A_980] {strides = array<i32>} : memref<256x128xf32, #tpu.memory_space<vmem>>, vector<16xf32>,
      %mul3A_982 = arith.mulf %get3A_981, %broadcast_in_dim3A_955 : vector<16xf32>
      %swap3A_983 = arith.index_cast %add3A_957 : i32 to index
      %swap3A_984 = arith.constant 48 : index
      %swap3A_985 = tpu.vector_load %arg7[%swap3A_983, %swap3A_984] {strides = array<i32>} : memref<256x128xf32, #tpu.memory_space<vmem>>, vector<16xf32>,
      tpu.vector_store %arg7[%swap3A_983, %swap3A_984], %mul3A_982 {strides = array<i32>} : memref<256x128xf32, #tpu.memory_space<vmem>>, vector<16xf32>,
      %get3A_986 = arith.index_cast %add3A_957 : i32 to index
      %get3A_987 = arith.constant 64 : index
      %get3A_988 = tpu.vector_load %arg7[%get3A_986, %get3A_987] {strides = array<i32>} : memref<256x128xf32, #tpu.memory_space<vmem>>, vector<16xf32>,
      %mul3A_989 = arith.mulf %get3A_988, %broadcast_in_dim3A_955 : vector<16xf32>
      %swap3A_990 = arith.index_cast %add3A_957 : i32 to index
      %swap3A_991 = arith.constant 64 : index
      %swap3A_992 = tpu.vector_load %arg7[%swap3A_990, %swap3A_991] {strides = array<i32>} : memref<256x128xf32, #tpu.memory_space<vmem>>, vector<16xf32>,
      tpu.vector_store %arg7[%swap3A_990, %swap3A_991], %mul3A_989 {strides = array<i32>} : memref<256x128xf32, #tpu.memory_space<vmem>>, vector<16xf32>,
      %get3A_993 = arith.index_cast %add3A_957 : i32 to index
      %get3A_994 = arith.constant 80 : index
      %get3A_995 = tpu.vector_load %arg7[%get3A_993, %get3A_994] {strides = array<i32>} : memref<256x128xf32, #tpu.memory_space<vmem>>, vector<16xf32>,
      %mul3A_996 = arith.mulf %get3A_995, %broadcast_in_dim3A_955 : vector<16xf32>
      %swap3A_997 = arith.index_cast %add3A_957 : i32 to index
      %swap3A_998 = arith.constant 80 : index
      %swap3A_999 = tpu.vector_load %arg7[%swap3A_997, %swap3A_998] {strides = array<i32>} : memref<256x128xf32, #tpu.memory_space<vmem>>, vector<16xf32>,
      tpu.vector_store %arg7[%swap3A_997, %swap3A_998], %mul3A_996 {strides = array<i32>} : memref<256x128xf32, #tpu.memory_space<vmem>>, vector<16xf32>,
      %get3A_1000 = arith.index_cast %add3A_957 : i32 to index
      %get3A_1001 = arith.constant 96 : index
      %get3A_1002 = tpu.vector_load %arg7[%get3A_1000, %get3A_1001] {strides = array<i32>} : memref<256x128xf32, #tpu.memory_space<vmem>>, vector<16xf32>,
      %mul3A_1003 = arith.mulf %get3A_1002, %broadcast_in_dim3A_955 : vector<16xf32>
      %swap3A_1004 = arith.index_cast %add3A_957 : i32 to index
      %swap3A_1005 = arith.constant 96 : index
      %swap3A_1006 = tpu.vector_load %arg7[%swap3A_1004, %swap3A_1005] {strides = array<i32>} : memref<256x128xf32, #tpu.memory_space<vmem>>, vector<16xf32>,
      tpu.vector_store %arg7[%swap3A_1004, %swap3A_1005], %mul3A_1003 {strides = array<i32>} : memref<256x128xf32, #tpu.memory_space<vmem>>, vector<16xf32>,
      %get3A_1007 = arith.index_cast %add3A_957 : i32 to index
      %get3A_1008 = arith.constant 112 : index
      %get3A_1009 = tpu.vector_load %arg7[%get3A_1007, %get3A_1008] {strides = array<i32>} : memref<256x128xf32, #tpu.memory_space<vmem>>, vector<16xf32>,
      %mul3A_1010 = arith.mulf %get3A_1009, %broadcast_in_dim3A_955 : vector<16xf32>
      %swap3A_1011 = arith.index_cast %add3A_957 : i32 to index
      %swap3A_1012 = arith.constant 112 : index
      %swap3A_1013 = tpu.vector_load %arg7[%swap3A_1011, %swap3A_1012] {strides = array<i32>} : memref<256x128xf32, #tpu.memory_space<vmem>>, vector<16xf32>,
      tpu.vector_store %arg7[%swap3A_1011, %swap3A_1012], %mul3A_1010 {strides = array<i32>} : memref<256x128xf32, #tpu.memory_space<vmem>>, vector<16xf32>,
      %slice3A_1014 = vector.extract_strided_slice %exp3A {offsets = [14], sizes = [1], strides = [1]} : vector<16xf32> to vector<1xf32>
      %squeeze3A_1015 = vector.extract %slice3A_1014[0] : f32 from vector<1xf32>
      %broadcast_in_dim3A_1016 = vector.broadcast %squeeze3A_1015 : f32 to vector<16xf32>
      %add3A_1017 = arith.constant 14 : i32
      %add3A_1018 = arith.addi %mul3A_159, %add3A_1017 : i32
      %get3A_1019 = arith.index_cast %add3A_1018 : i32 to index
      %get3A_1020 = arith.constant 0 : index
      %get3A_1021 = tpu.vector_load %arg7[%get3A_1019, %get3A_1020] {strides = array<i32>} : memref<256x128xf32, #tpu.memory_space<vmem>>, vector<16xf32>,
      %mul3A_1022 = arith.mulf %get3A_1021, %broadcast_in_dim3A_1016 : vector<16xf32>
      %swap3A_1023 = arith.index_cast %add3A_1018 : i32 to index
      %swap3A_1024 = arith.constant 0 : index
      %swap3A_1025 = tpu.vector_load %arg7[%swap3A_1023, %swap3A_1024] {strides = array<i32>} : memref<256x128xf32, #tpu.memory_space<vmem>>, vector<16xf32>,
      tpu.vector_store %arg7[%swap3A_1023, %swap3A_1024], %mul3A_1022 {strides = array<i32>} : memref<256x128xf32, #tpu.memory_space<vmem>>, vector<16xf32>,
      %get3A_1026 = arith.index_cast %add3A_1018 : i32 to index
      %get3A_1027 = arith.constant 16 : index
      %get3A_1028 = tpu.vector_load %arg7[%get3A_1026, %get3A_1027] {strides = array<i32>} : memref<256x128xf32, #tpu.memory_space<vmem>>, vector<16xf32>,
      %mul3A_1029 = arith.mulf %get3A_1028, %broadcast_in_dim3A_1016 : vector<16xf32>
      %swap3A_1030 = arith.index_cast %add3A_1018 : i32 to index
      %swap3A_1031 = arith.constant 16 : index
      %swap3A_1032 = tpu.vector_load %arg7[%swap3A_1030, %swap3A_1031] {strides = array<i32>} : memref<256x128xf32, #tpu.memory_space<vmem>>, vector<16xf32>,
      tpu.vector_store %arg7[%swap3A_1030, %swap3A_1031], %mul3A_1029 {strides = array<i32>} : memref<256x128xf32, #tpu.memory_space<vmem>>, vector<16xf32>,
      %get3A_1033 = arith.index_cast %add3A_1018 : i32 to index
      %get3A_1034 = arith.constant 32 : index
      %get3A_1035 = tpu.vector_load %arg7[%get3A_1033, %get3A_1034] {strides = array<i32>} : memref<256x128xf32, #tpu.memory_space<vmem>>, vector<16xf32>,
      %mul3A_1036 = arith.mulf %get3A_1035, %broadcast_in_dim3A_1016 : vector<16xf32>
      %swap3A_1037 = arith.index_cast %add3A_1018 : i32 to index
      %swap3A_1038 = arith.constant 32 : index
      %swap3A_1039 = tpu.vector_load %arg7[%swap3A_1037, %swap3A_1038] {strides = array<i32>} : memref<256x128xf32, #tpu.memory_space<vmem>>, vector<16xf32>,
      tpu.vector_store %arg7[%swap3A_1037, %swap3A_1038], %mul3A_1036 {strides = array<i32>} : memref<256x128xf32, #tpu.memory_space<vmem>>, vector<16xf32>,
      %get3A_1040 = arith.index_cast %add3A_1018 : i32 to index
      %get3A_1041 = arith.constant 48 : index
      %get3A_1042 = tpu.vector_load %arg7[%get3A_1040, %get3A_1041] {strides = array<i32>} : memref<256x128xf32, #tpu.memory_space<vmem>>, vector<16xf32>,
      %mul3A_1043 = arith.mulf %get3A_1042, %broadcast_in_dim3A_1016 : vector<16xf32>
      %swap3A_1044 = arith.index_cast %add3A_1018 : i32 to index
      %swap3A_1045 = arith.constant 48 : index
      %swap3A_1046 = tpu.vector_load %arg7[%swap3A_1044, %swap3A_1045] {strides = array<i32>} : memref<256x128xf32, #tpu.memory_space<vmem>>, vector<16xf32>,
      tpu.vector_store %arg7[%swap3A_1044, %swap3A_1045], %mul3A_1043 {strides = array<i32>} : memref<256x128xf32, #tpu.memory_space<vmem>>, vector<16xf32>,
      %get3A_1047 = arith.index_cast %add3A_1018 : i32 to index
      %get3A_1048 = arith.constant 64 : index
      %get3A_1049 = tpu.vector_load %arg7[%get3A_1047, %get3A_1048] {strides = array<i32>} : memref<256x128xf32, #tpu.memory_space<vmem>>, vector<16xf32>,
      %mul3A_1050 = arith.mulf %get3A_1049, %broadcast_in_dim3A_1016 : vector<16xf32>
      %swap3A_1051 = arith.index_cast %add3A_1018 : i32 to index
      %swap3A_1052 = arith.constant 64 : index
      %swap3A_1053 = tpu.vector_load %arg7[%swap3A_1051, %swap3A_1052] {strides = array<i32>} : memref<256x128xf32, #tpu.memory_space<vmem>>, vector<16xf32>,
      tpu.vector_store %arg7[%swap3A_1051, %swap3A_1052], %mul3A_1050 {strides = array<i32>} : memref<256x128xf32, #tpu.memory_space<vmem>>, vector<16xf32>,
      %get3A_1054 = arith.index_cast %add3A_1018 : i32 to index
      %get3A_1055 = arith.constant 80 : index
      %get3A_1056 = tpu.vector_load %arg7[%get3A_1054, %get3A_1055] {strides = array<i32>} : memref<256x128xf32, #tpu.memory_space<vmem>>, vector<16xf32>,
      %mul3A_1057 = arith.mulf %get3A_1056, %broadcast_in_dim3A_1016 : vector<16xf32>
      %swap3A_1058 = arith.index_cast %add3A_1018 : i32 to index
      %swap3A_1059 = arith.constant 80 : index
      %swap3A_1060 = tpu.vector_load %arg7[%swap3A_1058, %swap3A_1059] {strides = array<i32>} : memref<256x128xf32, #tpu.memory_space<vmem>>, vector<16xf32>,
      tpu.vector_store %arg7[%swap3A_1058, %swap3A_1059], %mul3A_1057 {strides = array<i32>} : memref<256x128xf32, #tpu.memory_space<vmem>>, vector<16xf32>,
      %get3A_1061 = arith.index_cast %add3A_1018 : i32 to index
      %get3A_1062 = arith.constant 96 : index
      %get3A_1063 = tpu.vector_load %arg7[%get3A_1061, %get3A_1062] {strides = array<i32>} : memref<256x128xf32, #tpu.memory_space<vmem>>, vector<16xf32>,
      %mul3A_1064 = arith.mulf %get3A_1063, %broadcast_in_dim3A_1016 : vector<16xf32>
      %swap3A_1065 = arith.index_cast %add3A_1018 : i32 to index
      %swap3A_1066 = arith.constant 96 : index
      %swap3A_1067 = tpu.vector_load %arg7[%swap3A_1065, %swap3A_1066] {strides = array<i32>} : memref<256x128xf32, #tpu.memory_space<vmem>>, vector<16xf32>,
      tpu.vector_store %arg7[%swap3A_1065, %swap3A_1066], %mul3A_1064 {strides = array<i32>} : memref<256x128xf32, #tpu.memory_space<vmem>>, vector<16xf32>,
      %get3A_1068 = arith.index_cast %add3A_1018 : i32 to index
      %get3A_1069 = arith.constant 112 : index
      %get3A_1070 = tpu.vector_load %arg7[%get3A_1068, %get3A_1069] {strides = array<i32>} : memref<256x128xf32, #tpu.memory_space<vmem>>, vector<16xf32>,
      %mul3A_1071 = arith.mulf %get3A_1070, %broadcast_in_dim3A_1016 : vector<16xf32>
      %swap3A_1072 = arith.index_cast %add3A_1018 : i32 to index
      %swap3A_1073 = arith.constant 112 : index
      %swap3A_1074 = tpu.vector_load %arg7[%swap3A_1072, %swap3A_1073] {strides = array<i32>} : memref<256x128xf32, #tpu.memory_space<vmem>>, vector<16xf32>,
      tpu.vector_store %arg7[%swap3A_1072, %swap3A_1073], %mul3A_1071 {strides = array<i32>} : memref<256x128xf32, #tpu.memory_space<vmem>>, vector<16xf32>,
      %slice3A_1075 = vector.extract_strided_slice %exp3A {offsets = [15], sizes = [1], strides = [1]} : vector<16xf32> to vector<1xf32>
      %squeeze3A_1076 = vector.extract %slice3A_1075[0] : f32 from vector<1xf32>
      %broadcast_in_dim3A_1077 = vector.broadcast %squeeze3A_1076 : f32 to vector<16xf32>
      %add3A_1078 = arith.constant 15 : i32
      %add3A_1079 = arith.addi %mul3A_159, %add3A_1078 : i32
      %get3A_1080 = arith.index_cast %add3A_1079 : i32 to index
      %get3A_1081 = arith.constant 0 : index
      %get3A_1082 = tpu.vector_load %arg7[%get3A_1080, %get3A_1081] {strides = array<i32>} : memref<256x128xf32, #tpu.memory_space<vmem>>, vector<16xf32>,
      %mul3A_1083 = arith.mulf %get3A_1082, %broadcast_in_dim3A_1077 : vector<16xf32>
      %swap3A_1084 = arith.index_cast %add3A_1079 : i32 to index
      %swap3A_1085 = arith.constant 0 : index
      %swap3A_1086 = tpu.vector_load %arg7[%swap3A_1084, %swap3A_1085] {strides = array<i32>} : memref<256x128xf32, #tpu.memory_space<vmem>>, vector<16xf32>,
      tpu.vector_store %arg7[%swap3A_1084, %swap3A_1085], %mul3A_1083 {strides = array<i32>} : memref<256x128xf32, #tpu.memory_space<vmem>>, vector<16xf32>,
      %get3A_1087 = arith.index_cast %add3A_1079 : i32 to index
      %get3A_1088 = arith.constant 16 : index
      %get3A_1089 = tpu.vector_load %arg7[%get3A_1087, %get3A_1088] {strides = array<i32>} : memref<256x128xf32, #tpu.memory_space<vmem>>, vector<16xf32>,
      %mul3A_1090 = arith.mulf %get3A_1089, %broadcast_in_dim3A_1077 : vector<16xf32>
      %swap3A_1091 = arith.index_cast %add3A_1079 : i32 to index
      %swap3A_1092 = arith.constant 16 : index
      %swap3A_1093 = tpu.vector_load %arg7[%swap3A_1091, %swap3A_1092] {strides = array<i32>} : memref<256x128xf32, #tpu.memory_space<vmem>>, vector<16xf32>,
      tpu.vector_store %arg7[%swap3A_1091, %swap3A_1092], %mul3A_1090 {strides = array<i32>} : memref<256x128xf32, #tpu.memory_space<vmem>>, vector<16xf32>,
      %get3A_1094 = arith.index_cast %add3A_1079 : i32 to index
      %get3A_1095 = arith.constant 32 : index
      %get3A_1096 = tpu.vector_load %arg7[%get3A_1094, %get3A_1095] {strides = array<i32>} : memref<256x128xf32, #tpu.memory_space<vmem>>, vector<16xf32>,
      %mul3A_1097 = arith.mulf %get3A_1096, %broadcast_in_dim3A_1077 : vector<16xf32>
      %swap3A_1098 = arith.index_cast %add3A_1079 : i32 to index
      %swap3A_1099 = arith.constant 32 : index
      %swap3A_1100 = tpu.vector_load %arg7[%swap3A_1098, %swap3A_1099] {strides = array<i32>} : memref<256x128xf32, #tpu.memory_space<vmem>>, vector<16xf32>,
      tpu.vector_store %arg7[%swap3A_1098, %swap3A_1099], %mul3A_1097 {strides = array<i32>} : memref<256x128xf32, #tpu.memory_space<vmem>>, vector<16xf32>,
      %get3A_1101 = arith.index_cast %add3A_1079 : i32 to index
      %get3A_1102 = arith.constant 48 : index
      %get3A_1103 = tpu.vector_load %arg7[%get3A_1101, %get3A_1102] {strides = array<i32>} : memref<256x128xf32, #tpu.memory_space<vmem>>, vector<16xf32>,
      %mul3A_1104 = arith.mulf %get3A_1103, %broadcast_in_dim3A_1077 : vector<16xf32>
      %swap3A_1105 = arith.index_cast %add3A_1079 : i32 to index
      %swap3A_1106 = arith.constant 48 : index
      %swap3A_1107 = tpu.vector_load %arg7[%swap3A_1105, %swap3A_1106] {strides = array<i32>} : memref<256x128xf32, #tpu.memory_space<vmem>>, vector<16xf32>,
      tpu.vector_store %arg7[%swap3A_1105, %swap3A_1106], %mul3A_1104 {strides = array<i32>} : memref<256x128xf32, #tpu.memory_space<vmem>>, vector<16xf32>,
      %get3A_1108 = arith.index_cast %add3A_1079 : i32 to index
      %get3A_1109 = arith.constant 64 : index
      %get3A_1110 = tpu.vector_load %arg7[%get3A_1108, %get3A_1109] {strides = array<i32>} : memref<256x128xf32, #tpu.memory_space<vmem>>, vector<16xf32>,
      %mul3A_1111 = arith.mulf %get3A_1110, %broadcast_in_dim3A_1077 : vector<16xf32>
      %swap3A_1112 = arith.index_cast %add3A_1079 : i32 to index
      %swap3A_1113 = arith.constant 64 : index
      %swap3A_1114 = tpu.vector_load %arg7[%swap3A_1112, %swap3A_1113] {strides = array<i32>} : memref<256x128xf32, #tpu.memory_space<vmem>>, vector<16xf32>,
      tpu.vector_store %arg7[%swap3A_1112, %swap3A_1113], %mul3A_1111 {strides = array<i32>} : memref<256x128xf32, #tpu.memory_space<vmem>>, vector<16xf32>,
      %get3A_1115 = arith.index_cast %add3A_1079 : i32 to index
      %get3A_1116 = arith.constant 80 : index
      %get3A_1117 = tpu.vector_load %arg7[%get3A_1115, %get3A_1116] {strides = array<i32>} : memref<256x128xf32, #tpu.memory_space<vmem>>, vector<16xf32>,
      %mul3A_1118 = arith.mulf %get3A_1117, %broadcast_in_dim3A_1077 : vector<16xf32>
      %swap3A_1119 = arith.index_cast %add3A_1079 : i32 to index
      %swap3A_1120 = arith.constant 80 : index
      %swap3A_1121 = tpu.vector_load %arg7[%swap3A_1119, %swap3A_1120] {strides = array<i32>} : memref<256x128xf32, #tpu.memory_space<vmem>>, vector<16xf32>,
      tpu.vector_store %arg7[%swap3A_1119, %swap3A_1120], %mul3A_1118 {strides = array<i32>} : memref<256x128xf32, #tpu.memory_space<vmem>>, vector<16xf32>,
      %get3A_1122 = arith.index_cast %add3A_1079 : i32 to index
      %get3A_1123 = arith.constant 96 : index
      %get3A_1124 = tpu.vector_load %arg7[%get3A_1122, %get3A_1123] {strides = array<i32>} : memref<256x128xf32, #tpu.memory_space<vmem>>, vector<16xf32>,
      %mul3A_1125 = arith.mulf %get3A_1124, %broadcast_in_dim3A_1077 : vector<16xf32>
      %swap3A_1126 = arith.index_cast %add3A_1079 : i32 to index
      %swap3A_1127 = arith.constant 96 : index
      %swap3A_1128 = tpu.vector_load %arg7[%swap3A_1126, %swap3A_1127] {strides = array<i32>} : memref<256x128xf32, #tpu.memory_space<vmem>>, vector<16xf32>,
      tpu.vector_store %arg7[%swap3A_1126, %swap3A_1127], %mul3A_1125 {strides = array<i32>} : memref<256x128xf32, #tpu.memory_space<vmem>>, vector<16xf32>,
      %get3A_1129 = arith.index_cast %add3A_1079 : i32 to index
      %get3A_1130 = arith.constant 112 : index
      %get3A_1131 = tpu.vector_load %arg7[%get3A_1129, %get3A_1130] {strides = array<i32>} : memref<256x128xf32, #tpu.memory_space<vmem>>, vector<16xf32>,
      %mul3A_1132 = arith.mulf %get3A_1131, %broadcast_in_dim3A_1077 : vector<16xf32>
      %swap3A_1133 = arith.index_cast %add3A_1079 : i32 to index
      %swap3A_1134 = arith.constant 112 : index
      %swap3A_1135 = tpu.vector_load %arg7[%swap3A_1133, %swap3A_1134] {strides = array<i32>} : memref<256x128xf32, #tpu.memory_space<vmem>>, vector<16xf32>,
      tpu.vector_store %arg7[%swap3A_1133, %swap3A_1134], %mul3A_1132 {strides = array<i32>} : memref<256x128xf32, #tpu.memory_space<vmem>>, vector<16xf32>,
      %scan3A_1136 = arith.constant 0 : i32
      scf.yield %scan3A_1136 : i32
    }
    %scan3A_110 = arith.constant 16 : i32
    %barrier3A = arith.constant 0 : index
    tpu.barrier barrier_id(%barrier3A)
    %dma_start3A_111 = arith.constant 0 : i32
    %dma_start3A_112 = arith.constant 0 : i32
    %dma_start3A_113 = arith.constant 0 : i32
    %dma_start3A_114 = tpu.memref_slice %arg7[%dma_start3A_112, %dma_start3A_113] : memref<256x128xf32, #tpu.memory_space<vmem>> -> memref<128x128xf32, #tpu.memory_space<vmem>>
    %dma_start3A_115 = arith.constant 0 : i32
    %dma_start3A_116 = tpu.memref_slice %arg10[%dma_start3A_111, %dma_start3A_115] : memref<2x128xi32, #tpu.memory_space<vmem>> -> memref<1x128xi32, #tpu.memory_space<vmem>>
    %dma_start3A_117 = tpu.memref_squeeze %dma_start3A_116 : memref<1x128xi32, #tpu.memory_space<vmem>> -> memref<128xi32, #tpu.memory_space<vmem>>
    %dma_start3A_118 = arith.constant 0 : i32
    %dma_start3A_119 = arith.constant 0 : i32
    %dma_start3A_120 = tpu.memref_slice %arg13[%dma_start3A_118, %dma_start3A_119] : memref<2048x128xf32, #tpu.memory_space<vmem_shared>> -> memref<2048x128xf32, #tpu.memory_space<vmem_shared>>
    tpu.enqueue_indirect_dma source(%dma_start3A_114 : memref<128x128xf32, #tpu.memory_space<vmem>>) target(%dma_start3A_120 : memref<2048x128xf32, #tpu.memory_space<vmem_shared>>) offsets(%dma_start3A_117 : memref<128xi32, #tpu.memory_space<vmem>>) semaphore(%arg14 : memref<!tpu.dma_semaphore, #tpu.memory_space<semaphore_mem>>) {add = true}
    %dma_start3A_121 = arith.constant 1 : i32
    %dma_start3A_122 = arith.constant 128 : i32
    %dma_start3A_123 = arith.constant 0 : i32
    %dma_start3A_124 = tpu.memref_slice %arg7[%dma_start3A_122, %dma_start3A_123] : memref<256x128xf32, #tpu.memory_space<vmem>> -> memref<128x128xf32, #tpu.memory_space<vmem>>
    %dma_start3A_125 = arith.constant 0 : i32
    %dma_start3A_126 = tpu.memref_slice %arg10[%dma_start3A_121, %dma_start3A_125] : memref<2x128xi32, #tpu.memory_space<vmem>> -> memref<1x128xi32, #tpu.memory_space<vmem>>
    %dma_start3A_127 = tpu.memref_squeeze %dma_start3A_126 : memref<1x128xi32, #tpu.memory_space<vmem>> -> memref<128xi32, #tpu.memory_space<vmem>>
    %dma_start3A_128 = arith.constant 0 : i32
    %dma_start3A_129 = arith.constant 0 : i32
    %dma_start3A_130 = tpu.memref_slice %arg13[%dma_start3A_128, %dma_start3A_129] : memref<2048x128xf32, #tpu.memory_space<vmem_shared>> -> memref<2048x128xf32, #tpu.memory_space<vmem_shared>>
    tpu.enqueue_indirect_dma source(%dma_start3A_124 : memref<128x128xf32, #tpu.memory_space<vmem>>) target(%dma_start3A_130 : memref<2048x128xf32, #tpu.memory_space<vmem_shared>>) offsets(%dma_start3A_127 : memref<128xi32, #tpu.memory_space<vmem>>) semaphore(%arg14 : memref<!tpu.dma_semaphore, #tpu.memory_space<semaphore_mem>>) {add = true}
    %dma_wait3A_131 = arith.constant 0 : i32
    %dma_wait3A_132 = arith.constant 0 : i32
    %dma_wait3A_133 = arith.constant 0 : i32
    %dma_wait3A_134 = tpu.memref_slice %arg7[%dma_wait3A_132, %dma_wait3A_133] : memref<256x128xf32, #tpu.memory_space<vmem>> -> memref<128x128xf32, #tpu.memory_space<vmem>>
    %dma_wait3A_135 = arith.constant 0 : i32
    %dma_wait3A_136 = tpu.memref_slice %arg10[%dma_wait3A_131, %dma_wait3A_135] : memref<2x128xi32, #tpu.memory_space<vmem>> -> memref<1x128xi32, #tpu.memory_space<vmem>>
    %dma_wait3A_137 = tpu.memref_squeeze %dma_wait3A_136 : memref<1x128xi32, #tpu.memory_space<vmem>> -> memref<128xi32, #tpu.memory_space<vmem>>
    %dma_wait3A_138 = arith.constant 0 : i32
    %dma_wait3A_139 = arith.constant 0 : i32
    %dma_wait3A_140 = tpu.memref_slice %arg13[%dma_wait3A_138, %dma_wait3A_139] : memref<2048x128xf32, #tpu.memory_space<vmem_shared>> -> memref<2048x128xf32, #tpu.memory_space<vmem_shared>>
    tpu.wait_indirect_dma semaphore(%arg14 : memref<!tpu.dma_semaphore, #tpu.memory_space<semaphore_mem>>) src(%dma_wait3A_134 : memref<128x128xf32, #tpu.memory_space<vmem>>) dst(%dma_wait3A_140 : memref<2048x128xf32, #tpu.memory_space<vmem_shared>>)
    %dma_wait3A_141 = arith.constant 1 : i32
    %dma_wait3A_142 = arith.constant 128 : i32
    %dma_wait3A_143 = arith.constant 0 : i32
    %dma_wait3A_144 = tpu.memref_slice %arg7[%dma_wait3A_142, %dma_wait3A_143] : memref<256x128xf32, #tpu.memory_space<vmem>> -> memref<128x128xf32, #tpu.memory_space<vmem>>
    %dma_wait3A_145 = arith.constant 0 : i32
    %dma_wait3A_146 = tpu.memref_slice %arg10[%dma_wait3A_141, %dma_wait3A_145] : memref<2x128xi32, #tpu.memory_space<vmem>> -> memref<1x128xi32, #tpu.memory_space<vmem>>
    %dma_wait3A_147 = tpu.memref_squeeze %dma_wait3A_146 : memref<1x128xi32, #tpu.memory_space<vmem>> -> memref<128xi32, #tpu.memory_space<vmem>>
    %dma_wait3A_148 = arith.constant 0 : i32
    %dma_wait3A_149 = arith.constant 0 : i32
    %dma_wait3A_150 = tpu.memref_slice %arg13[%dma_wait3A_148, %dma_wait3A_149] : memref<2048x128xf32, #tpu.memory_space<vmem_shared>> -> memref<2048x128xf32, #tpu.memory_space<vmem_shared>>
    tpu.wait_indirect_dma semaphore(%arg14 : memref<!tpu.dma_semaphore, #tpu.memory_space<semaphore_mem>>) src(%dma_wait3A_144 : memref<128x128xf32, #tpu.memory_space<vmem>>) dst(%dma_wait3A_150 : memref<2048x128xf32, #tpu.memory_space<vmem_shared>>)
    %barrier3A_151 = arith.constant 0 : index
    tpu.barrier barrier_id(%barrier3A_151)
    %mul3A_152 = arith.constant 128 : i32
    %mul3A_153 = arith.muli %arg1, %mul3A_152 : i32
    %mul3A_154 = arith.constant 128 : i32
    %mul3A_155 = arith.muli %arg1, %mul3A_154 : i32
    "tpu.region"() ({
      %run_scoped3A = tpu.sem_alloc : memref<!tpu.dma_semaphore, #tpu.memory_space<semaphore_mem>>
      %dma_start3A_156 = arith.constant 0 : i32
      %dma_start3A_157 = tpu.memref_slice %arg6[%arg0, %mul3A_155, %dma_start3A_156] : memref<2x2048x128xf32, #tpu.memory_space<hbm>> -> memref<1x128x128xf32, #tpu.memory_space<hbm>>
      %dma_start3A_158 = tpu.memref_squeeze %dma_start3A_157 : memref<1x128x128xf32, #tpu.memory_space<hbm>> -> memref<128x128xf32, #tpu.memory_space<hbm>>
      %dma_start3A_159 = arith.constant 0 : i32
      %dma_start3A_160 = tpu.memref_slice %arg13[%mul3A_153, %dma_start3A_159] : memref<2048x128xf32, #tpu.memory_space<vmem_shared>> -> memref<128x128xf32, #tpu.memory_space<vmem_shared>>
      tpu.enqueue_dma source(%dma_start3A_160 : memref<128x128xf32, #tpu.memory_space<vmem_shared>>) target(%dma_start3A_158 : memref<128x128xf32, #tpu.memory_space<hbm>>) target_semaphore(%run_scoped3A : memref<!tpu.dma_semaphore, #tpu.memory_space<semaphore_mem>>)
      %dma_wait3A_161 = arith.constant 0 : i32
      %dma_wait3A_162 = tpu.memref_slice %arg6[%arg0, %mul3A_155, %dma_wait3A_161] : memref<2x2048x128xf32, #tpu.memory_space<hbm>> -> memref<1x128x128xf32, #tpu.memory_space<hbm>>
      %dma_wait3A_163 = tpu.memref_squeeze %dma_wait3A_162 : memref<1x128x128xf32, #tpu.memory_space<hbm>> -> memref<128x128xf32, #tpu.memory_space<hbm>>
      %dma_wait3A_164 = arith.constant 0 : i32
      %dma_wait3A_165 = tpu.memref_slice %arg13[%mul3A_153, %dma_wait3A_164] : memref<2048x128xf32, #tpu.memory_space<vmem_shared>> -> memref<128x128xf32, #tpu.memory_space<vmem_shared>>
      tpu.wait_dma2 semaphore(%run_scoped3A : memref<!tpu.dma_semaphore, #tpu.memory_space<semaphore_mem>>) src(%dma_wait3A_165 : memref<128x128xf32, #tpu.memory_space<vmem_shared>>) dst(%dma_wait3A_163 : memref<128x128xf32, #tpu.memory_space<hbm>>)
      tpu.yield
    }) : () -> ()
    return
  }
}

#map = affine_map<(d0, d1) -> (0, 0)>
#map1 = affine_map<(d0, d1) -> (0, 0, 0)>
module attributes {stable_mosaic.version = 14 : i64} {
  func.func @k(%arg0: i32, %arg1: i32, %arg2: memref<8192x128xf32, #tpu.memory_space<hbm>>, %arg3: memref<2x8192xf32, #tpu.memory_space<hbm>>, %arg4: memref<2x8192xi32, #tpu.memory_space<hbm>>, %arg5: memref<2x2048xf32, #tpu.memory_space<hbm>>, %arg6: memref<2x2048x128xf32, #tpu.memory_space<hbm>>, %arg7: memref<256x128xf32, #tpu.memory_space<vmem>>, %arg8: memref<256xf32, #tpu.memory_space<vmem>>, %arg9: memref<256xi32, #tpu.memory_space<vmem>>, %arg10: memref<2x128xi32, #tpu.memory_space<vmem>>, %arg11: memref<2048xf32, #tpu.memory_space<vmem>>, %arg12: memref<128x128xf32, #tpu.memory_space<vmem>>, %arg13: memref<2048x128xf32, #tpu.memory_space<vmem_shared>>, %arg14: memref<!tpu.dma_semaphore, #tpu.memory_space<semaphore_mem>>) attributes {dimension_semantics = [#tpu.dimension_semantics<core_parallel>, #tpu.dimension_semantics<subcore_parallel>], iteration_bounds = array<i64: 2, 16>, scalar_prefetch = 0 : i64, scratch_operands = 8 : i64, tpu.core_type = #tpu.core_type<sc_vector_subcore>, window_params = [{transform_indices = #map}, {transform_indices = #map}, {transform_indices = #map}, {transform_indices = #map}, {transform_indices = #map1}]} {
    %mul3A = arith.constant 2 : i32
    %mul3A_0 = arith.muli %arg1, %mul3A : i32
    %add3A = arith.addi %mul3A_0, %arg0 : i32
    %mul3A_1 = arith.constant 256 : i32
    %mul3A_2 = arith.muli %add3A, %mul3A_1 : i32
    %dma_start3A = arith.constant 0 : i32
    %dma_start3A_3 = tpu.memref_slice %arg2[%mul3A_2, %dma_start3A] : memref<8192x128xf32, #tpu.memory_space<hbm>> -> memref<256x128xf32, #tpu.memory_space<hbm>>
    %dma_start3A_4 = arith.constant 0 : i32
    %dma_start3A_5 = tpu.memref_slice %arg2[%mul3A_2, %dma_start3A_4] : memref<8192x128xf32, #tpu.memory_space<hbm>> -> memref<256x128xf32, #tpu.memory_space<hbm>>
    tpu.enqueue_dma source(%dma_start3A_5 : memref<256x128xf32, #tpu.memory_space<hbm>>) target(%arg7 : memref<256x128xf32, #tpu.memory_space<vmem>>) target_semaphore(%arg14 : memref<!tpu.dma_semaphore, #tpu.memory_space<semaphore_mem>>)
    %dma_start3A_6 = arith.constant 1 : i32
    %dma_start3A_7 = tpu.memref_slice %arg3[%dma_start3A_6, %mul3A_2] : memref<2x8192xf32, #tpu.memory_space<hbm>> -> memref<1x256xf32, #tpu.memory_space<hbm>>
    %dma_start3A_8 = tpu.memref_squeeze %dma_start3A_7 : memref<1x256xf32, #tpu.memory_space<hbm>> -> memref<256xf32, #tpu.memory_space<hbm>>
    %dma_start3A_9 = tpu.memref_slice %arg3[%dma_start3A_6, %mul3A_2] : memref<2x8192xf32, #tpu.memory_space<hbm>> -> memref<1x256xf32, #tpu.memory_space<hbm>>
    %dma_start3A_10 = tpu.memref_squeeze %dma_start3A_9 : memref<1x256xf32, #tpu.memory_space<hbm>> -> memref<256xf32, #tpu.memory_space<hbm>>
    tpu.enqueue_dma source(%dma_start3A_10 : memref<256xf32, #tpu.memory_space<hbm>>) target(%arg8 : memref<256xf32, #tpu.memory_space<vmem>>) target_semaphore(%arg14 : memref<!tpu.dma_semaphore, #tpu.memory_space<semaphore_mem>>)
    %dma_start3A_11 = arith.constant 1 : i32
    %dma_start3A_12 = tpu.memref_slice %arg4[%dma_start3A_11, %mul3A_2] : memref<2x8192xi32, #tpu.memory_space<hbm>> -> memref<1x256xi32, #tpu.memory_space<hbm>>
    %dma_start3A_13 = tpu.memref_squeeze %dma_start3A_12 : memref<1x256xi32, #tpu.memory_space<hbm>> -> memref<256xi32, #tpu.memory_space<hbm>>
    %dma_start3A_14 = tpu.memref_slice %arg4[%dma_start3A_11, %mul3A_2] : memref<2x8192xi32, #tpu.memory_space<hbm>> -> memref<1x256xi32, #tpu.memory_space<hbm>>
    %dma_start3A_15 = tpu.memref_squeeze %dma_start3A_14 : memref<1x256xi32, #tpu.memory_space<hbm>> -> memref<256xi32, #tpu.memory_space<hbm>>
    tpu.enqueue_dma source(%dma_start3A_15 : memref<256xi32, #tpu.memory_space<hbm>>) target(%arg9 : memref<256xi32, #tpu.memory_space<vmem>>) target_semaphore(%arg14 : memref<!tpu.dma_semaphore, #tpu.memory_space<semaphore_mem>>)
    %dma_start3A_16 = arith.constant 1 : i32
    %dma_start3A_17 = arith.constant 0 : i32
    %dma_start3A_18 = tpu.memref_slice %arg5[%dma_start3A_16, %dma_start3A_17] : memref<2x2048xf32, #tpu.memory_space<hbm>> -> memref<1x2048xf32, #tpu.memory_space<hbm>>
    %dma_start3A_19 = tpu.memref_squeeze %dma_start3A_18 : memref<1x2048xf32, #tpu.memory_space<hbm>> -> memref<2048xf32, #tpu.memory_space<hbm>>
    %dma_start3A_20 = arith.constant 0 : i32
    %dma_start3A_21 = tpu.memref_slice %arg5[%dma_start3A_16, %dma_start3A_20] : memref<2x2048xf32, #tpu.memory_space<hbm>> -> memref<1x2048xf32, #tpu.memory_space<hbm>>
    %dma_start3A_22 = tpu.memref_squeeze %dma_start3A_21 : memref<1x2048xf32, #tpu.memory_space<hbm>> -> memref<2048xf32, #tpu.memory_space<hbm>>
    tpu.enqueue_dma source(%dma_start3A_22 : memref<2048xf32, #tpu.memory_space<hbm>>) target(%arg11 : memref<2048xf32, #tpu.memory_space<vmem>>) target_semaphore(%arg14 : memref<!tpu.dma_semaphore, #tpu.memory_space<semaphore_mem>>)
    %add3A_23 = arith.constant 0 : i32
    %add3A_24 = arith.addi %mul3A_2, %add3A_23 : i32
    %dma_start3A_25 = arith.constant 1 : i32
    %dma_start3A_26 = arith.constant 0 : i32
    %dma_start3A_27 = arith.constant 0 : i32
    %dma_start3A_28 = tpu.memref_slice %arg10[%dma_start3A_26, %dma_start3A_27] : memref<2x128xi32, #tpu.memory_space<vmem>> -> memref<1x128xi32, #tpu.memory_space<vmem>>
    %dma_start3A_29 = tpu.memref_squeeze %dma_start3A_28 : memref<1x128xi32, #tpu.memory_space<vmem>> -> memref<128xi32, #tpu.memory_space<vmem>>
    %dma_start3A_30 = tpu.memref_slice %arg4[%dma_start3A_25, %add3A_24] : memref<2x8192xi32, #tpu.memory_space<hbm>> -> memref<1x128xi32, #tpu.memory_space<hbm>>
    %dma_start3A_31 = tpu.memref_squeeze %dma_start3A_30 : memref<1x128xi32, #tpu.memory_space<hbm>> -> memref<128xi32, #tpu.memory_space<hbm>>
    %dma_start3A_32 = arith.constant 0 : i32
    %dma_start3A_33 = tpu.memref_slice %arg10[%dma_start3A_26, %dma_start3A_32] : memref<2x128xi32, #tpu.memory_space<vmem>> -> memref<1x128xi32, #tpu.memory_space<vmem>>
    %dma_start3A_34 = tpu.memref_squeeze %dma_start3A_33 : memref<1x128xi32, #tpu.memory_space<vmem>> -> memref<128xi32, #tpu.memory_space<vmem>>
    %dma_start3A_35 = tpu.memref_slice %arg4[%dma_start3A_25, %add3A_24] : memref<2x8192xi32, #tpu.memory_space<hbm>> -> memref<1x128xi32, #tpu.memory_space<hbm>>
    %dma_start3A_36 = tpu.memref_squeeze %dma_start3A_35 : memref<1x128xi32, #tpu.memory_space<hbm>> -> memref<128xi32, #tpu.memory_space<hbm>>
    tpu.enqueue_dma source(%dma_start3A_36 : memref<128xi32, #tpu.memory_space<hbm>>) target(%dma_start3A_34 : memref<128xi32, #tpu.memory_space<vmem>>) target_semaphore(%arg14 : memref<!tpu.dma_semaphore, #tpu.memory_space<semaphore_mem>>)
    %add3A_37 = arith.constant 128 : i32
    %add3A_38 = arith.addi %mul3A_2, %add3A_37 : i32
    %dma_start3A_39 = arith.constant 1 : i32
    %dma_start3A_40 = arith.constant 1 : i32
    %dma_start3A_41 = arith.constant 0 : i32
    %dma_start3A_42 = tpu.memref_slice %arg10[%dma_start3A_40, %dma_start3A_41] : memref<2x128xi32, #tpu.memory_space<vmem>> -> memref<1x128xi32, #tpu.memory_space<vmem>>
    %dma_start3A_43 = tpu.memref_squeeze %dma_start3A_42 : memref<1x128xi32, #tpu.memory_space<vmem>> -> memref<128xi32, #tpu.memory_space<vmem>>
    %dma_start3A_44 = tpu.memref_slice %arg4[%dma_start3A_39, %add3A_38] : memref<2x8192xi32, #tpu.memory_space<hbm>> -> memref<1x128xi32, #tpu.memory_space<hbm>>
    %dma_start3A_45 = tpu.memref_squeeze %dma_start3A_44 : memref<1x128xi32, #tpu.memory_space<hbm>> -> memref<128xi32, #tpu.memory_space<hbm>>
    %dma_start3A_46 = arith.constant 0 : i32
    %dma_start3A_47 = tpu.memref_slice %arg10[%dma_start3A_40, %dma_start3A_46] : memref<2x128xi32, #tpu.memory_space<vmem>> -> memref<1x128xi32, #tpu.memory_space<vmem>>
    %dma_start3A_48 = tpu.memref_squeeze %dma_start3A_47 : memref<1x128xi32, #tpu.memory_space<vmem>> -> memref<128xi32, #tpu.memory_space<vmem>>
    %dma_start3A_49 = tpu.memref_slice %arg4[%dma_start3A_39, %add3A_38] : memref<2x8192xi32, #tpu.memory_space<hbm>> -> memref<1x128xi32, #tpu.memory_space<hbm>>
    %dma_start3A_50 = tpu.memref_squeeze %dma_start3A_49 : memref<1x128xi32, #tpu.memory_space<hbm>> -> memref<128xi32, #tpu.memory_space<hbm>>
    tpu.enqueue_dma source(%dma_start3A_50 : memref<128xi32, #tpu.memory_space<hbm>>) target(%dma_start3A_48 : memref<128xi32, #tpu.memory_space<vmem>>) target_semaphore(%arg14 : memref<!tpu.dma_semaphore, #tpu.memory_space<semaphore_mem>>)
    %broadcast_in_dim3A = arith.constant 0.000000e+00 : f32
    %broadcast_in_dim3A_51 = vector.broadcast %broadcast_in_dim3A : f32 to vector<16xf32>
    %scan3A = arith.constant 0 : i32
    %scan3A_52 = arith.constant 0 : i32
    %scan3A_53 = arith.constant 128 : i32
    %scan3A_54 = arith.addi %scan3A_52, %scan3A_53 : i32
    %scan3A_55 = arith.constant 1 : i32
    %scan3A_56 = scf.for %scan3A_156 = %scan3A_52 to %scan3A_54 step %scan3A_55 iter_args(%scan3A_157 = %scan3A) -> (i32)  : i32 {
      %swap3A = arith.index_cast %scan3A_156 : i32 to index
      %swap3A_158 = arith.constant 0 : index
      %swap3A_159 = tpu.vector_load %arg12[%swap3A, %swap3A_158] {strides = array<i32>} : memref<128x128xf32, #tpu.memory_space<vmem>>, vector<16xf32>,
      tpu.vector_store %arg12[%swap3A, %swap3A_158], %broadcast_in_dim3A_51 {strides = array<i32>} : memref<128x128xf32, #tpu.memory_space<vmem>>, vector<16xf32>,
      %swap3A_160 = arith.index_cast %scan3A_156 : i32 to index
      %swap3A_161 = arith.constant 16 : index
      %swap3A_162 = tpu.vector_load %arg12[%swap3A_160, %swap3A_161] {strides = array<i32>} : memref<128x128xf32, #tpu.memory_space<vmem>>, vector<16xf32>,
      tpu.vector_store %arg12[%swap3A_160, %swap3A_161], %broadcast_in_dim3A_51 {strides = array<i32>} : memref<128x128xf32, #tpu.memory_space<vmem>>, vector<16xf32>,
      %swap3A_163 = arith.index_cast %scan3A_156 : i32 to index
      %swap3A_164 = arith.constant 32 : index
      %swap3A_165 = tpu.vector_load %arg12[%swap3A_163, %swap3A_164] {strides = array<i32>} : memref<128x128xf32, #tpu.memory_space<vmem>>, vector<16xf32>,
      tpu.vector_store %arg12[%swap3A_163, %swap3A_164], %broadcast_in_dim3A_51 {strides = array<i32>} : memref<128x128xf32, #tpu.memory_space<vmem>>, vector<16xf32>,
      %swap3A_166 = arith.index_cast %scan3A_156 : i32 to index
      %swap3A_167 = arith.constant 48 : index
      %swap3A_168 = tpu.vector_load %arg12[%swap3A_166, %swap3A_167] {strides = array<i32>} : memref<128x128xf32, #tpu.memory_space<vmem>>, vector<16xf32>,
      tpu.vector_store %arg12[%swap3A_166, %swap3A_167], %broadcast_in_dim3A_51 {strides = array<i32>} : memref<128x128xf32, #tpu.memory_space<vmem>>, vector<16xf32>,
      %swap3A_169 = arith.index_cast %scan3A_156 : i32 to index
      %swap3A_170 = arith.constant 64 : index
      %swap3A_171 = tpu.vector_load %arg12[%swap3A_169, %swap3A_170] {strides = array<i32>} : memref<128x128xf32, #tpu.memory_space<vmem>>, vector<16xf32>,
      tpu.vector_store %arg12[%swap3A_169, %swap3A_170], %broadcast_in_dim3A_51 {strides = array<i32>} : memref<128x128xf32, #tpu.memory_space<vmem>>, vector<16xf32>,
      %swap3A_172 = arith.index_cast %scan3A_156 : i32 to index
      %swap3A_173 = arith.constant 80 : index
      %swap3A_174 = tpu.vector_load %arg12[%swap3A_172, %swap3A_173] {strides = array<i32>} : memref<128x128xf32, #tpu.memory_space<vmem>>, vector<16xf32>,
      tpu.vector_store %arg12[%swap3A_172, %swap3A_173], %broadcast_in_dim3A_51 {strides = array<i32>} : memref<128x128xf32, #tpu.memory_space<vmem>>, vector<16xf32>,
      %swap3A_175 = arith.index_cast %scan3A_156 : i32 to index
      %swap3A_176 = arith.constant 96 : index
      %swap3A_177 = tpu.vector_load %arg12[%swap3A_175, %swap3A_176] {strides = array<i32>} : memref<128x128xf32, #tpu.memory_space<vmem>>, vector<16xf32>,
      tpu.vector_store %arg12[%swap3A_175, %swap3A_176], %broadcast_in_dim3A_51 {strides = array<i32>} : memref<128x128xf32, #tpu.memory_space<vmem>>, vector<16xf32>,
      %swap3A_178 = arith.index_cast %scan3A_156 : i32 to index
      %swap3A_179 = arith.constant 112 : index
      %swap3A_180 = tpu.vector_load %arg12[%swap3A_178, %swap3A_179] {strides = array<i32>} : memref<128x128xf32, #tpu.memory_space<vmem>>, vector<16xf32>,
      tpu.vector_store %arg12[%swap3A_178, %swap3A_179], %broadcast_in_dim3A_51 {strides = array<i32>} : memref<128x128xf32, #tpu.memory_space<vmem>>, vector<16xf32>,
      %scan3A_181 = arith.constant 0 : i32
      scf.yield %scan3A_181 : i32
    }
    %scan3A_57 = arith.constant 128 : i32
    %mul3A_58 = arith.constant 128 : i32
    %mul3A_59 = arith.muli %arg1, %mul3A_58 : i32
    "tpu.region"() ({
      %run_scoped3A = tpu.sem_alloc : memref<!tpu.dma_semaphore, #tpu.memory_space<semaphore_mem>>
      %dma_start3A_156 = arith.constant 0 : i32
      %dma_start3A_157 = tpu.memref_slice %arg13[%mul3A_59, %dma_start3A_156] : memref<2048x128xf32, #tpu.memory_space<vmem_shared>> -> memref<128x128xf32, #tpu.memory_space<vmem_shared>>
      %dma_start3A_158 = arith.constant 0 : i32
      %dma_start3A_159 = tpu.memref_slice %arg13[%mul3A_59, %dma_start3A_158] : memref<2048x128xf32, #tpu.memory_space<vmem_shared>> -> memref<128x128xf32, #tpu.memory_space<vmem_shared>>
      tpu.enqueue_dma source(%arg12 : memref<128x128xf32, #tpu.memory_space<vmem>>) target(%dma_start3A_159 : memref<128x128xf32, #tpu.memory_space<vmem_shared>>) target_semaphore(%run_scoped3A : memref<!tpu.dma_semaphore, #tpu.memory_space<semaphore_mem>>)
      %dma_wait3A_160 = arith.constant 0 : i32
      %dma_wait3A_161 = tpu.memref_slice %arg13[%mul3A_59, %dma_wait3A_160] : memref<2048x128xf32, #tpu.memory_space<vmem_shared>> -> memref<128x128xf32, #tpu.memory_space<vmem_shared>>
      %dma_wait3A_162 = arith.constant 0 : i32
      %dma_wait3A_163 = tpu.memref_slice %arg13[%mul3A_59, %dma_wait3A_162] : memref<2048x128xf32, #tpu.memory_space<vmem_shared>> -> memref<128x128xf32, #tpu.memory_space<vmem_shared>>
      tpu.wait_dma2 semaphore(%run_scoped3A : memref<!tpu.dma_semaphore, #tpu.memory_space<semaphore_mem>>) src(%arg12 : memref<128x128xf32, #tpu.memory_space<vmem>>) dst(%dma_wait3A_163 : memref<128x128xf32, #tpu.memory_space<vmem_shared>>)
      tpu.yield
    }) : () -> ()
    %dma_wait3A = arith.constant 0 : i32
    %dma_wait3A_60 = tpu.memref_slice %arg2[%mul3A_2, %dma_wait3A] : memref<8192x128xf32, #tpu.memory_space<hbm>> -> memref<256x128xf32, #tpu.memory_space<hbm>>
    %dma_wait3A_61 = arith.constant 0 : i32
    %dma_wait3A_62 = tpu.memref_slice %arg2[%mul3A_2, %dma_wait3A_61] : memref<8192x128xf32, #tpu.memory_space<hbm>> -> memref<256x128xf32, #tpu.memory_space<hbm>>
    tpu.wait_dma2 semaphore(%arg14 : memref<!tpu.dma_semaphore, #tpu.memory_space<semaphore_mem>>) src(%dma_wait3A_62 : memref<256x128xf32, #tpu.memory_space<hbm>>) dst(%arg7 : memref<256x128xf32, #tpu.memory_space<vmem>>)
    %dma_wait3A_63 = arith.constant 1 : i32
    %dma_wait3A_64 = tpu.memref_slice %arg3[%dma_wait3A_63, %mul3A_2] : memref<2x8192xf32, #tpu.memory_space<hbm>> -> memref<1x256xf32, #tpu.memory_space<hbm>>
    %dma_wait3A_65 = tpu.memref_squeeze %dma_wait3A_64 : memref<1x256xf32, #tpu.memory_space<hbm>> -> memref<256xf32, #tpu.memory_space<hbm>>
    %dma_wait3A_66 = tpu.memref_slice %arg3[%dma_wait3A_63, %mul3A_2] : memref<2x8192xf32, #tpu.memory_space<hbm>> -> memref<1x256xf32, #tpu.memory_space<hbm>>
    %dma_wait3A_67 = tpu.memref_squeeze %dma_wait3A_66 : memref<1x256xf32, #tpu.memory_space<hbm>> -> memref<256xf32, #tpu.memory_space<hbm>>
    tpu.wait_dma2 semaphore(%arg14 : memref<!tpu.dma_semaphore, #tpu.memory_space<semaphore_mem>>) src(%dma_wait3A_67 : memref<256xf32, #tpu.memory_space<hbm>>) dst(%arg8 : memref<256xf32, #tpu.memory_space<vmem>>)
    %dma_wait3A_68 = arith.constant 1 : i32
    %dma_wait3A_69 = tpu.memref_slice %arg4[%dma_wait3A_68, %mul3A_2] : memref<2x8192xi32, #tpu.memory_space<hbm>> -> memref<1x256xi32, #tpu.memory_space<hbm>>
    %dma_wait3A_70 = tpu.memref_squeeze %dma_wait3A_69 : memref<1x256xi32, #tpu.memory_space<hbm>> -> memref<256xi32, #tpu.memory_space<hbm>>
    %dma_wait3A_71 = tpu.memref_slice %arg4[%dma_wait3A_68, %mul3A_2] : memref<2x8192xi32, #tpu.memory_space<hbm>> -> memref<1x256xi32, #tpu.memory_space<hbm>>
    %dma_wait3A_72 = tpu.memref_squeeze %dma_wait3A_71 : memref<1x256xi32, #tpu.memory_space<hbm>> -> memref<256xi32, #tpu.memory_space<hbm>>
    tpu.wait_dma2 semaphore(%arg14 : memref<!tpu.dma_semaphore, #tpu.memory_space<semaphore_mem>>) src(%dma_wait3A_72 : memref<256xi32, #tpu.memory_space<hbm>>) dst(%arg9 : memref<256xi32, #tpu.memory_space<vmem>>)
    %dma_wait3A_73 = arith.constant 1 : i32
    %dma_wait3A_74 = arith.constant 0 : i32
    %dma_wait3A_75 = tpu.memref_slice %arg5[%dma_wait3A_73, %dma_wait3A_74] : memref<2x2048xf32, #tpu.memory_space<hbm>> -> memref<1x2048xf32, #tpu.memory_space<hbm>>
    %dma_wait3A_76 = tpu.memref_squeeze %dma_wait3A_75 : memref<1x2048xf32, #tpu.memory_space<hbm>> -> memref<2048xf32, #tpu.memory_space<hbm>>
    %dma_wait3A_77 = arith.constant 0 : i32
    %dma_wait3A_78 = tpu.memref_slice %arg5[%dma_wait3A_73, %dma_wait3A_77] : memref<2x2048xf32, #tpu.memory_space<hbm>> -> memref<1x2048xf32, #tpu.memory_space<hbm>>
    %dma_wait3A_79 = tpu.memref_squeeze %dma_wait3A_78 : memref<1x2048xf32, #tpu.memory_space<hbm>> -> memref<2048xf32, #tpu.memory_space<hbm>>
    tpu.wait_dma2 semaphore(%arg14 : memref<!tpu.dma_semaphore, #tpu.memory_space<semaphore_mem>>) src(%dma_wait3A_79 : memref<2048xf32, #tpu.memory_space<hbm>>) dst(%arg11 : memref<2048xf32, #tpu.memory_space<vmem>>)
    %dma_wait3A_80 = arith.constant 1 : i32
    %dma_wait3A_81 = arith.constant 0 : i32
    %dma_wait3A_82 = arith.constant 0 : i32
    %dma_wait3A_83 = tpu.memref_slice %arg10[%dma_wait3A_81, %dma_wait3A_82] : memref<2x128xi32, #tpu.memory_space<vmem>> -> memref<1x128xi32, #tpu.memory_space<vmem>>
    %dma_wait3A_84 = tpu.memref_squeeze %dma_wait3A_83 : memref<1x128xi32, #tpu.memory_space<vmem>> -> memref<128xi32, #tpu.memory_space<vmem>>
    %dma_wait3A_85 = tpu.memref_slice %arg4[%dma_wait3A_80, %add3A_24] : memref<2x8192xi32, #tpu.memory_space<hbm>> -> memref<1x128xi32, #tpu.memory_space<hbm>>
    %dma_wait3A_86 = tpu.memref_squeeze %dma_wait3A_85 : memref<1x128xi32, #tpu.memory_space<hbm>> -> memref<128xi32, #tpu.memory_space<hbm>>
    %dma_wait3A_87 = arith.constant 0 : i32
    %dma_wait3A_88 = tpu.memref_slice %arg10[%dma_wait3A_81, %dma_wait3A_87] : memref<2x128xi32, #tpu.memory_space<vmem>> -> memref<1x128xi32, #tpu.memory_space<vmem>>
    %dma_wait3A_89 = tpu.memref_squeeze %dma_wait3A_88 : memref<1x128xi32, #tpu.memory_space<vmem>> -> memref<128xi32, #tpu.memory_space<vmem>>
    %dma_wait3A_90 = tpu.memref_slice %arg4[%dma_wait3A_80, %add3A_24] : memref<2x8192xi32, #tpu.memory_space<hbm>> -> memref<1x128xi32, #tpu.memory_space<hbm>>
    %dma_wait3A_91 = tpu.memref_squeeze %dma_wait3A_90 : memref<1x128xi32, #tpu.memory_space<hbm>> -> memref<128xi32, #tpu.memory_space<hbm>>
    tpu.wait_dma2 semaphore(%arg14 : memref<!tpu.dma_semaphore, #tpu.memory_space<semaphore_mem>>) src(%dma_wait3A_91 : memref<128xi32, #tpu.memory_space<hbm>>) dst(%dma_wait3A_89 : memref<128xi32, #tpu.memory_space<vmem>>)
    %dma_wait3A_92 = arith.constant 1 : i32
    %dma_wait3A_93 = arith.constant 1 : i32
    %dma_wait3A_94 = arith.constant 0 : i32
    %dma_wait3A_95 = tpu.memref_slice %arg10[%dma_wait3A_93, %dma_wait3A_94] : memref<2x128xi32, #tpu.memory_space<vmem>> -> memref<1x128xi32, #tpu.memory_space<vmem>>
    %dma_wait3A_96 = tpu.memref_squeeze %dma_wait3A_95 : memref<1x128xi32, #tpu.memory_space<vmem>> -> memref<128xi32, #tpu.memory_space<vmem>>
    %dma_wait3A_97 = tpu.memref_slice %arg4[%dma_wait3A_92, %add3A_38] : memref<2x8192xi32, #tpu.memory_space<hbm>> -> memref<1x128xi32, #tpu.memory_space<hbm>>
    %dma_wait3A_98 = tpu.memref_squeeze %dma_wait3A_97 : memref<1x128xi32, #tpu.memory_space<hbm>> -> memref<128xi32, #tpu.memory_space<hbm>>
    %dma_wait3A_99 = arith.constant 0 : i32
    %dma_wait3A_100 = tpu.memref_slice %arg10[%dma_wait3A_93, %dma_wait3A_99] : memref<2x128xi32, #tpu.memory_space<vmem>> -> memref<1x128xi32, #tpu.memory_space<vmem>>
    %dma_wait3A_101 = tpu.memref_squeeze %dma_wait3A_100 : memref<1x128xi32, #tpu.memory_space<vmem>> -> memref<128xi32, #tpu.memory_space<vmem>>
    %dma_wait3A_102 = tpu.memref_slice %arg4[%dma_wait3A_92, %add3A_38] : memref<2x8192xi32, #tpu.memory_space<hbm>> -> memref<1x128xi32, #tpu.memory_space<hbm>>
    %dma_wait3A_103 = tpu.memref_squeeze %dma_wait3A_102 : memref<1x128xi32, #tpu.memory_space<hbm>> -> memref<128xi32, #tpu.memory_space<hbm>>
    tpu.wait_dma2 semaphore(%arg14 : memref<!tpu.dma_semaphore, #tpu.memory_space<semaphore_mem>>) src(%dma_wait3A_103 : memref<128xi32, #tpu.memory_space<hbm>>) dst(%dma_wait3A_101 : memref<128xi32, #tpu.memory_space<vmem>>)
    %scan3A_104 = arith.constant 0 : i32
    %scan3A_105 = arith.constant 0 : i32
    %scan3A_106 = arith.constant 16 : i32
    %scan3A_107 = arith.addi %scan3A_105, %scan3A_106 : i32
    %scan3A_108 = arith.constant 1 : i32
    %scan3A_109 = scf.for %scan3A_156 = %scan3A_105 to %scan3A_107 step %scan3A_108 iter_args(%scan3A_157 = %scan3A_104) -> (i32)  : i32 {
      %mul3A_158 = arith.constant 16 : i32
      %mul3A_159 = arith.muli %scan3A_156, %mul3A_158 : i32
      %get3A = arith.index_cast %mul3A_159 : i32 to index
      %get3A_160 = tpu.vector_load %arg9[%get3A] {strides = array<i32>} : memref<256xi32, #tpu.memory_space<vmem>>, vector<16xi32>,
      %gather3A = tpu.vector_load_idx %arg11[%get3A_160] : memref<2048xf32, #tpu.memory_space<vmem>>[vector<16xi32>], vector<16xf32>,
      %get3A_161 = arith.index_cast %mul3A_159 : i32 to index
      %get3A_162 = tpu.vector_load %arg8[%get3A_161] {strides = array<i32>} : memref<256xf32, #tpu.memory_space<vmem>>, vector<16xf32>,
      %sub3A = arith.subf %get3A_162, %gather3A : vector<16xf32>
      %exp3A = math.exp %sub3A : vector<16xf32>
      %slice3A = vector.extract_strided_slice %exp3A {offsets = [0], sizes = [1], strides = [1]} : vector<16xf32> to vector<1xf32>
      %squeeze3A = vector.extract %slice3A[0] : f32 from vector<1xf32>
      %broadcast_in_dim3A_163 = vector.broadcast %squeeze3A : f32 to vector<16xf32>
      %add3A_164 = arith.constant 0 : i32
      %add3A_165 = arith.addi %mul3A_159, %add3A_164 : i32
      %get3A_166 = arith.index_cast %add3A_165 : i32 to index
      %get3A_167 = arith.constant 0 : index
      %get3A_168 = tpu.vector_load %arg7[%get3A_166, %get3A_167] {strides = array<i32>} : memref<256x128xf32, #tpu.memory_space<vmem>>, vector<16xf32>,
      %mul3A_169 = arith.mulf %get3A_168, %broadcast_in_dim3A_163 : vector<16xf32>
      %swap3A = arith.index_cast %add3A_165 : i32 to index
      %swap3A_170 = arith.constant 0 : index
      %swap3A_171 = tpu.vector_load %arg7[%swap3A, %swap3A_170] {strides = array<i32>} : memref<256x128xf32, #tpu.memory_space<vmem>>, vector<16xf32>,
      tpu.vector_store %arg7[%swap3A, %swap3A_170], %mul3A_169 {strides = array<i32>} : memref<256x128xf32, #tpu.memory_space<vmem>>, vector<16xf32>,
      %get3A_172 = arith.index_cast %add3A_165 : i32 to index
      %get3A_173 = arith.constant 16 : index
      %get3A_174 = tpu.vector_load %arg7[%get3A_172, %get3A_173] {strides = array<i32>} : memref<256x128xf32, #tpu.memory_space<vmem>>, vector<16xf32>,
      %mul3A_175 = arith.mulf %get3A_174, %broadcast_in_dim3A_163 : vector<16xf32>
      %swap3A_176 = arith.index_cast %add3A_165 : i32 to index
      %swap3A_177 = arith.constant 16 : index
      %swap3A_178 = tpu.vector_load %arg7[%swap3A_176, %swap3A_177] {strides = array<i32>} : memref<256x128xf32, #tpu.memory_space<vmem>>, vector<16xf32>,
      tpu.vector_store %arg7[%swap3A_176, %swap3A_177], %mul3A_175 {strides = array<i32>} : memref<256x128xf32, #tpu.memory_space<vmem>>, vector<16xf32>,
      %get3A_179 = arith.index_cast %add3A_165 : i32 to index
      %get3A_180 = arith.constant 32 : index
      %get3A_181 = tpu.vector_load %arg7[%get3A_179, %get3A_180] {strides = array<i32>} : memref<256x128xf32, #tpu.memory_space<vmem>>, vector<16xf32>,
      %mul3A_182 = arith.mulf %get3A_181, %broadcast_in_dim3A_163 : vector<16xf32>
      %swap3A_183 = arith.index_cast %add3A_165 : i32 to index
      %swap3A_184 = arith.constant 32 : index
      %swap3A_185 = tpu.vector_load %arg7[%swap3A_183, %swap3A_184] {strides = array<i32>} : memref<256x128xf32, #tpu.memory_space<vmem>>, vector<16xf32>,
      tpu.vector_store %arg7[%swap3A_183, %swap3A_184], %mul3A_182 {strides = array<i32>} : memref<256x128xf32, #tpu.memory_space<vmem>>, vector<16xf32>,
      %get3A_186 = arith.index_cast %add3A_165 : i32 to index
      %get3A_187 = arith.constant 48 : index
      %get3A_188 = tpu.vector_load %arg7[%get3A_186, %get3A_187] {strides = array<i32>} : memref<256x128xf32, #tpu.memory_space<vmem>>, vector<16xf32>,
      %mul3A_189 = arith.mulf %get3A_188, %broadcast_in_dim3A_163 : vector<16xf32>
      %swap3A_190 = arith.index_cast %add3A_165 : i32 to index
      %swap3A_191 = arith.constant 48 : index
      %swap3A_192 = tpu.vector_load %arg7[%swap3A_190, %swap3A_191] {strides = array<i32>} : memref<256x128xf32, #tpu.memory_space<vmem>>, vector<16xf32>,
      tpu.vector_store %arg7[%swap3A_190, %swap3A_191], %mul3A_189 {strides = array<i32>} : memref<256x128xf32, #tpu.memory_space<vmem>>, vector<16xf32>,
      %get3A_193 = arith.index_cast %add3A_165 : i32 to index
      %get3A_194 = arith.constant 64 : index
      %get3A_195 = tpu.vector_load %arg7[%get3A_193, %get3A_194] {strides = array<i32>} : memref<256x128xf32, #tpu.memory_space<vmem>>, vector<16xf32>,
      %mul3A_196 = arith.mulf %get3A_195, %broadcast_in_dim3A_163 : vector<16xf32>
      %swap3A_197 = arith.index_cast %add3A_165 : i32 to index
      %swap3A_198 = arith.constant 64 : index
      %swap3A_199 = tpu.vector_load %arg7[%swap3A_197, %swap3A_198] {strides = array<i32>} : memref<256x128xf32, #tpu.memory_space<vmem>>, vector<16xf32>,
      tpu.vector_store %arg7[%swap3A_197, %swap3A_198], %mul3A_196 {strides = array<i32>} : memref<256x128xf32, #tpu.memory_space<vmem>>, vector<16xf32>,
      %get3A_200 = arith.index_cast %add3A_165 : i32 to index
      %get3A_201 = arith.constant 80 : index
      %get3A_202 = tpu.vector_load %arg7[%get3A_200, %get3A_201] {strides = array<i32>} : memref<256x128xf32, #tpu.memory_space<vmem>>, vector<16xf32>,
      %mul3A_203 = arith.mulf %get3A_202, %broadcast_in_dim3A_163 : vector<16xf32>
      %swap3A_204 = arith.index_cast %add3A_165 : i32 to index
      %swap3A_205 = arith.constant 80 : index
      %swap3A_206 = tpu.vector_load %arg7[%swap3A_204, %swap3A_205] {strides = array<i32>} : memref<256x128xf32, #tpu.memory_space<vmem>>, vector<16xf32>,
      tpu.vector_store %arg7[%swap3A_204, %swap3A_205], %mul3A_203 {strides = array<i32>} : memref<256x128xf32, #tpu.memory_space<vmem>>, vector<16xf32>,
      %get3A_207 = arith.index_cast %add3A_165 : i32 to index
      %get3A_208 = arith.constant 96 : index
      %get3A_209 = tpu.vector_load %arg7[%get3A_207, %get3A_208] {strides = array<i32>} : memref<256x128xf32, #tpu.memory_space<vmem>>, vector<16xf32>,
      %mul3A_210 = arith.mulf %get3A_209, %broadcast_in_dim3A_163 : vector<16xf32>
      %swap3A_211 = arith.index_cast %add3A_165 : i32 to index
      %swap3A_212 = arith.constant 96 : index
      %swap3A_213 = tpu.vector_load %arg7[%swap3A_211, %swap3A_212] {strides = array<i32>} : memref<256x128xf32, #tpu.memory_space<vmem>>, vector<16xf32>,
      tpu.vector_store %arg7[%swap3A_211, %swap3A_212], %mul3A_210 {strides = array<i32>} : memref<256x128xf32, #tpu.memory_space<vmem>>, vector<16xf32>,
      %get3A_214 = arith.index_cast %add3A_165 : i32 to index
      %get3A_215 = arith.constant 112 : index
      %get3A_216 = tpu.vector_load %arg7[%get3A_214, %get3A_215] {strides = array<i32>} : memref<256x128xf32, #tpu.memory_space<vmem>>, vector<16xf32>,
      %mul3A_217 = arith.mulf %get3A_216, %broadcast_in_dim3A_163 : vector<16xf32>
      %swap3A_218 = arith.index_cast %add3A_165 : i32 to index
      %swap3A_219 = arith.constant 112 : index
      %swap3A_220 = tpu.vector_load %arg7[%swap3A_218, %swap3A_219] {strides = array<i32>} : memref<256x128xf32, #tpu.memory_space<vmem>>, vector<16xf32>,
      tpu.vector_store %arg7[%swap3A_218, %swap3A_219], %mul3A_217 {strides = array<i32>} : memref<256x128xf32, #tpu.memory_space<vmem>>, vector<16xf32>,
      %slice3A_221 = vector.extract_strided_slice %exp3A {offsets = [1], sizes = [1], strides = [1]} : vector<16xf32> to vector<1xf32>
      %squeeze3A_222 = vector.extract %slice3A_221[0] : f32 from vector<1xf32>
      %broadcast_in_dim3A_223 = vector.broadcast %squeeze3A_222 : f32 to vector<16xf32>
      %add3A_224 = arith.constant 1 : i32
      %add3A_225 = arith.addi %mul3A_159, %add3A_224 : i32
      %get3A_226 = arith.index_cast %add3A_225 : i32 to index
      %get3A_227 = arith.constant 0 : index
      %get3A_228 = tpu.vector_load %arg7[%get3A_226, %get3A_227] {strides = array<i32>} : memref<256x128xf32, #tpu.memory_space<vmem>>, vector<16xf32>,
      %mul3A_229 = arith.mulf %get3A_228, %broadcast_in_dim3A_223 : vector<16xf32>
      %swap3A_230 = arith.index_cast %add3A_225 : i32 to index
      %swap3A_231 = arith.constant 0 : index
      %swap3A_232 = tpu.vector_load %arg7[%swap3A_230, %swap3A_231] {strides = array<i32>} : memref<256x128xf32, #tpu.memory_space<vmem>>, vector<16xf32>,
      tpu.vector_store %arg7[%swap3A_230, %swap3A_231], %mul3A_229 {strides = array<i32>} : memref<256x128xf32, #tpu.memory_space<vmem>>, vector<16xf32>,
      %get3A_233 = arith.index_cast %add3A_225 : i32 to index
      %get3A_234 = arith.constant 16 : index
      %get3A_235 = tpu.vector_load %arg7[%get3A_233, %get3A_234] {strides = array<i32>} : memref<256x128xf32, #tpu.memory_space<vmem>>, vector<16xf32>,
      %mul3A_236 = arith.mulf %get3A_235, %broadcast_in_dim3A_223 : vector<16xf32>
      %swap3A_237 = arith.index_cast %add3A_225 : i32 to index
      %swap3A_238 = arith.constant 16 : index
      %swap3A_239 = tpu.vector_load %arg7[%swap3A_237, %swap3A_238] {strides = array<i32>} : memref<256x128xf32, #tpu.memory_space<vmem>>, vector<16xf32>,
      tpu.vector_store %arg7[%swap3A_237, %swap3A_238], %mul3A_236 {strides = array<i32>} : memref<256x128xf32, #tpu.memory_space<vmem>>, vector<16xf32>,
      %get3A_240 = arith.index_cast %add3A_225 : i32 to index
      %get3A_241 = arith.constant 32 : index
      %get3A_242 = tpu.vector_load %arg7[%get3A_240, %get3A_241] {strides = array<i32>} : memref<256x128xf32, #tpu.memory_space<vmem>>, vector<16xf32>,
      %mul3A_243 = arith.mulf %get3A_242, %broadcast_in_dim3A_223 : vector<16xf32>
      %swap3A_244 = arith.index_cast %add3A_225 : i32 to index
      %swap3A_245 = arith.constant 32 : index
      %swap3A_246 = tpu.vector_load %arg7[%swap3A_244, %swap3A_245] {strides = array<i32>} : memref<256x128xf32, #tpu.memory_space<vmem>>, vector<16xf32>,
      tpu.vector_store %arg7[%swap3A_244, %swap3A_245], %mul3A_243 {strides = array<i32>} : memref<256x128xf32, #tpu.memory_space<vmem>>, vector<16xf32>,
      %get3A_247 = arith.index_cast %add3A_225 : i32 to index
      %get3A_248 = arith.constant 48 : index
      %get3A_249 = tpu.vector_load %arg7[%get3A_247, %get3A_248] {strides = array<i32>} : memref<256x128xf32, #tpu.memory_space<vmem>>, vector<16xf32>,
      %mul3A_250 = arith.mulf %get3A_249, %broadcast_in_dim3A_223 : vector<16xf32>
      %swap3A_251 = arith.index_cast %add3A_225 : i32 to index
      %swap3A_252 = arith.constant 48 : index
      %swap3A_253 = tpu.vector_load %arg7[%swap3A_251, %swap3A_252] {strides = array<i32>} : memref<256x128xf32, #tpu.memory_space<vmem>>, vector<16xf32>,
      tpu.vector_store %arg7[%swap3A_251, %swap3A_252], %mul3A_250 {strides = array<i32>} : memref<256x128xf32, #tpu.memory_space<vmem>>, vector<16xf32>,
      %get3A_254 = arith.index_cast %add3A_225 : i32 to index
      %get3A_255 = arith.constant 64 : index
      %get3A_256 = tpu.vector_load %arg7[%get3A_254, %get3A_255] {strides = array<i32>} : memref<256x128xf32, #tpu.memory_space<vmem>>, vector<16xf32>,
      %mul3A_257 = arith.mulf %get3A_256, %broadcast_in_dim3A_223 : vector<16xf32>
      %swap3A_258 = arith.index_cast %add3A_225 : i32 to index
      %swap3A_259 = arith.constant 64 : index
      %swap3A_260 = tpu.vector_load %arg7[%swap3A_258, %swap3A_259] {strides = array<i32>} : memref<256x128xf32, #tpu.memory_space<vmem>>, vector<16xf32>,
      tpu.vector_store %arg7[%swap3A_258, %swap3A_259], %mul3A_257 {strides = array<i32>} : memref<256x128xf32, #tpu.memory_space<vmem>>, vector<16xf32>,
      %get3A_261 = arith.index_cast %add3A_225 : i32 to index
      %get3A_262 = arith.constant 80 : index
      %get3A_263 = tpu.vector_load %arg7[%get3A_261, %get3A_262] {strides = array<i32>} : memref<256x128xf32, #tpu.memory_space<vmem>>, vector<16xf32>,
      %mul3A_264 = arith.mulf %get3A_263, %broadcast_in_dim3A_223 : vector<16xf32>
      %swap3A_265 = arith.index_cast %add3A_225 : i32 to index
      %swap3A_266 = arith.constant 80 : index
      %swap3A_267 = tpu.vector_load %arg7[%swap3A_265, %swap3A_266] {strides = array<i32>} : memref<256x128xf32, #tpu.memory_space<vmem>>, vector<16xf32>,
      tpu.vector_store %arg7[%swap3A_265, %swap3A_266], %mul3A_264 {strides = array<i32>} : memref<256x128xf32, #tpu.memory_space<vmem>>, vector<16xf32>,
      %get3A_268 = arith.index_cast %add3A_225 : i32 to index
      %get3A_269 = arith.constant 96 : index
      %get3A_270 = tpu.vector_load %arg7[%get3A_268, %get3A_269] {strides = array<i32>} : memref<256x128xf32, #tpu.memory_space<vmem>>, vector<16xf32>,
      %mul3A_271 = arith.mulf %get3A_270, %broadcast_in_dim3A_223 : vector<16xf32>
      %swap3A_272 = arith.index_cast %add3A_225 : i32 to index
      %swap3A_273 = arith.constant 96 : index
      %swap3A_274 = tpu.vector_load %arg7[%swap3A_272, %swap3A_273] {strides = array<i32>} : memref<256x128xf32, #tpu.memory_space<vmem>>, vector<16xf32>,
      tpu.vector_store %arg7[%swap3A_272, %swap3A_273], %mul3A_271 {strides = array<i32>} : memref<256x128xf32, #tpu.memory_space<vmem>>, vector<16xf32>,
      %get3A_275 = arith.index_cast %add3A_225 : i32 to index
      %get3A_276 = arith.constant 112 : index
      %get3A_277 = tpu.vector_load %arg7[%get3A_275, %get3A_276] {strides = array<i32>} : memref<256x128xf32, #tpu.memory_space<vmem>>, vector<16xf32>,
      %mul3A_278 = arith.mulf %get3A_277, %broadcast_in_dim3A_223 : vector<16xf32>
      %swap3A_279 = arith.index_cast %add3A_225 : i32 to index
      %swap3A_280 = arith.constant 112 : index
      %swap3A_281 = tpu.vector_load %arg7[%swap3A_279, %swap3A_280] {strides = array<i32>} : memref<256x128xf32, #tpu.memory_space<vmem>>, vector<16xf32>,
      tpu.vector_store %arg7[%swap3A_279, %swap3A_280], %mul3A_278 {strides = array<i32>} : memref<256x128xf32, #tpu.memory_space<vmem>>, vector<16xf32>,
      %slice3A_282 = vector.extract_strided_slice %exp3A {offsets = [2], sizes = [1], strides = [1]} : vector<16xf32> to vector<1xf32>
      %squeeze3A_283 = vector.extract %slice3A_282[0] : f32 from vector<1xf32>
      %broadcast_in_dim3A_284 = vector.broadcast %squeeze3A_283 : f32 to vector<16xf32>
      %add3A_285 = arith.constant 2 : i32
      %add3A_286 = arith.addi %mul3A_159, %add3A_285 : i32
      %get3A_287 = arith.index_cast %add3A_286 : i32 to index
      %get3A_288 = arith.constant 0 : index
      %get3A_289 = tpu.vector_load %arg7[%get3A_287, %get3A_288] {strides = array<i32>} : memref<256x128xf32, #tpu.memory_space<vmem>>, vector<16xf32>,
      %mul3A_290 = arith.mulf %get3A_289, %broadcast_in_dim3A_284 : vector<16xf32>
      %swap3A_291 = arith.index_cast %add3A_286 : i32 to index
      %swap3A_292 = arith.constant 0 : index
      %swap3A_293 = tpu.vector_load %arg7[%swap3A_291, %swap3A_292] {strides = array<i32>} : memref<256x128xf32, #tpu.memory_space<vmem>>, vector<16xf32>,
      tpu.vector_store %arg7[%swap3A_291, %swap3A_292], %mul3A_290 {strides = array<i32>} : memref<256x128xf32, #tpu.memory_space<vmem>>, vector<16xf32>,
      %get3A_294 = arith.index_cast %add3A_286 : i32 to index
      %get3A_295 = arith.constant 16 : index
      %get3A_296 = tpu.vector_load %arg7[%get3A_294, %get3A_295] {strides = array<i32>} : memref<256x128xf32, #tpu.memory_space<vmem>>, vector<16xf32>,
      %mul3A_297 = arith.mulf %get3A_296, %broadcast_in_dim3A_284 : vector<16xf32>
      %swap3A_298 = arith.index_cast %add3A_286 : i32 to index
      %swap3A_299 = arith.constant 16 : index
      %swap3A_300 = tpu.vector_load %arg7[%swap3A_298, %swap3A_299] {strides = array<i32>} : memref<256x128xf32, #tpu.memory_space<vmem>>, vector<16xf32>,
      tpu.vector_store %arg7[%swap3A_298, %swap3A_299], %mul3A_297 {strides = array<i32>} : memref<256x128xf32, #tpu.memory_space<vmem>>, vector<16xf32>,
      %get3A_301 = arith.index_cast %add3A_286 : i32 to index
      %get3A_302 = arith.constant 32 : index
      %get3A_303 = tpu.vector_load %arg7[%get3A_301, %get3A_302] {strides = array<i32>} : memref<256x128xf32, #tpu.memory_space<vmem>>, vector<16xf32>,
      %mul3A_304 = arith.mulf %get3A_303, %broadcast_in_dim3A_284 : vector<16xf32>
      %swap3A_305 = arith.index_cast %add3A_286 : i32 to index
      %swap3A_306 = arith.constant 32 : index
      %swap3A_307 = tpu.vector_load %arg7[%swap3A_305, %swap3A_306] {strides = array<i32>} : memref<256x128xf32, #tpu.memory_space<vmem>>, vector<16xf32>,
      tpu.vector_store %arg7[%swap3A_305, %swap3A_306], %mul3A_304 {strides = array<i32>} : memref<256x128xf32, #tpu.memory_space<vmem>>, vector<16xf32>,
      %get3A_308 = arith.index_cast %add3A_286 : i32 to index
      %get3A_309 = arith.constant 48 : index
      %get3A_310 = tpu.vector_load %arg7[%get3A_308, %get3A_309] {strides = array<i32>} : memref<256x128xf32, #tpu.memory_space<vmem>>, vector<16xf32>,
      %mul3A_311 = arith.mulf %get3A_310, %broadcast_in_dim3A_284 : vector<16xf32>
      %swap3A_312 = arith.index_cast %add3A_286 : i32 to index
      %swap3A_313 = arith.constant 48 : index
      %swap3A_314 = tpu.vector_load %arg7[%swap3A_312, %swap3A_313] {strides = array<i32>} : memref<256x128xf32, #tpu.memory_space<vmem>>, vector<16xf32>,
      tpu.vector_store %arg7[%swap3A_312, %swap3A_313], %mul3A_311 {strides = array<i32>} : memref<256x128xf32, #tpu.memory_space<vmem>>, vector<16xf32>,
      %get3A_315 = arith.index_cast %add3A_286 : i32 to index
      %get3A_316 = arith.constant 64 : index
      %get3A_317 = tpu.vector_load %arg7[%get3A_315, %get3A_316] {strides = array<i32>} : memref<256x128xf32, #tpu.memory_space<vmem>>, vector<16xf32>,
      %mul3A_318 = arith.mulf %get3A_317, %broadcast_in_dim3A_284 : vector<16xf32>
      %swap3A_319 = arith.index_cast %add3A_286 : i32 to index
      %swap3A_320 = arith.constant 64 : index
      %swap3A_321 = tpu.vector_load %arg7[%swap3A_319, %swap3A_320] {strides = array<i32>} : memref<256x128xf32, #tpu.memory_space<vmem>>, vector<16xf32>,
      tpu.vector_store %arg7[%swap3A_319, %swap3A_320], %mul3A_318 {strides = array<i32>} : memref<256x128xf32, #tpu.memory_space<vmem>>, vector<16xf32>,
      %get3A_322 = arith.index_cast %add3A_286 : i32 to index
      %get3A_323 = arith.constant 80 : index
      %get3A_324 = tpu.vector_load %arg7[%get3A_322, %get3A_323] {strides = array<i32>} : memref<256x128xf32, #tpu.memory_space<vmem>>, vector<16xf32>,
      %mul3A_325 = arith.mulf %get3A_324, %broadcast_in_dim3A_284 : vector<16xf32>
      %swap3A_326 = arith.index_cast %add3A_286 : i32 to index
      %swap3A_327 = arith.constant 80 : index
      %swap3A_328 = tpu.vector_load %arg7[%swap3A_326, %swap3A_327] {strides = array<i32>} : memref<256x128xf32, #tpu.memory_space<vmem>>, vector<16xf32>,
      tpu.vector_store %arg7[%swap3A_326, %swap3A_327], %mul3A_325 {strides = array<i32>} : memref<256x128xf32, #tpu.memory_space<vmem>>, vector<16xf32>,
      %get3A_329 = arith.index_cast %add3A_286 : i32 to index
      %get3A_330 = arith.constant 96 : index
      %get3A_331 = tpu.vector_load %arg7[%get3A_329, %get3A_330] {strides = array<i32>} : memref<256x128xf32, #tpu.memory_space<vmem>>, vector<16xf32>,
      %mul3A_332 = arith.mulf %get3A_331, %broadcast_in_dim3A_284 : vector<16xf32>
      %swap3A_333 = arith.index_cast %add3A_286 : i32 to index
      %swap3A_334 = arith.constant 96 : index
      %swap3A_335 = tpu.vector_load %arg7[%swap3A_333, %swap3A_334] {strides = array<i32>} : memref<256x128xf32, #tpu.memory_space<vmem>>, vector<16xf32>,
      tpu.vector_store %arg7[%swap3A_333, %swap3A_334], %mul3A_332 {strides = array<i32>} : memref<256x128xf32, #tpu.memory_space<vmem>>, vector<16xf32>,
      %get3A_336 = arith.index_cast %add3A_286 : i32 to index
      %get3A_337 = arith.constant 112 : index
      %get3A_338 = tpu.vector_load %arg7[%get3A_336, %get3A_337] {strides = array<i32>} : memref<256x128xf32, #tpu.memory_space<vmem>>, vector<16xf32>,
      %mul3A_339 = arith.mulf %get3A_338, %broadcast_in_dim3A_284 : vector<16xf32>
      %swap3A_340 = arith.index_cast %add3A_286 : i32 to index
      %swap3A_341 = arith.constant 112 : index
      %swap3A_342 = tpu.vector_load %arg7[%swap3A_340, %swap3A_341] {strides = array<i32>} : memref<256x128xf32, #tpu.memory_space<vmem>>, vector<16xf32>,
      tpu.vector_store %arg7[%swap3A_340, %swap3A_341], %mul3A_339 {strides = array<i32>} : memref<256x128xf32, #tpu.memory_space<vmem>>, vector<16xf32>,
      %slice3A_343 = vector.extract_strided_slice %exp3A {offsets = [3], sizes = [1], strides = [1]} : vector<16xf32> to vector<1xf32>
      %squeeze3A_344 = vector.extract %slice3A_343[0] : f32 from vector<1xf32>
      %broadcast_in_dim3A_345 = vector.broadcast %squeeze3A_344 : f32 to vector<16xf32>
      %add3A_346 = arith.constant 3 : i32
      %add3A_347 = arith.addi %mul3A_159, %add3A_346 : i32
      %get3A_348 = arith.index_cast %add3A_347 : i32 to index
      %get3A_349 = arith.constant 0 : index
      %get3A_350 = tpu.vector_load %arg7[%get3A_348, %get3A_349] {strides = array<i32>} : memref<256x128xf32, #tpu.memory_space<vmem>>, vector<16xf32>,
      %mul3A_351 = arith.mulf %get3A_350, %broadcast_in_dim3A_345 : vector<16xf32>
      %swap3A_352 = arith.index_cast %add3A_347 : i32 to index
      %swap3A_353 = arith.constant 0 : index
      %swap3A_354 = tpu.vector_load %arg7[%swap3A_352, %swap3A_353] {strides = array<i32>} : memref<256x128xf32, #tpu.memory_space<vmem>>, vector<16xf32>,
      tpu.vector_store %arg7[%swap3A_352, %swap3A_353], %mul3A_351 {strides = array<i32>} : memref<256x128xf32, #tpu.memory_space<vmem>>, vector<16xf32>,
      %get3A_355 = arith.index_cast %add3A_347 : i32 to index
      %get3A_356 = arith.constant 16 : index
      %get3A_357 = tpu.vector_load %arg7[%get3A_355, %get3A_356] {strides = array<i32>} : memref<256x128xf32, #tpu.memory_space<vmem>>, vector<16xf32>,
      %mul3A_358 = arith.mulf %get3A_357, %broadcast_in_dim3A_345 : vector<16xf32>
      %swap3A_359 = arith.index_cast %add3A_347 : i32 to index
      %swap3A_360 = arith.constant 16 : index
      %swap3A_361 = tpu.vector_load %arg7[%swap3A_359, %swap3A_360] {strides = array<i32>} : memref<256x128xf32, #tpu.memory_space<vmem>>, vector<16xf32>,
      tpu.vector_store %arg7[%swap3A_359, %swap3A_360], %mul3A_358 {strides = array<i32>} : memref<256x128xf32, #tpu.memory_space<vmem>>, vector<16xf32>,
      %get3A_362 = arith.index_cast %add3A_347 : i32 to index
      %get3A_363 = arith.constant 32 : index
      %get3A_364 = tpu.vector_load %arg7[%get3A_362, %get3A_363] {strides = array<i32>} : memref<256x128xf32, #tpu.memory_space<vmem>>, vector<16xf32>,
      %mul3A_365 = arith.mulf %get3A_364, %broadcast_in_dim3A_345 : vector<16xf32>
      %swap3A_366 = arith.index_cast %add3A_347 : i32 to index
      %swap3A_367 = arith.constant 32 : index
      %swap3A_368 = tpu.vector_load %arg7[%swap3A_366, %swap3A_367] {strides = array<i32>} : memref<256x128xf32, #tpu.memory_space<vmem>>, vector<16xf32>,
      tpu.vector_store %arg7[%swap3A_366, %swap3A_367], %mul3A_365 {strides = array<i32>} : memref<256x128xf32, #tpu.memory_space<vmem>>, vector<16xf32>,
      %get3A_369 = arith.index_cast %add3A_347 : i32 to index
      %get3A_370 = arith.constant 48 : index
      %get3A_371 = tpu.vector_load %arg7[%get3A_369, %get3A_370] {strides = array<i32>} : memref<256x128xf32, #tpu.memory_space<vmem>>, vector<16xf32>,
      %mul3A_372 = arith.mulf %get3A_371, %broadcast_in_dim3A_345 : vector<16xf32>
      %swap3A_373 = arith.index_cast %add3A_347 : i32 to index
      %swap3A_374 = arith.constant 48 : index
      %swap3A_375 = tpu.vector_load %arg7[%swap3A_373, %swap3A_374] {strides = array<i32>} : memref<256x128xf32, #tpu.memory_space<vmem>>, vector<16xf32>,
      tpu.vector_store %arg7[%swap3A_373, %swap3A_374], %mul3A_372 {strides = array<i32>} : memref<256x128xf32, #tpu.memory_space<vmem>>, vector<16xf32>,
      %get3A_376 = arith.index_cast %add3A_347 : i32 to index
      %get3A_377 = arith.constant 64 : index
      %get3A_378 = tpu.vector_load %arg7[%get3A_376, %get3A_377] {strides = array<i32>} : memref<256x128xf32, #tpu.memory_space<vmem>>, vector<16xf32>,
      %mul3A_379 = arith.mulf %get3A_378, %broadcast_in_dim3A_345 : vector<16xf32>
      %swap3A_380 = arith.index_cast %add3A_347 : i32 to index
      %swap3A_381 = arith.constant 64 : index
      %swap3A_382 = tpu.vector_load %arg7[%swap3A_380, %swap3A_381] {strides = array<i32>} : memref<256x128xf32, #tpu.memory_space<vmem>>, vector<16xf32>,
      tpu.vector_store %arg7[%swap3A_380, %swap3A_381], %mul3A_379 {strides = array<i32>} : memref<256x128xf32, #tpu.memory_space<vmem>>, vector<16xf32>,
      %get3A_383 = arith.index_cast %add3A_347 : i32 to index
      %get3A_384 = arith.constant 80 : index
      %get3A_385 = tpu.vector_load %arg7[%get3A_383, %get3A_384] {strides = array<i32>} : memref<256x128xf32, #tpu.memory_space<vmem>>, vector<16xf32>,
      %mul3A_386 = arith.mulf %get3A_385, %broadcast_in_dim3A_345 : vector<16xf32>
      %swap3A_387 = arith.index_cast %add3A_347 : i32 to index
      %swap3A_388 = arith.constant 80 : index
      %swap3A_389 = tpu.vector_load %arg7[%swap3A_387, %swap3A_388] {strides = array<i32>} : memref<256x128xf32, #tpu.memory_space<vmem>>, vector<16xf32>,
      tpu.vector_store %arg7[%swap3A_387, %swap3A_388], %mul3A_386 {strides = array<i32>} : memref<256x128xf32, #tpu.memory_space<vmem>>, vector<16xf32>,
      %get3A_390 = arith.index_cast %add3A_347 : i32 to index
      %get3A_391 = arith.constant 96 : index
      %get3A_392 = tpu.vector_load %arg7[%get3A_390, %get3A_391] {strides = array<i32>} : memref<256x128xf32, #tpu.memory_space<vmem>>, vector<16xf32>,
      %mul3A_393 = arith.mulf %get3A_392, %broadcast_in_dim3A_345 : vector<16xf32>
      %swap3A_394 = arith.index_cast %add3A_347 : i32 to index
      %swap3A_395 = arith.constant 96 : index
      %swap3A_396 = tpu.vector_load %arg7[%swap3A_394, %swap3A_395] {strides = array<i32>} : memref<256x128xf32, #tpu.memory_space<vmem>>, vector<16xf32>,
      tpu.vector_store %arg7[%swap3A_394, %swap3A_395], %mul3A_393 {strides = array<i32>} : memref<256x128xf32, #tpu.memory_space<vmem>>, vector<16xf32>,
      %get3A_397 = arith.index_cast %add3A_347 : i32 to index
      %get3A_398 = arith.constant 112 : index
      %get3A_399 = tpu.vector_load %arg7[%get3A_397, %get3A_398] {strides = array<i32>} : memref<256x128xf32, #tpu.memory_space<vmem>>, vector<16xf32>,
      %mul3A_400 = arith.mulf %get3A_399, %broadcast_in_dim3A_345 : vector<16xf32>
      %swap3A_401 = arith.index_cast %add3A_347 : i32 to index
      %swap3A_402 = arith.constant 112 : index
      %swap3A_403 = tpu.vector_load %arg7[%swap3A_401, %swap3A_402] {strides = array<i32>} : memref<256x128xf32, #tpu.memory_space<vmem>>, vector<16xf32>,
      tpu.vector_store %arg7[%swap3A_401, %swap3A_402], %mul3A_400 {strides = array<i32>} : memref<256x128xf32, #tpu.memory_space<vmem>>, vector<16xf32>,
      %slice3A_404 = vector.extract_strided_slice %exp3A {offsets = [4], sizes = [1], strides = [1]} : vector<16xf32> to vector<1xf32>
      %squeeze3A_405 = vector.extract %slice3A_404[0] : f32 from vector<1xf32>
      %broadcast_in_dim3A_406 = vector.broadcast %squeeze3A_405 : f32 to vector<16xf32>
      %add3A_407 = arith.constant 4 : i32
      %add3A_408 = arith.addi %mul3A_159, %add3A_407 : i32
      %get3A_409 = arith.index_cast %add3A_408 : i32 to index
      %get3A_410 = arith.constant 0 : index
      %get3A_411 = tpu.vector_load %arg7[%get3A_409, %get3A_410] {strides = array<i32>} : memref<256x128xf32, #tpu.memory_space<vmem>>, vector<16xf32>,
      %mul3A_412 = arith.mulf %get3A_411, %broadcast_in_dim3A_406 : vector<16xf32>
      %swap3A_413 = arith.index_cast %add3A_408 : i32 to index
      %swap3A_414 = arith.constant 0 : index
      %swap3A_415 = tpu.vector_load %arg7[%swap3A_413, %swap3A_414] {strides = array<i32>} : memref<256x128xf32, #tpu.memory_space<vmem>>, vector<16xf32>,
      tpu.vector_store %arg7[%swap3A_413, %swap3A_414], %mul3A_412 {strides = array<i32>} : memref<256x128xf32, #tpu.memory_space<vmem>>, vector<16xf32>,
      %get3A_416 = arith.index_cast %add3A_408 : i32 to index
      %get3A_417 = arith.constant 16 : index
      %get3A_418 = tpu.vector_load %arg7[%get3A_416, %get3A_417] {strides = array<i32>} : memref<256x128xf32, #tpu.memory_space<vmem>>, vector<16xf32>,
      %mul3A_419 = arith.mulf %get3A_418, %broadcast_in_dim3A_406 : vector<16xf32>
      %swap3A_420 = arith.index_cast %add3A_408 : i32 to index
      %swap3A_421 = arith.constant 16 : index
      %swap3A_422 = tpu.vector_load %arg7[%swap3A_420, %swap3A_421] {strides = array<i32>} : memref<256x128xf32, #tpu.memory_space<vmem>>, vector<16xf32>,
      tpu.vector_store %arg7[%swap3A_420, %swap3A_421], %mul3A_419 {strides = array<i32>} : memref<256x128xf32, #tpu.memory_space<vmem>>, vector<16xf32>,
      %get3A_423 = arith.index_cast %add3A_408 : i32 to index
      %get3A_424 = arith.constant 32 : index
      %get3A_425 = tpu.vector_load %arg7[%get3A_423, %get3A_424] {strides = array<i32>} : memref<256x128xf32, #tpu.memory_space<vmem>>, vector<16xf32>,
      %mul3A_426 = arith.mulf %get3A_425, %broadcast_in_dim3A_406 : vector<16xf32>
      %swap3A_427 = arith.index_cast %add3A_408 : i32 to index
      %swap3A_428 = arith.constant 32 : index
      %swap3A_429 = tpu.vector_load %arg7[%swap3A_427, %swap3A_428] {strides = array<i32>} : memref<256x128xf32, #tpu.memory_space<vmem>>, vector<16xf32>,
      tpu.vector_store %arg7[%swap3A_427, %swap3A_428], %mul3A_426 {strides = array<i32>} : memref<256x128xf32, #tpu.memory_space<vmem>>, vector<16xf32>,
      %get3A_430 = arith.index_cast %add3A_408 : i32 to index
      %get3A_431 = arith.constant 48 : index
      %get3A_432 = tpu.vector_load %arg7[%get3A_430, %get3A_431] {strides = array<i32>} : memref<256x128xf32, #tpu.memory_space<vmem>>, vector<16xf32>,
      %mul3A_433 = arith.mulf %get3A_432, %broadcast_in_dim3A_406 : vector<16xf32>
      %swap3A_434 = arith.index_cast %add3A_408 : i32 to index
      %swap3A_435 = arith.constant 48 : index
      %swap3A_436 = tpu.vector_load %arg7[%swap3A_434, %swap3A_435] {strides = array<i32>} : memref<256x128xf32, #tpu.memory_space<vmem>>, vector<16xf32>,
      tpu.vector_store %arg7[%swap3A_434, %swap3A_435], %mul3A_433 {strides = array<i32>} : memref<256x128xf32, #tpu.memory_space<vmem>>, vector<16xf32>,
      %get3A_437 = arith.index_cast %add3A_408 : i32 to index
      %get3A_438 = arith.constant 64 : index
      %get3A_439 = tpu.vector_load %arg7[%get3A_437, %get3A_438] {strides = array<i32>} : memref<256x128xf32, #tpu.memory_space<vmem>>, vector<16xf32>,
      %mul3A_440 = arith.mulf %get3A_439, %broadcast_in_dim3A_406 : vector<16xf32>
      %swap3A_441 = arith.index_cast %add3A_408 : i32 to index
      %swap3A_442 = arith.constant 64 : index
      %swap3A_443 = tpu.vector_load %arg7[%swap3A_441, %swap3A_442] {strides = array<i32>} : memref<256x128xf32, #tpu.memory_space<vmem>>, vector<16xf32>,
      tpu.vector_store %arg7[%swap3A_441, %swap3A_442], %mul3A_440 {strides = array<i32>} : memref<256x128xf32, #tpu.memory_space<vmem>>, vector<16xf32>,
      %get3A_444 = arith.index_cast %add3A_408 : i32 to index
      %get3A_445 = arith.constant 80 : index
      %get3A_446 = tpu.vector_load %arg7[%get3A_444, %get3A_445] {strides = array<i32>} : memref<256x128xf32, #tpu.memory_space<vmem>>, vector<16xf32>,
      %mul3A_447 = arith.mulf %get3A_446, %broadcast_in_dim3A_406 : vector<16xf32>
      %swap3A_448 = arith.index_cast %add3A_408 : i32 to index
      %swap3A_449 = arith.constant 80 : index
      %swap3A_450 = tpu.vector_load %arg7[%swap3A_448, %swap3A_449] {strides = array<i32>} : memref<256x128xf32, #tpu.memory_space<vmem>>, vector<16xf32>,
      tpu.vector_store %arg7[%swap3A_448, %swap3A_449], %mul3A_447 {strides = array<i32>} : memref<256x128xf32, #tpu.memory_space<vmem>>, vector<16xf32>,
      %get3A_451 = arith.index_cast %add3A_408 : i32 to index
      %get3A_452 = arith.constant 96 : index
      %get3A_453 = tpu.vector_load %arg7[%get3A_451, %get3A_452] {strides = array<i32>} : memref<256x128xf32, #tpu.memory_space<vmem>>, vector<16xf32>,
      %mul3A_454 = arith.mulf %get3A_453, %broadcast_in_dim3A_406 : vector<16xf32>
      %swap3A_455 = arith.index_cast %add3A_408 : i32 to index
      %swap3A_456 = arith.constant 96 : index
      %swap3A_457 = tpu.vector_load %arg7[%swap3A_455, %swap3A_456] {strides = array<i32>} : memref<256x128xf32, #tpu.memory_space<vmem>>, vector<16xf32>,
      tpu.vector_store %arg7[%swap3A_455, %swap3A_456], %mul3A_454 {strides = array<i32>} : memref<256x128xf32, #tpu.memory_space<vmem>>, vector<16xf32>,
      %get3A_458 = arith.index_cast %add3A_408 : i32 to index
      %get3A_459 = arith.constant 112 : index
      %get3A_460 = tpu.vector_load %arg7[%get3A_458, %get3A_459] {strides = array<i32>} : memref<256x128xf32, #tpu.memory_space<vmem>>, vector<16xf32>,
      %mul3A_461 = arith.mulf %get3A_460, %broadcast_in_dim3A_406 : vector<16xf32>
      %swap3A_462 = arith.index_cast %add3A_408 : i32 to index
      %swap3A_463 = arith.constant 112 : index
      %swap3A_464 = tpu.vector_load %arg7[%swap3A_462, %swap3A_463] {strides = array<i32>} : memref<256x128xf32, #tpu.memory_space<vmem>>, vector<16xf32>,
      tpu.vector_store %arg7[%swap3A_462, %swap3A_463], %mul3A_461 {strides = array<i32>} : memref<256x128xf32, #tpu.memory_space<vmem>>, vector<16xf32>,
      %slice3A_465 = vector.extract_strided_slice %exp3A {offsets = [5], sizes = [1], strides = [1]} : vector<16xf32> to vector<1xf32>
      %squeeze3A_466 = vector.extract %slice3A_465[0] : f32 from vector<1xf32>
      %broadcast_in_dim3A_467 = vector.broadcast %squeeze3A_466 : f32 to vector<16xf32>
      %add3A_468 = arith.constant 5 : i32
      %add3A_469 = arith.addi %mul3A_159, %add3A_468 : i32
      %get3A_470 = arith.index_cast %add3A_469 : i32 to index
      %get3A_471 = arith.constant 0 : index
      %get3A_472 = tpu.vector_load %arg7[%get3A_470, %get3A_471] {strides = array<i32>} : memref<256x128xf32, #tpu.memory_space<vmem>>, vector<16xf32>,
      %mul3A_473 = arith.mulf %get3A_472, %broadcast_in_dim3A_467 : vector<16xf32>
      %swap3A_474 = arith.index_cast %add3A_469 : i32 to index
      %swap3A_475 = arith.constant 0 : index
      %swap3A_476 = tpu.vector_load %arg7[%swap3A_474, %swap3A_475] {strides = array<i32>} : memref<256x128xf32, #tpu.memory_space<vmem>>, vector<16xf32>,
      tpu.vector_store %arg7[%swap3A_474, %swap3A_475], %mul3A_473 {strides = array<i32>} : memref<256x128xf32, #tpu.memory_space<vmem>>, vector<16xf32>,
      %get3A_477 = arith.index_cast %add3A_469 : i32 to index
      %get3A_478 = arith.constant 16 : index
      %get3A_479 = tpu.vector_load %arg7[%get3A_477, %get3A_478] {strides = array<i32>} : memref<256x128xf32, #tpu.memory_space<vmem>>, vector<16xf32>,
      %mul3A_480 = arith.mulf %get3A_479, %broadcast_in_dim3A_467 : vector<16xf32>
      %swap3A_481 = arith.index_cast %add3A_469 : i32 to index
      %swap3A_482 = arith.constant 16 : index
      %swap3A_483 = tpu.vector_load %arg7[%swap3A_481, %swap3A_482] {strides = array<i32>} : memref<256x128xf32, #tpu.memory_space<vmem>>, vector<16xf32>,
      tpu.vector_store %arg7[%swap3A_481, %swap3A_482], %mul3A_480 {strides = array<i32>} : memref<256x128xf32, #tpu.memory_space<vmem>>, vector<16xf32>,
      %get3A_484 = arith.index_cast %add3A_469 : i32 to index
      %get3A_485 = arith.constant 32 : index
      %get3A_486 = tpu.vector_load %arg7[%get3A_484, %get3A_485] {strides = array<i32>} : memref<256x128xf32, #tpu.memory_space<vmem>>, vector<16xf32>,
      %mul3A_487 = arith.mulf %get3A_486, %broadcast_in_dim3A_467 : vector<16xf32>
      %swap3A_488 = arith.index_cast %add3A_469 : i32 to index
      %swap3A_489 = arith.constant 32 : index
      %swap3A_490 = tpu.vector_load %arg7[%swap3A_488, %swap3A_489] {strides = array<i32>} : memref<256x128xf32, #tpu.memory_space<vmem>>, vector<16xf32>,
      tpu.vector_store %arg7[%swap3A_488, %swap3A_489], %mul3A_487 {strides = array<i32>} : memref<256x128xf32, #tpu.memory_space<vmem>>, vector<16xf32>,
      %get3A_491 = arith.index_cast %add3A_469 : i32 to index
      %get3A_492 = arith.constant 48 : index
      %get3A_493 = tpu.vector_load %arg7[%get3A_491, %get3A_492] {strides = array<i32>} : memref<256x128xf32, #tpu.memory_space<vmem>>, vector<16xf32>,
      %mul3A_494 = arith.mulf %get3A_493, %broadcast_in_dim3A_467 : vector<16xf32>
      %swap3A_495 = arith.index_cast %add3A_469 : i32 to index
      %swap3A_496 = arith.constant 48 : index
      %swap3A_497 = tpu.vector_load %arg7[%swap3A_495, %swap3A_496] {strides = array<i32>} : memref<256x128xf32, #tpu.memory_space<vmem>>, vector<16xf32>,
      tpu.vector_store %arg7[%swap3A_495, %swap3A_496], %mul3A_494 {strides = array<i32>} : memref<256x128xf32, #tpu.memory_space<vmem>>, vector<16xf32>,
      %get3A_498 = arith.index_cast %add3A_469 : i32 to index
      %get3A_499 = arith.constant 64 : index
      %get3A_500 = tpu.vector_load %arg7[%get3A_498, %get3A_499] {strides = array<i32>} : memref<256x128xf32, #tpu.memory_space<vmem>>, vector<16xf32>,
      %mul3A_501 = arith.mulf %get3A_500, %broadcast_in_dim3A_467 : vector<16xf32>
      %swap3A_502 = arith.index_cast %add3A_469 : i32 to index
      %swap3A_503 = arith.constant 64 : index
      %swap3A_504 = tpu.vector_load %arg7[%swap3A_502, %swap3A_503] {strides = array<i32>} : memref<256x128xf32, #tpu.memory_space<vmem>>, vector<16xf32>,
      tpu.vector_store %arg7[%swap3A_502, %swap3A_503], %mul3A_501 {strides = array<i32>} : memref<256x128xf32, #tpu.memory_space<vmem>>, vector<16xf32>,
      %get3A_505 = arith.index_cast %add3A_469 : i32 to index
      %get3A_506 = arith.constant 80 : index
      %get3A_507 = tpu.vector_load %arg7[%get3A_505, %get3A_506] {strides = array<i32>} : memref<256x128xf32, #tpu.memory_space<vmem>>, vector<16xf32>,
      %mul3A_508 = arith.mulf %get3A_507, %broadcast_in_dim3A_467 : vector<16xf32>
      %swap3A_509 = arith.index_cast %add3A_469 : i32 to index
      %swap3A_510 = arith.constant 80 : index
      %swap3A_511 = tpu.vector_load %arg7[%swap3A_509, %swap3A_510] {strides = array<i32>} : memref<256x128xf32, #tpu.memory_space<vmem>>, vector<16xf32>,
      tpu.vector_store %arg7[%swap3A_509, %swap3A_510], %mul3A_508 {strides = array<i32>} : memref<256x128xf32, #tpu.memory_space<vmem>>, vector<16xf32>,
      %get3A_512 = arith.index_cast %add3A_469 : i32 to index
      %get3A_513 = arith.constant 96 : index
      %get3A_514 = tpu.vector_load %arg7[%get3A_512, %get3A_513] {strides = array<i32>} : memref<256x128xf32, #tpu.memory_space<vmem>>, vector<16xf32>,
      %mul3A_515 = arith.mulf %get3A_514, %broadcast_in_dim3A_467 : vector<16xf32>
      %swap3A_516 = arith.index_cast %add3A_469 : i32 to index
      %swap3A_517 = arith.constant 96 : index
      %swap3A_518 = tpu.vector_load %arg7[%swap3A_516, %swap3A_517] {strides = array<i32>} : memref<256x128xf32, #tpu.memory_space<vmem>>, vector<16xf32>,
      tpu.vector_store %arg7[%swap3A_516, %swap3A_517], %mul3A_515 {strides = array<i32>} : memref<256x128xf32, #tpu.memory_space<vmem>>, vector<16xf32>,
      %get3A_519 = arith.index_cast %add3A_469 : i32 to index
      %get3A_520 = arith.constant 112 : index
      %get3A_521 = tpu.vector_load %arg7[%get3A_519, %get3A_520] {strides = array<i32>} : memref<256x128xf32, #tpu.memory_space<vmem>>, vector<16xf32>,
      %mul3A_522 = arith.mulf %get3A_521, %broadcast_in_dim3A_467 : vector<16xf32>
      %swap3A_523 = arith.index_cast %add3A_469 : i32 to index
      %swap3A_524 = arith.constant 112 : index
      %swap3A_525 = tpu.vector_load %arg7[%swap3A_523, %swap3A_524] {strides = array<i32>} : memref<256x128xf32, #tpu.memory_space<vmem>>, vector<16xf32>,
      tpu.vector_store %arg7[%swap3A_523, %swap3A_524], %mul3A_522 {strides = array<i32>} : memref<256x128xf32, #tpu.memory_space<vmem>>, vector<16xf32>,
      %slice3A_526 = vector.extract_strided_slice %exp3A {offsets = [6], sizes = [1], strides = [1]} : vector<16xf32> to vector<1xf32>
      %squeeze3A_527 = vector.extract %slice3A_526[0] : f32 from vector<1xf32>
      %broadcast_in_dim3A_528 = vector.broadcast %squeeze3A_527 : f32 to vector<16xf32>
      %add3A_529 = arith.constant 6 : i32
      %add3A_530 = arith.addi %mul3A_159, %add3A_529 : i32
      %get3A_531 = arith.index_cast %add3A_530 : i32 to index
      %get3A_532 = arith.constant 0 : index
      %get3A_533 = tpu.vector_load %arg7[%get3A_531, %get3A_532] {strides = array<i32>} : memref<256x128xf32, #tpu.memory_space<vmem>>, vector<16xf32>,
      %mul3A_534 = arith.mulf %get3A_533, %broadcast_in_dim3A_528 : vector<16xf32>
      %swap3A_535 = arith.index_cast %add3A_530 : i32 to index
      %swap3A_536 = arith.constant 0 : index
      %swap3A_537 = tpu.vector_load %arg7[%swap3A_535, %swap3A_536] {strides = array<i32>} : memref<256x128xf32, #tpu.memory_space<vmem>>, vector<16xf32>,
      tpu.vector_store %arg7[%swap3A_535, %swap3A_536], %mul3A_534 {strides = array<i32>} : memref<256x128xf32, #tpu.memory_space<vmem>>, vector<16xf32>,
      %get3A_538 = arith.index_cast %add3A_530 : i32 to index
      %get3A_539 = arith.constant 16 : index
      %get3A_540 = tpu.vector_load %arg7[%get3A_538, %get3A_539] {strides = array<i32>} : memref<256x128xf32, #tpu.memory_space<vmem>>, vector<16xf32>,
      %mul3A_541 = arith.mulf %get3A_540, %broadcast_in_dim3A_528 : vector<16xf32>
      %swap3A_542 = arith.index_cast %add3A_530 : i32 to index
      %swap3A_543 = arith.constant 16 : index
      %swap3A_544 = tpu.vector_load %arg7[%swap3A_542, %swap3A_543] {strides = array<i32>} : memref<256x128xf32, #tpu.memory_space<vmem>>, vector<16xf32>,
      tpu.vector_store %arg7[%swap3A_542, %swap3A_543], %mul3A_541 {strides = array<i32>} : memref<256x128xf32, #tpu.memory_space<vmem>>, vector<16xf32>,
      %get3A_545 = arith.index_cast %add3A_530 : i32 to index
      %get3A_546 = arith.constant 32 : index
      %get3A_547 = tpu.vector_load %arg7[%get3A_545, %get3A_546] {strides = array<i32>} : memref<256x128xf32, #tpu.memory_space<vmem>>, vector<16xf32>,
      %mul3A_548 = arith.mulf %get3A_547, %broadcast_in_dim3A_528 : vector<16xf32>
      %swap3A_549 = arith.index_cast %add3A_530 : i32 to index
      %swap3A_550 = arith.constant 32 : index
      %swap3A_551 = tpu.vector_load %arg7[%swap3A_549, %swap3A_550] {strides = array<i32>} : memref<256x128xf32, #tpu.memory_space<vmem>>, vector<16xf32>,
      tpu.vector_store %arg7[%swap3A_549, %swap3A_550], %mul3A_548 {strides = array<i32>} : memref<256x128xf32, #tpu.memory_space<vmem>>, vector<16xf32>,
      %get3A_552 = arith.index_cast %add3A_530 : i32 to index
      %get3A_553 = arith.constant 48 : index
      %get3A_554 = tpu.vector_load %arg7[%get3A_552, %get3A_553] {strides = array<i32>} : memref<256x128xf32, #tpu.memory_space<vmem>>, vector<16xf32>,
      %mul3A_555 = arith.mulf %get3A_554, %broadcast_in_dim3A_528 : vector<16xf32>
      %swap3A_556 = arith.index_cast %add3A_530 : i32 to index
      %swap3A_557 = arith.constant 48 : index
      %swap3A_558 = tpu.vector_load %arg7[%swap3A_556, %swap3A_557] {strides = array<i32>} : memref<256x128xf32, #tpu.memory_space<vmem>>, vector<16xf32>,
      tpu.vector_store %arg7[%swap3A_556, %swap3A_557], %mul3A_555 {strides = array<i32>} : memref<256x128xf32, #tpu.memory_space<vmem>>, vector<16xf32>,
      %get3A_559 = arith.index_cast %add3A_530 : i32 to index
      %get3A_560 = arith.constant 64 : index
      %get3A_561 = tpu.vector_load %arg7[%get3A_559, %get3A_560] {strides = array<i32>} : memref<256x128xf32, #tpu.memory_space<vmem>>, vector<16xf32>,
      %mul3A_562 = arith.mulf %get3A_561, %broadcast_in_dim3A_528 : vector<16xf32>
      %swap3A_563 = arith.index_cast %add3A_530 : i32 to index
      %swap3A_564 = arith.constant 64 : index
      %swap3A_565 = tpu.vector_load %arg7[%swap3A_563, %swap3A_564] {strides = array<i32>} : memref<256x128xf32, #tpu.memory_space<vmem>>, vector<16xf32>,
      tpu.vector_store %arg7[%swap3A_563, %swap3A_564], %mul3A_562 {strides = array<i32>} : memref<256x128xf32, #tpu.memory_space<vmem>>, vector<16xf32>,
      %get3A_566 = arith.index_cast %add3A_530 : i32 to index
      %get3A_567 = arith.constant 80 : index
      %get3A_568 = tpu.vector_load %arg7[%get3A_566, %get3A_567] {strides = array<i32>} : memref<256x128xf32, #tpu.memory_space<vmem>>, vector<16xf32>,
      %mul3A_569 = arith.mulf %get3A_568, %broadcast_in_dim3A_528 : vector<16xf32>
      %swap3A_570 = arith.index_cast %add3A_530 : i32 to index
      %swap3A_571 = arith.constant 80 : index
      %swap3A_572 = tpu.vector_load %arg7[%swap3A_570, %swap3A_571] {strides = array<i32>} : memref<256x128xf32, #tpu.memory_space<vmem>>, vector<16xf32>,
      tpu.vector_store %arg7[%swap3A_570, %swap3A_571], %mul3A_569 {strides = array<i32>} : memref<256x128xf32, #tpu.memory_space<vmem>>, vector<16xf32>,
      %get3A_573 = arith.index_cast %add3A_530 : i32 to index
      %get3A_574 = arith.constant 96 : index
      %get3A_575 = tpu.vector_load %arg7[%get3A_573, %get3A_574] {strides = array<i32>} : memref<256x128xf32, #tpu.memory_space<vmem>>, vector<16xf32>,
      %mul3A_576 = arith.mulf %get3A_575, %broadcast_in_dim3A_528 : vector<16xf32>
      %swap3A_577 = arith.index_cast %add3A_530 : i32 to index
      %swap3A_578 = arith.constant 96 : index
      %swap3A_579 = tpu.vector_load %arg7[%swap3A_577, %swap3A_578] {strides = array<i32>} : memref<256x128xf32, #tpu.memory_space<vmem>>, vector<16xf32>,
      tpu.vector_store %arg7[%swap3A_577, %swap3A_578], %mul3A_576 {strides = array<i32>} : memref<256x128xf32, #tpu.memory_space<vmem>>, vector<16xf32>,
      %get3A_580 = arith.index_cast %add3A_530 : i32 to index
      %get3A_581 = arith.constant 112 : index
      %get3A_582 = tpu.vector_load %arg7[%get3A_580, %get3A_581] {strides = array<i32>} : memref<256x128xf32, #tpu.memory_space<vmem>>, vector<16xf32>,
      %mul3A_583 = arith.mulf %get3A_582, %broadcast_in_dim3A_528 : vector<16xf32>
      %swap3A_584 = arith.index_cast %add3A_530 : i32 to index
      %swap3A_585 = arith.constant 112 : index
      %swap3A_586 = tpu.vector_load %arg7[%swap3A_584, %swap3A_585] {strides = array<i32>} : memref<256x128xf32, #tpu.memory_space<vmem>>, vector<16xf32>,
      tpu.vector_store %arg7[%swap3A_584, %swap3A_585], %mul3A_583 {strides = array<i32>} : memref<256x128xf32, #tpu.memory_space<vmem>>, vector<16xf32>,
      %slice3A_587 = vector.extract_strided_slice %exp3A {offsets = [7], sizes = [1], strides = [1]} : vector<16xf32> to vector<1xf32>
      %squeeze3A_588 = vector.extract %slice3A_587[0] : f32 from vector<1xf32>
      %broadcast_in_dim3A_589 = vector.broadcast %squeeze3A_588 : f32 to vector<16xf32>
      %add3A_590 = arith.constant 7 : i32
      %add3A_591 = arith.addi %mul3A_159, %add3A_590 : i32
      %get3A_592 = arith.index_cast %add3A_591 : i32 to index
      %get3A_593 = arith.constant 0 : index
      %get3A_594 = tpu.vector_load %arg7[%get3A_592, %get3A_593] {strides = array<i32>} : memref<256x128xf32, #tpu.memory_space<vmem>>, vector<16xf32>,
      %mul3A_595 = arith.mulf %get3A_594, %broadcast_in_dim3A_589 : vector<16xf32>
      %swap3A_596 = arith.index_cast %add3A_591 : i32 to index
      %swap3A_597 = arith.constant 0 : index
      %swap3A_598 = tpu.vector_load %arg7[%swap3A_596, %swap3A_597] {strides = array<i32>} : memref<256x128xf32, #tpu.memory_space<vmem>>, vector<16xf32>,
      tpu.vector_store %arg7[%swap3A_596, %swap3A_597], %mul3A_595 {strides = array<i32>} : memref<256x128xf32, #tpu.memory_space<vmem>>, vector<16xf32>,
      %get3A_599 = arith.index_cast %add3A_591 : i32 to index
      %get3A_600 = arith.constant 16 : index
      %get3A_601 = tpu.vector_load %arg7[%get3A_599, %get3A_600] {strides = array<i32>} : memref<256x128xf32, #tpu.memory_space<vmem>>, vector<16xf32>,
      %mul3A_602 = arith.mulf %get3A_601, %broadcast_in_dim3A_589 : vector<16xf32>
      %swap3A_603 = arith.index_cast %add3A_591 : i32 to index
      %swap3A_604 = arith.constant 16 : index
      %swap3A_605 = tpu.vector_load %arg7[%swap3A_603, %swap3A_604] {strides = array<i32>} : memref<256x128xf32, #tpu.memory_space<vmem>>, vector<16xf32>,
      tpu.vector_store %arg7[%swap3A_603, %swap3A_604], %mul3A_602 {strides = array<i32>} : memref<256x128xf32, #tpu.memory_space<vmem>>, vector<16xf32>,
      %get3A_606 = arith.index_cast %add3A_591 : i32 to index
      %get3A_607 = arith.constant 32 : index
      %get3A_608 = tpu.vector_load %arg7[%get3A_606, %get3A_607] {strides = array<i32>} : memref<256x128xf32, #tpu.memory_space<vmem>>, vector<16xf32>,
      %mul3A_609 = arith.mulf %get3A_608, %broadcast_in_dim3A_589 : vector<16xf32>
      %swap3A_610 = arith.index_cast %add3A_591 : i32 to index
      %swap3A_611 = arith.constant 32 : index
      %swap3A_612 = tpu.vector_load %arg7[%swap3A_610, %swap3A_611] {strides = array<i32>} : memref<256x128xf32, #tpu.memory_space<vmem>>, vector<16xf32>,
      tpu.vector_store %arg7[%swap3A_610, %swap3A_611], %mul3A_609 {strides = array<i32>} : memref<256x128xf32, #tpu.memory_space<vmem>>, vector<16xf32>,
      %get3A_613 = arith.index_cast %add3A_591 : i32 to index
      %get3A_614 = arith.constant 48 : index
      %get3A_615 = tpu.vector_load %arg7[%get3A_613, %get3A_614] {strides = array<i32>} : memref<256x128xf32, #tpu.memory_space<vmem>>, vector<16xf32>,
      %mul3A_616 = arith.mulf %get3A_615, %broadcast_in_dim3A_589 : vector<16xf32>
      %swap3A_617 = arith.index_cast %add3A_591 : i32 to index
      %swap3A_618 = arith.constant 48 : index
      %swap3A_619 = tpu.vector_load %arg7[%swap3A_617, %swap3A_618] {strides = array<i32>} : memref<256x128xf32, #tpu.memory_space<vmem>>, vector<16xf32>,
      tpu.vector_store %arg7[%swap3A_617, %swap3A_618], %mul3A_616 {strides = array<i32>} : memref<256x128xf32, #tpu.memory_space<vmem>>, vector<16xf32>,
      %get3A_620 = arith.index_cast %add3A_591 : i32 to index
      %get3A_621 = arith.constant 64 : index
      %get3A_622 = tpu.vector_load %arg7[%get3A_620, %get3A_621] {strides = array<i32>} : memref<256x128xf32, #tpu.memory_space<vmem>>, vector<16xf32>,
      %mul3A_623 = arith.mulf %get3A_622, %broadcast_in_dim3A_589 : vector<16xf32>
      %swap3A_624 = arith.index_cast %add3A_591 : i32 to index
      %swap3A_625 = arith.constant 64 : index
      %swap3A_626 = tpu.vector_load %arg7[%swap3A_624, %swap3A_625] {strides = array<i32>} : memref<256x128xf32, #tpu.memory_space<vmem>>, vector<16xf32>,
      tpu.vector_store %arg7[%swap3A_624, %swap3A_625], %mul3A_623 {strides = array<i32>} : memref<256x128xf32, #tpu.memory_space<vmem>>, vector<16xf32>,
      %get3A_627 = arith.index_cast %add3A_591 : i32 to index
      %get3A_628 = arith.constant 80 : index
      %get3A_629 = tpu.vector_load %arg7[%get3A_627, %get3A_628] {strides = array<i32>} : memref<256x128xf32, #tpu.memory_space<vmem>>, vector<16xf32>,
      %mul3A_630 = arith.mulf %get3A_629, %broadcast_in_dim3A_589 : vector<16xf32>
      %swap3A_631 = arith.index_cast %add3A_591 : i32 to index
      %swap3A_632 = arith.constant 80 : index
      %swap3A_633 = tpu.vector_load %arg7[%swap3A_631, %swap3A_632] {strides = array<i32>} : memref<256x128xf32, #tpu.memory_space<vmem>>, vector<16xf32>,
      tpu.vector_store %arg7[%swap3A_631, %swap3A_632], %mul3A_630 {strides = array<i32>} : memref<256x128xf32, #tpu.memory_space<vmem>>, vector<16xf32>,
      %get3A_634 = arith.index_cast %add3A_591 : i32 to index
      %get3A_635 = arith.constant 96 : index
      %get3A_636 = tpu.vector_load %arg7[%get3A_634, %get3A_635] {strides = array<i32>} : memref<256x128xf32, #tpu.memory_space<vmem>>, vector<16xf32>,
      %mul3A_637 = arith.mulf %get3A_636, %broadcast_in_dim3A_589 : vector<16xf32>
      %swap3A_638 = arith.index_cast %add3A_591 : i32 to index
      %swap3A_639 = arith.constant 96 : index
      %swap3A_640 = tpu.vector_load %arg7[%swap3A_638, %swap3A_639] {strides = array<i32>} : memref<256x128xf32, #tpu.memory_space<vmem>>, vector<16xf32>,
      tpu.vector_store %arg7[%swap3A_638, %swap3A_639], %mul3A_637 {strides = array<i32>} : memref<256x128xf32, #tpu.memory_space<vmem>>, vector<16xf32>,
      %get3A_641 = arith.index_cast %add3A_591 : i32 to index
      %get3A_642 = arith.constant 112 : index
      %get3A_643 = tpu.vector_load %arg7[%get3A_641, %get3A_642] {strides = array<i32>} : memref<256x128xf32, #tpu.memory_space<vmem>>, vector<16xf32>,
      %mul3A_644 = arith.mulf %get3A_643, %broadcast_in_dim3A_589 : vector<16xf32>
      %swap3A_645 = arith.index_cast %add3A_591 : i32 to index
      %swap3A_646 = arith.constant 112 : index
      %swap3A_647 = tpu.vector_load %arg7[%swap3A_645, %swap3A_646] {strides = array<i32>} : memref<256x128xf32, #tpu.memory_space<vmem>>, vector<16xf32>,
      tpu.vector_store %arg7[%swap3A_645, %swap3A_646], %mul3A_644 {strides = array<i32>} : memref<256x128xf32, #tpu.memory_space<vmem>>, vector<16xf32>,
      %slice3A_648 = vector.extract_strided_slice %exp3A {offsets = [8], sizes = [1], strides = [1]} : vector<16xf32> to vector<1xf32>
      %squeeze3A_649 = vector.extract %slice3A_648[0] : f32 from vector<1xf32>
      %broadcast_in_dim3A_650 = vector.broadcast %squeeze3A_649 : f32 to vector<16xf32>
      %add3A_651 = arith.constant 8 : i32
      %add3A_652 = arith.addi %mul3A_159, %add3A_651 : i32
      %get3A_653 = arith.index_cast %add3A_652 : i32 to index
      %get3A_654 = arith.constant 0 : index
      %get3A_655 = tpu.vector_load %arg7[%get3A_653, %get3A_654] {strides = array<i32>} : memref<256x128xf32, #tpu.memory_space<vmem>>, vector<16xf32>,
      %mul3A_656 = arith.mulf %get3A_655, %broadcast_in_dim3A_650 : vector<16xf32>
      %swap3A_657 = arith.index_cast %add3A_652 : i32 to index
      %swap3A_658 = arith.constant 0 : index
      %swap3A_659 = tpu.vector_load %arg7[%swap3A_657, %swap3A_658] {strides = array<i32>} : memref<256x128xf32, #tpu.memory_space<vmem>>, vector<16xf32>,
      tpu.vector_store %arg7[%swap3A_657, %swap3A_658], %mul3A_656 {strides = array<i32>} : memref<256x128xf32, #tpu.memory_space<vmem>>, vector<16xf32>,
      %get3A_660 = arith.index_cast %add3A_652 : i32 to index
      %get3A_661 = arith.constant 16 : index
      %get3A_662 = tpu.vector_load %arg7[%get3A_660, %get3A_661] {strides = array<i32>} : memref<256x128xf32, #tpu.memory_space<vmem>>, vector<16xf32>,
      %mul3A_663 = arith.mulf %get3A_662, %broadcast_in_dim3A_650 : vector<16xf32>
      %swap3A_664 = arith.index_cast %add3A_652 : i32 to index
      %swap3A_665 = arith.constant 16 : index
      %swap3A_666 = tpu.vector_load %arg7[%swap3A_664, %swap3A_665] {strides = array<i32>} : memref<256x128xf32, #tpu.memory_space<vmem>>, vector<16xf32>,
      tpu.vector_store %arg7[%swap3A_664, %swap3A_665], %mul3A_663 {strides = array<i32>} : memref<256x128xf32, #tpu.memory_space<vmem>>, vector<16xf32>,
      %get3A_667 = arith.index_cast %add3A_652 : i32 to index
      %get3A_668 = arith.constant 32 : index
      %get3A_669 = tpu.vector_load %arg7[%get3A_667, %get3A_668] {strides = array<i32>} : memref<256x128xf32, #tpu.memory_space<vmem>>, vector<16xf32>,
      %mul3A_670 = arith.mulf %get3A_669, %broadcast_in_dim3A_650 : vector<16xf32>
      %swap3A_671 = arith.index_cast %add3A_652 : i32 to index
      %swap3A_672 = arith.constant 32 : index
      %swap3A_673 = tpu.vector_load %arg7[%swap3A_671, %swap3A_672] {strides = array<i32>} : memref<256x128xf32, #tpu.memory_space<vmem>>, vector<16xf32>,
      tpu.vector_store %arg7[%swap3A_671, %swap3A_672], %mul3A_670 {strides = array<i32>} : memref<256x128xf32, #tpu.memory_space<vmem>>, vector<16xf32>,
      %get3A_674 = arith.index_cast %add3A_652 : i32 to index
      %get3A_675 = arith.constant 48 : index
      %get3A_676 = tpu.vector_load %arg7[%get3A_674, %get3A_675] {strides = array<i32>} : memref<256x128xf32, #tpu.memory_space<vmem>>, vector<16xf32>,
      %mul3A_677 = arith.mulf %get3A_676, %broadcast_in_dim3A_650 : vector<16xf32>
      %swap3A_678 = arith.index_cast %add3A_652 : i32 to index
      %swap3A_679 = arith.constant 48 : index
      %swap3A_680 = tpu.vector_load %arg7[%swap3A_678, %swap3A_679] {strides = array<i32>} : memref<256x128xf32, #tpu.memory_space<vmem>>, vector<16xf32>,
      tpu.vector_store %arg7[%swap3A_678, %swap3A_679], %mul3A_677 {strides = array<i32>} : memref<256x128xf32, #tpu.memory_space<vmem>>, vector<16xf32>,
      %get3A_681 = arith.index_cast %add3A_652 : i32 to index
      %get3A_682 = arith.constant 64 : index
      %get3A_683 = tpu.vector_load %arg7[%get3A_681, %get3A_682] {strides = array<i32>} : memref<256x128xf32, #tpu.memory_space<vmem>>, vector<16xf32>,
      %mul3A_684 = arith.mulf %get3A_683, %broadcast_in_dim3A_650 : vector<16xf32>
      %swap3A_685 = arith.index_cast %add3A_652 : i32 to index
      %swap3A_686 = arith.constant 64 : index
      %swap3A_687 = tpu.vector_load %arg7[%swap3A_685, %swap3A_686] {strides = array<i32>} : memref<256x128xf32, #tpu.memory_space<vmem>>, vector<16xf32>,
      tpu.vector_store %arg7[%swap3A_685, %swap3A_686], %mul3A_684 {strides = array<i32>} : memref<256x128xf32, #tpu.memory_space<vmem>>, vector<16xf32>,
      %get3A_688 = arith.index_cast %add3A_652 : i32 to index
      %get3A_689 = arith.constant 80 : index
      %get3A_690 = tpu.vector_load %arg7[%get3A_688, %get3A_689] {strides = array<i32>} : memref<256x128xf32, #tpu.memory_space<vmem>>, vector<16xf32>,
      %mul3A_691 = arith.mulf %get3A_690, %broadcast_in_dim3A_650 : vector<16xf32>
      %swap3A_692 = arith.index_cast %add3A_652 : i32 to index
      %swap3A_693 = arith.constant 80 : index
      %swap3A_694 = tpu.vector_load %arg7[%swap3A_692, %swap3A_693] {strides = array<i32>} : memref<256x128xf32, #tpu.memory_space<vmem>>, vector<16xf32>,
      tpu.vector_store %arg7[%swap3A_692, %swap3A_693], %mul3A_691 {strides = array<i32>} : memref<256x128xf32, #tpu.memory_space<vmem>>, vector<16xf32>,
      %get3A_695 = arith.index_cast %add3A_652 : i32 to index
      %get3A_696 = arith.constant 96 : index
      %get3A_697 = tpu.vector_load %arg7[%get3A_695, %get3A_696] {strides = array<i32>} : memref<256x128xf32, #tpu.memory_space<vmem>>, vector<16xf32>,
      %mul3A_698 = arith.mulf %get3A_697, %broadcast_in_dim3A_650 : vector<16xf32>
      %swap3A_699 = arith.index_cast %add3A_652 : i32 to index
      %swap3A_700 = arith.constant 96 : index
      %swap3A_701 = tpu.vector_load %arg7[%swap3A_699, %swap3A_700] {strides = array<i32>} : memref<256x128xf32, #tpu.memory_space<vmem>>, vector<16xf32>,
      tpu.vector_store %arg7[%swap3A_699, %swap3A_700], %mul3A_698 {strides = array<i32>} : memref<256x128xf32, #tpu.memory_space<vmem>>, vector<16xf32>,
      %get3A_702 = arith.index_cast %add3A_652 : i32 to index
      %get3A_703 = arith.constant 112 : index
      %get3A_704 = tpu.vector_load %arg7[%get3A_702, %get3A_703] {strides = array<i32>} : memref<256x128xf32, #tpu.memory_space<vmem>>, vector<16xf32>,
      %mul3A_705 = arith.mulf %get3A_704, %broadcast_in_dim3A_650 : vector<16xf32>
      %swap3A_706 = arith.index_cast %add3A_652 : i32 to index
      %swap3A_707 = arith.constant 112 : index
      %swap3A_708 = tpu.vector_load %arg7[%swap3A_706, %swap3A_707] {strides = array<i32>} : memref<256x128xf32, #tpu.memory_space<vmem>>, vector<16xf32>,
      tpu.vector_store %arg7[%swap3A_706, %swap3A_707], %mul3A_705 {strides = array<i32>} : memref<256x128xf32, #tpu.memory_space<vmem>>, vector<16xf32>,
      %slice3A_709 = vector.extract_strided_slice %exp3A {offsets = [9], sizes = [1], strides = [1]} : vector<16xf32> to vector<1xf32>
      %squeeze3A_710 = vector.extract %slice3A_709[0] : f32 from vector<1xf32>
      %broadcast_in_dim3A_711 = vector.broadcast %squeeze3A_710 : f32 to vector<16xf32>
      %add3A_712 = arith.constant 9 : i32
      %add3A_713 = arith.addi %mul3A_159, %add3A_712 : i32
      %get3A_714 = arith.index_cast %add3A_713 : i32 to index
      %get3A_715 = arith.constant 0 : index
      %get3A_716 = tpu.vector_load %arg7[%get3A_714, %get3A_715] {strides = array<i32>} : memref<256x128xf32, #tpu.memory_space<vmem>>, vector<16xf32>,
      %mul3A_717 = arith.mulf %get3A_716, %broadcast_in_dim3A_711 : vector<16xf32>
      %swap3A_718 = arith.index_cast %add3A_713 : i32 to index
      %swap3A_719 = arith.constant 0 : index
      %swap3A_720 = tpu.vector_load %arg7[%swap3A_718, %swap3A_719] {strides = array<i32>} : memref<256x128xf32, #tpu.memory_space<vmem>>, vector<16xf32>,
      tpu.vector_store %arg7[%swap3A_718, %swap3A_719], %mul3A_717 {strides = array<i32>} : memref<256x128xf32, #tpu.memory_space<vmem>>, vector<16xf32>,
      %get3A_721 = arith.index_cast %add3A_713 : i32 to index
      %get3A_722 = arith.constant 16 : index
      %get3A_723 = tpu.vector_load %arg7[%get3A_721, %get3A_722] {strides = array<i32>} : memref<256x128xf32, #tpu.memory_space<vmem>>, vector<16xf32>,
      %mul3A_724 = arith.mulf %get3A_723, %broadcast_in_dim3A_711 : vector<16xf32>
      %swap3A_725 = arith.index_cast %add3A_713 : i32 to index
      %swap3A_726 = arith.constant 16 : index
      %swap3A_727 = tpu.vector_load %arg7[%swap3A_725, %swap3A_726] {strides = array<i32>} : memref<256x128xf32, #tpu.memory_space<vmem>>, vector<16xf32>,
      tpu.vector_store %arg7[%swap3A_725, %swap3A_726], %mul3A_724 {strides = array<i32>} : memref<256x128xf32, #tpu.memory_space<vmem>>, vector<16xf32>,
      %get3A_728 = arith.index_cast %add3A_713 : i32 to index
      %get3A_729 = arith.constant 32 : index
      %get3A_730 = tpu.vector_load %arg7[%get3A_728, %get3A_729] {strides = array<i32>} : memref<256x128xf32, #tpu.memory_space<vmem>>, vector<16xf32>,
      %mul3A_731 = arith.mulf %get3A_730, %broadcast_in_dim3A_711 : vector<16xf32>
      %swap3A_732 = arith.index_cast %add3A_713 : i32 to index
      %swap3A_733 = arith.constant 32 : index
      %swap3A_734 = tpu.vector_load %arg7[%swap3A_732, %swap3A_733] {strides = array<i32>} : memref<256x128xf32, #tpu.memory_space<vmem>>, vector<16xf32>,
      tpu.vector_store %arg7[%swap3A_732, %swap3A_733], %mul3A_731 {strides = array<i32>} : memref<256x128xf32, #tpu.memory_space<vmem>>, vector<16xf32>,
      %get3A_735 = arith.index_cast %add3A_713 : i32 to index
      %get3A_736 = arith.constant 48 : index
      %get3A_737 = tpu.vector_load %arg7[%get3A_735, %get3A_736] {strides = array<i32>} : memref<256x128xf32, #tpu.memory_space<vmem>>, vector<16xf32>,
      %mul3A_738 = arith.mulf %get3A_737, %broadcast_in_dim3A_711 : vector<16xf32>
      %swap3A_739 = arith.index_cast %add3A_713 : i32 to index
      %swap3A_740 = arith.constant 48 : index
      %swap3A_741 = tpu.vector_load %arg7[%swap3A_739, %swap3A_740] {strides = array<i32>} : memref<256x128xf32, #tpu.memory_space<vmem>>, vector<16xf32>,
      tpu.vector_store %arg7[%swap3A_739, %swap3A_740], %mul3A_738 {strides = array<i32>} : memref<256x128xf32, #tpu.memory_space<vmem>>, vector<16xf32>,
      %get3A_742 = arith.index_cast %add3A_713 : i32 to index
      %get3A_743 = arith.constant 64 : index
      %get3A_744 = tpu.vector_load %arg7[%get3A_742, %get3A_743] {strides = array<i32>} : memref<256x128xf32, #tpu.memory_space<vmem>>, vector<16xf32>,
      %mul3A_745 = arith.mulf %get3A_744, %broadcast_in_dim3A_711 : vector<16xf32>
      %swap3A_746 = arith.index_cast %add3A_713 : i32 to index
      %swap3A_747 = arith.constant 64 : index
      %swap3A_748 = tpu.vector_load %arg7[%swap3A_746, %swap3A_747] {strides = array<i32>} : memref<256x128xf32, #tpu.memory_space<vmem>>, vector<16xf32>,
      tpu.vector_store %arg7[%swap3A_746, %swap3A_747], %mul3A_745 {strides = array<i32>} : memref<256x128xf32, #tpu.memory_space<vmem>>, vector<16xf32>,
      %get3A_749 = arith.index_cast %add3A_713 : i32 to index
      %get3A_750 = arith.constant 80 : index
      %get3A_751 = tpu.vector_load %arg7[%get3A_749, %get3A_750] {strides = array<i32>} : memref<256x128xf32, #tpu.memory_space<vmem>>, vector<16xf32>,
      %mul3A_752 = arith.mulf %get3A_751, %broadcast_in_dim3A_711 : vector<16xf32>
      %swap3A_753 = arith.index_cast %add3A_713 : i32 to index
      %swap3A_754 = arith.constant 80 : index
      %swap3A_755 = tpu.vector_load %arg7[%swap3A_753, %swap3A_754] {strides = array<i32>} : memref<256x128xf32, #tpu.memory_space<vmem>>, vector<16xf32>,
      tpu.vector_store %arg7[%swap3A_753, %swap3A_754], %mul3A_752 {strides = array<i32>} : memref<256x128xf32, #tpu.memory_space<vmem>>, vector<16xf32>,
      %get3A_756 = arith.index_cast %add3A_713 : i32 to index
      %get3A_757 = arith.constant 96 : index
      %get3A_758 = tpu.vector_load %arg7[%get3A_756, %get3A_757] {strides = array<i32>} : memref<256x128xf32, #tpu.memory_space<vmem>>, vector<16xf32>,
      %mul3A_759 = arith.mulf %get3A_758, %broadcast_in_dim3A_711 : vector<16xf32>
      %swap3A_760 = arith.index_cast %add3A_713 : i32 to index
      %swap3A_761 = arith.constant 96 : index
      %swap3A_762 = tpu.vector_load %arg7[%swap3A_760, %swap3A_761] {strides = array<i32>} : memref<256x128xf32, #tpu.memory_space<vmem>>, vector<16xf32>,
      tpu.vector_store %arg7[%swap3A_760, %swap3A_761], %mul3A_759 {strides = array<i32>} : memref<256x128xf32, #tpu.memory_space<vmem>>, vector<16xf32>,
      %get3A_763 = arith.index_cast %add3A_713 : i32 to index
      %get3A_764 = arith.constant 112 : index
      %get3A_765 = tpu.vector_load %arg7[%get3A_763, %get3A_764] {strides = array<i32>} : memref<256x128xf32, #tpu.memory_space<vmem>>, vector<16xf32>,
      %mul3A_766 = arith.mulf %get3A_765, %broadcast_in_dim3A_711 : vector<16xf32>
      %swap3A_767 = arith.index_cast %add3A_713 : i32 to index
      %swap3A_768 = arith.constant 112 : index
      %swap3A_769 = tpu.vector_load %arg7[%swap3A_767, %swap3A_768] {strides = array<i32>} : memref<256x128xf32, #tpu.memory_space<vmem>>, vector<16xf32>,
      tpu.vector_store %arg7[%swap3A_767, %swap3A_768], %mul3A_766 {strides = array<i32>} : memref<256x128xf32, #tpu.memory_space<vmem>>, vector<16xf32>,
      %slice3A_770 = vector.extract_strided_slice %exp3A {offsets = [10], sizes = [1], strides = [1]} : vector<16xf32> to vector<1xf32>
      %squeeze3A_771 = vector.extract %slice3A_770[0] : f32 from vector<1xf32>
      %broadcast_in_dim3A_772 = vector.broadcast %squeeze3A_771 : f32 to vector<16xf32>
      %add3A_773 = arith.constant 10 : i32
      %add3A_774 = arith.addi %mul3A_159, %add3A_773 : i32
      %get3A_775 = arith.index_cast %add3A_774 : i32 to index
      %get3A_776 = arith.constant 0 : index
      %get3A_777 = tpu.vector_load %arg7[%get3A_775, %get3A_776] {strides = array<i32>} : memref<256x128xf32, #tpu.memory_space<vmem>>, vector<16xf32>,
      %mul3A_778 = arith.mulf %get3A_777, %broadcast_in_dim3A_772 : vector<16xf32>
      %swap3A_779 = arith.index_cast %add3A_774 : i32 to index
      %swap3A_780 = arith.constant 0 : index
      %swap3A_781 = tpu.vector_load %arg7[%swap3A_779, %swap3A_780] {strides = array<i32>} : memref<256x128xf32, #tpu.memory_space<vmem>>, vector<16xf32>,
      tpu.vector_store %arg7[%swap3A_779, %swap3A_780], %mul3A_778 {strides = array<i32>} : memref<256x128xf32, #tpu.memory_space<vmem>>, vector<16xf32>,
      %get3A_782 = arith.index_cast %add3A_774 : i32 to index
      %get3A_783 = arith.constant 16 : index
      %get3A_784 = tpu.vector_load %arg7[%get3A_782, %get3A_783] {strides = array<i32>} : memref<256x128xf32, #tpu.memory_space<vmem>>, vector<16xf32>,
      %mul3A_785 = arith.mulf %get3A_784, %broadcast_in_dim3A_772 : vector<16xf32>
      %swap3A_786 = arith.index_cast %add3A_774 : i32 to index
      %swap3A_787 = arith.constant 16 : index
      %swap3A_788 = tpu.vector_load %arg7[%swap3A_786, %swap3A_787] {strides = array<i32>} : memref<256x128xf32, #tpu.memory_space<vmem>>, vector<16xf32>,
      tpu.vector_store %arg7[%swap3A_786, %swap3A_787], %mul3A_785 {strides = array<i32>} : memref<256x128xf32, #tpu.memory_space<vmem>>, vector<16xf32>,
      %get3A_789 = arith.index_cast %add3A_774 : i32 to index
      %get3A_790 = arith.constant 32 : index
      %get3A_791 = tpu.vector_load %arg7[%get3A_789, %get3A_790] {strides = array<i32>} : memref<256x128xf32, #tpu.memory_space<vmem>>, vector<16xf32>,
      %mul3A_792 = arith.mulf %get3A_791, %broadcast_in_dim3A_772 : vector<16xf32>
      %swap3A_793 = arith.index_cast %add3A_774 : i32 to index
      %swap3A_794 = arith.constant 32 : index
      %swap3A_795 = tpu.vector_load %arg7[%swap3A_793, %swap3A_794] {strides = array<i32>} : memref<256x128xf32, #tpu.memory_space<vmem>>, vector<16xf32>,
      tpu.vector_store %arg7[%swap3A_793, %swap3A_794], %mul3A_792 {strides = array<i32>} : memref<256x128xf32, #tpu.memory_space<vmem>>, vector<16xf32>,
      %get3A_796 = arith.index_cast %add3A_774 : i32 to index
      %get3A_797 = arith.constant 48 : index
      %get3A_798 = tpu.vector_load %arg7[%get3A_796, %get3A_797] {strides = array<i32>} : memref<256x128xf32, #tpu.memory_space<vmem>>, vector<16xf32>,
      %mul3A_799 = arith.mulf %get3A_798, %broadcast_in_dim3A_772 : vector<16xf32>
      %swap3A_800 = arith.index_cast %add3A_774 : i32 to index
      %swap3A_801 = arith.constant 48 : index
      %swap3A_802 = tpu.vector_load %arg7[%swap3A_800, %swap3A_801] {strides = array<i32>} : memref<256x128xf32, #tpu.memory_space<vmem>>, vector<16xf32>,
      tpu.vector_store %arg7[%swap3A_800, %swap3A_801], %mul3A_799 {strides = array<i32>} : memref<256x128xf32, #tpu.memory_space<vmem>>, vector<16xf32>,
      %get3A_803 = arith.index_cast %add3A_774 : i32 to index
      %get3A_804 = arith.constant 64 : index
      %get3A_805 = tpu.vector_load %arg7[%get3A_803, %get3A_804] {strides = array<i32>} : memref<256x128xf32, #tpu.memory_space<vmem>>, vector<16xf32>,
      %mul3A_806 = arith.mulf %get3A_805, %broadcast_in_dim3A_772 : vector<16xf32>
      %swap3A_807 = arith.index_cast %add3A_774 : i32 to index
      %swap3A_808 = arith.constant 64 : index
      %swap3A_809 = tpu.vector_load %arg7[%swap3A_807, %swap3A_808] {strides = array<i32>} : memref<256x128xf32, #tpu.memory_space<vmem>>, vector<16xf32>,
      tpu.vector_store %arg7[%swap3A_807, %swap3A_808], %mul3A_806 {strides = array<i32>} : memref<256x128xf32, #tpu.memory_space<vmem>>, vector<16xf32>,
      %get3A_810 = arith.index_cast %add3A_774 : i32 to index
      %get3A_811 = arith.constant 80 : index
      %get3A_812 = tpu.vector_load %arg7[%get3A_810, %get3A_811] {strides = array<i32>} : memref<256x128xf32, #tpu.memory_space<vmem>>, vector<16xf32>,
      %mul3A_813 = arith.mulf %get3A_812, %broadcast_in_dim3A_772 : vector<16xf32>
      %swap3A_814 = arith.index_cast %add3A_774 : i32 to index
      %swap3A_815 = arith.constant 80 : index
      %swap3A_816 = tpu.vector_load %arg7[%swap3A_814, %swap3A_815] {strides = array<i32>} : memref<256x128xf32, #tpu.memory_space<vmem>>, vector<16xf32>,
      tpu.vector_store %arg7[%swap3A_814, %swap3A_815], %mul3A_813 {strides = array<i32>} : memref<256x128xf32, #tpu.memory_space<vmem>>, vector<16xf32>,
      %get3A_817 = arith.index_cast %add3A_774 : i32 to index
      %get3A_818 = arith.constant 96 : index
      %get3A_819 = tpu.vector_load %arg7[%get3A_817, %get3A_818] {strides = array<i32>} : memref<256x128xf32, #tpu.memory_space<vmem>>, vector<16xf32>,
      %mul3A_820 = arith.mulf %get3A_819, %broadcast_in_dim3A_772 : vector<16xf32>
      %swap3A_821 = arith.index_cast %add3A_774 : i32 to index
      %swap3A_822 = arith.constant 96 : index
      %swap3A_823 = tpu.vector_load %arg7[%swap3A_821, %swap3A_822] {strides = array<i32>} : memref<256x128xf32, #tpu.memory_space<vmem>>, vector<16xf32>,
      tpu.vector_store %arg7[%swap3A_821, %swap3A_822], %mul3A_820 {strides = array<i32>} : memref<256x128xf32, #tpu.memory_space<vmem>>, vector<16xf32>,
      %get3A_824 = arith.index_cast %add3A_774 : i32 to index
      %get3A_825 = arith.constant 112 : index
      %get3A_826 = tpu.vector_load %arg7[%get3A_824, %get3A_825] {strides = array<i32>} : memref<256x128xf32, #tpu.memory_space<vmem>>, vector<16xf32>,
      %mul3A_827 = arith.mulf %get3A_826, %broadcast_in_dim3A_772 : vector<16xf32>
      %swap3A_828 = arith.index_cast %add3A_774 : i32 to index
      %swap3A_829 = arith.constant 112 : index
      %swap3A_830 = tpu.vector_load %arg7[%swap3A_828, %swap3A_829] {strides = array<i32>} : memref<256x128xf32, #tpu.memory_space<vmem>>, vector<16xf32>,
      tpu.vector_store %arg7[%swap3A_828, %swap3A_829], %mul3A_827 {strides = array<i32>} : memref<256x128xf32, #tpu.memory_space<vmem>>, vector<16xf32>,
      %slice3A_831 = vector.extract_strided_slice %exp3A {offsets = [11], sizes = [1], strides = [1]} : vector<16xf32> to vector<1xf32>
      %squeeze3A_832 = vector.extract %slice3A_831[0] : f32 from vector<1xf32>
      %broadcast_in_dim3A_833 = vector.broadcast %squeeze3A_832 : f32 to vector<16xf32>
      %add3A_834 = arith.constant 11 : i32
      %add3A_835 = arith.addi %mul3A_159, %add3A_834 : i32
      %get3A_836 = arith.index_cast %add3A_835 : i32 to index
      %get3A_837 = arith.constant 0 : index
      %get3A_838 = tpu.vector_load %arg7[%get3A_836, %get3A_837] {strides = array<i32>} : memref<256x128xf32, #tpu.memory_space<vmem>>, vector<16xf32>,
      %mul3A_839 = arith.mulf %get3A_838, %broadcast_in_dim3A_833 : vector<16xf32>
      %swap3A_840 = arith.index_cast %add3A_835 : i32 to index
      %swap3A_841 = arith.constant 0 : index
      %swap3A_842 = tpu.vector_load %arg7[%swap3A_840, %swap3A_841] {strides = array<i32>} : memref<256x128xf32, #tpu.memory_space<vmem>>, vector<16xf32>,
      tpu.vector_store %arg7[%swap3A_840, %swap3A_841], %mul3A_839 {strides = array<i32>} : memref<256x128xf32, #tpu.memory_space<vmem>>, vector<16xf32>,
      %get3A_843 = arith.index_cast %add3A_835 : i32 to index
      %get3A_844 = arith.constant 16 : index
      %get3A_845 = tpu.vector_load %arg7[%get3A_843, %get3A_844] {strides = array<i32>} : memref<256x128xf32, #tpu.memory_space<vmem>>, vector<16xf32>,
      %mul3A_846 = arith.mulf %get3A_845, %broadcast_in_dim3A_833 : vector<16xf32>
      %swap3A_847 = arith.index_cast %add3A_835 : i32 to index
      %swap3A_848 = arith.constant 16 : index
      %swap3A_849 = tpu.vector_load %arg7[%swap3A_847, %swap3A_848] {strides = array<i32>} : memref<256x128xf32, #tpu.memory_space<vmem>>, vector<16xf32>,
      tpu.vector_store %arg7[%swap3A_847, %swap3A_848], %mul3A_846 {strides = array<i32>} : memref<256x128xf32, #tpu.memory_space<vmem>>, vector<16xf32>,
      %get3A_850 = arith.index_cast %add3A_835 : i32 to index
      %get3A_851 = arith.constant 32 : index
      %get3A_852 = tpu.vector_load %arg7[%get3A_850, %get3A_851] {strides = array<i32>} : memref<256x128xf32, #tpu.memory_space<vmem>>, vector<16xf32>,
      %mul3A_853 = arith.mulf %get3A_852, %broadcast_in_dim3A_833 : vector<16xf32>
      %swap3A_854 = arith.index_cast %add3A_835 : i32 to index
      %swap3A_855 = arith.constant 32 : index
      %swap3A_856 = tpu.vector_load %arg7[%swap3A_854, %swap3A_855] {strides = array<i32>} : memref<256x128xf32, #tpu.memory_space<vmem>>, vector<16xf32>,
      tpu.vector_store %arg7[%swap3A_854, %swap3A_855], %mul3A_853 {strides = array<i32>} : memref<256x128xf32, #tpu.memory_space<vmem>>, vector<16xf32>,
      %get3A_857 = arith.index_cast %add3A_835 : i32 to index
      %get3A_858 = arith.constant 48 : index
      %get3A_859 = tpu.vector_load %arg7[%get3A_857, %get3A_858] {strides = array<i32>} : memref<256x128xf32, #tpu.memory_space<vmem>>, vector<16xf32>,
      %mul3A_860 = arith.mulf %get3A_859, %broadcast_in_dim3A_833 : vector<16xf32>
      %swap3A_861 = arith.index_cast %add3A_835 : i32 to index
      %swap3A_862 = arith.constant 48 : index
      %swap3A_863 = tpu.vector_load %arg7[%swap3A_861, %swap3A_862] {strides = array<i32>} : memref<256x128xf32, #tpu.memory_space<vmem>>, vector<16xf32>,
      tpu.vector_store %arg7[%swap3A_861, %swap3A_862], %mul3A_860 {strides = array<i32>} : memref<256x128xf32, #tpu.memory_space<vmem>>, vector<16xf32>,
      %get3A_864 = arith.index_cast %add3A_835 : i32 to index
      %get3A_865 = arith.constant 64 : index
      %get3A_866 = tpu.vector_load %arg7[%get3A_864, %get3A_865] {strides = array<i32>} : memref<256x128xf32, #tpu.memory_space<vmem>>, vector<16xf32>,
      %mul3A_867 = arith.mulf %get3A_866, %broadcast_in_dim3A_833 : vector<16xf32>
      %swap3A_868 = arith.index_cast %add3A_835 : i32 to index
      %swap3A_869 = arith.constant 64 : index
      %swap3A_870 = tpu.vector_load %arg7[%swap3A_868, %swap3A_869] {strides = array<i32>} : memref<256x128xf32, #tpu.memory_space<vmem>>, vector<16xf32>,
      tpu.vector_store %arg7[%swap3A_868, %swap3A_869], %mul3A_867 {strides = array<i32>} : memref<256x128xf32, #tpu.memory_space<vmem>>, vector<16xf32>,
      %get3A_871 = arith.index_cast %add3A_835 : i32 to index
      %get3A_872 = arith.constant 80 : index
      %get3A_873 = tpu.vector_load %arg7[%get3A_871, %get3A_872] {strides = array<i32>} : memref<256x128xf32, #tpu.memory_space<vmem>>, vector<16xf32>,
      %mul3A_874 = arith.mulf %get3A_873, %broadcast_in_dim3A_833 : vector<16xf32>
      %swap3A_875 = arith.index_cast %add3A_835 : i32 to index
      %swap3A_876 = arith.constant 80 : index
      %swap3A_877 = tpu.vector_load %arg7[%swap3A_875, %swap3A_876] {strides = array<i32>} : memref<256x128xf32, #tpu.memory_space<vmem>>, vector<16xf32>,
      tpu.vector_store %arg7[%swap3A_875, %swap3A_876], %mul3A_874 {strides = array<i32>} : memref<256x128xf32, #tpu.memory_space<vmem>>, vector<16xf32>,
      %get3A_878 = arith.index_cast %add3A_835 : i32 to index
      %get3A_879 = arith.constant 96 : index
      %get3A_880 = tpu.vector_load %arg7[%get3A_878, %get3A_879] {strides = array<i32>} : memref<256x128xf32, #tpu.memory_space<vmem>>, vector<16xf32>,
      %mul3A_881 = arith.mulf %get3A_880, %broadcast_in_dim3A_833 : vector<16xf32>
      %swap3A_882 = arith.index_cast %add3A_835 : i32 to index
      %swap3A_883 = arith.constant 96 : index
      %swap3A_884 = tpu.vector_load %arg7[%swap3A_882, %swap3A_883] {strides = array<i32>} : memref<256x128xf32, #tpu.memory_space<vmem>>, vector<16xf32>,
      tpu.vector_store %arg7[%swap3A_882, %swap3A_883], %mul3A_881 {strides = array<i32>} : memref<256x128xf32, #tpu.memory_space<vmem>>, vector<16xf32>,
      %get3A_885 = arith.index_cast %add3A_835 : i32 to index
      %get3A_886 = arith.constant 112 : index
      %get3A_887 = tpu.vector_load %arg7[%get3A_885, %get3A_886] {strides = array<i32>} : memref<256x128xf32, #tpu.memory_space<vmem>>, vector<16xf32>,
      %mul3A_888 = arith.mulf %get3A_887, %broadcast_in_dim3A_833 : vector<16xf32>
      %swap3A_889 = arith.index_cast %add3A_835 : i32 to index
      %swap3A_890 = arith.constant 112 : index
      %swap3A_891 = tpu.vector_load %arg7[%swap3A_889, %swap3A_890] {strides = array<i32>} : memref<256x128xf32, #tpu.memory_space<vmem>>, vector<16xf32>,
      tpu.vector_store %arg7[%swap3A_889, %swap3A_890], %mul3A_888 {strides = array<i32>} : memref<256x128xf32, #tpu.memory_space<vmem>>, vector<16xf32>,
      %slice3A_892 = vector.extract_strided_slice %exp3A {offsets = [12], sizes = [1], strides = [1]} : vector<16xf32> to vector<1xf32>
      %squeeze3A_893 = vector.extract %slice3A_892[0] : f32 from vector<1xf32>
      %broadcast_in_dim3A_894 = vector.broadcast %squeeze3A_893 : f32 to vector<16xf32>
      %add3A_895 = arith.constant 12 : i32
      %add3A_896 = arith.addi %mul3A_159, %add3A_895 : i32
      %get3A_897 = arith.index_cast %add3A_896 : i32 to index
      %get3A_898 = arith.constant 0 : index
      %get3A_899 = tpu.vector_load %arg7[%get3A_897, %get3A_898] {strides = array<i32>} : memref<256x128xf32, #tpu.memory_space<vmem>>, vector<16xf32>,
      %mul3A_900 = arith.mulf %get3A_899, %broadcast_in_dim3A_894 : vector<16xf32>
      %swap3A_901 = arith.index_cast %add3A_896 : i32 to index
      %swap3A_902 = arith.constant 0 : index
      %swap3A_903 = tpu.vector_load %arg7[%swap3A_901, %swap3A_902] {strides = array<i32>} : memref<256x128xf32, #tpu.memory_space<vmem>>, vector<16xf32>,
      tpu.vector_store %arg7[%swap3A_901, %swap3A_902], %mul3A_900 {strides = array<i32>} : memref<256x128xf32, #tpu.memory_space<vmem>>, vector<16xf32>,
      %get3A_904 = arith.index_cast %add3A_896 : i32 to index
      %get3A_905 = arith.constant 16 : index
      %get3A_906 = tpu.vector_load %arg7[%get3A_904, %get3A_905] {strides = array<i32>} : memref<256x128xf32, #tpu.memory_space<vmem>>, vector<16xf32>,
      %mul3A_907 = arith.mulf %get3A_906, %broadcast_in_dim3A_894 : vector<16xf32>
      %swap3A_908 = arith.index_cast %add3A_896 : i32 to index
      %swap3A_909 = arith.constant 16 : index
      %swap3A_910 = tpu.vector_load %arg7[%swap3A_908, %swap3A_909] {strides = array<i32>} : memref<256x128xf32, #tpu.memory_space<vmem>>, vector<16xf32>,
      tpu.vector_store %arg7[%swap3A_908, %swap3A_909], %mul3A_907 {strides = array<i32>} : memref<256x128xf32, #tpu.memory_space<vmem>>, vector<16xf32>,
      %get3A_911 = arith.index_cast %add3A_896 : i32 to index
      %get3A_912 = arith.constant 32 : index
      %get3A_913 = tpu.vector_load %arg7[%get3A_911, %get3A_912] {strides = array<i32>} : memref<256x128xf32, #tpu.memory_space<vmem>>, vector<16xf32>,
      %mul3A_914 = arith.mulf %get3A_913, %broadcast_in_dim3A_894 : vector<16xf32>
      %swap3A_915 = arith.index_cast %add3A_896 : i32 to index
      %swap3A_916 = arith.constant 32 : index
      %swap3A_917 = tpu.vector_load %arg7[%swap3A_915, %swap3A_916] {strides = array<i32>} : memref<256x128xf32, #tpu.memory_space<vmem>>, vector<16xf32>,
      tpu.vector_store %arg7[%swap3A_915, %swap3A_916], %mul3A_914 {strides = array<i32>} : memref<256x128xf32, #tpu.memory_space<vmem>>, vector<16xf32>,
      %get3A_918 = arith.index_cast %add3A_896 : i32 to index
      %get3A_919 = arith.constant 48 : index
      %get3A_920 = tpu.vector_load %arg7[%get3A_918, %get3A_919] {strides = array<i32>} : memref<256x128xf32, #tpu.memory_space<vmem>>, vector<16xf32>,
      %mul3A_921 = arith.mulf %get3A_920, %broadcast_in_dim3A_894 : vector<16xf32>
      %swap3A_922 = arith.index_cast %add3A_896 : i32 to index
      %swap3A_923 = arith.constant 48 : index
      %swap3A_924 = tpu.vector_load %arg7[%swap3A_922, %swap3A_923] {strides = array<i32>} : memref<256x128xf32, #tpu.memory_space<vmem>>, vector<16xf32>,
      tpu.vector_store %arg7[%swap3A_922, %swap3A_923], %mul3A_921 {strides = array<i32>} : memref<256x128xf32, #tpu.memory_space<vmem>>, vector<16xf32>,
      %get3A_925 = arith.index_cast %add3A_896 : i32 to index
      %get3A_926 = arith.constant 64 : index
      %get3A_927 = tpu.vector_load %arg7[%get3A_925, %get3A_926] {strides = array<i32>} : memref<256x128xf32, #tpu.memory_space<vmem>>, vector<16xf32>,
      %mul3A_928 = arith.mulf %get3A_927, %broadcast_in_dim3A_894 : vector<16xf32>
      %swap3A_929 = arith.index_cast %add3A_896 : i32 to index
      %swap3A_930 = arith.constant 64 : index
      %swap3A_931 = tpu.vector_load %arg7[%swap3A_929, %swap3A_930] {strides = array<i32>} : memref<256x128xf32, #tpu.memory_space<vmem>>, vector<16xf32>,
      tpu.vector_store %arg7[%swap3A_929, %swap3A_930], %mul3A_928 {strides = array<i32>} : memref<256x128xf32, #tpu.memory_space<vmem>>, vector<16xf32>,
      %get3A_932 = arith.index_cast %add3A_896 : i32 to index
      %get3A_933 = arith.constant 80 : index
      %get3A_934 = tpu.vector_load %arg7[%get3A_932, %get3A_933] {strides = array<i32>} : memref<256x128xf32, #tpu.memory_space<vmem>>, vector<16xf32>,
      %mul3A_935 = arith.mulf %get3A_934, %broadcast_in_dim3A_894 : vector<16xf32>
      %swap3A_936 = arith.index_cast %add3A_896 : i32 to index
      %swap3A_937 = arith.constant 80 : index
      %swap3A_938 = tpu.vector_load %arg7[%swap3A_936, %swap3A_937] {strides = array<i32>} : memref<256x128xf32, #tpu.memory_space<vmem>>, vector<16xf32>,
      tpu.vector_store %arg7[%swap3A_936, %swap3A_937], %mul3A_935 {strides = array<i32>} : memref<256x128xf32, #tpu.memory_space<vmem>>, vector<16xf32>,
      %get3A_939 = arith.index_cast %add3A_896 : i32 to index
      %get3A_940 = arith.constant 96 : index
      %get3A_941 = tpu.vector_load %arg7[%get3A_939, %get3A_940] {strides = array<i32>} : memref<256x128xf32, #tpu.memory_space<vmem>>, vector<16xf32>,
      %mul3A_942 = arith.mulf %get3A_941, %broadcast_in_dim3A_894 : vector<16xf32>
      %swap3A_943 = arith.index_cast %add3A_896 : i32 to index
      %swap3A_944 = arith.constant 96 : index
      %swap3A_945 = tpu.vector_load %arg7[%swap3A_943, %swap3A_944] {strides = array<i32>} : memref<256x128xf32, #tpu.memory_space<vmem>>, vector<16xf32>,
      tpu.vector_store %arg7[%swap3A_943, %swap3A_944], %mul3A_942 {strides = array<i32>} : memref<256x128xf32, #tpu.memory_space<vmem>>, vector<16xf32>,
      %get3A_946 = arith.index_cast %add3A_896 : i32 to index
      %get3A_947 = arith.constant 112 : index
      %get3A_948 = tpu.vector_load %arg7[%get3A_946, %get3A_947] {strides = array<i32>} : memref<256x128xf32, #tpu.memory_space<vmem>>, vector<16xf32>,
      %mul3A_949 = arith.mulf %get3A_948, %broadcast_in_dim3A_894 : vector<16xf32>
      %swap3A_950 = arith.index_cast %add3A_896 : i32 to index
      %swap3A_951 = arith.constant 112 : index
      %swap3A_952 = tpu.vector_load %arg7[%swap3A_950, %swap3A_951] {strides = array<i32>} : memref<256x128xf32, #tpu.memory_space<vmem>>, vector<16xf32>,
      tpu.vector_store %arg7[%swap3A_950, %swap3A_951], %mul3A_949 {strides = array<i32>} : memref<256x128xf32, #tpu.memory_space<vmem>>, vector<16xf32>,
      %slice3A_953 = vector.extract_strided_slice %exp3A {offsets = [13], sizes = [1], strides = [1]} : vector<16xf32> to vector<1xf32>
      %squeeze3A_954 = vector.extract %slice3A_953[0] : f32 from vector<1xf32>
      %broadcast_in_dim3A_955 = vector.broadcast %squeeze3A_954 : f32 to vector<16xf32>
      %add3A_956 = arith.constant 13 : i32
      %add3A_957 = arith.addi %mul3A_159, %add3A_956 : i32
      %get3A_958 = arith.index_cast %add3A_957 : i32 to index
      %get3A_959 = arith.constant 0 : index
      %get3A_960 = tpu.vector_load %arg7[%get3A_958, %get3A_959] {strides = array<i32>} : memref<256x128xf32, #tpu.memory_space<vmem>>, vector<16xf32>,
      %mul3A_961 = arith.mulf %get3A_960, %broadcast_in_dim3A_955 : vector<16xf32>
      %swap3A_962 = arith.index_cast %add3A_957 : i32 to index
      %swap3A_963 = arith.constant 0 : index
      %swap3A_964 = tpu.vector_load %arg7[%swap3A_962, %swap3A_963] {strides = array<i32>} : memref<256x128xf32, #tpu.memory_space<vmem>>, vector<16xf32>,
      tpu.vector_store %arg7[%swap3A_962, %swap3A_963], %mul3A_961 {strides = array<i32>} : memref<256x128xf32, #tpu.memory_space<vmem>>, vector<16xf32>,
      %get3A_965 = arith.index_cast %add3A_957 : i32 to index
      %get3A_966 = arith.constant 16 : index
      %get3A_967 = tpu.vector_load %arg7[%get3A_965, %get3A_966] {strides = array<i32>} : memref<256x128xf32, #tpu.memory_space<vmem>>, vector<16xf32>,
      %mul3A_968 = arith.mulf %get3A_967, %broadcast_in_dim3A_955 : vector<16xf32>
      %swap3A_969 = arith.index_cast %add3A_957 : i32 to index
      %swap3A_970 = arith.constant 16 : index
      %swap3A_971 = tpu.vector_load %arg7[%swap3A_969, %swap3A_970] {strides = array<i32>} : memref<256x128xf32, #tpu.memory_space<vmem>>, vector<16xf32>,
      tpu.vector_store %arg7[%swap3A_969, %swap3A_970], %mul3A_968 {strides = array<i32>} : memref<256x128xf32, #tpu.memory_space<vmem>>, vector<16xf32>,
      %get3A_972 = arith.index_cast %add3A_957 : i32 to index
      %get3A_973 = arith.constant 32 : index
      %get3A_974 = tpu.vector_load %arg7[%get3A_972, %get3A_973] {strides = array<i32>} : memref<256x128xf32, #tpu.memory_space<vmem>>, vector<16xf32>,
      %mul3A_975 = arith.mulf %get3A_974, %broadcast_in_dim3A_955 : vector<16xf32>
      %swap3A_976 = arith.index_cast %add3A_957 : i32 to index
      %swap3A_977 = arith.constant 32 : index
      %swap3A_978 = tpu.vector_load %arg7[%swap3A_976, %swap3A_977] {strides = array<i32>} : memref<256x128xf32, #tpu.memory_space<vmem>>, vector<16xf32>,
      tpu.vector_store %arg7[%swap3A_976, %swap3A_977], %mul3A_975 {strides = array<i32>} : memref<256x128xf32, #tpu.memory_space<vmem>>, vector<16xf32>,
      %get3A_979 = arith.index_cast %add3A_957 : i32 to index
      %get3A_980 = arith.constant 48 : index
      %get3A_981 = tpu.vector_load %arg7[%get3A_979, %get3A_980] {strides = array<i32>} : memref<256x128xf32, #tpu.memory_space<vmem>>, vector<16xf32>,
      %mul3A_982 = arith.mulf %get3A_981, %broadcast_in_dim3A_955 : vector<16xf32>
      %swap3A_983 = arith.index_cast %add3A_957 : i32 to index
      %swap3A_984 = arith.constant 48 : index
      %swap3A_985 = tpu.vector_load %arg7[%swap3A_983, %swap3A_984] {strides = array<i32>} : memref<256x128xf32, #tpu.memory_space<vmem>>, vector<16xf32>,
      tpu.vector_store %arg7[%swap3A_983, %swap3A_984], %mul3A_982 {strides = array<i32>} : memref<256x128xf32, #tpu.memory_space<vmem>>, vector<16xf32>,
      %get3A_986 = arith.index_cast %add3A_957 : i32 to index
      %get3A_987 = arith.constant 64 : index
      %get3A_988 = tpu.vector_load %arg7[%get3A_986, %get3A_987] {strides = array<i32>} : memref<256x128xf32, #tpu.memory_space<vmem>>, vector<16xf32>,
      %mul3A_989 = arith.mulf %get3A_988, %broadcast_in_dim3A_955 : vector<16xf32>
      %swap3A_990 = arith.index_cast %add3A_957 : i32 to index
      %swap3A_991 = arith.constant 64 : index
      %swap3A_992 = tpu.vector_load %arg7[%swap3A_990, %swap3A_991] {strides = array<i32>} : memref<256x128xf32, #tpu.memory_space<vmem>>, vector<16xf32>,
      tpu.vector_store %arg7[%swap3A_990, %swap3A_991], %mul3A_989 {strides = array<i32>} : memref<256x128xf32, #tpu.memory_space<vmem>>, vector<16xf32>,
      %get3A_993 = arith.index_cast %add3A_957 : i32 to index
      %get3A_994 = arith.constant 80 : index
      %get3A_995 = tpu.vector_load %arg7[%get3A_993, %get3A_994] {strides = array<i32>} : memref<256x128xf32, #tpu.memory_space<vmem>>, vector<16xf32>,
      %mul3A_996 = arith.mulf %get3A_995, %broadcast_in_dim3A_955 : vector<16xf32>
      %swap3A_997 = arith.index_cast %add3A_957 : i32 to index
      %swap3A_998 = arith.constant 80 : index
      %swap3A_999 = tpu.vector_load %arg7[%swap3A_997, %swap3A_998] {strides = array<i32>} : memref<256x128xf32, #tpu.memory_space<vmem>>, vector<16xf32>,
      tpu.vector_store %arg7[%swap3A_997, %swap3A_998], %mul3A_996 {strides = array<i32>} : memref<256x128xf32, #tpu.memory_space<vmem>>, vector<16xf32>,
      %get3A_1000 = arith.index_cast %add3A_957 : i32 to index
      %get3A_1001 = arith.constant 96 : index
      %get3A_1002 = tpu.vector_load %arg7[%get3A_1000, %get3A_1001] {strides = array<i32>} : memref<256x128xf32, #tpu.memory_space<vmem>>, vector<16xf32>,
      %mul3A_1003 = arith.mulf %get3A_1002, %broadcast_in_dim3A_955 : vector<16xf32>
      %swap3A_1004 = arith.index_cast %add3A_957 : i32 to index
      %swap3A_1005 = arith.constant 96 : index
      %swap3A_1006 = tpu.vector_load %arg7[%swap3A_1004, %swap3A_1005] {strides = array<i32>} : memref<256x128xf32, #tpu.memory_space<vmem>>, vector<16xf32>,
      tpu.vector_store %arg7[%swap3A_1004, %swap3A_1005], %mul3A_1003 {strides = array<i32>} : memref<256x128xf32, #tpu.memory_space<vmem>>, vector<16xf32>,
      %get3A_1007 = arith.index_cast %add3A_957 : i32 to index
      %get3A_1008 = arith.constant 112 : index
      %get3A_1009 = tpu.vector_load %arg7[%get3A_1007, %get3A_1008] {strides = array<i32>} : memref<256x128xf32, #tpu.memory_space<vmem>>, vector<16xf32>,
      %mul3A_1010 = arith.mulf %get3A_1009, %broadcast_in_dim3A_955 : vector<16xf32>
      %swap3A_1011 = arith.index_cast %add3A_957 : i32 to index
      %swap3A_1012 = arith.constant 112 : index
      %swap3A_1013 = tpu.vector_load %arg7[%swap3A_1011, %swap3A_1012] {strides = array<i32>} : memref<256x128xf32, #tpu.memory_space<vmem>>, vector<16xf32>,
      tpu.vector_store %arg7[%swap3A_1011, %swap3A_1012], %mul3A_1010 {strides = array<i32>} : memref<256x128xf32, #tpu.memory_space<vmem>>, vector<16xf32>,
      %slice3A_1014 = vector.extract_strided_slice %exp3A {offsets = [14], sizes = [1], strides = [1]} : vector<16xf32> to vector<1xf32>
      %squeeze3A_1015 = vector.extract %slice3A_1014[0] : f32 from vector<1xf32>
      %broadcast_in_dim3A_1016 = vector.broadcast %squeeze3A_1015 : f32 to vector<16xf32>
      %add3A_1017 = arith.constant 14 : i32
      %add3A_1018 = arith.addi %mul3A_159, %add3A_1017 : i32
      %get3A_1019 = arith.index_cast %add3A_1018 : i32 to index
      %get3A_1020 = arith.constant 0 : index
      %get3A_1021 = tpu.vector_load %arg7[%get3A_1019, %get3A_1020] {strides = array<i32>} : memref<256x128xf32, #tpu.memory_space<vmem>>, vector<16xf32>,
      %mul3A_1022 = arith.mulf %get3A_1021, %broadcast_in_dim3A_1016 : vector<16xf32>
      %swap3A_1023 = arith.index_cast %add3A_1018 : i32 to index
      %swap3A_1024 = arith.constant 0 : index
      %swap3A_1025 = tpu.vector_load %arg7[%swap3A_1023, %swap3A_1024] {strides = array<i32>} : memref<256x128xf32, #tpu.memory_space<vmem>>, vector<16xf32>,
      tpu.vector_store %arg7[%swap3A_1023, %swap3A_1024], %mul3A_1022 {strides = array<i32>} : memref<256x128xf32, #tpu.memory_space<vmem>>, vector<16xf32>,
      %get3A_1026 = arith.index_cast %add3A_1018 : i32 to index
      %get3A_1027 = arith.constant 16 : index
      %get3A_1028 = tpu.vector_load %arg7[%get3A_1026, %get3A_1027] {strides = array<i32>} : memref<256x128xf32, #tpu.memory_space<vmem>>, vector<16xf32>,
      %mul3A_1029 = arith.mulf %get3A_1028, %broadcast_in_dim3A_1016 : vector<16xf32>
      %swap3A_1030 = arith.index_cast %add3A_1018 : i32 to index
      %swap3A_1031 = arith.constant 16 : index
      %swap3A_1032 = tpu.vector_load %arg7[%swap3A_1030, %swap3A_1031] {strides = array<i32>} : memref<256x128xf32, #tpu.memory_space<vmem>>, vector<16xf32>,
      tpu.vector_store %arg7[%swap3A_1030, %swap3A_1031], %mul3A_1029 {strides = array<i32>} : memref<256x128xf32, #tpu.memory_space<vmem>>, vector<16xf32>,
      %get3A_1033 = arith.index_cast %add3A_1018 : i32 to index
      %get3A_1034 = arith.constant 32 : index
      %get3A_1035 = tpu.vector_load %arg7[%get3A_1033, %get3A_1034] {strides = array<i32>} : memref<256x128xf32, #tpu.memory_space<vmem>>, vector<16xf32>,
      %mul3A_1036 = arith.mulf %get3A_1035, %broadcast_in_dim3A_1016 : vector<16xf32>
      %swap3A_1037 = arith.index_cast %add3A_1018 : i32 to index
      %swap3A_1038 = arith.constant 32 : index
      %swap3A_1039 = tpu.vector_load %arg7[%swap3A_1037, %swap3A_1038] {strides = array<i32>} : memref<256x128xf32, #tpu.memory_space<vmem>>, vector<16xf32>,
      tpu.vector_store %arg7[%swap3A_1037, %swap3A_1038], %mul3A_1036 {strides = array<i32>} : memref<256x128xf32, #tpu.memory_space<vmem>>, vector<16xf32>,
      %get3A_1040 = arith.index_cast %add3A_1018 : i32 to index
      %get3A_1041 = arith.constant 48 : index
      %get3A_1042 = tpu.vector_load %arg7[%get3A_1040, %get3A_1041] {strides = array<i32>} : memref<256x128xf32, #tpu.memory_space<vmem>>, vector<16xf32>,
      %mul3A_1043 = arith.mulf %get3A_1042, %broadcast_in_dim3A_1016 : vector<16xf32>
      %swap3A_1044 = arith.index_cast %add3A_1018 : i32 to index
      %swap3A_1045 = arith.constant 48 : index
      %swap3A_1046 = tpu.vector_load %arg7[%swap3A_1044, %swap3A_1045] {strides = array<i32>} : memref<256x128xf32, #tpu.memory_space<vmem>>, vector<16xf32>,
      tpu.vector_store %arg7[%swap3A_1044, %swap3A_1045], %mul3A_1043 {strides = array<i32>} : memref<256x128xf32, #tpu.memory_space<vmem>>, vector<16xf32>,
      %get3A_1047 = arith.index_cast %add3A_1018 : i32 to index
      %get3A_1048 = arith.constant 64 : index
      %get3A_1049 = tpu.vector_load %arg7[%get3A_1047, %get3A_1048] {strides = array<i32>} : memref<256x128xf32, #tpu.memory_space<vmem>>, vector<16xf32>,
      %mul3A_1050 = arith.mulf %get3A_1049, %broadcast_in_dim3A_1016 : vector<16xf32>
      %swap3A_1051 = arith.index_cast %add3A_1018 : i32 to index
      %swap3A_1052 = arith.constant 64 : index
      %swap3A_1053 = tpu.vector_load %arg7[%swap3A_1051, %swap3A_1052] {strides = array<i32>} : memref<256x128xf32, #tpu.memory_space<vmem>>, vector<16xf32>,
      tpu.vector_store %arg7[%swap3A_1051, %swap3A_1052], %mul3A_1050 {strides = array<i32>} : memref<256x128xf32, #tpu.memory_space<vmem>>, vector<16xf32>,
      %get3A_1054 = arith.index_cast %add3A_1018 : i32 to index
      %get3A_1055 = arith.constant 80 : index
      %get3A_1056 = tpu.vector_load %arg7[%get3A_1054, %get3A_1055] {strides = array<i32>} : memref<256x128xf32, #tpu.memory_space<vmem>>, vector<16xf32>,
      %mul3A_1057 = arith.mulf %get3A_1056, %broadcast_in_dim3A_1016 : vector<16xf32>
      %swap3A_1058 = arith.index_cast %add3A_1018 : i32 to index
      %swap3A_1059 = arith.constant 80 : index
      %swap3A_1060 = tpu.vector_load %arg7[%swap3A_1058, %swap3A_1059] {strides = array<i32>} : memref<256x128xf32, #tpu.memory_space<vmem>>, vector<16xf32>,
      tpu.vector_store %arg7[%swap3A_1058, %swap3A_1059], %mul3A_1057 {strides = array<i32>} : memref<256x128xf32, #tpu.memory_space<vmem>>, vector<16xf32>,
      %get3A_1061 = arith.index_cast %add3A_1018 : i32 to index
      %get3A_1062 = arith.constant 96 : index
      %get3A_1063 = tpu.vector_load %arg7[%get3A_1061, %get3A_1062] {strides = array<i32>} : memref<256x128xf32, #tpu.memory_space<vmem>>, vector<16xf32>,
      %mul3A_1064 = arith.mulf %get3A_1063, %broadcast_in_dim3A_1016 : vector<16xf32>
      %swap3A_1065 = arith.index_cast %add3A_1018 : i32 to index
      %swap3A_1066 = arith.constant 96 : index
      %swap3A_1067 = tpu.vector_load %arg7[%swap3A_1065, %swap3A_1066] {strides = array<i32>} : memref<256x128xf32, #tpu.memory_space<vmem>>, vector<16xf32>,
      tpu.vector_store %arg7[%swap3A_1065, %swap3A_1066], %mul3A_1064 {strides = array<i32>} : memref<256x128xf32, #tpu.memory_space<vmem>>, vector<16xf32>,
      %get3A_1068 = arith.index_cast %add3A_1018 : i32 to index
      %get3A_1069 = arith.constant 112 : index
      %get3A_1070 = tpu.vector_load %arg7[%get3A_1068, %get3A_1069] {strides = array<i32>} : memref<256x128xf32, #tpu.memory_space<vmem>>, vector<16xf32>,
      %mul3A_1071 = arith.mulf %get3A_1070, %broadcast_in_dim3A_1016 : vector<16xf32>
      %swap3A_1072 = arith.index_cast %add3A_1018 : i32 to index
      %swap3A_1073 = arith.constant 112 : index
      %swap3A_1074 = tpu.vector_load %arg7[%swap3A_1072, %swap3A_1073] {strides = array<i32>} : memref<256x128xf32, #tpu.memory_space<vmem>>, vector<16xf32>,
      tpu.vector_store %arg7[%swap3A_1072, %swap3A_1073], %mul3A_1071 {strides = array<i32>} : memref<256x128xf32, #tpu.memory_space<vmem>>, vector<16xf32>,
      %slice3A_1075 = vector.extract_strided_slice %exp3A {offsets = [15], sizes = [1], strides = [1]} : vector<16xf32> to vector<1xf32>
      %squeeze3A_1076 = vector.extract %slice3A_1075[0] : f32 from vector<1xf32>
      %broadcast_in_dim3A_1077 = vector.broadcast %squeeze3A_1076 : f32 to vector<16xf32>
      %add3A_1078 = arith.constant 15 : i32
      %add3A_1079 = arith.addi %mul3A_159, %add3A_1078 : i32
      %get3A_1080 = arith.index_cast %add3A_1079 : i32 to index
      %get3A_1081 = arith.constant 0 : index
      %get3A_1082 = tpu.vector_load %arg7[%get3A_1080, %get3A_1081] {strides = array<i32>} : memref<256x128xf32, #tpu.memory_space<vmem>>, vector<16xf32>,
      %mul3A_1083 = arith.mulf %get3A_1082, %broadcast_in_dim3A_1077 : vector<16xf32>
      %swap3A_1084 = arith.index_cast %add3A_1079 : i32 to index
      %swap3A_1085 = arith.constant 0 : index
      %swap3A_1086 = tpu.vector_load %arg7[%swap3A_1084, %swap3A_1085] {strides = array<i32>} : memref<256x128xf32, #tpu.memory_space<vmem>>, vector<16xf32>,
      tpu.vector_store %arg7[%swap3A_1084, %swap3A_1085], %mul3A_1083 {strides = array<i32>} : memref<256x128xf32, #tpu.memory_space<vmem>>, vector<16xf32>,
      %get3A_1087 = arith.index_cast %add3A_1079 : i32 to index
      %get3A_1088 = arith.constant 16 : index
      %get3A_1089 = tpu.vector_load %arg7[%get3A_1087, %get3A_1088] {strides = array<i32>} : memref<256x128xf32, #tpu.memory_space<vmem>>, vector<16xf32>,
      %mul3A_1090 = arith.mulf %get3A_1089, %broadcast_in_dim3A_1077 : vector<16xf32>
      %swap3A_1091 = arith.index_cast %add3A_1079 : i32 to index
      %swap3A_1092 = arith.constant 16 : index
      %swap3A_1093 = tpu.vector_load %arg7[%swap3A_1091, %swap3A_1092] {strides = array<i32>} : memref<256x128xf32, #tpu.memory_space<vmem>>, vector<16xf32>,
      tpu.vector_store %arg7[%swap3A_1091, %swap3A_1092], %mul3A_1090 {strides = array<i32>} : memref<256x128xf32, #tpu.memory_space<vmem>>, vector<16xf32>,
      %get3A_1094 = arith.index_cast %add3A_1079 : i32 to index
      %get3A_1095 = arith.constant 32 : index
      %get3A_1096 = tpu.vector_load %arg7[%get3A_1094, %get3A_1095] {strides = array<i32>} : memref<256x128xf32, #tpu.memory_space<vmem>>, vector<16xf32>,
      %mul3A_1097 = arith.mulf %get3A_1096, %broadcast_in_dim3A_1077 : vector<16xf32>
      %swap3A_1098 = arith.index_cast %add3A_1079 : i32 to index
      %swap3A_1099 = arith.constant 32 : index
      %swap3A_1100 = tpu.vector_load %arg7[%swap3A_1098, %swap3A_1099] {strides = array<i32>} : memref<256x128xf32, #tpu.memory_space<vmem>>, vector<16xf32>,
      tpu.vector_store %arg7[%swap3A_1098, %swap3A_1099], %mul3A_1097 {strides = array<i32>} : memref<256x128xf32, #tpu.memory_space<vmem>>, vector<16xf32>,
      %get3A_1101 = arith.index_cast %add3A_1079 : i32 to index
      %get3A_1102 = arith.constant 48 : index
      %get3A_1103 = tpu.vector_load %arg7[%get3A_1101, %get3A_1102] {strides = array<i32>} : memref<256x128xf32, #tpu.memory_space<vmem>>, vector<16xf32>,
      %mul3A_1104 = arith.mulf %get3A_1103, %broadcast_in_dim3A_1077 : vector<16xf32>
      %swap3A_1105 = arith.index_cast %add3A_1079 : i32 to index
      %swap3A_1106 = arith.constant 48 : index
      %swap3A_1107 = tpu.vector_load %arg7[%swap3A_1105, %swap3A_1106] {strides = array<i32>} : memref<256x128xf32, #tpu.memory_space<vmem>>, vector<16xf32>,
      tpu.vector_store %arg7[%swap3A_1105, %swap3A_1106], %mul3A_1104 {strides = array<i32>} : memref<256x128xf32, #tpu.memory_space<vmem>>, vector<16xf32>,
      %get3A_1108 = arith.index_cast %add3A_1079 : i32 to index
      %get3A_1109 = arith.constant 64 : index
      %get3A_1110 = tpu.vector_load %arg7[%get3A_1108, %get3A_1109] {strides = array<i32>} : memref<256x128xf32, #tpu.memory_space<vmem>>, vector<16xf32>,
      %mul3A_1111 = arith.mulf %get3A_1110, %broadcast_in_dim3A_1077 : vector<16xf32>
      %swap3A_1112 = arith.index_cast %add3A_1079 : i32 to index
      %swap3A_1113 = arith.constant 64 : index
      %swap3A_1114 = tpu.vector_load %arg7[%swap3A_1112, %swap3A_1113] {strides = array<i32>} : memref<256x128xf32, #tpu.memory_space<vmem>>, vector<16xf32>,
      tpu.vector_store %arg7[%swap3A_1112, %swap3A_1113], %mul3A_1111 {strides = array<i32>} : memref<256x128xf32, #tpu.memory_space<vmem>>, vector<16xf32>,
      %get3A_1115 = arith.index_cast %add3A_1079 : i32 to index
      %get3A_1116 = arith.constant 80 : index
      %get3A_1117 = tpu.vector_load %arg7[%get3A_1115, %get3A_1116] {strides = array<i32>} : memref<256x128xf32, #tpu.memory_space<vmem>>, vector<16xf32>,
      %mul3A_1118 = arith.mulf %get3A_1117, %broadcast_in_dim3A_1077 : vector<16xf32>
      %swap3A_1119 = arith.index_cast %add3A_1079 : i32 to index
      %swap3A_1120 = arith.constant 80 : index
      %swap3A_1121 = tpu.vector_load %arg7[%swap3A_1119, %swap3A_1120] {strides = array<i32>} : memref<256x128xf32, #tpu.memory_space<vmem>>, vector<16xf32>,
      tpu.vector_store %arg7[%swap3A_1119, %swap3A_1120], %mul3A_1118 {strides = array<i32>} : memref<256x128xf32, #tpu.memory_space<vmem>>, vector<16xf32>,
      %get3A_1122 = arith.index_cast %add3A_1079 : i32 to index
      %get3A_1123 = arith.constant 96 : index
      %get3A_1124 = tpu.vector_load %arg7[%get3A_1122, %get3A_1123] {strides = array<i32>} : memref<256x128xf32, #tpu.memory_space<vmem>>, vector<16xf32>,
      %mul3A_1125 = arith.mulf %get3A_1124, %broadcast_in_dim3A_1077 : vector<16xf32>
      %swap3A_1126 = arith.index_cast %add3A_1079 : i32 to index
      %swap3A_1127 = arith.constant 96 : index
      %swap3A_1128 = tpu.vector_load %arg7[%swap3A_1126, %swap3A_1127] {strides = array<i32>} : memref<256x128xf32, #tpu.memory_space<vmem>>, vector<16xf32>,
      tpu.vector_store %arg7[%swap3A_1126, %swap3A_1127], %mul3A_1125 {strides = array<i32>} : memref<256x128xf32, #tpu.memory_space<vmem>>, vector<16xf32>,
      %get3A_1129 = arith.index_cast %add3A_1079 : i32 to index
      %get3A_1130 = arith.constant 112 : index
      %get3A_1131 = tpu.vector_load %arg7[%get3A_1129, %get3A_1130] {strides = array<i32>} : memref<256x128xf32, #tpu.memory_space<vmem>>, vector<16xf32>,
      %mul3A_1132 = arith.mulf %get3A_1131, %broadcast_in_dim3A_1077 : vector<16xf32>
      %swap3A_1133 = arith.index_cast %add3A_1079 : i32 to index
      %swap3A_1134 = arith.constant 112 : index
      %swap3A_1135 = tpu.vector_load %arg7[%swap3A_1133, %swap3A_1134] {strides = array<i32>} : memref<256x128xf32, #tpu.memory_space<vmem>>, vector<16xf32>,
      tpu.vector_store %arg7[%swap3A_1133, %swap3A_1134], %mul3A_1132 {strides = array<i32>} : memref<256x128xf32, #tpu.memory_space<vmem>>, vector<16xf32>,
      %scan3A_1136 = arith.constant 0 : i32
      scf.yield %scan3A_1136 : i32
    }
    %scan3A_110 = arith.constant 16 : i32
    %barrier3A = arith.constant 0 : index
    tpu.barrier barrier_id(%barrier3A)
    %dma_start3A_111 = arith.constant 0 : i32
    %dma_start3A_112 = arith.constant 0 : i32
    %dma_start3A_113 = arith.constant 0 : i32
    %dma_start3A_114 = tpu.memref_slice %arg7[%dma_start3A_112, %dma_start3A_113] : memref<256x128xf32, #tpu.memory_space<vmem>> -> memref<128x128xf32, #tpu.memory_space<vmem>>
    %dma_start3A_115 = arith.constant 0 : i32
    %dma_start3A_116 = tpu.memref_slice %arg10[%dma_start3A_111, %dma_start3A_115] : memref<2x128xi32, #tpu.memory_space<vmem>> -> memref<1x128xi32, #tpu.memory_space<vmem>>
    %dma_start3A_117 = tpu.memref_squeeze %dma_start3A_116 : memref<1x128xi32, #tpu.memory_space<vmem>> -> memref<128xi32, #tpu.memory_space<vmem>>
    %dma_start3A_118 = arith.constant 0 : i32
    %dma_start3A_119 = arith.constant 0 : i32
    %dma_start3A_120 = tpu.memref_slice %arg13[%dma_start3A_118, %dma_start3A_119] : memref<2048x128xf32, #tpu.memory_space<vmem_shared>> -> memref<2048x128xf32, #tpu.memory_space<vmem_shared>>
    tpu.enqueue_indirect_dma source(%dma_start3A_114 : memref<128x128xf32, #tpu.memory_space<vmem>>) target(%dma_start3A_120 : memref<2048x128xf32, #tpu.memory_space<vmem_shared>>) offsets(%dma_start3A_117 : memref<128xi32, #tpu.memory_space<vmem>>) semaphore(%arg14 : memref<!tpu.dma_semaphore, #tpu.memory_space<semaphore_mem>>) {add = true}
    %dma_start3A_121 = arith.constant 1 : i32
    %dma_start3A_122 = arith.constant 128 : i32
    %dma_start3A_123 = arith.constant 0 : i32
    %dma_start3A_124 = tpu.memref_slice %arg7[%dma_start3A_122, %dma_start3A_123] : memref<256x128xf32, #tpu.memory_space<vmem>> -> memref<128x128xf32, #tpu.memory_space<vmem>>
    %dma_start3A_125 = arith.constant 0 : i32
    %dma_start3A_126 = tpu.memref_slice %arg10[%dma_start3A_121, %dma_start3A_125] : memref<2x128xi32, #tpu.memory_space<vmem>> -> memref<1x128xi32, #tpu.memory_space<vmem>>
    %dma_start3A_127 = tpu.memref_squeeze %dma_start3A_126 : memref<1x128xi32, #tpu.memory_space<vmem>> -> memref<128xi32, #tpu.memory_space<vmem>>
    %dma_start3A_128 = arith.constant 0 : i32
    %dma_start3A_129 = arith.constant 0 : i32
    %dma_start3A_130 = tpu.memref_slice %arg13[%dma_start3A_128, %dma_start3A_129] : memref<2048x128xf32, #tpu.memory_space<vmem_shared>> -> memref<2048x128xf32, #tpu.memory_space<vmem_shared>>
    tpu.enqueue_indirect_dma source(%dma_start3A_124 : memref<128x128xf32, #tpu.memory_space<vmem>>) target(%dma_start3A_130 : memref<2048x128xf32, #tpu.memory_space<vmem_shared>>) offsets(%dma_start3A_127 : memref<128xi32, #tpu.memory_space<vmem>>) semaphore(%arg14 : memref<!tpu.dma_semaphore, #tpu.memory_space<semaphore_mem>>) {add = true}
    %dma_wait3A_131 = arith.constant 0 : i32
    %dma_wait3A_132 = arith.constant 0 : i32
    %dma_wait3A_133 = arith.constant 0 : i32
    %dma_wait3A_134 = tpu.memref_slice %arg7[%dma_wait3A_132, %dma_wait3A_133] : memref<256x128xf32, #tpu.memory_space<vmem>> -> memref<128x128xf32, #tpu.memory_space<vmem>>
    %dma_wait3A_135 = arith.constant 0 : i32
    %dma_wait3A_136 = tpu.memref_slice %arg10[%dma_wait3A_131, %dma_wait3A_135] : memref<2x128xi32, #tpu.memory_space<vmem>> -> memref<1x128xi32, #tpu.memory_space<vmem>>
    %dma_wait3A_137 = tpu.memref_squeeze %dma_wait3A_136 : memref<1x128xi32, #tpu.memory_space<vmem>> -> memref<128xi32, #tpu.memory_space<vmem>>
    %dma_wait3A_138 = arith.constant 0 : i32
    %dma_wait3A_139 = arith.constant 0 : i32
    %dma_wait3A_140 = tpu.memref_slice %arg13[%dma_wait3A_138, %dma_wait3A_139] : memref<2048x128xf32, #tpu.memory_space<vmem_shared>> -> memref<2048x128xf32, #tpu.memory_space<vmem_shared>>
    tpu.wait_indirect_dma semaphore(%arg14 : memref<!tpu.dma_semaphore, #tpu.memory_space<semaphore_mem>>) src(%dma_wait3A_134 : memref<128x128xf32, #tpu.memory_space<vmem>>) dst(%dma_wait3A_140 : memref<2048x128xf32, #tpu.memory_space<vmem_shared>>)
    %dma_wait3A_141 = arith.constant 1 : i32
    %dma_wait3A_142 = arith.constant 128 : i32
    %dma_wait3A_143 = arith.constant 0 : i32
    %dma_wait3A_144 = tpu.memref_slice %arg7[%dma_wait3A_142, %dma_wait3A_143] : memref<256x128xf32, #tpu.memory_space<vmem>> -> memref<128x128xf32, #tpu.memory_space<vmem>>
    %dma_wait3A_145 = arith.constant 0 : i32
    %dma_wait3A_146 = tpu.memref_slice %arg10[%dma_wait3A_141, %dma_wait3A_145] : memref<2x128xi32, #tpu.memory_space<vmem>> -> memref<1x128xi32, #tpu.memory_space<vmem>>
    %dma_wait3A_147 = tpu.memref_squeeze %dma_wait3A_146 : memref<1x128xi32, #tpu.memory_space<vmem>> -> memref<128xi32, #tpu.memory_space<vmem>>
    %dma_wait3A_148 = arith.constant 0 : i32
    %dma_wait3A_149 = arith.constant 0 : i32
    %dma_wait3A_150 = tpu.memref_slice %arg13[%dma_wait3A_148, %dma_wait3A_149] : memref<2048x128xf32, #tpu.memory_space<vmem_shared>> -> memref<2048x128xf32, #tpu.memory_space<vmem_shared>>
    tpu.wait_indirect_dma semaphore(%arg14 : memref<!tpu.dma_semaphore, #tpu.memory_space<semaphore_mem>>) src(%dma_wait3A_144 : memref<128x128xf32, #tpu.memory_space<vmem>>) dst(%dma_wait3A_150 : memref<2048x128xf32, #tpu.memory_space<vmem_shared>>)
    %barrier3A_151 = arith.constant 0 : index
    tpu.barrier barrier_id(%barrier3A_151)
    %mul3A_152 = arith.constant 128 : i32
    %mul3A_153 = arith.muli %arg1, %mul3A_152 : i32
    %mul3A_154 = arith.constant 128 : i32
    %mul3A_155 = arith.muli %arg1, %mul3A_154 : i32
    "tpu.region"() ({
      %run_scoped3A = tpu.sem_alloc : memref<!tpu.dma_semaphore, #tpu.memory_space<semaphore_mem>>
      %dma_start3A_156 = arith.constant 0 : i32
      %dma_start3A_157 = tpu.memref_slice %arg6[%arg0, %mul3A_155, %dma_start3A_156] : memref<2x2048x128xf32, #tpu.memory_space<hbm>> -> memref<1x128x128xf32, #tpu.memory_space<hbm>>
      %dma_start3A_158 = tpu.memref_squeeze %dma_start3A_157 : memref<1x128x128xf32, #tpu.memory_space<hbm>> -> memref<128x128xf32, #tpu.memory_space<hbm>>
      %dma_start3A_159 = arith.constant 0 : i32
      %dma_start3A_160 = tpu.memref_slice %arg13[%mul3A_153, %dma_start3A_159] : memref<2048x128xf32, #tpu.memory_space<vmem_shared>> -> memref<128x128xf32, #tpu.memory_space<vmem_shared>>
      tpu.enqueue_dma source(%dma_start3A_160 : memref<128x128xf32, #tpu.memory_space<vmem_shared>>) target(%dma_start3A_158 : memref<128x128xf32, #tpu.memory_space<hbm>>) target_semaphore(%run_scoped3A : memref<!tpu.dma_semaphore, #tpu.memory_space<semaphore_mem>>)
      %dma_wait3A_161 = arith.constant 0 : i32
      %dma_wait3A_162 = tpu.memref_slice %arg6[%arg0, %mul3A_155, %dma_wait3A_161] : memref<2x2048x128xf32, #tpu.memory_space<hbm>> -> memref<1x128x128xf32, #tpu.memory_space<hbm>>
      %dma_wait3A_163 = tpu.memref_squeeze %dma_wait3A_162 : memref<1x128x128xf32, #tpu.memory_space<hbm>> -> memref<128x128xf32, #tpu.memory_space<hbm>>
      %dma_wait3A_164 = arith.constant 0 : i32
      %dma_wait3A_165 = tpu.memref_slice %arg13[%mul3A_153, %dma_wait3A_164] : memref<2048x128xf32, #tpu.memory_space<vmem_shared>> -> memref<128x128xf32, #tpu.memory_space<vmem_shared>>
      tpu.wait_dma2 semaphore(%run_scoped3A : memref<!tpu.dma_semaphore, #tpu.memory_space<semaphore_mem>>) src(%dma_wait3A_165 : memref<128x128xf32, #tpu.memory_space<vmem_shared>>) dst(%dma_wait3A_163 : memref<128x128xf32, #tpu.memory_space<hbm>>)
      tpu.yield
    }) : () -> ()
    return
  }
}

module attributes {stable_mosaic.version = 14 : i64} {
  func.func @body(%arg0: i32, %arg1: i32, %arg2: memref<1x128x2048xf32, #tpu.memory_space<vmem>>, %arg3: memref<2048x128xf32, #tpu.memory_space<vmem>>, %arg4: memref<2048x128xf32, #tpu.memory_space<vmem>>, %arg5: memref<1x128x2048xf32, #tpu.memory_space<vmem>>, %arg6: memref<2048x128xf32, #tpu.memory_space<vmem>>, %arg7: memref<2x1x16x128xf32, #tpu.memory_space<vmem>>, %arg8: memref<2x1x16x128xi32, #tpu.memory_space<vmem>>, %arg9: memref<2x1x2048xf32, #tpu.memory_space<vmem>>, %arg10: memref<128x4096xf32, #tpu.memory_space<vmem>>) attributes {dimension_semantics = [#tpu.dimension_semantics<arbitrary>, #tpu.dimension_semantics<arbitrary>], iteration_bounds = array<i64: 2, 2>, scalar_prefetch = 0 : i64, scratch_operands = 1 : i64, tpu.core_type = #tpu.core_type<tc>, window_params = [{transform_indices = @transform_0, window_bounds = array<i64: 1, 128, 2048>}, {pipeline_mode = #tpu.pipeline_mode<synchronous>, transform_indices = @transform_1, window_bounds = array<i64: 2048, 128>}, {pipeline_mode = #tpu.pipeline_mode<synchronous>, transform_indices = @transform_2, window_bounds = array<i64: 2048, 128>}, {transform_indices = @transform_3, window_bounds = array<i64: 1, 128, 2048>}, {transform_indices = @transform_4, window_bounds = array<i64: 2048, 128>}, {transform_indices = @transform_5, window_bounds = array<i64: 2, 1, 16, 128>}, {transform_indices = @transform_6, window_bounds = array<i64: 2, 1, 16, 128>}, {pipeline_mode = #tpu.pipeline_mode<synchronous>, transform_indices = @transform_7, window_bounds = array<i64: 2, 1, 2048>}]} {
    %eq3A = arith.constant 0 : i32
    %eq3A_0 = arith.cmpi eq, %arg0, %eq3A : i32
    %eq3A_1 = arith.constant 0 : i32
    %eq3A_2 = arith.cmpi eq, %arg1, %eq3A_1 : i32
    %and3A = arith.andi %eq3A_0, %eq3A_2 : i1
    %convert_element_type3A = arith.extui %and3A : i1 to i32
    %cond3A = arith.constant 0 : i32
    %cond3A_3 = arith.cmpi ne, %convert_element_type3A, %cond3A : i32
    scf.if %cond3A_3 {
      %iota3A_100 = tpu.iota {dimensions = array<i32: 0>} : vector<128x128xi32>
      %iota3A_101 = tpu.iota {dimensions = array<i32: 1>} : vector<128x128xi32>
      %eq3A_102 = arith.cmpi eq, %iota3A_100, %iota3A_101 : vector<128x128xi32>
      %convert_element_type3A_103 = arith.extui %eq3A_102 : vector<128x128xi1> to vector<128x128xi32>
      %convert_element_type3A_104 = arith.sitofp %convert_element_type3A_103 : vector<128x128xi32> to vector<128x128xf32>
      %get3A_105 = arith.constant 0 : index
      %get3A_106 = arith.constant 0 : index
      %get3A_107 = vector.load %arg3[%get3A_105, %get3A_106] : memref<2048x128xf32, #tpu.memory_space<vmem>>, vector<2048x128xf32>
      %dot_general3A_108 = arith.constant dense<0.000000e+00> : vector<128x2048xf32>
      %dot_general3A_109 = tpu.matmul %convert_element_type3A_104, %get3A_107, %dot_general3A_108 {dimension_numbers = #tpu.dot_dimension_numbers<[1], [1], [0], [0], [0, 0, 1, 0], [], []>, transpose_lhs_hint = false} : vector<128x128xf32>, vector<2048x128xf32>, vector<128x2048xf32> -> vector<128x2048xf32>
      %swap3A_110 = arith.constant 0 : index
      %swap3A_111 = arith.constant 0 : index
      %swap3A_112 = vector.load %arg10[%swap3A_110, %swap3A_111] : memref<128x4096xf32, #tpu.memory_space<vmem>>, vector<128x2048xf32>
      tpu.vector_store %arg10[%swap3A_110, %swap3A_111], %dot_general3A_109 {strides = array<i32>} : memref<128x4096xf32, #tpu.memory_space<vmem>>, vector<128x2048xf32>,
      %get3A_113 = arith.constant 0 : index
      %get3A_114 = arith.constant 0 : index
      %get3A_115 = vector.load %arg4[%get3A_113, %get3A_114] : memref<2048x128xf32, #tpu.memory_space<vmem>>, vector<2048x128xf32>
      %dot_general3A_116 = arith.constant dense<0.000000e+00> : vector<128x2048xf32>
      %dot_general3A_117 = tpu.matmul %convert_element_type3A_104, %get3A_115, %dot_general3A_116 {dimension_numbers = #tpu.dot_dimension_numbers<[1], [1], [0], [0], [0, 0, 1, 0], [], []>, transpose_lhs_hint = false} : vector<128x128xf32>, vector<2048x128xf32>, vector<128x2048xf32> -> vector<128x2048xf32>
      %swap3A_118 = arith.constant 0 : index
      %swap3A_119 = arith.constant 2048 : index
      %swap3A_120 = vector.load %arg10[%swap3A_118, %swap3A_119] : memref<128x4096xf32, #tpu.memory_space<vmem>>, vector<128x2048xf32>
      tpu.vector_store %arg10[%swap3A_118, %swap3A_119], %dot_general3A_117 {strides = array<i32>} : memref<128x4096xf32, #tpu.memory_space<vmem>>, vector<128x2048xf32>,
    } else {
    }
    %get3A = arith.constant 0 : index
    %get3A_4 = arith.constant 0 : index
    %get3A_5 = arith.constant 0 : index
    %get3A_6 = vector.load %arg2[%get3A, %get3A_4, %get3A_5] : memref<1x128x2048xf32, #tpu.memory_space<vmem>>, vector<1x128x2048xf32>
    %get3A_7 = vector.shape_cast %get3A_6 : vector<1x128x2048xf32> to vector<128x2048xf32>
    %mul3A = arith.mulf %get3A_7, %get3A_7 : vector<128x2048xf32>
    %reduce_sum3A = arith.constant dense<0.000000e+00> : vector<2048xf32>
    %reduce_sum3A_8 = vector.multi_reduction <add>, %mul3A, %reduce_sum3A [0] : vector<128x2048xf32> to vector<2048xf32>
    %broadcast_in_dim3A = vector.shape_cast %reduce_sum3A_8 : vector<2048xf32> to vector<1x2048xf32>
    %sqrt3A = math.sqrt %broadcast_in_dim3A : vector<1x2048xf32>
    %max3A = arith.constant 9.99999996E-13 : f32
    %max3A_9 = vector.broadcast %max3A : f32 to vector<1x2048xf32>
    %max3A_10 = arith.maximumf %sqrt3A, %max3A_9 : vector<1x2048xf32>
    %div3A = vector.broadcast %max3A_10 : vector<1x2048xf32> to vector<128x2048xf32>
    %div3A_11 = arith.divf %get3A_7, %div3A : vector<128x2048xf32>
    %swap3A = arith.constant 0 : index
    %swap3A_12 = arith.constant 0 : index
    %swap3A_13 = arith.constant 0 : index
    %swap3A_14 = vector.load %arg5[%swap3A, %swap3A_12, %swap3A_13] : memref<1x128x2048xf32, #tpu.memory_space<vmem>>, vector<1x128x2048xf32>
    %swap3A_15 = vector.shape_cast %swap3A_14 : vector<1x128x2048xf32> to vector<128x2048xf32>
    %swap3A_16 = vector.shape_cast %div3A_11 : vector<128x2048xf32> to vector<1x128x2048xf32>
    tpu.vector_store %arg5[%swap3A, %swap3A_12, %swap3A_13], %swap3A_16 {strides = array<i32>} : memref<1x128x2048xf32, #tpu.memory_space<vmem>>, vector<1x128x2048xf32>,
    %iota3A = tpu.iota {dimensions = array<i32: 0>} : vector<128x128xi32>
    %iota3A_17 = tpu.iota {dimensions = array<i32: 1>} : vector<128x128xi32>
    %eq3A_18 = arith.cmpi eq, %iota3A, %iota3A_17 : vector<128x128xi32>
    %convert_element_type3A_19 = arith.extui %eq3A_18 : vector<128x128xi1> to vector<128x128xi32>
    %convert_element_type3A_20 = arith.sitofp %convert_element_type3A_19 : vector<128x128xi32> to vector<128x128xf32>
    %dot_general3A = arith.constant dense<0.000000e+00> : vector<2048x128xf32>
    %dot_general3A_21 = tpu.matmul %div3A_11, %convert_element_type3A_20, %dot_general3A {dimension_numbers = #tpu.dot_dimension_numbers<[0], [0], [1], [1], [0, 1, 1, 1], [], []>, transpose_lhs_hint = false} : vector<128x2048xf32>, vector<128x128xf32>, vector<2048x128xf32> -> vector<2048x128xf32>
    %swap3A_22 = arith.constant 0 : index
    %swap3A_23 = arith.constant 0 : index
    %swap3A_24 = vector.load %arg6[%swap3A_22, %swap3A_23] : memref<2048x128xf32, #tpu.memory_space<vmem>>, vector<2048x128xf32>
    tpu.vector_store %arg6[%swap3A_22, %swap3A_23], %dot_general3A_21 {strides = array<i32>} : memref<2048x128xf32, #tpu.memory_space<vmem>>, vector<2048x128xf32>,
    %get3A_25 = arith.constant 0 : index
    %get3A_26 = arith.constant 0 : index
    %get3A_27 = vector.load %arg10[%get3A_25, %get3A_26] : memref<128x4096xf32, #tpu.memory_space<vmem>>, vector<128x4096xf32>
    %dot_general3A_28 = arith.constant dense<0.000000e+00> : vector<2048x4096xf32>
    %dot_general3A_29 = tpu.matmul %dot_general3A_21, %get3A_27, %dot_general3A_28 {dimension_numbers = #tpu.dot_dimension_numbers<[1], [0], [0], [1], [0, 0, 1, 1], [], []>, transpose_lhs_hint = false} : vector<2048x128xf32>, vector<128x4096xf32>, vector<2048x4096xf32> -> vector<2048x4096xf32>
    %slice3A = vector.extract_strided_slice %dot_general3A_29 {offsets = [0, 0], sizes = [2048, 2048], strides = [1, 1]} : vector<2048x4096xf32> to vector<2048x2048xf32>
    %reduce_max3A = arith.constant dense<0xFF800000> : vector<2048xf32>
    %reduce_max3A_30 = vector.multi_reduction <maximumf>, %slice3A, %reduce_max3A [1] : vector<2048x2048xf32> to vector<2048xf32>
    %argmax3A = tpu.reduce_index %slice3A {axis = 1 : i32, kind = #tpu.reduction_kind<arg_max>} : vector<2048x2048xf32> -> vector<2048xi32>
    %reshape3A = vector.shape_cast %reduce_max3A_30 : vector<2048xf32> to vector<16x128xf32>
    %swap3A_31 = arith.constant 0 : index
    %swap3A_32 = arith.constant 0 : index
    %swap3A_33 = arith.constant 0 : index
    %swap3A_34 = arith.constant 0 : index
    %swap3A_35 = vector.load %arg7[%swap3A_31, %swap3A_32, %swap3A_33, %swap3A_34] : memref<2x1x16x128xf32, #tpu.memory_space<vmem>>, vector<1x1x16x128xf32>
    %swap3A_36 = vector.shape_cast %swap3A_35 : vector<1x1x16x128xf32> to vector<16x128xf32>
    %swap3A_37 = vector.shape_cast %reshape3A : vector<16x128xf32> to vector<1x1x16x128xf32>
    tpu.vector_store %arg7[%swap3A_31, %swap3A_32, %swap3A_33, %swap3A_34], %swap3A_37 {strides = array<i32>} : memref<2x1x16x128xf32, #tpu.memory_space<vmem>>, vector<1x1x16x128xf32>,
    %reshape3A_38 = vector.shape_cast %argmax3A : vector<2048xi32> to vector<16x128xi32>
    %swap3A_39 = arith.constant 0 : index
    %swap3A_40 = arith.constant 0 : index
    %swap3A_41 = arith.constant 0 : index
    %swap3A_42 = arith.constant 0 : index
    %swap3A_43 = vector.load %arg8[%swap3A_39, %swap3A_40, %swap3A_41, %swap3A_42] : memref<2x1x16x128xi32, #tpu.memory_space<vmem>>, vector<1x1x16x128xi32>
    %swap3A_44 = vector.shape_cast %swap3A_43 : vector<1x1x16x128xi32> to vector<16x128xi32>
    %swap3A_45 = vector.shape_cast %reshape3A_38 : vector<16x128xi32> to vector<1x1x16x128xi32>
    tpu.vector_store %arg8[%swap3A_39, %swap3A_40, %swap3A_41, %swap3A_42], %swap3A_45 {strides = array<i32>} : memref<2x1x16x128xi32, #tpu.memory_space<vmem>>, vector<1x1x16x128xi32>,
    %reduce_max3A_46 = arith.constant dense<0xFF800000> : vector<2048xf32>
    %reduce_max3A_47 = vector.multi_reduction <maximumf>, %slice3A, %reduce_max3A_46 [0] : vector<2048x2048xf32> to vector<2048xf32>
    %eq3A_48 = arith.constant 0 : i32
    %eq3A_49 = arith.cmpi eq, %arg0, %eq3A_48 : i32
    %eq3A_50 = arith.constant 0 : i32
    %eq3A_51 = arith.cmpi eq, %arg1, %eq3A_50 : i32
    %and3A_52 = arith.andi %eq3A_49, %eq3A_51 : i1
    %convert_element_type3A_53 = arith.extui %and3A_52 : i1 to i32
    %cond3A_54 = arith.constant 0 : i32
    %cond3A_55 = arith.cmpi ne, %convert_element_type3A_53, %cond3A_54 : i32
    scf.if %cond3A_55 {
      %swap3A_100 = arith.constant 0 : index
      %swap3A_101 = arith.constant 0 : index
      %swap3A_102 = arith.constant 0 : index
      %swap3A_103 = vector.load %arg9[%swap3A_100, %swap3A_101, %swap3A_102] : memref<2x1x2048xf32, #tpu.memory_space<vmem>>, vector<1x1x2048xf32>
      %swap3A_104 = vector.shape_cast %swap3A_103 : vector<1x1x2048xf32> to vector<2048xf32>
      %swap3A_105 = vector.shape_cast %reduce_max3A_47 : vector<2048xf32> to vector<1x1x2048xf32>
      tpu.vector_store %arg9[%swap3A_100, %swap3A_101, %swap3A_102], %swap3A_105 {strides = array<i32>} : memref<2x1x2048xf32, #tpu.memory_space<vmem>>, vector<1x1x2048xf32>,
    } else {
    }
    %ne3A = arith.constant 0 : i32
    %ne3A_56 = arith.cmpi ne, %arg0, %ne3A : i32
    %ne3A_57 = arith.constant 0 : i32
    %ne3A_58 = arith.cmpi ne, %arg1, %ne3A_57 : i32
    %or3A = arith.ori %ne3A_56, %ne3A_58 : i1
    %convert_element_type3A_59 = arith.extui %or3A : i1 to i32
    %cond3A_60 = arith.constant 0 : i32
    %cond3A_61 = arith.cmpi ne, %convert_element_type3A_59, %cond3A_60 : i32
    scf.if %cond3A_61 {
      %get3A_100 = arith.constant 0 : index
      %get3A_101 = arith.constant 0 : index
      %get3A_102 = arith.constant 0 : index
      %get3A_103 = vector.load %arg9[%get3A_100, %get3A_101, %get3A_102] : memref<2x1x2048xf32, #tpu.memory_space<vmem>>, vector<1x1x2048xf32>
      %get3A_104 = vector.shape_cast %get3A_103 : vector<1x1x2048xf32> to vector<2048xf32>
      %max3A_105 = arith.maximumf %get3A_104, %reduce_max3A_47 : vector<2048xf32>
      %swap3A_106 = arith.constant 0 : index
      %swap3A_107 = arith.constant 0 : index
      %swap3A_108 = arith.constant 0 : index
      %swap3A_109 = vector.load %arg9[%swap3A_106, %swap3A_107, %swap3A_108] : memref<2x1x2048xf32, #tpu.memory_space<vmem>>, vector<1x1x2048xf32>
      %swap3A_110 = vector.shape_cast %swap3A_109 : vector<1x1x2048xf32> to vector<2048xf32>
      %swap3A_111 = vector.shape_cast %max3A_105 : vector<2048xf32> to vector<1x1x2048xf32>
      tpu.vector_store %arg9[%swap3A_106, %swap3A_107, %swap3A_108], %swap3A_111 {strides = array<i32>} : memref<2x1x2048xf32, #tpu.memory_space<vmem>>, vector<1x1x2048xf32>,
    } else {
    }
    %slice3A_62 = vector.extract_strided_slice %dot_general3A_29 {offsets = [0, 2048], sizes = [2048, 2048], strides = [1, 1]} : vector<2048x4096xf32> to vector<2048x2048xf32>
    %reduce_max3A_63 = arith.constant dense<0xFF800000> : vector<2048xf32>
    %reduce_max3A_64 = vector.multi_reduction <maximumf>, %slice3A_62, %reduce_max3A_63 [1] : vector<2048x2048xf32> to vector<2048xf32>
    %argmax3A_65 = tpu.reduce_index %slice3A_62 {axis = 1 : i32, kind = #tpu.reduction_kind<arg_max>} : vector<2048x2048xf32> -> vector<2048xi32>
    %reshape3A_66 = vector.shape_cast %reduce_max3A_64 : vector<2048xf32> to vector<16x128xf32>
    %swap3A_67 = arith.constant 1 : index
    %swap3A_68 = arith.constant 0 : index
    %swap3A_69 = arith.constant 0 : index
    %swap3A_70 = arith.constant 0 : index
    %swap3A_71 = vector.load %arg7[%swap3A_67, %swap3A_68, %swap3A_69, %swap3A_70] : memref<2x1x16x128xf32, #tpu.memory_space<vmem>>, vector<1x1x16x128xf32>
    %swap3A_72 = vector.shape_cast %swap3A_71 : vector<1x1x16x128xf32> to vector<16x128xf32>
    %swap3A_73 = vector.shape_cast %reshape3A_66 : vector<16x128xf32> to vector<1x1x16x128xf32>
    tpu.vector_store %arg7[%swap3A_67, %swap3A_68, %swap3A_69, %swap3A_70], %swap3A_73 {strides = array<i32>} : memref<2x1x16x128xf32, #tpu.memory_space<vmem>>, vector<1x1x16x128xf32>,
    %reshape3A_74 = vector.shape_cast %argmax3A_65 : vector<2048xi32> to vector<16x128xi32>
    %swap3A_75 = arith.constant 1 : index
    %swap3A_76 = arith.constant 0 : index
    %swap3A_77 = arith.constant 0 : index
    %swap3A_78 = arith.constant 0 : index
    %swap3A_79 = vector.load %arg8[%swap3A_75, %swap3A_76, %swap3A_77, %swap3A_78] : memref<2x1x16x128xi32, #tpu.memory_space<vmem>>, vector<1x1x16x128xi32>
    %swap3A_80 = vector.shape_cast %swap3A_79 : vector<1x1x16x128xi32> to vector<16x128xi32>
    %swap3A_81 = vector.shape_cast %reshape3A_74 : vector<16x128xi32> to vector<1x1x16x128xi32>
    tpu.vector_store %arg8[%swap3A_75, %swap3A_76, %swap3A_77, %swap3A_78], %swap3A_81 {strides = array<i32>} : memref<2x1x16x128xi32, #tpu.memory_space<vmem>>, vector<1x1x16x128xi32>,
    %reduce_max3A_82 = arith.constant dense<0xFF800000> : vector<2048xf32>
    %reduce_max3A_83 = vector.multi_reduction <maximumf>, %slice3A_62, %reduce_max3A_82 [0] : vector<2048x2048xf32> to vector<2048xf32>
    %eq3A_84 = arith.constant 0 : i32
    %eq3A_85 = arith.cmpi eq, %arg0, %eq3A_84 : i32
    %eq3A_86 = arith.constant 0 : i32
    %eq3A_87 = arith.cmpi eq, %arg1, %eq3A_86 : i32
    %and3A_88 = arith.andi %eq3A_85, %eq3A_87 : i1
    %convert_element_type3A_89 = arith.extui %and3A_88 : i1 to i32
    %cond3A_90 = arith.constant 0 : i32
    %cond3A_91 = arith.cmpi ne, %convert_element_type3A_89, %cond3A_90 : i32
    scf.if %cond3A_91 {
      %swap3A_100 = arith.constant 1 : index
      %swap3A_101 = arith.constant 0 : index
      %swap3A_102 = arith.constant 0 : index
      %swap3A_103 = vector.load %arg9[%swap3A_100, %swap3A_101, %swap3A_102] : memref<2x1x2048xf32, #tpu.memory_space<vmem>>, vector<1x1x2048xf32>
      %swap3A_104 = vector.shape_cast %swap3A_103 : vector<1x1x2048xf32> to vector<2048xf32>
      %swap3A_105 = vector.shape_cast %reduce_max3A_83 : vector<2048xf32> to vector<1x1x2048xf32>
      tpu.vector_store %arg9[%swap3A_100, %swap3A_101, %swap3A_102], %swap3A_105 {strides = array<i32>} : memref<2x1x2048xf32, #tpu.memory_space<vmem>>, vector<1x1x2048xf32>,
    } else {
    }
    %ne3A_92 = arith.constant 0 : i32
    %ne3A_93 = arith.cmpi ne, %arg0, %ne3A_92 : i32
    %ne3A_94 = arith.constant 0 : i32
    %ne3A_95 = arith.cmpi ne, %arg1, %ne3A_94 : i32
    %or3A_96 = arith.ori %ne3A_93, %ne3A_95 : i1
    %convert_element_type3A_97 = arith.extui %or3A_96 : i1 to i32
    %cond3A_98 = arith.constant 0 : i32
    %cond3A_99 = arith.cmpi ne, %convert_element_type3A_97, %cond3A_98 : i32
    scf.if %cond3A_99 {
      %get3A_100 = arith.constant 1 : index
      %get3A_101 = arith.constant 0 : index
      %get3A_102 = arith.constant 0 : index
      %get3A_103 = vector.load %arg9[%get3A_100, %get3A_101, %get3A_102] : memref<2x1x2048xf32, #tpu.memory_space<vmem>>, vector<1x1x2048xf32>
      %get3A_104 = vector.shape_cast %get3A_103 : vector<1x1x2048xf32> to vector<2048xf32>
      %max3A_105 = arith.maximumf %get3A_104, %reduce_max3A_83 : vector<2048xf32>
      %swap3A_106 = arith.constant 1 : index
      %swap3A_107 = arith.constant 0 : index
      %swap3A_108 = arith.constant 0 : index
      %swap3A_109 = vector.load %arg9[%swap3A_106, %swap3A_107, %swap3A_108] : memref<2x1x2048xf32, #tpu.memory_space<vmem>>, vector<1x1x2048xf32>
      %swap3A_110 = vector.shape_cast %swap3A_109 : vector<1x1x2048xf32> to vector<2048xf32>
      %swap3A_111 = vector.shape_cast %max3A_105 : vector<2048xf32> to vector<1x1x2048xf32>
      tpu.vector_store %arg9[%swap3A_106, %swap3A_107, %swap3A_108], %swap3A_111 {strides = array<i32>} : memref<2x1x2048xf32, #tpu.memory_space<vmem>>, vector<1x1x2048xf32>,
    } else {
    }
    return
  }
  func.func @transform_0(%arg0: i32, %arg1: i32) -> (i32, i32, i32) {
    %c0_i32 = arith.constant 0 : i32
    %c0_i32_0 = arith.constant 0 : i32
    return %arg0, %c0_i32, %arg1 : i32, i32, i32
  }
  func.func @transform_1(%arg0: i32, %arg1: i32) -> (i32, i32) {
    %c0_i32 = arith.constant 0 : i32
    %c0_i32_0 = arith.constant 0 : i32
    %c0_i32_1 = arith.constant 0 : i32
    return %c0_i32, %c0_i32_0 : i32, i32
  }
  func.func @transform_2(%arg0: i32, %arg1: i32) -> (i32, i32) {
    %c0_i32 = arith.constant 0 : i32
    %c0_i32_0 = arith.constant 0 : i32
    %c0_i32_1 = arith.constant 0 : i32
    return %c0_i32, %c0_i32_0 : i32, i32
  }
  func.func @transform_3(%arg0: i32, %arg1: i32) -> (i32, i32, i32) {
    %c0_i32 = arith.constant 0 : i32
    %c0_i32_0 = arith.constant 0 : i32
    return %arg0, %c0_i32, %arg1 : i32, i32, i32
  }
  func.func @transform_4(%arg0: i32, %arg1: i32) -> (i32, i32) {
    %mul3A = arith.constant 2 : i32
    %mul3A_0 = arith.muli %arg0, %mul3A : i32
    %add3A = arith.addi %mul3A_0, %arg1 : i32
    %c0_i32 = arith.constant 0 : i32
    %c0_i32_1 = arith.constant 0 : i32
    return %add3A, %c0_i32 : i32, i32
  }
  func.func @transform_5(%arg0: i32, %arg1: i32) -> (i32, i32, i32, i32) {
    %mul3A = arith.constant 2 : i32
    %mul3A_0 = arith.muli %arg0, %mul3A : i32
    %add3A = arith.addi %mul3A_0, %arg1 : i32
    %c0_i32 = arith.constant 0 : i32
    %c0_i32_1 = arith.constant 0 : i32
    %c0_i32_2 = arith.constant 0 : i32
    %c0_i32_3 = arith.constant 0 : i32
    return %c0_i32, %add3A, %c0_i32_1, %c0_i32_2 : i32, i32, i32, i32
  }
  func.func @transform_6(%arg0: i32, %arg1: i32) -> (i32, i32, i32, i32) {
    %mul3A = arith.constant 2 : i32
    %mul3A_0 = arith.muli %arg0, %mul3A : i32
    %add3A = arith.addi %mul3A_0, %arg1 : i32
    %c0_i32 = arith.constant 0 : i32
    %c0_i32_1 = arith.constant 0 : i32
    %c0_i32_2 = arith.constant 0 : i32
    %c0_i32_3 = arith.constant 0 : i32
    return %c0_i32, %add3A, %c0_i32_1, %c0_i32_2 : i32, i32, i32, i32
  }
  func.func @transform_7(%arg0: i32, %arg1: i32) -> (i32, i32, i32) {
    %c0_i32 = arith.constant 0 : i32
    %c0_i32_0 = arith.constant 0 : i32
    %c0_i32_1 = arith.constant 0 : i32
    %c0_i32_2 = arith.constant 0 : i32
    return %c0_i32, %c0_i32_0, %c0_i32_1 : i32, i32, i32
  }
}

module attributes {stable_mosaic.version = 14 : i64} {
  func.func @body(%arg0: i32, %arg1: i32, %arg2: memref<1x128x2048xf32, #tpu.memory_space<vmem>>, %arg3: memref<2048x128xf32, #tpu.memory_space<vmem>>, %arg4: memref<2x2048x128xf32, #tpu.memory_space<vmem>>, %arg5: memref<128x128xf32, #tpu.memory_space<vmem>>, %arg6: memref<128x128xf32, #tpu.memory_space<vmem>>, %arg7: memref<1x128x2048xf32, #tpu.memory_space<vmem>>, %arg8: memref<2048x128xf32, #tpu.memory_space<vmem>>, %arg9: memref<2048x128xf32, #tpu.memory_space<vmem>>, %arg10: memref<128x2048xf32, #tpu.memory_space<vmem>>) attributes {dimension_semantics = [#tpu.dimension_semantics<arbitrary>, #tpu.dimension_semantics<arbitrary>], iteration_bounds = array<i64: 2, 2>, scalar_prefetch = 0 : i64, scratch_operands = 2 : i64, tpu.core_type = #tpu.core_type<tc>, window_params = [{transform_indices = @transform_0, window_bounds = array<i64: 1, 128, 2048>}, {pipeline_mode = #tpu.pipeline_mode<synchronous>, transform_indices = @transform_1, window_bounds = array<i64: 2048, 128>}, {pipeline_mode = #tpu.pipeline_mode<synchronous>, transform_indices = @transform_2, window_bounds = array<i64: 2, 2048, 128>}, {pipeline_mode = #tpu.pipeline_mode<synchronous>, transform_indices = @transform_3, window_bounds = array<i64: 128, 128>}, {pipeline_mode = #tpu.pipeline_mode<synchronous>, transform_indices = @transform_4, window_bounds = array<i64: 128, 128>}, {transform_indices = @transform_5, window_bounds = array<i64: 1, 128, 2048>}, {pipeline_mode = #tpu.pipeline_mode<synchronous>, transform_indices = @transform_6, window_bounds = array<i64: 2048, 128>}]} {
    %eq3A = arith.constant 0 : i32
    %eq3A_0 = arith.cmpi eq, %arg0, %eq3A : i32
    %eq3A_1 = arith.constant 0 : i32
    %eq3A_2 = arith.cmpi eq, %arg1, %eq3A_1 : i32
    %and3A = arith.andi %eq3A_0, %eq3A_2 : i1
    %convert_element_type3A = arith.extui %and3A : i1 to i32
    %cond3A = arith.constant 0 : i32
    %cond3A_3 = arith.cmpi ne, %convert_element_type3A, %cond3A : i32
    scf.if %cond3A_3 {
      %get3A_50 = arith.constant 0 : index
      %get3A_51 = arith.constant 0 : index
      %get3A_52 = vector.load %arg3[%get3A_50, %get3A_51] : memref<2048x128xf32, #tpu.memory_space<vmem>>, vector<2048x128xf32>
      %get3A_53 = arith.constant 0 : index
      %get3A_54 = arith.constant 0 : index
      %get3A_55 = arith.constant 0 : index
      %get3A_56 = vector.load %arg4[%get3A_53, %get3A_54, %get3A_55] : memref<2x2048x128xf32, #tpu.memory_space<vmem>>, vector<1x2048x128xf32>
      %get3A_57 = vector.shape_cast %get3A_56 : vector<1x2048x128xf32> to vector<2048x128xf32>
      %add3A = arith.addf %get3A_52, %get3A_57 : vector<2048x128xf32>
      %get3A_58 = arith.constant 1 : index
      %get3A_59 = arith.constant 0 : index
      %get3A_60 = arith.constant 0 : index
      %get3A_61 = vector.load %arg4[%get3A_58, %get3A_59, %get3A_60] : memref<2x2048x128xf32, #tpu.memory_space<vmem>>, vector<1x2048x128xf32>
      %get3A_62 = vector.shape_cast %get3A_61 : vector<1x2048x128xf32> to vector<2048x128xf32>
      %add3A_63 = arith.addf %add3A, %get3A_62 : vector<2048x128xf32>
      %mul3A_64 = arith.mulf %add3A_63, %add3A_63 : vector<2048x128xf32>
      %reduce_sum3A_65 = arith.constant dense<0.000000e+00> : vector<2048xf32>
      %reduce_sum3A_66 = vector.multi_reduction <add>, %mul3A_64, %reduce_sum3A_65 [1] : vector<2048x128xf32> to vector<2048xf32>
      %broadcast_in_dim3A_67 = vector.shape_cast %reduce_sum3A_66 : vector<2048xf32> to vector<2048x1xf32>
      %sqrt3A_68 = math.sqrt %broadcast_in_dim3A_67 : vector<2048x1xf32>
      %max3A_69 = arith.constant 9.99999996E-13 : f32
      %max3A_70 = vector.broadcast %max3A_69 : f32 to vector<2048x1xf32>
      %max3A_71 = arith.maximumf %sqrt3A_68, %max3A_70 : vector<2048x1xf32>
      %div3A_72 = vector.broadcast %max3A_71 : vector<2048x1xf32> to vector<2048x128xf32>
      %div3A_73 = arith.divf %add3A_63, %div3A_72 : vector<2048x128xf32>
      %swap3A_74 = arith.constant 0 : index
      %swap3A_75 = arith.constant 0 : index
      %swap3A_76 = vector.load %arg9[%swap3A_74, %swap3A_75] : memref<2048x128xf32, #tpu.memory_space<vmem>>, vector<2048x128xf32>
      tpu.vector_store %arg9[%swap3A_74, %swap3A_75], %div3A_73 {strides = array<i32>} : memref<2048x128xf32, #tpu.memory_space<vmem>>, vector<2048x128xf32>,
      %swap3A_77 = arith.constant 0 : index
      %swap3A_78 = arith.constant 0 : index
      %swap3A_79 = vector.load %arg8[%swap3A_77, %swap3A_78] : memref<2048x128xf32, #tpu.memory_space<vmem>>, vector<2048x128xf32>
      tpu.vector_store %arg8[%swap3A_77, %swap3A_78], %div3A_73 {strides = array<i32>} : memref<2048x128xf32, #tpu.memory_space<vmem>>, vector<2048x128xf32>,
      %iota3A = tpu.iota {dimensions = array<i32: 0>} : vector<128x128xi32>
      %iota3A_80 = tpu.iota {dimensions = array<i32: 1>} : vector<128x128xi32>
      %eq3A_81 = arith.cmpi eq, %iota3A, %iota3A_80 : vector<128x128xi32>
      %convert_element_type3A_82 = arith.extui %eq3A_81 : vector<128x128xi1> to vector<128x128xi32>
      %convert_element_type3A_83 = arith.sitofp %convert_element_type3A_82 : vector<128x128xi32> to vector<128x128xf32>
      %dot_general3A_84 = arith.constant dense<0.000000e+00> : vector<128x2048xf32>
      %dot_general3A_85 = tpu.matmul %convert_element_type3A_83, %div3A_73, %dot_general3A_84 {dimension_numbers = #tpu.dot_dimension_numbers<[1], [1], [0], [0], [0, 0, 1, 0], [], []>, transpose_lhs_hint = false} : vector<128x128xf32>, vector<2048x128xf32>, vector<128x2048xf32> -> vector<128x2048xf32>
      %swap3A_86 = arith.constant 0 : index
      %swap3A_87 = arith.constant 0 : index
      %swap3A_88 = vector.load %arg10[%swap3A_86, %swap3A_87] : memref<128x2048xf32, #tpu.memory_space<vmem>>, vector<128x2048xf32>
      tpu.vector_store %arg10[%swap3A_86, %swap3A_87], %dot_general3A_85 {strides = array<i32>} : memref<128x2048xf32, #tpu.memory_space<vmem>>, vector<128x2048xf32>,
    } else {
    }
    %get3A = arith.constant 0 : index
    %get3A_4 = arith.constant 0 : index
    %get3A_5 = vector.load %arg9[%get3A, %get3A_4] : memref<2048x128xf32, #tpu.memory_space<vmem>>, vector<2048x128xf32>
    %get3A_6 = arith.constant 0 : index
    %get3A_7 = arith.constant 0 : index
    %get3A_8 = arith.constant 0 : index
    %get3A_9 = vector.load %arg2[%get3A_6, %get3A_7, %get3A_8] : memref<1x128x2048xf32, #tpu.memory_space<vmem>>, vector<1x128x2048xf32>
    %get3A_10 = vector.shape_cast %get3A_9 : vector<1x128x2048xf32> to vector<128x2048xf32>
    %dot_general3A = arith.constant dense<0.000000e+00> : vector<2048x2048xf32>
    %dot_general3A_11 = tpu.matmul %get3A_5, %get3A_10, %dot_general3A {dimension_numbers = #tpu.dot_dimension_numbers<[1], [0], [0], [1], [0, 0, 1, 1], [], []>, transpose_lhs_hint = false} : vector<2048x128xf32>, vector<128x2048xf32>, vector<2048x2048xf32> -> vector<2048x2048xf32>
    %exp3A = math.exp %dot_general3A_11 : vector<2048x2048xf32>
    %reduce_sum3A = arith.constant dense<0.000000e+00> : vector<2048xf32>
    %reduce_sum3A_12 = vector.multi_reduction <add>, %exp3A, %reduce_sum3A [0] : vector<2048x2048xf32> to vector<2048xf32>
    %broadcast_in_dim3A = vector.shape_cast %reduce_sum3A_12 : vector<2048xf32> to vector<1x2048xf32>
    %get3A_13 = arith.constant 0 : index
    %get3A_14 = arith.constant 0 : index
    %get3A_15 = vector.load %arg10[%get3A_13, %get3A_14] : memref<128x2048xf32, #tpu.memory_space<vmem>>, vector<128x2048xf32>
    %dot_general3A_16 = arith.constant dense<0.000000e+00> : vector<128x2048xf32>
    %dot_general3A_17 = tpu.matmul %get3A_15, %exp3A, %dot_general3A_16 {dimension_numbers = #tpu.dot_dimension_numbers<[1], [0], [0], [1], [0, 0, 1, 1], [], []>, transpose_lhs_hint = false} : vector<128x2048xf32>, vector<2048x2048xf32>, vector<128x2048xf32> -> vector<128x2048xf32>
    %div3A = vector.broadcast %broadcast_in_dim3A : vector<1x2048xf32> to vector<128x2048xf32>
    %div3A_18 = arith.divf %dot_general3A_17, %div3A : vector<128x2048xf32>
    %get3A_19 = arith.constant 0 : index
    %get3A_20 = arith.constant 0 : index
    %get3A_21 = vector.load %arg5[%get3A_19, %get3A_20] : memref<128x128xf32, #tpu.memory_space<vmem>>, vector<128x128xf32>
    %dot_general3A_22 = arith.constant dense<0.000000e+00> : vector<128x2048xf32>
    %dot_general3A_23 = tpu.matmul %get3A_21, %get3A_10, %dot_general3A_22 {dimension_numbers = #tpu.dot_dimension_numbers<[1], [0], [0], [1], [0, 0, 1, 1], [], []>, transpose_lhs_hint = false} : vector<128x128xf32>, vector<128x2048xf32>, vector<128x2048xf32> -> vector<128x2048xf32>
    %get3A_24 = arith.constant 0 : index
    %get3A_25 = arith.constant 0 : index
    %get3A_26 = vector.load %arg6[%get3A_24, %get3A_25] : memref<128x128xf32, #tpu.memory_space<vmem>>, vector<128x128xf32>
    %dot_general3A_27 = arith.constant dense<0.000000e+00> : vector<128x2048xf32>
    %dot_general3A_28 = tpu.matmul %get3A_26, %div3A_18, %dot_general3A_27 {dimension_numbers = #tpu.dot_dimension_numbers<[1], [0], [0], [1], [0, 0, 1, 1], [], []>, transpose_lhs_hint = false} : vector<128x128xf32>, vector<128x2048xf32>, vector<128x2048xf32> -> vector<128x2048xf32>
    %mul3A = arith.mulf %dot_general3A_23, %dot_general3A_28 : vector<128x2048xf32>
    %reduce_sum3A_29 = arith.constant dense<0.000000e+00> : vector<2048xf32>
    %reduce_sum3A_30 = vector.multi_reduction <add>, %mul3A, %reduce_sum3A_29 [0] : vector<128x2048xf32> to vector<2048xf32>
    %mul3A_31 = arith.mulf %dot_general3A_23, %dot_general3A_23 : vector<128x2048xf32>
    %reduce_sum3A_32 = arith.constant dense<0.000000e+00> : vector<2048xf32>
    %reduce_sum3A_33 = vector.multi_reduction <add>, %mul3A_31, %reduce_sum3A_32 [0] : vector<128x2048xf32> to vector<2048xf32>
    %sqrt3A = math.sqrt %reduce_sum3A_33 : vector<2048xf32>
    %mul3A_34 = arith.mulf %dot_general3A_28, %dot_general3A_28 : vector<128x2048xf32>
    %reduce_sum3A_35 = arith.constant dense<0.000000e+00> : vector<2048xf32>
    %reduce_sum3A_36 = vector.multi_reduction <add>, %mul3A_34, %reduce_sum3A_35 [0] : vector<128x2048xf32> to vector<2048xf32>
    %sqrt3A_37 = math.sqrt %reduce_sum3A_36 : vector<2048xf32>
    %mul3A_38 = arith.mulf %sqrt3A, %sqrt3A_37 : vector<2048xf32>
    %max3A = arith.constant 9.99999993E-9 : f32
    %max3A_39 = vector.broadcast %max3A : f32 to vector<2048xf32>
    %max3A_40 = arith.maximumf %mul3A_38, %max3A_39 : vector<2048xf32>
    %div3A_41 = arith.divf %reduce_sum3A_30, %max3A_40 : vector<2048xf32>
    %broadcast_in_dim3A_42 = vector.shape_cast %div3A_41 : vector<2048xf32> to vector<1x2048xf32>
    %mul3A_43 = vector.broadcast %broadcast_in_dim3A_42 : vector<1x2048xf32> to vector<128x2048xf32>
    %mul3A_44 = arith.mulf %get3A_10, %mul3A_43 : vector<128x2048xf32>
    %swap3A = arith.constant 0 : index
    %swap3A_45 = arith.constant 0 : index
    %swap3A_46 = arith.constant 0 : index
    %swap3A_47 = vector.load %arg7[%swap3A, %swap3A_45, %swap3A_46] : memref<1x128x2048xf32, #tpu.memory_space<vmem>>, vector<1x128x2048xf32>
    %swap3A_48 = vector.shape_cast %swap3A_47 : vector<1x128x2048xf32> to vector<128x2048xf32>
    %swap3A_49 = vector.shape_cast %mul3A_44 : vector<128x2048xf32> to vector<1x128x2048xf32>
    tpu.vector_store %arg7[%swap3A, %swap3A_45, %swap3A_46], %swap3A_49 {strides = array<i32>} : memref<1x128x2048xf32, #tpu.memory_space<vmem>>, vector<1x128x2048xf32>,
    return
  }
  func.func @transform_0(%arg0: i32, %arg1: i32) -> (i32, i32, i32) {
    %c0_i32 = arith.constant 0 : i32
    %c0_i32_0 = arith.constant 0 : i32
    return %arg0, %c0_i32, %arg1 : i32, i32, i32
  }
  func.func @transform_1(%arg0: i32, %arg1: i32) -> (i32, i32) {
    %c0_i32 = arith.constant 0 : i32
    %c0_i32_0 = arith.constant 0 : i32
    %c0_i32_1 = arith.constant 0 : i32
    return %c0_i32, %c0_i32_0 : i32, i32
  }
  func.func @transform_2(%arg0: i32, %arg1: i32) -> (i32, i32, i32) {
    %c0_i32 = arith.constant 0 : i32
    %c0_i32_0 = arith.constant 0 : i32
    %c0_i32_1 = arith.constant 0 : i32
    %c0_i32_2 = arith.constant 0 : i32
    return %c0_i32, %c0_i32_0, %c0_i32_1 : i32, i32, i32
  }
  func.func @transform_3(%arg0: i32, %arg1: i32) -> (i32, i32) {
    %c0_i32 = arith.constant 0 : i32
    %c0_i32_0 = arith.constant 0 : i32
    %c0_i32_1 = arith.constant 0 : i32
    return %c0_i32, %c0_i32_0 : i32, i32
  }
  func.func @transform_4(%arg0: i32, %arg1: i32) -> (i32, i32) {
    %c0_i32 = arith.constant 0 : i32
    %c0_i32_0 = arith.constant 0 : i32
    %c0_i32_1 = arith.constant 0 : i32
    return %c0_i32, %c0_i32_0 : i32, i32
  }
  func.func @transform_5(%arg0: i32, %arg1: i32) -> (i32, i32, i32) {
    %c0_i32 = arith.constant 0 : i32
    %c0_i32_0 = arith.constant 0 : i32
    return %arg0, %c0_i32, %arg1 : i32, i32, i32
  }
  func.func @transform_6(%arg0: i32, %arg1: i32) -> (i32, i32) {
    %c0_i32 = arith.constant 0 : i32
    %c0_i32_0 = arith.constant 0 : i32
    %c0_i32_1 = arith.constant 0 : i32
    return %c0_i32, %c0_i32_0 : i32, i32
  }
}

</mosaic_0001>

<sc_bundles>
// kernel: kernel.10.cloned.1.call-start
scs
__scs_entry_jumppad:
0x0: {  	(pc) =	sbr.rel $0x88, $3  }
0x1: {  	(tag) =	ssettag $0x0;
	lr =	simm.s32 $0x1  }
0x2: {  	[smem:$0x3F9C] =	sst lr;
	_ =	strace $0xD0000000  }
0x3: {  	_ = 	snop  }
0x4: {  	_ = 	snop  }
0x5: {  	_ = 	snop  }
0x6: {  	_ = 	snop  }
0x7: {  	_ = 	snop  }
__scs_overlays_trampoline_lowered:
0x8: {  	[smem:$0x3FAB] =	sst s0  }
0x9: {  	[smem:$0x3FAC] =	sst s1  }
0xa: {  	[smem:$0x3FAD] =	sst s2  }
0xb: {  	[smem:$0x3FAE] =	sst s3  }
0xc: {  	[smem:$0x3FAF] =	sst s4  }
0xd: {  	[smem:$0x3FB0] =	sst s5  }
0xe: {  	[smem:$0x3FB1] =	sst s6  }
0xf: {  	[smem:$0x3FB2] =	sst s7  }
0x10: {  	[smem:$0x3FB3] =	sst s8  }
0x11: {  	[smem:$0x3FB4] =	sst s9;
	s0 =	simm.s32 @!p0 $0x0  }
0x12: {  	s1 =	sld [smem:$0x3F9A];
	s0 =	simm.s32 @p0 $0x1  }
0x13: {  	[smem:$0x3FB5] =	sst s0;
	s0 =	simm.s32 @!p1 $0x0  }
0x14: {  	s2 =	sld [smem:$0x3F99];
	s0 =	simm.s32 @p1 $0x1  }
0x15: {  	[smem:$0x3FB6] =	sst s0;
	s0 =	simm.s32 @!p2 $0x0  }
0x16: {  	s3 =	sld [smem:$0x3FDB];
	s0 =	simm.s32 @p2 $0x1  }
0x17: {  	s4 =	simm.s32 $0x1BF5;
	[smem:$0x3FB8] =	sst s0  }
0x18: {  	s0 =	sld [smem:$0x3F9B];
	_ =	swait.ge [sflag:s4], $0x0  }
0x19: {  	s7 =	sld [smem:$0x3F9C]  }
0x1a: {  	s8 =	sadd.s32 $0xFFFFE003, lr  }
0x1b: {  	s9 =	sadd.s32 $0xFFFFFEF7, lr;
	s5 =	simm.s32 $0xFFFFFFFF;
	p2 =	slt.u32 s8, $0xFFFFF086  }
0x1c: {  	p1 =	slt.u32 s9, $0xF7A;
	s5 =	simm.s32 @!p2 $0x0  }
0x1d: {  	s5 =	simm.s32 @p1 $0x1;
	p0 =	seq.s32 s7, s2  }
0x1e: {  	s7 =	smul.u32 @!p0 $0xF7A, s2;
	p2 =	seq.s32 @!p0 s5, $0x0  }
0x1f: {  	s9 =	smul.u32 $0xF7A, s1;
	s8 =	simm.s32 @!p0 $0x1BF5;
	p2 =	por !p2, p0  }
0x20: {  	[sflag:s8] =	ssyncset.s32 @!p0 $0xFFFFF086;
	s6 =	sadd.s32 @!p0 s3, s7;
	s7 =	simm.s32 @!p0 $0x108  }
0x21: {  	s3 =	sadd.s32 s3, s9;
	s6 =	sadd.s32 @!p0 $0x88, s6;
	s7 =	simm.s32 @p2 $0x1082  }
0x22: {  	[simem:s7], [sflag:s8] =	dma.local @!p0 [hbm:s6], $0xF7A  }
0x23: {  	s9 =	sor.u32 $0xD0000000, s2;
	s6 =	simm.s32 $0x108;
	_ =	swait.ge @!p0 [sflag:s8], $0x0  }
0x24: {  	s3 =	sadd.s32 $0x88, s3;
	s6 =	simm.s32 @!p1 $0x1082;
	[sflag:s4] =	ssyncset.s32 $0xFFFFF086  }
0x25: {  	[simem:s6], [sflag:s4] =	dma.local [hbm:s3], $0xF7A  }
0x26: {  	[smem:$0x3F9C] =	sst s1;
	(tag) =	ssettag s2;
	_ =	strace s9  }
0x27: {  	s1 =	sld [smem:$0x3FAC]  }
0x28: {  	s2 =	sld [smem:$0x3FAD]  }
0x29: {  	s4 =	sld [smem:$0x3FAF]  }
0x2a: {  	p0 =	seq.s32 s5, $0x0;
	s5 =	sld [smem:$0x3FB0]  }
0x2b: {  	s6 =	sld [smem:$0x3FB1]  }
0x2c: {  	s7 =	sld [smem:$0x3FB2]  }
0x2d: {  	s3 =	simm.s32 $0x108;
	s8 =	sld [smem:$0x3FB3]  }
0x2e: {  	s3 =	simm.s32 @!p0 $0x1082;
	s9 =	sld [smem:$0x3FB4]  }
0x2f: {  	lr =	sadd.s32 s0, s3;
	s0 =	sld [smem:$0x3FAB]  }
0x30: {  	s3 =	sld [smem:$0x3FAE]  }
0x31: {  	[smem:$0x3FB7] =	sst s10  }
0x32: {  	s10 =	sld [smem:$0x3FB5];
	_ =	sdelay $0x3  }
0x33: {  	p0 =	seq.s32 s10, $0x1;
	s10 =	sld [smem:$0x3FB7];
	_ =	sdelay $0x3  }
0x34: {  	[smem:$0x3FB7] =	sst s10  }
0x35: {  	s10 =	sld [smem:$0x3FB6];
	_ =	sdelay $0x3  }
0x36: {  	p1 =	seq.s32 s10, $0x1;
	s10 =	sld [smem:$0x3FB7];
	_ =	sdelay $0x3  }
0x37: {  	[smem:$0x3FB7] =	sst s10  }
0x38: {  	s10 =	sld [smem:$0x3FB8]  }
0x39: {  	_ = 	snop;
	(pc) =	sbr.ind lr, $3  }
0x3a: {  	_ = 	snop  }
0x3b: {  	_ = 	snop  }
0x3c: {  	p2 =	seq.s32 s10, $0x1;
	s10 =	sld [smem:$0x3FB7]  }
0x3d: {  	_ =	shalt  }
0x3e: {  	_ =	shalt  }
0x3f: {  	_ =	shalt  }
0x40: {  	_ =	shalt  }
0x41: {  	_ =	shalt  }
0x42: {  	_ =	shalt  }
0x43: {  	_ =	shalt  }
0x44: {  	_ =	shalt  }
0x45: {  	_ =	shalt  }
0x46: {  	_ =	shalt  }
0x47: {  	_ =	shalt  }
0x48: {  	_ =	shalt  }
0x49: {  	_ =	shalt  }
0x4a: {  	_ =	shalt  }
0x4b: {  	_ =	shalt  }
0x4c: {  	_ =	shalt  }
0x4d: {  	_ =	shalt  }
0x4e: {  	_ =	shalt  }
0x4f: {  	_ =	shalt  }
0x50: {  	_ =	shalt  }
0x51: {  	_ =	shalt  }
0x52: {  	_ =	shalt  }
0x53: {  	_ =	shalt  }
0x54: {  	_ =	shalt  }
0x55: {  	_ =	shalt  }
0x56: {  	_ =	shalt  }
0x57: {  	_ =	shalt  }
0x58: {  	_ =	shalt  }
0x59: {  	_ =	shalt  }
0x5a: {  	_ =	shalt  }
0x5b: {  	_ =	shalt  }
0x5c: {  	_ =	shalt  }
0x5d: {  	_ =	shalt  }
0x5e: {  	_ =	shalt  }
0x5f: {  	_ =	shalt  }
0x60: {  	_ =	shalt  }
0x61: {  	_ =	shalt  }
0x62: {  	_ =	shalt  }
0x63: {  	_ =	shalt  }
0x64: {  	_ =	shalt  }
0x65: {  	_ =	shalt  }
0x66: {  	_ =	shalt  }
0x67: {  	_ =	shalt  }
0x68: {  	_ =	shalt  }
0x69: {  	_ =	shalt  }
0x6a: {  	_ =	shalt  }
0x6b: {  	_ =	shalt  }
0x6c: {  	_ =	shalt  }
0x6d: {  	_ =	shalt  }
0x6e: {  	_ =	shalt  }
0x6f: {  	_ =	shalt  }
0x70: {  	_ =	shalt  }
0x71: {  	_ =	shalt  }
0x72: {  	_ =	shalt  }
0x73: {  	_ =	shalt  }
0x74: {  	_ =	shalt  }
0x75: {  	_ =	shalt  }
0x76: {  	_ =	shalt  }
0x77: {  	_ =	shalt  }
0x78: {  	_ =	shalt  }
0x79: {  	_ =	shalt  }
0x7a: {  	_ =	shalt  }
0x7b: {  	_ =	shalt  }
0x7c: {  	_ =	shalt  }
0x7d: {  	_ =	shalt  }
0x7e: {  	_ =	shalt  }
0x7f: {  	_ =	shalt  }
0x80: {  	_ =	shalt  }
0x81: {  	_ =	shalt  }
0x82: {  	_ =	shalt  }
0x83: {  	_ =	shalt  }
0x84: {  	_ =	shalt  }
0x85: {  	_ =	shalt  }
0x86: {  	_ =	shalt  }
0x87: {  	_ =	shalt  }
.Lfunc_end0:
.L_simem_size_0:
called_computation.1_lowered:
.L_overlay_start_0:
0x88: {  	s2 =	sld [smem:$0x3FD9]  }
0x89: {  	s3 =	sld [smem:$0x3FFE];
	_ =	sdelay $0x1  }
0x8a: {  	s1 =	srdreg.scid  }
0x8b: {  	s0 =	sand.u32 $0x1, s1  }
0x8c: {  	s15 =	sshll.u32 s0, $0xA;
	s2 =	sadd.s32 s3, s2  }
0x8d: {  	s2 =	sadd.s32 s2, s15  }
0x8e: {  	[smem:$0x3FC3] =	sst s2  }
0x8f: {  	_ = 	snop  }
0x90: {  	s2 =	sld [smem:$0x3FD0];
	_ =	sdelay $0x2  }
0x91: {  	s5 =	simm.s32 $0xB;
	s16 =	simm.s32 $0x10  }
0x92: {  	[smem:s16], [sflag:s5] =	dma.local [hbm:s2], $0x1  }
0x93: {  	_ =	swait.eq [sflag:s5], $0x1  }
0x94: {  	s17 =	sld [smem:$0x13];
	[sflag:s5] =	ssyncset.done $0x0  }
0x95: {  	s4 =	sld [smem:$0x14];
	[sflag:s5] =	ssyncadd.s32 $0xFFFFFFFF  }
0x96: {  	s18 =	sld [smem:$0x15];
	(tm) =	ssettm $0x1  }
0x97: {  	s19 =	sld [smem:$0x3FFB];
	_ =	sdelay $0x3  }
0x98: {  	_ =	strace s19  }
0x99: {  	s2 =	sld [smem:$0x3FFC];
	_ =	sdelay $0x3  }
0x9a: {  	_ =	strace s2  }
0x9b: {  	s2 =	sld [smem:$0x3FFD];
	_ =	sdelay $0x3  }
0x9c: {  	_ =	strace s2  }
0x9d: {  	_ =	strace $0x8FFFFFFF  }
0x9e: {  	s20 =	sld [smem:$0x3FDB];
	_ =	sdelay $0x1  }
0x9f: {  	s6 =	simm.s32 $_scs_section_size  }
0xa0: {  	s7 =	simm.s32 $_size__tile_overlayer_lowered;
	s8 =	simm.s32 $_tile_overlayer_lowered  }
0xa1: {  	s9 =	simm.s32 $0x1BFF;
	s21 =	sshll.u32 s8, $0x1;
	s6 =	sadd.s32 s6, s20  }
0xa2: {  	s22 =	simm.s32 $0x0;
	s7 =	sshll.u32 s7, $0x1;
	s8 =	sadd.s32 s21, s6  }
0xa3: {  	[timem:s22], [sflag:s9] =	dma.local [hbm:s8], s7  }
0xa4: {  	_ =	swait.ge [sflag:s9], s7  }
0xa5: {  	s7 =	ssub.s32 $0x0, s7;
	[sflag:s9] =	ssyncset.done $0x0  }
0xa6: {  	[sflag:s9] =	ssyncadd.s32 s7;
	_ =	sdelay $0x1  }
0xa7: {  	s23 =	simm.s32 $0x1B8B  }
0xa8: {  	_ =	swait.ge [sflag:s23], $0x1  }
0xa9: {  	[sflag:s23] =	ssyncset.done $0x0  }
0xaa: {  	[sflag:s23] =	ssyncadd.s32 $0xFFFFFFFF  }
0xab: {  	s7 =	sld [smem:$0x0]  }
0xac: {  	s8 =	sand.u32 $0xFFFFFFFE, s1  }
0xad: {  	p0 =	sne.s32 s1, s8  }
0xae: {  	s8 =	sshll.u32 @p0 s8, $0xE  }
0xaf: {  	s8 =	sadd.s32 @p0 $0x11B8D, s8;
	s9 =	sshll.u32 @p0 s7, $0x11  }
0xb0: {  	s8 =	sor.u32 @p0 s9, s8  }
0xb1: {  	[sflag:s8] =	ssyncadd.remote.s32 @p0 $0x1;
	_ =	sdelay $0x1  }
0xb2: {  	s8 =	simm.s32 @p0 $0x1B8D  }
0xb3: {  	_ =	swait.eq @p0 [sflag:s8], $0x1  }
0xb4: {  	[sflag:s8] =	ssyncadd.s32 @p0 $0xFFFFFFFF  }
0xb5: {  	s9 =	sshll.u32 @!p0 s1, $0xE  }
0xb6: {  	s9 =	sor.u32 @!p0 $0x4000, s9;
	s8 =	simm.s32 @!p0 $0x1B8D  }
0xb7: {  	s7 =	sshll.u32 @!p0 s7, $0x11;
	s9 =	sadd.s32 @!p0 $0x11B8D, s9;
	_ =	swait.eq @!p0 [sflag:s8], $0x1  }
0xb8: {  	s7 =	sor.u32 @!p0 s7, s9;
	[sflag:s8] =	ssyncadd.s32 @!p0 $0xFFFFFFFF  }
0xb9: {  	s25 =	simm.s32 $0x1B8E;
	s24 =	sld [smem:$0x3FFE];
	[sflag:s7] =	ssyncadd.remote.s32 @!p0 $0x1  }
0xba: {  	s26 =	simm.s32 $execute0_lowered;
	[smem:$0x3FD2] =	sst s25  }
0xbb: {  	s8 =	sshll.u32 s26, $0x1;
	_ =	strace $0x80000049;
	[dreg:$0x1] =	wrdreg $0xFFFFFFFF  }
0xbc: {  	s28 =	simm.s32 $_size_execute0_lowered;
	s6 =	sadd.s32 s6, s8;
	[dreg:$0x0] =	wrdreg $0x0  }
0xbd: {  	s8 =	sshll.u32 s28, $0x1;
	[dreg:$0x2] =	wrdreg s6  }
0xbe: {  	[dreg:$0x3] =	wrdreg s8  }
0xbf: {  	[dreg:$0x4] =	wrdreg $0xC0  }
0xc0: {  	_ =	task [dreg:s22], $0x5FFFF  }
0xc1: {  	[dreg:$0x1] =	wrdreg $0xFFFFFFFF  }
0xc2: {  	[dreg:$0x0] =	wrdreg $0x60  }
0xc3: {  	[dreg:$0x2] =	wrdreg s4  }
0xc4: {  	[dreg:$0x3] =	wrdreg s18  }
0xc5: {  	[dreg:$0x4] =	wrdreg s24  }
0xc6: {  	[dreg:$0x5] =	wrdreg s17  }
0xc7: {  	[dreg:$0x6] =	wrdreg $0xCB000  }
0xc8: {  	[dreg:$0x7] =	wrdreg $0xA  }
0xc9: {  	_ =	task.clear_ibuf [dreg:s22], $0x8FFFF;
	_ =	strace $0x90000049  }
0xca: {  	s29 =	simm.s32 $0xA;
	_ =	strace $0x8000004B  }
0xcb: {  	_ =	swait.ge [sflag:s29], $0x1  }
0xcc: {  	[sflag:s29] =	ssyncadd.s32 $0xFFFFFFFF  }
0xcd: {  	_ =	strace $0x9000004B  }
0xce: {  	_ =	sfence  }
0xcf: {  	s30 =	sld [smem:$0x0];
	_ =	sdelay $0x2  }
0xd0: {  	s31 =	sshll.u32 s1, $0xD;
	s1 =	sshrl.u32 s1, $0x2  }
0xd1: {  	s4 =	sand.u32 $0x4000, s31;
	s1 =	sadd.s32 s1, s30  }
0xd2: {  	s0 =	sor.u32 s4, s0;
	s1 =	sshll.u32 s1, $0x11  }
0xd3: {  	s0 =	sor.u32 s1, s0  }
0xd4: {  	s0 =	sadd.s32 $0x8F2B, s0  }
0xd5: {  	[sflag:s0] =	ssyncadd.remote.s32 $0x1  }
0xd6: {  	_ =	sfence.sel $0xFFFF  }
0xd7: {  	[dreg:$0x0] =	wrdreg $0xFFFFFFFF;
	(pc) =	sbr.abs _section_cstart, $3  }
0xd8: {  	[dreg:$0x1] =	wrdreg $0xFFFFFFFF  }
0xd9: {  	_ =	task.clear_ibuf [dreg:s22], $0x2FFFF;
	_ =	strace $0x9FFFFFFF  }
0xda: {  	(tm) =	ssettm $0x7FFFFFFF  }
0xdb: {  	_ =	shalt  }
tec
execute0_lowered:
.L_overlay_start_1:
0x0: {  	(tag) =	ssettag $0x1  }
0x1: {  	s4 =	rddreg [dreg:$0x0]  }
0x2: {  	s5 =	rddreg [dreg:$0x1]  }
0x3: {  	s7 =	rddreg [dreg:$0x2]  }
0x4: {  	s8 =	rddreg [dreg:$0x3]  }
0x5: {  	s2 =	rddreg [dreg:$0x4]  }
0x6: {  	s0 =	rddreg [dreg:$0x5];
	s6 =	srdreg.scid  }
0x7: {  	s3 =	simm.s32 $0x0;
	s1 =	stileid.u32;
	s15 =	simm.s32 $0x8100  }
0x8: {  	s16 =	simm.s32 $0x8300;
	s17 =	simm.s32 $0x8200;
	s18 =	simm.s32 $0x8280  }
0x9: {  	s19 =	simm.s32 $0x8B00;
	s20 =	simm.s32 $0x2;
	s21 =	simm.s32 $0x1  }
0xa: {  	s22 =	simm.s32 $0x4000;
	s24 =	simm.s32 $0x0;
	s9 =	sand.u32 $0x1, s6  }
0xb: {  	[smem:$0x7FF] =	sst s3;
	s26 =	sshll.u32 s1, $0x9;
	s28 =	sadd.s32 $0x1E00, s7  }
0xc: {  	s7 =	sadd.s32 $0x2610, s7;
	s30 =	sshll.u32 s1, $0xB;
	s31 =	sshll.u32 s1, $0xE  }
0xd: {  	s23 =	sshll.u32 s1, $0x6;
	s10 =	sshll.u32 s9, $0x8;
	_ =	strace $0x8000004A  }
0xe: {  	s11 =	ssub.s32 $0x2, s9;
	s14 =	sshll.u32 s9, $0xF;
	s9 =	sadd.s32 s31, s2  }
0xf: {  	s23 =	sor.u32 $0x1C02, s23;
	s6 =	sor.u32 s10, s26;
	s12 =	sshrl.u32 s11, $0x1  }
0x10: {  	s13 =	sshrl.u32 s6, $0x2;
	s11 =	ssub.s32 s11, s12;
	s6 =	sshll.u32 s6, $0x4  }
0x11: {  	s12 =	sadd.s32 s8, s30;
	s29 =	sor.u32 $0x10, s13;
	s4 =	sadd.s32 s4, s6  }
0x12: {  	s10 =	sadd.s32 s13, s28;
	s11 =	smax.u32 s11, $0x1;
	s13 =	simm.s32 $0x100  }
0x13: {  	s5 =	sadd.s32 s5, s29;
	s6 =	sadd.s32 s28, s29;
	s8 =	sadd.s32 $0x30, s10  }
0x14: {  	v0 =	vimm.f32 $0.0e+00;
	s10 =	sadd.s32 s14, s12;
	s12 =	simm.s32 $0x80;
	s14 =	simm.s32 $0x8000  }
.LBB2_1:
0x15: {  	[tilespmem:s3], [sflag:$0x1] =	stream.linear.gather [hbm4b:s4+s3], $0x8000, $0x38;
	[tilespmem:$0x10B00] =	vst v63  }
0x16: {  	_ = 	snop  }
0x17: {  	[tilespmem:s14], [sflag:$0x1] =	stream.strided.gather [hbm4b:s5+s12], $0x100, s13, s12, $0x38;
	[tilespmem:$0x10B00] =	vst v63  }
0x18: {  	_ = 	snop  }
0x19: {  	[tilespmem:s15], [sflag:$0x1] =	stream.strided.gather [hbm4b:s6+s12], $0x100, s13, s12, $0x38;
	[tilespmem:$0x10B00] =	vst v63  }
0x1a: {  	_ = 	snop  }
0x1b: {  	[tilespmem:s16], [sflag:$0x1] =	stream.strided.gather [hbm4b:s7+s12], $0x800, s13, s12, $0x38;
	[tilespmem:$0x10B00] =	vst v63  }
0x1c: {  	_ = 	snop  }
0x1d: {  	[tilespmem:s17], [sflag:$0x1] =	stream.linear.gather [hbm4b:s6+s3], $0x80, $0x38;
	[tilespmem:$0x10B00] =	vst v63  }
0x1e: {  	s25 =	simm.s32 $0x0;
	s26 =	simm.s32 $0x200  }
0x1f: {  	[tilespmem:s18], [sflag:$0x1] =	stream.linear.gather [hbm4b:s8+s3], $0x80, $0x38;
	[tilespmem:$0x10B00] =	vst v63  }
.LBB2_2:
0x20: {  	p0 =	sne.s32 s26, $0xFE00;
	[tilespmem:s25+$0x8B70] =	vst v0  }
0x21: {  	[tilespmem:s25+$0x8B00] =	vst v0  }
0x22: {  	[tilespmem:s25+$0x8B10] =	vst v0  }
.Ltmp0:
0x23: {  	[tilespmem:s25+$0x8B20] =	vst v0;
	(pc) =	sbr.rel @p0 .LBB2_2-.Ltmp0, $4  }
0x24: {  	[tilespmem:s25+$0x8B30] =	vst v0  }
0x25: {  	[tilespmem:s25+$0x8B40] =	vst v0  }
0x26: {  	[tilespmem:s25+$0x8B50] =	vst v0  }
0x27: {  	[tilespmem:s25+$0x8B60] =	vst v0;
	s25 =	sshra.s32 s26, $0x2;
	s26 =	sadd.s32 $0x200, s26  }
0x28: {  	[tilespmem:s25+$0x8B70] =	vst v0  }
0x29: {  	[tilespmem:s25+$0x8B00] =	vst v0  }
0x2a: {  	[tilespmem:s25+$0x8B10] =	vst v0  }
0x2b: {  	[tilespmem:s25+$0x8B20] =	vst v0  }
0x2c: {  	[tilespmem:s25+$0x8B30] =	vst v0  }
0x2d: {  	[tilespmem:s25+$0x8B40] =	vst v0  }
0x2e: {  	[tilespmem:s25+$0x8B50] =	vst v0  }
0x2f: {  	[tilespmem:s25+$0x8B60] =	vst v0  }
0x30: {  	[spmem:s9] =	stream.linear.scatter [tilespmem:s19], [sflag:$0x2], $0x4000, $0x38;
	[tilespmem:$0x10B00] =	vst v63  }
0x31: {  	_ =	swait.ge [sflag:s20], $0x4000  }
0x32: {  	[sflag:s20] =	ssyncset.done $0x0  }
0x33: {  	[sflag:s20] =	ssyncadd.s32 $0xFFFFC000  }
0x34: {  	_ =	swait.ge [sflag:s21], $0x8000  }
0x35: {  	[sflag:s21] =	ssyncset.done $0x0  }
0x36: {  	[sflag:s21] =	ssyncadd.s32 $0xFFFF8000  }
0x37: {  	_ =	swait.ge [sflag:s21], $0x100  }
0x38: {  	[sflag:s21] =	ssyncset.done $0x0  }
0x39: {  	[sflag:s21] =	ssyncadd.s32 $0xFFFFFF00  }
0x3a: {  	_ =	swait.ge [sflag:s21], $0x100  }
0x3b: {  	[sflag:s21] =	ssyncset.done $0x0  }
0x3c: {  	[sflag:s21] =	ssyncadd.s32 $0xFFFFFF00  }
0x3d: {  	_ =	swait.ge [sflag:s21], $0x800  }
0x3e: {  	[sflag:s21] =	ssyncset.done $0x0  }
0x3f: {  	[sflag:s21] =	ssyncadd.s32 $0xFFFFF800  }
0x40: {  	_ =	swait.ge [sflag:s21], $0x80  }
0x41: {  	[sflag:s21] =	ssyncset.done $0x0  }
0x42: {  	[sflag:s21] =	ssyncadd.s32 $0xFFFFFF80  }
0x43: {  	_ =	swait.ge [sflag:s21], $0x80  }
0x44: {  	[sflag:s21] =	ssyncset.done $0x0  }
0x45: {  	s25 =	simm.s32 $0x0;
	[sflag:s21] =	ssyncadd.s32 $0xFFFFFF80  }
.LBB2_4:
0x46: {  	s26 =	sshll.u32 s25, $0x4  }
0x47: {  	v1 =	vld [tilespmem:s26+$0x8100];
	_ =	sdelay $0x6  }
0x48: {  	v2 =	vld [tilespmem:s26+$0x8000]  }
0x49: {  	v1 =	vld.idx.msk [tilespmem:v1+s16+$0x0], $0xffff;
	_ =	sdelay $0x4  }
0x4a: {  	v1 =	vsub.f32 v2, v1;
	_ =	sdelay $0x1  }
0x4b: {  	v1 =	vmul.f32 $1.442695020e+00, v1;
	_ =	sdelay $0x1  }
0x4c: {  	(erf) = vpow2.f32 v1;
	_ =	sdelay $0x4  }
0x4d: {  	s31 =	sshll.u32 s25, $0xB  }
0x4e: {  	s26 =	sand.u32 $0x3FFFF800, s31  }
0x4f: {  	v2 =	vld [tilespmem:s26+$0x0]  }
0x50: {  	v3 =	vld [tilespmem:s26+$0x10]  }
0x51: {  	v4 =	vld [tilespmem:s26+$0x20];
	v1 =	vpop (erf)  }
0x52: {  	v6 =	vld [tilespmem:s26+$0x30];
	v5 =	vbroadcast v1, $0x0  }
0x53: {  	v7 =	vld [tilespmem:s26+$0x40]  }
0x54: {  	v8 =	vld [tilespmem:s26+$0x50];
	v2 =	vmul.f32 v5, v2  }
0x55: {  	v9 =	vld [tilespmem:s26+$0x60];
	v3 =	vmul.f32 v5, v3  }
0x56: {  	v34 =	vld [tilespmem:s26+$0x70];
	[tilespmem:s26+$0x0] =	vst v2;
	v2 =	vmul.f32 v4, v5  }
0x57: {  	v35 =	vld [tilespmem:s26+$0x80];
	[tilespmem:s26+$0x10] =	vst v3;
	v3 =	vmul.f32 v6, v5  }
0x58: {  	v36 =	vld [tilespmem:s26+$0x90];
	[tilespmem:s26+$0x20] =	vst v2;
	v2 =	vmul.f32 v7, v5  }
0x59: {  	v37 =	vld [tilespmem:s26+$0xA0];
	[tilespmem:s26+$0x30] =	vst v3;
	v3 =	vmul.f32 v8, v5  }
0x5a: {  	v10 =	vld [tilespmem:s26+$0xB0];
	v38 =	vbroadcast v1, $0x1;
	[tilespmem:s26+$0x40] =	vst v2;
	v2 =	vmul.f32 v9, v5  }
0x5b: {  	v39 =	vld [tilespmem:s26+$0xC0];
	[tilespmem:s26+$0x50] =	vst v3;
	v3 =	vmul.f32 v34, v5  }
0x5c: {  	v40 =	vld [tilespmem:s26+$0xD0];
	[tilespmem:s26+$0x60] =	vst v2;
	v2 =	vmul.f32 v35, v38  }
0x5d: {  	v41 =	vld [tilespmem:s26+$0xE0];
	[tilespmem:s26+$0x70] =	vst v3;
	v3 =	vmul.f32 v36, v38  }
0x5e: {  	v42 =	vld [tilespmem:s26+$0xF0];
	[tilespmem:s26+$0x80] =	vst v2;
	v2 =	vmul.f32 v37, v38  }
0x5f: {  	v43 =	vld [tilespmem:s26+$0x100];
	[tilespmem:s26+$0x90] =	vst v3;
	v3 =	vmul.f32 v10, v38  }
0x60: {  	v44 =	vld [tilespmem:s26+$0x110];
	[tilespmem:s26+$0xA0] =	vst v2;
	v2 =	vmul.f32 v39, v38  }
0x61: {  	v45 =	vld [tilespmem:s26+$0x120];
	[tilespmem:s26+$0xB0] =	vst v3;
	v3 =	vmul.f32 v40, v38  }
0x62: {  	v47 =	vld [tilespmem:s26+$0x130];
	v46 =	vbroadcast v1, $0x2;
	[tilespmem:s26+$0xC0] =	vst v2;
	v2 =	vmul.f32 v41, v38  }
0x63: {  	v48 =	vld [tilespmem:s26+$0x140];
	[tilespmem:s26+$0xD0] =	vst v3;
	v3 =	vmul.f32 v42, v38  }
0x64: {  	v49 =	vld [tilespmem:s26+$0x150];
	[tilespmem:s26+$0xE0] =	vst v2;
	v2 =	vmul.f32 v43, v46  }
0x65: {  	v50 =	vld [tilespmem:s26+$0x160];
	[tilespmem:s26+$0xF0] =	vst v3;
	v3 =	vmul.f32 v44, v46  }
0x66: {  	v51 =	vld [tilespmem:s26+$0x170];
	[tilespmem:s26+$0x100] =	vst v2;
	v2 =	vmul.f32 v45, v46  }
0x67: {  	v52 =	vld [tilespmem:s26+$0x180];
	[tilespmem:s26+$0x110] =	vst v3;
	v3 =	vmul.f32 v47, v46  }
0x68: {  	v53 =	vld [tilespmem:s26+$0x190];
	[tilespmem:s26+$0x120] =	vst v2;
	v2 =	vmul.f32 v48, v46  }
0x69: {  	v54 =	vld [tilespmem:s26+$0x1A0];
	[tilespmem:s26+$0x130] =	vst v3;
	v3 =	vmul.f32 v49, v46  }
0x6a: {  	v56 =	vld [tilespmem:s26+$0x1B0];
	v55 =	vbroadcast v1, $0x3;
	[tilespmem:s26+$0x140] =	vst v2;
	v2 =	vmul.f32 v50, v46  }
0x6b: {  	v57 =	vld [tilespmem:s26+$0x1C0];
	[tilespmem:s26+$0x150] =	vst v3;
	v3 =	vmul.f32 v51, v46  }
0x6c: {  	v58 =	vld [tilespmem:s26+$0x1D0];
	[tilespmem:s26+$0x160] =	vst v2;
	v2 =	vmul.f32 v52, v55  }
0x6d: {  	v59 =	vld [tilespmem:s26+$0x1E0];
	[tilespmem:s26+$0x170] =	vst v3;
	v3 =	vmul.f32 v53, v55  }
0x6e: {  	v60 =	vld [tilespmem:s26+$0x1F0];
	[tilespmem:s26+$0x180] =	vst v2;
	v2 =	vmul.f32 v54, v55  }
0x6f: {  	v61 =	vld [tilespmem:s26+$0x200];
	[tilespmem:s26+$0x190] =	vst v3;
	v3 =	vmul.f32 v56, v55  }
0x70: {  	v62 =	vld [tilespmem:s26+$0x210];
	[tilespmem:s26+$0x1A0] =	vst v2;
	v2 =	vmul.f32 v57, v55  }
0x71: {  	v63 =	vld [tilespmem:s26+$0x220];
	[tilespmem:s26+$0x1B0] =	vst v3;
	v3 =	vmul.f32 v58, v55  }
0x72: {  	v13 =	vld [tilespmem:s26+$0x230];
	v12 =	vbroadcast v1, $0x4;
	[tilespmem:s26+$0x1C0] =	vst v2;
	v2 =	vmul.f32 v59, v55  }
0x73: {  	v14 =	vld [tilespmem:s26+$0x240];
	[tilespmem:s26+$0x1D0] =	vst v3;
	v3 =	vmul.f32 v60, v55  }
0x74: {  	v15 =	vld [tilespmem:s26+$0x250];
	[tilespmem:s26+$0x1E0] =	vst v2;
	v2 =	vmul.f32 v61, v12  }
0x75: {  	v16 =	vld [tilespmem:s26+$0x260];
	[tilespmem:s26+$0x1F0] =	vst v3;
	v3 =	vmul.f32 v62, v12  }
0x76: {  	v17 =	vld [tilespmem:s26+$0x270];
	[tilespmem:s26+$0x200] =	vst v2;
	v2 =	vmul.f32 v63, v12  }
0x77: {  	v18 =	vld [tilespmem:s26+$0x280];
	[tilespmem:s26+$0x210] =	vst v3;
	v3 =	vmul.f32 v13, v12  }
0x78: {  	v19 =	vld [tilespmem:s26+$0x290];
	[tilespmem:s26+$0x220] =	vst v2;
	v2 =	vmul.f32 v14, v12  }
0x79: {  	v20 =	vld [tilespmem:s26+$0x2A0];
	[tilespmem:s26+$0x230] =	vst v3;
	v3 =	vmul.f32 v15, v12  }
0x7a: {  	v22 =	vld [tilespmem:s26+$0x2B0];
	v21 =	vbroadcast v1, $0x5;
	[tilespmem:s26+$0x240] =	vst v2;
	v2 =	vmul.f32 v16, v12  }
0x7b: {  	v23 =	vld [tilespmem:s26+$0x2C0];
	[tilespmem:s26+$0x250] =	vst v3;
	v3 =	vmul.f32 v17, v12  }
0x7c: {  	v24 =	vld [tilespmem:s26+$0x2D0];
	[tilespmem:s26+$0x260] =	vst v2;
	v2 =	vmul.f32 v18, v21  }
0x7d: {  	v25 =	vld [tilespmem:s26+$0x2E0];
	[tilespmem:s26+$0x270] =	vst v3;
	v3 =	vmul.f32 v19, v21  }
0x7e: {  	v26 =	vld [tilespmem:s26+$0x2F0];
	[tilespmem:s26+$0x280] =	vst v2;
	v2 =	vmul.f32 v20, v21  }
0x7f: {  	v27 =	vld [tilespmem:s26+$0x300];
	[tilespmem:s26+$0x290] =	vst v3;
	v3 =	vmul.f32 v22, v21  }
0x80: {  	v28 =	vld [tilespmem:s26+$0x310];
	[tilespmem:s26+$0x2A0] =	vst v2;
	v2 =	vmul.f32 v23, v21  }
0x81: {  	v29 =	vld [tilespmem:s26+$0x320];
	[tilespmem:s26+$0x2B0] =	vst v3;
	v3 =	vmul.f32 v24, v21  }
0x82: {  	v31 =	vld [tilespmem:s26+$0x330];
	v30 =	vbroadcast v1, $0x6;
	[tilespmem:s26+$0x2C0] =	vst v2;
	v2 =	vmul.f32 v25, v21  }
0x83: {  	v32 =	vld [tilespmem:s26+$0x340];
	[tilespmem:s26+$0x2D0] =	vst v3;
	v3 =	vmul.f32 v26, v21  }
0x84: {  	v33 =	vld [tilespmem:s26+$0x350];
	[tilespmem:s26+$0x2E0] =	vst v2;
	v2 =	vmul.f32 v27, v30  }
0x85: {  	v34 =	vld [tilespmem:s26+$0x360];
	[tilespmem:s26+$0x2F0] =	vst v3;
	v3 =	vmul.f32 v28, v30  }
0x86: {  	v35 =	vld [tilespmem:s26+$0x370];
	[tilespmem:s26+$0x300] =	vst v2;
	v2 =	vmul.f32 v29, v30  }
0x87: {  	v36 =	vld [tilespmem:s26+$0x380];
	[tilespmem:s26+$0x310] =	vst v3;
	v3 =	vmul.f32 v31, v30  }
0x88: {  	v37 =	vld [tilespmem:s26+$0x390];
	[tilespmem:s26+$0x320] =	vst v2;
	v2 =	vmul.f32 v32, v30  }
0x89: {  	v38 =	vld [tilespmem:s26+$0x3A0];
	[tilespmem:s26+$0x330] =	vst v3;
	v3 =	vmul.f32 v33, v30  }
0x8a: {  	v39 =	vbroadcast v1, $0x7;
	v40 =	vld [tilespmem:s26+$0x3B0];
	[tilespmem:s26+$0x340] =	vst v2;
	v2 =	vmul.f32 v34, v30  }
0x8b: {  	v41 =	vld [tilespmem:s26+$0x3C0];
	[tilespmem:s26+$0x350] =	vst v3;
	v3 =	vmul.f32 v35, v30  }
0x8c: {  	v42 =	vld [tilespmem:s26+$0x3D0];
	[tilespmem:s26+$0x360] =	vst v2;
	v2 =	vmul.f32 v36, v39  }
0x8d: {  	v43 =	vld [tilespmem:s26+$0x3E0];
	[tilespmem:s26+$0x370] =	vst v3;
	v3 =	vmul.f32 v37, v39  }
0x8e: {  	v44 =	vld [tilespmem:s26+$0x3F0];
	[tilespmem:s26+$0x380] =	vst v2;
	v2 =	vmul.f32 v38, v39  }
0x8f: {  	v45 =	vld [tilespmem:s26+$0x400];
	[tilespmem:s26+$0x390] =	vst v3;
	v3 =	vmul.f32 v40, v39  }
0x90: {  	v46 =	vld [tilespmem:s26+$0x410];
	[tilespmem:s26+$0x3A0] =	vst v2;
	v2 =	vmul.f32 v41, v39  }
0x91: {  	v47 =	vld [tilespmem:s26+$0x420];
	[tilespmem:s26+$0x3B0] =	vst v3;
	v3 =	vmul.f32 v42, v39  }
0x92: {  	v48 =	vbroadcast v1, $0x8;
	v49 =	vld [tilespmem:s26+$0x430];
	[tilespmem:s26+$0x3C0] =	vst v2;
	v2 =	vmul.f32 v43, v39  }
0x93: {  	v50 =	vld [tilespmem:s26+$0x440];
	[tilespmem:s26+$0x3D0] =	vst v3;
	v3 =	vmul.f32 v44, v39  }
0x94: {  	v51 =	vld [tilespmem:s26+$0x450];
	[tilespmem:s26+$0x3E0] =	vst v2;
	v2 =	vmul.f32 v45, v48  }
0x95: {  	v52 =	vld [tilespmem:s26+$0x460];
	[tilespmem:s26+$0x3F0] =	vst v3;
	v3 =	vmul.f32 v46, v48  }
0x96: {  	v53 =	vld [tilespmem:s26+$0x470];
	[tilespmem:s26+$0x400] =	vst v2;
	v2 =	vmul.f32 v47, v48  }
0x97: {  	v54 =	vld [tilespmem:s26+$0x480];
	[tilespmem:s26+$0x410] =	vst v3;
	v3 =	vmul.f32 v49, v48  }
0x98: {  	v55 =	vld [tilespmem:s26+$0x490];
	[tilespmem:s26+$0x420] =	vst v2;
	v2 =	vmul.f32 v50, v48  }
0x99: {  	v56 =	vld [tilespmem:s26+$0x4A0];
	[tilespmem:s26+$0x430] =	vst v3;
	v3 =	vmul.f32 v51, v48  }
0x9a: {  	v57 =	vbroadcast v1, $0x9;
	v58 =	vld [tilespmem:s26+$0x4B0];
	[tilespmem:s26+$0x440] =	vst v2;
	v2 =	vmul.f32 v52, v48  }
0x9b: {  	v59 =	vld [tilespmem:s26+$0x4C0];
	[tilespmem:s26+$0x450] =	vst v3;
	v3 =	vmul.f32 v53, v48  }
0x9c: {  	v60 =	vld [tilespmem:s26+$0x4D0];
	[tilespmem:s26+$0x460] =	vst v2;
	v2 =	vmul.f32 v54, v57  }
0x9d: {  	v61 =	vld [tilespmem:s26+$0x4E0];
	[tilespmem:s26+$0x470] =	vst v3;
	v3 =	vmul.f32 v55, v57  }
0x9e: {  	v62 =	vld [tilespmem:s26+$0x4F0];
	[tilespmem:s26+$0x480] =	vst v2;
	v2 =	vmul.f32 v56, v57  }
0x9f: {  	v63 =	vld [tilespmem:s26+$0x500];
	[tilespmem:s26+$0x490] =	vst v3;
	v3 =	vmul.f32 v58, v57  }
0xa0: {  	v12 =	vld [tilespmem:s26+$0x510];
	[tilespmem:s26+$0x4A0] =	vst v2;
	v2 =	vmul.f32 v59, v57  }
0xa1: {  	v13 =	vld [tilespmem:s26+$0x520];
	[tilespmem:s26+$0x4B0] =	vst v3;
	v3 =	vmul.f32 v60, v57  }
0xa2: {  	v14 =	vbroadcast v1, $0xA;
	v15 =	vld [tilespmem:s26+$0x530];
	[tilespmem:s26+$0x4C0] =	vst v2;
	v2 =	vmul.f32 v61, v57  }
0xa3: {  	v16 =	vld [tilespmem:s26+$0x540];
	[tilespmem:s26+$0x4D0] =	vst v3;
	v3 =	vmul.f32 v62, v57  }
0xa4: {  	v17 =	vld [tilespmem:s26+$0x550];
	[tilespmem:s26+$0x4E0] =	vst v2;
	v2 =	vmul.f32 v63, v14  }
0xa5: {  	v18 =	vld [tilespmem:s26+$0x560];
	[tilespmem:s26+$0x4F0] =	vst v3;
	v3 =	vmul.f32 v12, v14  }
0xa6: {  	v19 =	vld [tilespmem:s26+$0x570];
	[tilespmem:s26+$0x500] =	vst v2;
	v2 =	vmul.f32 v13, v14  }
0xa7: {  	v20 =	vld [tilespmem:s26+$0x580];
	[tilespmem:s26+$0x510] =	vst v3;
	v3 =	vmul.f32 v15, v14  }
0xa8: {  	v21 =	vld [tilespmem:s26+$0x590];
	[tilespmem:s26+$0x520] =	vst v2;
	v2 =	vmul.f32 v16, v14  }
0xa9: {  	v22 =	vld [tilespmem:s26+$0x5A0];
	[tilespmem:s26+$0x530] =	vst v3;
	v3 =	vmul.f32 v17, v14  }
0xaa: {  	v23 =	vbroadcast v1, $0xB;
	v24 =	vld [tilespmem:s26+$0x5B0];
	[tilespmem:s26+$0x540] =	vst v2;
	v2 =	vmul.f32 v18, v14  }
0xab: {  	v25 =	vld [tilespmem:s26+$0x5C0];
	[tilespmem:s26+$0x550] =	vst v3;
	v3 =	vmul.f32 v19, v14  }
0xac: {  	v26 =	vld [tilespmem:s26+$0x5D0];
	[tilespmem:s26+$0x560] =	vst v2;
	v2 =	vmul.f32 v20, v23  }
0xad: {  	v27 =	vld [tilespmem:s26+$0x5E0];
	[tilespmem:s26+$0x570] =	vst v3;
	v3 =	vmul.f32 v21, v23  }
0xae: {  	v28 =	vld [tilespmem:s26+$0x5F0];
	[tilespmem:s26+$0x580] =	vst v2;
	v2 =	vmul.f32 v22, v23  }
0xaf: {  	v29 =	vld [tilespmem:s26+$0x600];
	[tilespmem:s26+$0x590] =	vst v3;
	v3 =	vmul.f32 v24, v23  }
0xb0: {  	v30 =	vld [tilespmem:s26+$0x610];
	[tilespmem:s26+$0x5A0] =	vst v2;
	v2 =	vmul.f32 v25, v23  }
0xb1: {  	v31 =	vld [tilespmem:s26+$0x620];
	[tilespmem:s26+$0x5B0] =	vst v3;
	v3 =	vmul.f32 v26, v23  }
0xb2: {  	v32 =	vbroadcast v1, $0xC;
	v33 =	vld [tilespmem:s26+$0x630];
	[tilespmem:s26+$0x5C0] =	vst v2;
	v2 =	vmul.f32 v27, v23  }
0xb3: {  	v34 =	vld [tilespmem:s26+$0x640];
	[tilespmem:s26+$0x5D0] =	vst v3;
	v3 =	vmul.f32 v28, v23  }
0xb4: {  	v35 =	vld [tilespmem:s26+$0x650];
	[tilespmem:s26+$0x5E0] =	vst v2;
	v2 =	vmul.f32 v29, v32  }
0xb5: {  	v36 =	vld [tilespmem:s26+$0x660];
	[tilespmem:s26+$0x5F0] =	vst v3;
	v3 =	vmul.f32 v30, v32  }
0xb6: {  	v37 =	vld [tilespmem:s26+$0x670];
	[tilespmem:s26+$0x600] =	vst v2;
	v2 =	vmul.f32 v31, v32  }
0xb7: {  	v38 =	vld [tilespmem:s26+$0x680];
	[tilespmem:s26+$0x610] =	vst v3;
	v3 =	vmul.f32 v33, v32  }
0xb8: {  	v39 =	vld [tilespmem:s26+$0x690];
	[tilespmem:s26+$0x620] =	vst v2;
	v2 =	vmul.f32 v34, v32  }
0xb9: {  	v40 =	vld [tilespmem:s26+$0x6A0];
	[tilespmem:s26+$0x630] =	vst v3;
	v3 =	vmul.f32 v35, v32  }
0xba: {  	v41 =	vbroadcast v1, $0xD;
	v42 =	vld [tilespmem:s26+$0x6B0];
	[tilespmem:s26+$0x640] =	vst v2;
	v2 =	vmul.f32 v36, v32  }
0xbb: {  	v43 =	vld [tilespmem:s26+$0x6C0];
	[tilespmem:s26+$0x650] =	vst v3;
	v3 =	vmul.f32 v37, v32  }
0xbc: {  	v44 =	vld [tilespmem:s26+$0x6D0];
	[tilespmem:s26+$0x660] =	vst v2;
	v2 =	vmul.f32 v38, v41  }
0xbd: {  	v45 =	vld [tilespmem:s26+$0x6E0];
	[tilespmem:s26+$0x670] =	vst v3;
	v3 =	vmul.f32 v39, v41  }
0xbe: {  	v46 =	vld [tilespmem:s26+$0x6F0];
	[tilespmem:s26+$0x680] =	vst v2;
	v2 =	vmul.f32 v40, v41  }
0xbf: {  	v47 =	vld [tilespmem:s26+$0x700];
	[tilespmem:s26+$0x690] =	vst v3;
	v3 =	vmul.f32 v42, v41  }
0xc0: {  	v48 =	vld [tilespmem:s26+$0x710];
	[tilespmem:s26+$0x6A0] =	vst v2;
	v2 =	vmul.f32 v43, v41  }
0xc1: {  	v49 =	vld [tilespmem:s26+$0x720];
	[tilespmem:s26+$0x6B0] =	vst v3;
	v3 =	vmul.f32 v44, v41  }
0xc2: {  	v50 =	vbroadcast v1, $0xE;
	v51 =	vld [tilespmem:s26+$0x730];
	[tilespmem:s26+$0x6C0] =	vst v2;
	v2 =	vmul.f32 v45, v41  }
0xc3: {  	v52 =	vld [tilespmem:s26+$0x740];
	[tilespmem:s26+$0x6D0] =	vst v3;
	v3 =	vmul.f32 v46, v41  }
0xc4: {  	v53 =	vld [tilespmem:s26+$0x750];
	[tilespmem:s26+$0x6E0] =	vst v2;
	v2 =	vmul.f32 v47, v50  }
0xc5: {  	v54 =	vld [tilespmem:s26+$0x760];
	[tilespmem:s26+$0x6F0] =	vst v3;
	v3 =	vmul.f32 v48, v50  }
0xc6: {  	v55 =	vld [tilespmem:s26+$0x770];
	[tilespmem:s26+$0x700] =	vst v2;
	v2 =	vmul.f32 v49, v50  }
0xc7: {  	v56 =	vld [tilespmem:s26+$0x780];
	[tilespmem:s26+$0x710] =	vst v3;
	v3 =	vmul.f32 v51, v50  }
0xc8: {  	v57 =	vld [tilespmem:s26+$0x790];
	[tilespmem:s26+$0x720] =	vst v2;
	v2 =	vmul.f32 v52, v50  }
0xc9: {  	v58 =	vld [tilespmem:s26+$0x7A0];
	[tilespmem:s26+$0x730] =	vst v3;
	v3 =	vmul.f32 v53, v50  }
0xca: {  	v1 =	vbroadcast v1, $0xF;
	v59 =	vld [tilespmem:s26+$0x7B0];
	[tilespmem:s26+$0x740] =	vst v2;
	v2 =	vmul.f32 v54, v50  }
0xcb: {  	v60 =	vld [tilespmem:s26+$0x7C0];
	[tilespmem:s26+$0x750] =	vst v3;
	v3 =	vmul.f32 v55, v50  }
0xcc: {  	v61 =	vld [tilespmem:s26+$0x7D0];
	[tilespmem:s26+$0x760] =	vst v2;
	v2 =	vmul.f32 v56, v1  }
0xcd: {  	v62 =	vld [tilespmem:s26+$0x7E0];
	[tilespmem:s26+$0x770] =	vst v3;
	v3 =	vmul.f32 v57, v1  }
0xce: {  	v63 =	vld [tilespmem:s26+$0x7F0];
	[tilespmem:s26+$0x780] =	vst v2;
	v2 =	vmul.f32 v58, v1  }
0xcf: {  	[tilespmem:s26+$0x790] =	vst v3;
	v3 =	vmul.f32 v59, v1  }
0xd0: {  	p0 =	sne.s32 s25, $0xF;
	[tilespmem:s26+$0x7A0] =	vst v2;
	v2 =	vmul.f32 v60, v1  }
.Ltmp1:
0xd1: {  	[tilespmem:s26+$0x7B0] =	vst v3;
	v3 =	vmul.f32 v61, v1;
	(pc) =	sbr.rel @p0 .LBB2_4-.Ltmp1, $4  }
0xd2: {  	[tilespmem:s26+$0x7C0] =	vst v2;
	v2 =	vmul.f32 v62, v1  }
0xd3: {  	[tilespmem:s26+$0x7D0] =	vst v3;
	v1 =	vmul.f32 v63, v1  }
0xd4: {  	[tilespmem:s26+$0x7E0] =	vst v2  }
0xd5: {  	s25 =	sadd.s32 $0x1, s25;
	[tilespmem:s26+$0x7F0] =	vst v1  }
0xd6: {  	[bflag:$0x0] =	sbarrier.arrive $0xFFFF  }
0xd7: {  	[spmem:s2] =	stream.indirect.scatter.add.f32 [tilespmem:s3], [sflag:$0x1], $0x80, s17, s12, $0xb8;
	[tilespmem:$0x10B00] =	vst v63  }
0xd8: {  	_ = 	snop  }
0xd9: {  	[spmem:s2] =	stream.indirect.scatter.add.f32 [tilespmem:s22], [sflag:$0x1], $0x80, s18, s12, $0xb8;
	[tilespmem:$0x10B00] =	vst v63  }
0xda: {  	_ =	swait.ge [sflag:s21], $0x4000  }
0xdb: {  	[sflag:s21] =	ssyncset.done $0x0  }
0xdc: {  	[sflag:s21] =	ssyncadd.s32 $0xFFFFC000  }
0xdd: {  	_ =	swait.ge [sflag:s21], $0x4000  }
0xde: {  	s24 =	sadd.s32 $0x1, s24;
	[sflag:s21] =	ssyncset.done $0x0  }
0xdf: {  	p0 =	sne.s32 s24, s11;
	[sflag:s21] =	ssyncadd.s32 $0xFFFFC000  }
.Ltmp2:
0xe0: {  	s25 =	sshrl.u32 s9, $0x3;
	[bflag:$0x0] =	sbarrier.arrive $0xFFFF;
	(pc) =	sbr.rel @p0 .LBB2_1-.Ltmp2, $4  }
0xe1: {  	[hbm:s10], [sflag:s23] =	dma.local [spmem:s25], $0x800  }
0xe2: {  	_ =	swait.ge [sflag:s20], $0x800  }
0xe3: {  	[sflag:s20] =	ssyncset.done $0x0  }
0xe4: {  	[sflag:s20] =	ssyncadd.s32 $0xFFFFF800  }
0xe5: {  	_ =	sfence.sel $0x180000  }
0xe6: {  	[bflag:$0x0] =	sbarrier.arrive $0xFFFF  }
0xe7: {  	p0 =	sne.s32 s1, $0x0;
	_ =	strace $0x9000004A  }
0xe8: {  	s0 =	sadd.s32 @!p0 $0x100000, s0;
	[bflag:$0x2] =	sbarrier.arrive $0xFFFF  }
0xe9: {  	[sflag:s0] =	ssyncadd.tile.s32 @!p0 $0x1;
	_ =	shalt  }
.Lfunc_end2:
_tile_overlayer_lowered:
.L_overlay_start_2:
0xea: {  	(tag) =	ssettag $0x2  }
0xeb: {  	s0 =	rddreg [dreg:$0x0];
	s2 =	stileid.u32  }
0xec: {  	s1 =	rddreg [dreg:$0x1];
	p0 =	sne.s32 s2, $0x0  }
0xed: {  	s3 =	rddreg [dreg:$0x2];
	[bflag:$0x3] =	sbarrier.arrive $0xFFFF;
	s2 =	simm.s32 @!p0 $0x1C02  }
0xee: {  	[timem:s3], [sflag:s2] =	dma.local @!p0 [hbm:s0], s1  }
0xef: {  	s0 =	simm.s32 @!p0 $0x2  }
0xf0: {  	_ =	swait.ge @!p0 [sflag:s0], s1  }
0xf1: {  	s1 =	ssub.s32 @!p0 $0x0, s1;
	[sflag:s0] =	ssyncset.done @!p0 $0x0  }
0xf2: {  	[sflag:s0] =	ssyncadd.s32 @!p0 s1  }
0xf3: {  	[bflag:$0x3] =	sbarrier.arrive $0xFFFF  }
0xf4: {  	_ =	shalt  }

// kernel: kernel.7.cloned.1.call-start
scs
__scs_entry_jumppad:
0x0: {  	(pc) =	sbr.rel $0x88, $3  }
0x1: {  	(tag) =	ssettag $0x0;
	lr =	simm.s32 $0x1  }
0x2: {  	[smem:$0x3F9C] =	sst lr;
	_ =	strace $0xD0000000  }
0x3: {  	_ = 	snop  }
0x4: {  	_ = 	snop  }
0x5: {  	_ = 	snop  }
0x6: {  	_ = 	snop  }
0x7: {  	_ = 	snop  }
__scs_overlays_trampoline_lowered:
0x8: {  	[smem:$0x3FAB] =	sst s0  }
0x9: {  	[smem:$0x3FAC] =	sst s1  }
0xa: {  	[smem:$0x3FAD] =	sst s2  }
0xb: {  	[smem:$0x3FAE] =	sst s3  }
0xc: {  	[smem:$0x3FAF] =	sst s4  }
0xd: {  	[smem:$0x3FB0] =	sst s5  }
0xe: {  	[smem:$0x3FB1] =	sst s6  }
0xf: {  	[smem:$0x3FB2] =	sst s7  }
0x10: {  	[smem:$0x3FB3] =	sst s8  }
0x11: {  	[smem:$0x3FB4] =	sst s9;
	s0 =	simm.s32 @!p0 $0x0  }
0x12: {  	s1 =	sld [smem:$0x3F9A];
	s0 =	simm.s32 @p0 $0x1  }
0x13: {  	[smem:$0x3FB5] =	sst s0;
	s0 =	simm.s32 @!p1 $0x0  }
0x14: {  	s2 =	sld [smem:$0x3F99];
	s0 =	simm.s32 @p1 $0x1  }
0x15: {  	[smem:$0x3FB6] =	sst s0;
	s0 =	simm.s32 @!p2 $0x0  }
0x16: {  	s3 =	sld [smem:$0x3FDB];
	s0 =	simm.s32 @p2 $0x1  }
0x17: {  	s4 =	simm.s32 $0x1BF5;
	[smem:$0x3FB8] =	sst s0  }
0x18: {  	s0 =	sld [smem:$0x3F9B];
	_ =	swait.ge [sflag:s4], $0x0  }
0x19: {  	s7 =	sld [smem:$0x3F9C]  }
0x1a: {  	s8 =	sadd.s32 $0xFFFFE003, lr  }
0x1b: {  	s9 =	sadd.s32 $0xFFFFFEF7, lr;
	s5 =	simm.s32 $0xFFFFFFFF;
	p2 =	slt.u32 s8, $0xFFFFF086  }
0x1c: {  	p1 =	slt.u32 s9, $0xF7A;
	s5 =	simm.s32 @!p2 $0x0  }
0x1d: {  	s5 =	simm.s32 @p1 $0x1;
	p0 =	seq.s32 s7, s2  }
0x1e: {  	s7 =	smul.u32 @!p0 $0xF7A, s2;
	p2 =	seq.s32 @!p0 s5, $0x0  }
0x1f: {  	s9 =	smul.u32 $0xF7A, s1;
	s8 =	simm.s32 @!p0 $0x1BF5;
	p2 =	por !p2, p0  }
0x20: {  	[sflag:s8] =	ssyncset.s32 @!p0 $0xFFFFF086;
	s6 =	sadd.s32 @!p0 s3, s7;
	s7 =	simm.s32 @!p0 $0x108  }
0x21: {  	s3 =	sadd.s32 s3, s9;
	s6 =	sadd.s32 @!p0 $0x88, s6;
	s7 =	simm.s32 @p2 $0x1082  }
0x22: {  	[simem:s7], [sflag:s8] =	dma.local @!p0 [hbm:s6], $0xF7A  }
0x23: {  	s9 =	sor.u32 $0xD0000000, s2;
	s6 =	simm.s32 $0x108;
	_ =	swait.ge @!p0 [sflag:s8], $0x0  }
0x24: {  	s3 =	sadd.s32 $0x88, s3;
	s6 =	simm.s32 @!p1 $0x1082;
	[sflag:s4] =	ssyncset.s32 $0xFFFFF086  }
0x25: {  	[simem:s6], [sflag:s4] =	dma.local [hbm:s3], $0xF7A  }
0x26: {  	[smem:$0x3F9C] =	sst s1;
	(tag) =	ssettag s2;
	_ =	strace s9  }
0x27: {  	s1 =	sld [smem:$0x3FAC]  }
0x28: {  	s2 =	sld [smem:$0x3FAD]  }
0x29: {  	s4 =	sld [smem:$0x3FAF]  }
0x2a: {  	p0 =	seq.s32 s5, $0x0;
	s5 =	sld [smem:$0x3FB0]  }
0x2b: {  	s6 =	sld [smem:$0x3FB1]  }
0x2c: {  	s7 =	sld [smem:$0x3FB2]  }
0x2d: {  	s3 =	simm.s32 $0x108;
	s8 =	sld [smem:$0x3FB3]  }
0x2e: {  	s3 =	simm.s32 @!p0 $0x1082;
	s9 =	sld [smem:$0x3FB4]  }
0x2f: {  	lr =	sadd.s32 s0, s3;
	s0 =	sld [smem:$0x3FAB]  }
0x30: {  	s3 =	sld [smem:$0x3FAE]  }
0x31: {  	[smem:$0x3FB7] =	sst s10  }
0x32: {  	s10 =	sld [smem:$0x3FB5];
	_ =	sdelay $0x3  }
0x33: {  	p0 =	seq.s32 s10, $0x1;
	s10 =	sld [smem:$0x3FB7];
	_ =	sdelay $0x3  }
0x34: {  	[smem:$0x3FB7] =	sst s10  }
0x35: {  	s10 =	sld [smem:$0x3FB6];
	_ =	sdelay $0x3  }
0x36: {  	p1 =	seq.s32 s10, $0x1;
	s10 =	sld [smem:$0x3FB7];
	_ =	sdelay $0x3  }
0x37: {  	[smem:$0x3FB7] =	sst s10  }
0x38: {  	s10 =	sld [smem:$0x3FB8]  }
0x39: {  	_ = 	snop;
	(pc) =	sbr.ind lr, $3  }
0x3a: {  	_ = 	snop  }
0x3b: {  	_ = 	snop  }
0x3c: {  	p2 =	seq.s32 s10, $0x1;
	s10 =	sld [smem:$0x3FB7]  }
0x3d: {  	_ =	shalt  }
0x3e: {  	_ =	shalt  }
0x3f: {  	_ =	shalt  }
0x40: {  	_ =	shalt  }
0x41: {  	_ =	shalt  }
0x42: {  	_ =	shalt  }
0x43: {  	_ =	shalt  }
0x44: {  	_ =	shalt  }
0x45: {  	_ =	shalt  }
0x46: {  	_ =	shalt  }
0x47: {  	_ =	shalt  }
0x48: {  	_ =	shalt  }
0x49: {  	_ =	shalt  }
0x4a: {  	_ =	shalt  }
0x4b: {  	_ =	shalt  }
0x4c: {  	_ =	shalt  }
0x4d: {  	_ =	shalt  }
0x4e: {  	_ =	shalt  }
0x4f: {  	_ =	shalt  }
0x50: {  	_ =	shalt  }
0x51: {  	_ =	shalt  }
0x52: {  	_ =	shalt  }
0x53: {  	_ =	shalt  }
0x54: {  	_ =	shalt  }
0x55: {  	_ =	shalt  }
0x56: {  	_ =	shalt  }
0x57: {  	_ =	shalt  }
0x58: {  	_ =	shalt  }
0x59: {  	_ =	shalt  }
0x5a: {  	_ =	shalt  }
0x5b: {  	_ =	shalt  }
0x5c: {  	_ =	shalt  }
0x5d: {  	_ =	shalt  }
0x5e: {  	_ =	shalt  }
0x5f: {  	_ =	shalt  }
0x60: {  	_ =	shalt  }
0x61: {  	_ =	shalt  }
0x62: {  	_ =	shalt  }
0x63: {  	_ =	shalt  }
0x64: {  	_ =	shalt  }
0x65: {  	_ =	shalt  }
0x66: {  	_ =	shalt  }
0x67: {  	_ =	shalt  }
0x68: {  	_ =	shalt  }
0x69: {  	_ =	shalt  }
0x6a: {  	_ =	shalt  }
0x6b: {  	_ =	shalt  }
0x6c: {  	_ =	shalt  }
0x6d: {  	_ =	shalt  }
0x6e: {  	_ =	shalt  }
0x6f: {  	_ =	shalt  }
0x70: {  	_ =	shalt  }
0x71: {  	_ =	shalt  }
0x72: {  	_ =	shalt  }
0x73: {  	_ =	shalt  }
0x74: {  	_ =	shalt  }
0x75: {  	_ =	shalt  }
0x76: {  	_ =	shalt  }
0x77: {  	_ =	shalt  }
0x78: {  	_ =	shalt  }
0x79: {  	_ =	shalt  }
0x7a: {  	_ =	shalt  }
0x7b: {  	_ =	shalt  }
0x7c: {  	_ =	shalt  }
0x7d: {  	_ =	shalt  }
0x7e: {  	_ =	shalt  }
0x7f: {  	_ =	shalt  }
0x80: {  	_ =	shalt  }
0x81: {  	_ =	shalt  }
0x82: {  	_ =	shalt  }
0x83: {  	_ =	shalt  }
0x84: {  	_ =	shalt  }
0x85: {  	_ =	shalt  }
0x86: {  	_ =	shalt  }
0x87: {  	_ =	shalt  }
.Lfunc_end0:
.L_simem_size_0:
called_computation_lowered:
.L_overlay_start_0:
0x88: {  	s2 =	sld [smem:$0x3FD9]  }
0x89: {  	s3 =	sld [smem:$0x3FFE];
	_ =	sdelay $0x1  }
0x8a: {  	s1 =	srdreg.scid  }
0x8b: {  	s0 =	sand.u32 $0x1, s1  }
0x8c: {  	s14 =	sshll.u32 s0, $0xA;
	s2 =	sadd.s32 s3, s2  }
0x8d: {  	s2 =	sadd.s32 s2, s14  }
0x8e: {  	[smem:$0x3FC3] =	sst s2  }
0x8f: {  	_ = 	snop  }
0x90: {  	s2 =	sld [smem:$0x3FD0];
	_ =	sdelay $0x2  }
0x91: {  	s15 =	simm.s32 $0xB;
	s4 =	simm.s32 $0x10  }
0x92: {  	[smem:s4], [sflag:s15] =	dma.local [hbm:s2], $0x1  }
0x93: {  	_ =	swait.eq [sflag:s15], $0x1  }
0x94: {  	s16 =	sld [smem:$0x10];
	[sflag:s15] =	ssyncset.done $0x0  }
0x95: {  	s17 =	sld [smem:$0x14];
	[sflag:s15] =	ssyncadd.s32 $0xFFFFFFFF  }
0x96: {  	s18 =	sld [smem:$0x15];
	(tm) =	ssettm $0x1  }
0x97: {  	s5 =	sld [smem:$0x3FFB];
	_ =	sdelay $0x3  }
0x98: {  	_ =	strace s5  }
0x99: {  	s5 =	sld [smem:$0x3FFC];
	_ =	sdelay $0x3  }
0x9a: {  	_ =	strace s5  }
0x9b: {  	s5 =	sld [smem:$0x3FFD];
	_ =	sdelay $0x3  }
0x9c: {  	_ =	strace s5  }
0x9d: {  	_ =	strace $0x8FFFFFFF  }
0x9e: {  	s19 =	sld [smem:$0x3FDB];
	_ =	sdelay $0x1  }
0x9f: {  	s6 =	simm.s32 $_scs_section_size  }
0xa0: {  	s7 =	simm.s32 $_size__tile_overlayer_lowered;
	s8 =	simm.s32 $_tile_overlayer_lowered  }
0xa1: {  	s22 =	simm.s32 $0x1BFF;
	s21 =	sshll.u32 s8, $0x1;
	s5 =	sadd.s32 s6, s19  }
0xa2: {  	s9 =	simm.s32 $0x0;
	s20 =	sshll.u32 s7, $0x1;
	s7 =	sadd.s32 s21, s5  }
0xa3: {  	[timem:s9], [sflag:s22] =	dma.local [hbm:s7], s20  }
0xa4: {  	_ =	swait.ge [sflag:s22], s20  }
0xa5: {  	s6 =	ssub.s32 $0x0, s20;
	[sflag:s22] =	ssyncset.done $0x0  }
0xa6: {  	[sflag:s22] =	ssyncadd.s32 s6;
	_ =	sdelay $0x1  }
0xa7: {  	s23 =	simm.s32 $0x1B8B  }
0xa8: {  	_ =	swait.ge [sflag:s23], $0x1  }
0xa9: {  	[sflag:s23] =	ssyncset.done $0x0  }
0xaa: {  	s25 =	simm.s32 $0x1B8E;
	s24 =	sld [smem:$0x3FFE];
	[sflag:s23] =	ssyncadd.s32 $0xFFFFFFFF  }
0xab: {  	s26 =	simm.s32 $execute0_lowered;
	[smem:$0x3FD2] =	sst s25  }
0xac: {  	s7 =	sshll.u32 s26, $0x1;
	_ =	strace $0x80000046;
	[dreg:$0x1] =	wrdreg $0xFFFFFFFF  }
0xad: {  	s28 =	simm.s32 $_size_execute0_lowered;
	s5 =	sadd.s32 s5, s7;
	[dreg:$0x0] =	wrdreg $0x0  }
0xae: {  	s7 =	sshll.u32 s28, $0x1;
	[dreg:$0x2] =	wrdreg s5  }
0xaf: {  	[dreg:$0x3] =	wrdreg s7  }
0xb0: {  	[dreg:$0x4] =	wrdreg $0xC0  }
0xb1: {  	_ =	task [dreg:s9], $0x5FFFF  }
0xb2: {  	[dreg:$0x1] =	wrdreg $0xFFFFFFFF  }
0xb3: {  	[dreg:$0x0] =	wrdreg $0x60  }
0xb4: {  	[dreg:$0x2] =	wrdreg s17  }
0xb5: {  	[dreg:$0x3] =	wrdreg s18  }
0xb6: {  	[dreg:$0x4] =	wrdreg s24  }
0xb7: {  	[dreg:$0x5] =	wrdreg s16  }
0xb8: {  	[dreg:$0x6] =	wrdreg $0xCB000  }
0xb9: {  	[dreg:$0x7] =	wrdreg $0x9  }
0xba: {  	_ =	task.clear_ibuf [dreg:s9], $0x8FFFF;
	_ =	strace $0x90000046  }
0xbb: {  	s29 =	simm.s32 $0x9;
	_ =	strace $0x80000048  }
0xbc: {  	_ =	swait.ge [sflag:s29], $0x1  }
0xbd: {  	[sflag:s29] =	ssyncadd.s32 $0xFFFFFFFF  }
0xbe: {  	_ =	strace $0x90000048  }
0xbf: {  	_ =	sfence  }
0xc0: {  	s30 =	sld [smem:$0x0];
	_ =	sdelay $0x2  }
0xc1: {  	s31 =	sshll.u32 s1, $0xD;
	s1 =	sshrl.u32 s1, $0x2  }
0xc2: {  	s3 =	sand.u32 $0x4000, s31;
	s1 =	sadd.s32 s1, s30  }
0xc3: {  	s0 =	sor.u32 s3, s0;
	s1 =	sshll.u32 s1, $0x11  }
0xc4: {  	s0 =	sor.u32 s1, s0  }
0xc5: {  	s0 =	sadd.s32 $0x8F2B, s0  }
0xc6: {  	[sflag:s0] =	ssyncadd.remote.s32 $0x1  }
0xc7: {  	_ =	sfence.sel $0xFFFF  }
0xc8: {  	[dreg:$0x0] =	wrdreg $0xFFFFFFFF;
	(pc) =	sbr.abs _section_cstart, $3  }
0xc9: {  	[dreg:$0x1] =	wrdreg $0xFFFFFFFF  }
0xca: {  	_ =	task.clear_ibuf [dreg:s9], $0x2FFFF;
	_ =	strace $0x9FFFFFFF  }
0xcb: {  	(tm) =	ssettm $0x7FFFFFFF  }
tec
execute0_lowered:
.L_overlay_start_1:
0x0: {  	(tag) =	ssettag $0x1  }
0x1: {  	s5 =	rddreg [dreg:$0x0]  }
0x2: {  	s6 =	rddreg [dreg:$0x1]  }
0x3: {  	s4 =	rddreg [dreg:$0x2];
	s1 =	srdreg.scid  }
0x4: {  	s9 =	rddreg [dreg:$0x3];
	s0 =	stileid.u32  }
0x5: {  	s2 =	rddreg [dreg:$0x4];
	s3 =	simm.s32 $0x0;
	s14 =	simm.s32 $0x8000  }
0x6: {  	s15 =	simm.s32 $0x8100;
	s16 =	simm.s32 $0x8300;
	s17 =	simm.s32 $0x8200  }
0x7: {  	s18 =	simm.s32 $0x8280;
	s19 =	simm.s32 $0x8B00;
	s20 =	simm.s32 $0x2  }
0x8: {  	s21 =	simm.s32 $0x1;
	s22 =	simm.s32 $0x4000;
	s25 =	simm.s32 $0x0  }
0x9: {  	s10 =	sand.u32 $0x1, s1;
	s7 =	sshll.u32 s0, $0x9;
	s1 =	rddreg [dreg:$0x5]  }
0xa: {  	[smem:$0x7FF] =	sst s3;
	s30 =	sshll.u32 s0, $0xB;
	s31 =	sshll.u32 s0, $0xE  }
0xb: {  	s23 =	sshll.u32 s0, $0x6;
	s8 =	sshll.u32 s10, $0x8;
	_ =	strace $0x80000047  }
0xc: {  	s12 =	ssub.s32 $0x2, s10;
	s10 =	sshll.u32 s10, $0xF;
	s7 =	sor.u32 s8, s7  }
0xd: {  	s23 =	sor.u32 $0x1C02, s23;
	s13 =	sshrl.u32 s12, $0x1;
	s8 =	sshrl.u32 s7, $0x2  }
0xe: {  	s7 =	sshll.u32 s7, $0x4;
	s12 =	ssub.s32 s12, s13;
	s13 =	simm.s32 $0x100  }
0xf: {  	s11 =	sadd.s32 s8, s4;
	s5 =	sadd.s32 s5, s7;
	s6 =	sadd.s32 s6, s8  }
0x10: {  	s7 =	sadd.s32 $0x1E00, s11;
	s8 =	sadd.s32 $0x1E20, s11;
	s11 =	sadd.s32 s9, s30  }
0x11: {  	s4 =	sadd.s32 $0x2600, s4;
	s9 =	sadd.s32 s31, s2;
	s10 =	sadd.s32 s10, s11  }
0x12: {  	v0 =	vimm.f32 $0.0e+00;
	s11 =	smax.u32 s12, $0x1;
	s12 =	simm.s32 $0x80;
	s24 =	sshrl.u32 s9, $0x3  }
.LBB2_1:
0x13: {  	[tilespmem:s3], [sflag:$0x1] =	stream.linear.gather [hbm4b:s5+s3], $0x8000, $0x38;
	[tilespmem:$0x10B00] =	vst v63  }
0x14: {  	_ = 	snop  }
0x15: {  	[tilespmem:s14], [sflag:$0x1] =	stream.strided.gather [hbm4b:s6+s12], $0x100, s13, s12, $0x38;
	[tilespmem:$0x10B00] =	vst v63  }
0x16: {  	_ = 	snop  }
0x17: {  	[tilespmem:s15], [sflag:$0x1] =	stream.strided.gather [hbm4b:s7+s12], $0x100, s13, s12, $0x38;
	[tilespmem:$0x10B00] =	vst v63  }
0x18: {  	_ = 	snop  }
0x19: {  	[tilespmem:s16], [sflag:$0x1] =	stream.strided.gather [hbm4b:s4+s12], $0x800, s13, s12, $0x38;
	[tilespmem:$0x10B00] =	vst v63  }
0x1a: {  	_ = 	snop  }
0x1b: {  	[tilespmem:s17], [sflag:$0x1] =	stream.linear.gather [hbm4b:s7+s3], $0x80, $0x38;
	[tilespmem:$0x10B00] =	vst v63  }
0x1c: {  	s26 =	simm.s32 $0x0;
	s28 =	simm.s32 $0x200  }
0x1d: {  	[tilespmem:s18], [sflag:$0x1] =	stream.linear.gather [hbm4b:s8+s3], $0x80, $0x38;
	[tilespmem:$0x10B00] =	vst v63  }
.LBB2_2:
0x1e: {  	p0 =	sne.s32 s28, $0xFE00;
	[tilespmem:s26+$0x8B70] =	vst v0  }
0x1f: {  	[tilespmem:s26+$0x8B00] =	vst v0  }
0x20: {  	[tilespmem:s26+$0x8B10] =	vst v0  }
.Ltmp0:
0x21: {  	[tilespmem:s26+$0x8B20] =	vst v0;
	(pc) =	sbr.rel @p0 .LBB2_2-.Ltmp0, $4  }
0x22: {  	[tilespmem:s26+$0x8B30] =	vst v0  }
0x23: {  	[tilespmem:s26+$0x8B40] =	vst v0  }
0x24: {  	[tilespmem:s26+$0x8B50] =	vst v0  }
0x25: {  	[tilespmem:s26+$0x8B60] =	vst v0;
	s26 =	sshra.s32 s28, $0x2;
	s28 =	sadd.s32 $0x200, s28  }
0x26: {  	[tilespmem:s26+$0x8B70] =	vst v0  }
0x27: {  	[tilespmem:s26+$0x8B00] =	vst v0  }
0x28: {  	[tilespmem:s26+$0x8B10] =	vst v0  }
0x29: {  	[tilespmem:s26+$0x8B20] =	vst v0  }
0x2a: {  	[tilespmem:s26+$0x8B30] =	vst v0  }
0x2b: {  	[tilespmem:s26+$0x8B40] =	vst v0  }
0x2c: {  	[tilespmem:s26+$0x8B50] =	vst v0  }
0x2d: {  	[tilespmem:s26+$0x8B60] =	vst v0  }
0x2e: {  	[spmem:s9] =	stream.linear.scatter [tilespmem:s19], [sflag:$0x2], $0x4000, $0x38;
	[tilespmem:$0x10B00] =	vst v63  }
0x2f: {  	_ =	swait.ge [sflag:s20], $0x4000  }
0x30: {  	[sflag:s20] =	ssyncset.done $0x0  }
0x31: {  	[sflag:s20] =	ssyncadd.s32 $0xFFFFC000  }
0x32: {  	_ =	swait.ge [sflag:s21], $0x8000  }
0x33: {  	[sflag:s21] =	ssyncset.done $0x0  }
0x34: {  	[sflag:s21] =	ssyncadd.s32 $0xFFFF8000  }
0x35: {  	_ =	swait.ge [sflag:s21], $0x100  }
0x36: {  	[sflag:s21] =	ssyncset.done $0x0  }
0x37: {  	[sflag:s21] =	ssyncadd.s32 $0xFFFFFF00  }
0x38: {  	_ =	swait.ge [sflag:s21], $0x100  }
0x39: {  	[sflag:s21] =	ssyncset.done $0x0  }
0x3a: {  	[sflag:s21] =	ssyncadd.s32 $0xFFFFFF00  }
0x3b: {  	_ =	swait.ge [sflag:s21], $0x800  }
0x3c: {  	[sflag:s21] =	ssyncset.done $0x0  }
0x3d: {  	[sflag:s21] =	ssyncadd.s32 $0xFFFFF800  }
0x3e: {  	_ =	swait.ge [sflag:s21], $0x80  }
0x3f: {  	[sflag:s21] =	ssyncset.done $0x0  }
0x40: {  	[sflag:s21] =	ssyncadd.s32 $0xFFFFFF80  }
0x41: {  	_ =	swait.ge [sflag:s21], $0x80  }
0x42: {  	[sflag:s21] =	ssyncset.done $0x0  }
0x43: {  	s26 =	simm.s32 $0x0;
	[sflag:s21] =	ssyncadd.s32 $0xFFFFFF80  }
.LBB2_4:
0x44: {  	s28 =	sshll.u32 s26, $0x4  }
0x45: {  	v1 =	vld [tilespmem:s28+$0x8100];
	_ =	sdelay $0x6  }
0x46: {  	v2 =	vld [tilespmem:s28+$0x8000]  }
0x47: {  	v1 =	vld.idx.msk [tilespmem:v1+s16+$0x0], $0xffff;
	_ =	sdelay $0x4  }
0x48: {  	v1 =	vsub.f32 v2, v1;
	_ =	sdelay $0x1  }
0x49: {  	v1 =	vmul.f32 $1.442695020e+00, v1;
	_ =	sdelay $0x1  }
0x4a: {  	(erf) = vpow2.f32 v1;
	_ =	sdelay $0x4  }
0x4b: {  	s31 =	sshll.u32 s26, $0xB  }
0x4c: {  	s28 =	sand.u32 $0x3FFFF800, s31  }
0x4d: {  	v2 =	vld [tilespmem:s28+$0x0]  }
0x4e: {  	v3 =	vld [tilespmem:s28+$0x10]  }
0x4f: {  	v4 =	vld [tilespmem:s28+$0x20];
	v1 =	vpop (erf)  }
0x50: {  	v6 =	vld [tilespmem:s28+$0x30];
	v5 =	vbroadcast v1, $0x0  }
0x51: {  	v7 =	vld [tilespmem:s28+$0x40]  }
0x52: {  	v8 =	vld [tilespmem:s28+$0x50];
	v2 =	vmul.f32 v5, v2  }
0x53: {  	v9 =	vld [tilespmem:s28+$0x60];
	v3 =	vmul.f32 v5, v3  }
0x54: {  	v34 =	vld [tilespmem:s28+$0x70];
	[tilespmem:s28+$0x0] =	vst v2;
	v2 =	vmul.f32 v4, v5  }
0x55: {  	v35 =	vld [tilespmem:s28+$0x80];
	[tilespmem:s28+$0x10] =	vst v3;
	v3 =	vmul.f32 v6, v5  }
0x56: {  	v36 =	vld [tilespmem:s28+$0x90];
	[tilespmem:s28+$0x20] =	vst v2;
	v2 =	vmul.f32 v7, v5  }
0x57: {  	v37 =	vld [tilespmem:s28+$0xA0];
	[tilespmem:s28+$0x30] =	vst v3;
	v3 =	vmul.f32 v8, v5  }
0x58: {  	v10 =	vld [tilespmem:s28+$0xB0];
	v38 =	vbroadcast v1, $0x1;
	[tilespmem:s28+$0x40] =	vst v2;
	v2 =	vmul.f32 v9, v5  }
0x59: {  	v39 =	vld [tilespmem:s28+$0xC0];
	[tilespmem:s28+$0x50] =	vst v3;
	v3 =	vmul.f32 v34, v5  }
0x5a: {  	v40 =	vld [tilespmem:s28+$0xD0];
	[tilespmem:s28+$0x60] =	vst v2;
	v2 =	vmul.f32 v35, v38  }
0x5b: {  	v41 =	vld [tilespmem:s28+$0xE0];
	[tilespmem:s28+$0x70] =	vst v3;
	v3 =	vmul.f32 v36, v38  }
0x5c: {  	v42 =	vld [tilespmem:s28+$0xF0];
	[tilespmem:s28+$0x80] =	vst v2;
	v2 =	vmul.f32 v37, v38  }
0x5d: {  	v43 =	vld [tilespmem:s28+$0x100];
	[tilespmem:s28+$0x90] =	vst v3;
	v3 =	vmul.f32 v10, v38  }
0x5e: {  	v44 =	vld [tilespmem:s28+$0x110];
	[tilespmem:s28+$0xA0] =	vst v2;
	v2 =	vmul.f32 v39, v38  }
0x5f: {  	v45 =	vld [tilespmem:s28+$0x120];
	[tilespmem:s28+$0xB0] =	vst v3;
	v3 =	vmul.f32 v40, v38  }
0x60: {  	v47 =	vld [tilespmem:s28+$0x130];
	v46 =	vbroadcast v1, $0x2;
	[tilespmem:s28+$0xC0] =	vst v2;
	v2 =	vmul.f32 v41, v38  }
0x61: {  	v48 =	vld [tilespmem:s28+$0x140];
	[tilespmem:s28+$0xD0] =	vst v3;
	v3 =	vmul.f32 v42, v38  }
0x62: {  	v49 =	vld [tilespmem:s28+$0x150];
	[tilespmem:s28+$0xE0] =	vst v2;
	v2 =	vmul.f32 v43, v46  }
0x63: {  	v50 =	vld [tilespmem:s28+$0x160];
	[tilespmem:s28+$0xF0] =	vst v3;
	v3 =	vmul.f32 v44, v46  }
0x64: {  	v51 =	vld [tilespmem:s28+$0x170];
	[tilespmem:s28+$0x100] =	vst v2;
	v2 =	vmul.f32 v45, v46  }
0x65: {  	v52 =	vld [tilespmem:s28+$0x180];
	[tilespmem:s28+$0x110] =	vst v3;
	v3 =	vmul.f32 v47, v46  }
0x66: {  	v53 =	vld [tilespmem:s28+$0x190];
	[tilespmem:s28+$0x120] =	vst v2;
	v2 =	vmul.f32 v48, v46  }
0x67: {  	v54 =	vld [tilespmem:s28+$0x1A0];
	[tilespmem:s28+$0x130] =	vst v3;
	v3 =	vmul.f32 v49, v46  }
0x68: {  	v56 =	vld [tilespmem:s28+$0x1B0];
	v55 =	vbroadcast v1, $0x3;
	[tilespmem:s28+$0x140] =	vst v2;
	v2 =	vmul.f32 v50, v46  }
0x69: {  	v57 =	vld [tilespmem:s28+$0x1C0];
	[tilespmem:s28+$0x150] =	vst v3;
	v3 =	vmul.f32 v51, v46  }
0x6a: {  	v58 =	vld [tilespmem:s28+$0x1D0];
	[tilespmem:s28+$0x160] =	vst v2;
	v2 =	vmul.f32 v52, v55  }
0x6b: {  	v59 =	vld [tilespmem:s28+$0x1E0];
	[tilespmem:s28+$0x170] =	vst v3;
	v3 =	vmul.f32 v53, v55  }
0x6c: {  	v60 =	vld [tilespmem:s28+$0x1F0];
	[tilespmem:s28+$0x180] =	vst v2;
	v2 =	vmul.f32 v54, v55  }
0x6d: {  	v61 =	vld [tilespmem:s28+$0x200];
	[tilespmem:s28+$0x190] =	vst v3;
	v3 =	vmul.f32 v56, v55  }
0x6e: {  	v62 =	vld [tilespmem:s28+$0x210];
	[tilespmem:s28+$0x1A0] =	vst v2;
	v2 =	vmul.f32 v57, v55  }
0x6f: {  	v63 =	vld [tilespmem:s28+$0x220];
	[tilespmem:s28+$0x1B0] =	vst v3;
	v3 =	vmul.f32 v58, v55  }
0x70: {  	v13 =	vld [tilespmem:s28+$0x230];
	v12 =	vbroadcast v1, $0x4;
	[tilespmem:s28+$0x1C0] =	vst v2;
	v2 =	vmul.f32 v59, v55  }
0x71: {  	v14 =	vld [tilespmem:s28+$0x240];
	[tilespmem:s28+$0x1D0] =	vst v3;
	v3 =	vmul.f32 v60, v55  }
0x72: {  	v15 =	vld [tilespmem:s28+$0x250];
	[tilespmem:s28+$0x1E0] =	vst v2;
	v2 =	vmul.f32 v61, v12  }
0x73: {  	v16 =	vld [tilespmem:s28+$0x260];
	[tilespmem:s28+$0x1F0] =	vst v3;
	v3 =	vmul.f32 v62, v12  }
0x74: {  	v17 =	vld [tilespmem:s28+$0x270];
	[tilespmem:s28+$0x200] =	vst v2;
	v2 =	vmul.f32 v63, v12  }
0x75: {  	v18 =	vld [tilespmem:s28+$0x280];
	[tilespmem:s28+$0x210] =	vst v3;
	v3 =	vmul.f32 v13, v12  }
0x76: {  	v19 =	vld [tilespmem:s28+$0x290];
	[tilespmem:s28+$0x220] =	vst v2;
	v2 =	vmul.f32 v14, v12  }
0x77: {  	v20 =	vld [tilespmem:s28+$0x2A0];
	[tilespmem:s28+$0x230] =	vst v3;
	v3 =	vmul.f32 v15, v12  }
0x78: {  	v22 =	vld [tilespmem:s28+$0x2B0];
	v21 =	vbroadcast v1, $0x5;
	[tilespmem:s28+$0x240] =	vst v2;
	v2 =	vmul.f32 v16, v12  }
0x79: {  	v23 =	vld [tilespmem:s28+$0x2C0];
	[tilespmem:s28+$0x250] =	vst v3;
	v3 =	vmul.f32 v17, v12  }
0x7a: {  	v24 =	vld [tilespmem:s28+$0x2D0];
	[tilespmem:s28+$0x260] =	vst v2;
	v2 =	vmul.f32 v18, v21  }
0x7b: {  	v25 =	vld [tilespmem:s28+$0x2E0];
	[tilespmem:s28+$0x270] =	vst v3;
	v3 =	vmul.f32 v19, v21  }
0x7c: {  	v26 =	vld [tilespmem:s28+$0x2F0];
	[tilespmem:s28+$0x280] =	vst v2;
	v2 =	vmul.f32 v20, v21  }
0x7d: {  	v27 =	vld [tilespmem:s28+$0x300];
	[tilespmem:s28+$0x290] =	vst v3;
	v3 =	vmul.f32 v22, v21  }
0x7e: {  	v28 =	vld [tilespmem:s28+$0x310];
	[tilespmem:s28+$0x2A0] =	vst v2;
	v2 =	vmul.f32 v23, v21  }
0x7f: {  	v29 =	vld [tilespmem:s28+$0x320];
	[tilespmem:s28+$0x2B0] =	vst v3;
	v3 =	vmul.f32 v24, v21  }
0x80: {  	v31 =	vld [tilespmem:s28+$0x330];
	v30 =	vbroadcast v1, $0x6;
	[tilespmem:s28+$0x2C0] =	vst v2;
	v2 =	vmul.f32 v25, v21  }
0x81: {  	v32 =	vld [tilespmem:s28+$0x340];
	[tilespmem:s28+$0x2D0] =	vst v3;
	v3 =	vmul.f32 v26, v21  }
0x82: {  	v33 =	vld [tilespmem:s28+$0x350];
	[tilespmem:s28+$0x2E0] =	vst v2;
	v2 =	vmul.f32 v27, v30  }
0x83: {  	v34 =	vld [tilespmem:s28+$0x360];
	[tilespmem:s28+$0x2F0] =	vst v3;
	v3 =	vmul.f32 v28, v30  }
0x84: {  	v35 =	vld [tilespmem:s28+$0x370];
	[tilespmem:s28+$0x300] =	vst v2;
	v2 =	vmul.f32 v29, v30  }
0x85: {  	v36 =	vld [tilespmem:s28+$0x380];
	[tilespmem:s28+$0x310] =	vst v3;
	v3 =	vmul.f32 v31, v30  }
0x86: {  	v37 =	vld [tilespmem:s28+$0x390];
	[tilespmem:s28+$0x320] =	vst v2;
	v2 =	vmul.f32 v32, v30  }
0x87: {  	v38 =	vld [tilespmem:s28+$0x3A0];
	[tilespmem:s28+$0x330] =	vst v3;
	v3 =	vmul.f32 v33, v30  }
0x88: {  	v39 =	vbroadcast v1, $0x7;
	v40 =	vld [tilespmem:s28+$0x3B0];
	[tilespmem:s28+$0x340] =	vst v2;
	v2 =	vmul.f32 v34, v30  }
0x89: {  	v41 =	vld [tilespmem:s28+$0x3C0];
	[tilespmem:s28+$0x350] =	vst v3;
	v3 =	vmul.f32 v35, v30  }
0x8a: {  	v42 =	vld [tilespmem:s28+$0x3D0];
	[tilespmem:s28+$0x360] =	vst v2;
	v2 =	vmul.f32 v36, v39  }
0x8b: {  	v43 =	vld [tilespmem:s28+$0x3E0];
	[tilespmem:s28+$0x370] =	vst v3;
	v3 =	vmul.f32 v37, v39  }
0x8c: {  	v44 =	vld [tilespmem:s28+$0x3F0];
	[tilespmem:s28+$0x380] =	vst v2;
	v2 =	vmul.f32 v38, v39  }
0x8d: {  	v45 =	vld [tilespmem:s28+$0x400];
	[tilespmem:s28+$0x390] =	vst v3;
	v3 =	vmul.f32 v40, v39  }
0x8e: {  	v46 =	vld [tilespmem:s28+$0x410];
	[tilespmem:s28+$0x3A0] =	vst v2;
	v2 =	vmul.f32 v41, v39  }
0x8f: {  	v47 =	vld [tilespmem:s28+$0x420];
	[tilespmem:s28+$0x3B0] =	vst v3;
	v3 =	vmul.f32 v42, v39  }
0x90: {  	v48 =	vbroadcast v1, $0x8;
	v49 =	vld [tilespmem:s28+$0x430];
	[tilespmem:s28+$0x3C0] =	vst v2;
	v2 =	vmul.f32 v43, v39  }
0x91: {  	v50 =	vld [tilespmem:s28+$0x440];
	[tilespmem:s28+$0x3D0] =	vst v3;
	v3 =	vmul.f32 v44, v39  }
0x92: {  	v51 =	vld [tilespmem:s28+$0x450];
	[tilespmem:s28+$0x3E0] =	vst v2;
	v2 =	vmul.f32 v45, v48  }
0x93: {  	v52 =	vld [tilespmem:s28+$0x460];
	[tilespmem:s28+$0x3F0] =	vst v3;
	v3 =	vmul.f32 v46, v48  }
0x94: {  	v53 =	vld [tilespmem:s28+$0x470];
	[tilespmem:s28+$0x400] =	vst v2;
	v2 =	vmul.f32 v47, v48  }
0x95: {  	v54 =	vld [tilespmem:s28+$0x480];
	[tilespmem:s28+$0x410] =	vst v3;
	v3 =	vmul.f32 v49, v48  }
0x96: {  	v55 =	vld [tilespmem:s28+$0x490];
	[tilespmem:s28+$0x420] =	vst v2;
	v2 =	vmul.f32 v50, v48  }
0x97: {  	v56 =	vld [tilespmem:s28+$0x4A0];
	[tilespmem:s28+$0x430] =	vst v3;
	v3 =	vmul.f32 v51, v48  }
0x98: {  	v57 =	vbroadcast v1, $0x9;
	v58 =	vld [tilespmem:s28+$0x4B0];
	[tilespmem:s28+$0x440] =	vst v2;
	v2 =	vmul.f32 v52, v48  }
0x99: {  	v59 =	vld [tilespmem:s28+$0x4C0];
	[tilespmem:s28+$0x450] =	vst v3;
	v3 =	vmul.f32 v53, v48  }
0x9a: {  	v60 =	vld [tilespmem:s28+$0x4D0];
	[tilespmem:s28+$0x460] =	vst v2;
	v2 =	vmul.f32 v54, v57  }
0x9b: {  	v61 =	vld [tilespmem:s28+$0x4E0];
	[tilespmem:s28+$0x470] =	vst v3;
	v3 =	vmul.f32 v55, v57  }
0x9c: {  	v62 =	vld [tilespmem:s28+$0x4F0];
	[tilespmem:s28+$0x480] =	vst v2;
	v2 =	vmul.f32 v56, v57  }
0x9d: {  	v63 =	vld [tilespmem:s28+$0x500];
	[tilespmem:s28+$0x490] =	vst v3;
	v3 =	vmul.f32 v58, v57  }
0x9e: {  	v12 =	vld [tilespmem:s28+$0x510];
	[tilespmem:s28+$0x4A0] =	vst v2;
	v2 =	vmul.f32 v59, v57  }
0x9f: {  	v13 =	vld [tilespmem:s28+$0x520];
	[tilespmem:s28+$0x4B0] =	vst v3;
	v3 =	vmul.f32 v60, v57  }
0xa0: {  	v14 =	vbroadcast v1, $0xA;
	v15 =	vld [tilespmem:s28+$0x530];
	[tilespmem:s28+$0x4C0] =	vst v2;
	v2 =	vmul.f32 v61, v57  }
0xa1: {  	v16 =	vld [tilespmem:s28+$0x540];
	[tilespmem:s28+$0x4D0] =	vst v3;
	v3 =	vmul.f32 v62, v57  }
0xa2: {  	v17 =	vld [tilespmem:s28+$0x550];
	[tilespmem:s28+$0x4E0] =	vst v2;
	v2 =	vmul.f32 v63, v14  }
0xa3: {  	v18 =	vld [tilespmem:s28+$0x560];
	[tilespmem:s28+$0x4F0] =	vst v3;
	v3 =	vmul.f32 v12, v14  }
0xa4: {  	v19 =	vld [tilespmem:s28+$0x570];
	[tilespmem:s28+$0x500] =	vst v2;
	v2 =	vmul.f32 v13, v14  }
0xa5: {  	v20 =	vld [tilespmem:s28+$0x580];
	[tilespmem:s28+$0x510] =	vst v3;
	v3 =	vmul.f32 v15, v14  }
0xa6: {  	v21 =	vld [tilespmem:s28+$0x590];
	[tilespmem:s28+$0x520] =	vst v2;
	v2 =	vmul.f32 v16, v14  }
0xa7: {  	v22 =	vld [tilespmem:s28+$0x5A0];
	[tilespmem:s28+$0x530] =	vst v3;
	v3 =	vmul.f32 v17, v14  }
0xa8: {  	v23 =	vbroadcast v1, $0xB;
	v24 =	vld [tilespmem:s28+$0x5B0];
	[tilespmem:s28+$0x540] =	vst v2;
	v2 =	vmul.f32 v18, v14  }
0xa9: {  	v25 =	vld [tilespmem:s28+$0x5C0];
	[tilespmem:s28+$0x550] =	vst v3;
	v3 =	vmul.f32 v19, v14  }
0xaa: {  	v26 =	vld [tilespmem:s28+$0x5D0];
	[tilespmem:s28+$0x560] =	vst v2;
	v2 =	vmul.f32 v20, v23  }
0xab: {  	v27 =	vld [tilespmem:s28+$0x5E0];
	[tilespmem:s28+$0x570] =	vst v3;
	v3 =	vmul.f32 v21, v23  }
0xac: {  	v28 =	vld [tilespmem:s28+$0x5F0];
	[tilespmem:s28+$0x580] =	vst v2;
	v2 =	vmul.f32 v22, v23  }
0xad: {  	v29 =	vld [tilespmem:s28+$0x600];
	[tilespmem:s28+$0x590] =	vst v3;
	v3 =	vmul.f32 v24, v23  }
0xae: {  	v30 =	vld [tilespmem:s28+$0x610];
	[tilespmem:s28+$0x5A0] =	vst v2;
	v2 =	vmul.f32 v25, v23  }
0xaf: {  	v31 =	vld [tilespmem:s28+$0x620];
	[tilespmem:s28+$0x5B0] =	vst v3;
	v3 =	vmul.f32 v26, v23  }
0xb0: {  	v32 =	vbroadcast v1, $0xC;
	v33 =	vld [tilespmem:s28+$0x630];
	[tilespmem:s28+$0x5C0] =	vst v2;
	v2 =	vmul.f32 v27, v23  }
0xb1: {  	v34 =	vld [tilespmem:s28+$0x640];
	[tilespmem:s28+$0x5D0] =	vst v3;
	v3 =	vmul.f32 v28, v23  }
0xb2: {  	v35 =	vld [tilespmem:s28+$0x650];
	[tilespmem:s28+$0x5E0] =	vst v2;
	v2 =	vmul.f32 v29, v32  }
0xb3: {  	v36 =	vld [tilespmem:s28+$0x660];
	[tilespmem:s28+$0x5F0] =	vst v3;
	v3 =	vmul.f32 v30, v32  }
0xb4: {  	v37 =	vld [tilespmem:s28+$0x670];
	[tilespmem:s28+$0x600] =	vst v2;
	v2 =	vmul.f32 v31, v32  }
0xb5: {  	v38 =	vld [tilespmem:s28+$0x680];
	[tilespmem:s28+$0x610] =	vst v3;
	v3 =	vmul.f32 v33, v32  }
0xb6: {  	v39 =	vld [tilespmem:s28+$0x690];
	[tilespmem:s28+$0x620] =	vst v2;
	v2 =	vmul.f32 v34, v32  }
0xb7: {  	v40 =	vld [tilespmem:s28+$0x6A0];
	[tilespmem:s28+$0x630] =	vst v3;
	v3 =	vmul.f32 v35, v32  }
0xb8: {  	v41 =	vbroadcast v1, $0xD;
	v42 =	vld [tilespmem:s28+$0x6B0];
	[tilespmem:s28+$0x640] =	vst v2;
	v2 =	vmul.f32 v36, v32  }
0xb9: {  	v43 =	vld [tilespmem:s28+$0x6C0];
	[tilespmem:s28+$0x650] =	vst v3;
	v3 =	vmul.f32 v37, v32  }
0xba: {  	v44 =	vld [tilespmem:s28+$0x6D0];
	[tilespmem:s28+$0x660] =	vst v2;
	v2 =	vmul.f32 v38, v41  }
0xbb: {  	v45 =	vld [tilespmem:s28+$0x6E0];
	[tilespmem:s28+$0x670] =	vst v3;
	v3 =	vmul.f32 v39, v41  }
0xbc: {  	v46 =	vld [tilespmem:s28+$0x6F0];
	[tilespmem:s28+$0x680] =	vst v2;
	v2 =	vmul.f32 v40, v41  }
0xbd: {  	v47 =	vld [tilespmem:s28+$0x700];
	[tilespmem:s28+$0x690] =	vst v3;
	v3 =	vmul.f32 v42, v41  }
0xbe: {  	v48 =	vld [tilespmem:s28+$0x710];
	[tilespmem:s28+$0x6A0] =	vst v2;
	v2 =	vmul.f32 v43, v41  }
0xbf: {  	v49 =	vld [tilespmem:s28+$0x720];
	[tilespmem:s28+$0x6B0] =	vst v3;
	v3 =	vmul.f32 v44, v41  }
0xc0: {  	v50 =	vbroadcast v1, $0xE;
	v51 =	vld [tilespmem:s28+$0x730];
	[tilespmem:s28+$0x6C0] =	vst v2;
	v2 =	vmul.f32 v45, v41  }
0xc1: {  	v52 =	vld [tilespmem:s28+$0x740];
	[tilespmem:s28+$0x6D0] =	vst v3;
	v3 =	vmul.f32 v46, v41  }
0xc2: {  	v53 =	vld [tilespmem:s28+$0x750];
	[tilespmem:s28+$0x6E0] =	vst v2;
	v2 =	vmul.f32 v47, v50  }
0xc3: {  	v54 =	vld [tilespmem:s28+$0x760];
	[tilespmem:s28+$0x6F0] =	vst v3;
	v3 =	vmul.f32 v48, v50  }
0xc4: {  	v55 =	vld [tilespmem:s28+$0x770];
	[tilespmem:s28+$0x700] =	vst v2;
	v2 =	vmul.f32 v49, v50  }
0xc5: {  	v56 =	vld [tilespmem:s28+$0x780];
	[tilespmem:s28+$0x710] =	vst v3;
	v3 =	vmul.f32 v51, v50  }
0xc6: {  	v57 =	vld [tilespmem:s28+$0x790];
	[tilespmem:s28+$0x720] =	vst v2;
	v2 =	vmul.f32 v52, v50  }
0xc7: {  	v58 =	vld [tilespmem:s28+$0x7A0];
	[tilespmem:s28+$0x730] =	vst v3;
	v3 =	vmul.f32 v53, v50  }
0xc8: {  	v1 =	vbroadcast v1, $0xF;
	v59 =	vld [tilespmem:s28+$0x7B0];
	[tilespmem:s28+$0x740] =	vst v2;
	v2 =	vmul.f32 v54, v50  }
0xc9: {  	v60 =	vld [tilespmem:s28+$0x7C0];
	[tilespmem:s28+$0x750] =	vst v3;
	v3 =	vmul.f32 v55, v50  }
0xca: {  	v61 =	vld [tilespmem:s28+$0x7D0];
	[tilespmem:s28+$0x760] =	vst v2;
	v2 =	vmul.f32 v56, v1  }
0xcb: {  	v62 =	vld [tilespmem:s28+$0x7E0];
	[tilespmem:s28+$0x770] =	vst v3;
	v3 =	vmul.f32 v57, v1  }
0xcc: {  	v63 =	vld [tilespmem:s28+$0x7F0];
	[tilespmem:s28+$0x780] =	vst v2;
	v2 =	vmul.f32 v58, v1  }
0xcd: {  	[tilespmem:s28+$0x790] =	vst v3;
	v3 =	vmul.f32 v59, v1  }
0xce: {  	p0 =	sne.s32 s26, $0xF;
	[tilespmem:s28+$0x7A0] =	vst v2;
	v2 =	vmul.f32 v60, v1  }
.Ltmp1:
0xcf: {  	[tilespmem:s28+$0x7B0] =	vst v3;
	v3 =	vmul.f32 v61, v1;
	(pc) =	sbr.rel @p0 .LBB2_4-.Ltmp1, $4  }
0xd0: {  	[tilespmem:s28+$0x7C0] =	vst v2;
	v2 =	vmul.f32 v62, v1  }
0xd1: {  	[tilespmem:s28+$0x7D0] =	vst v3;
	v1 =	vmul.f32 v63, v1  }
0xd2: {  	[tilespmem:s28+$0x7E0] =	vst v2  }
0xd3: {  	s26 =	sadd.s32 $0x1, s26;
	[tilespmem:s28+$0x7F0] =	vst v1  }
0xd4: {  	[bflag:$0x0] =	sbarrier.arrive $0xFFFF  }
0xd5: {  	[spmem:s2] =	stream.indirect.scatter.add.f32 [tilespmem:s3], [sflag:$0x1], $0x80, s17, s12, $0xb8;
	[tilespmem:$0x10B00] =	vst v63  }
0xd6: {  	_ = 	snop  }
0xd7: {  	[spmem:s2] =	stream.indirect.scatter.add.f32 [tilespmem:s22], [sflag:$0x1], $0x80, s18, s12, $0xb8;
	[tilespmem:$0x10B00] =	vst v63  }
0xd8: {  	_ =	swait.ge [sflag:s21], $0x4000  }
0xd9: {  	[sflag:s21] =	ssyncset.done $0x0  }
0xda: {  	[sflag:s21] =	ssyncadd.s32 $0xFFFFC000  }
0xdb: {  	_ =	swait.ge [sflag:s21], $0x4000  }
0xdc: {  	s25 =	sadd.s32 $0x1, s25;
	[sflag:s21] =	ssyncset.done $0x0  }
0xdd: {  	p0 =	sne.s32 s25, s11;
	[sflag:s21] =	ssyncadd.s32 $0xFFFFC000  }
.Ltmp2:
0xde: {  	[bflag:$0x0] =	sbarrier.arrive $0xFFFF;
	(pc) =	sbr.rel @p0 .LBB2_1-.Ltmp2, $4  }
0xdf: {  	[hbm:s10], [sflag:s23] =	dma.local [spmem:s24], $0x800  }
0xe0: {  	_ =	swait.ge [sflag:s20], $0x800  }
0xe1: {  	[sflag:s20] =	ssyncset.done $0x0  }
0xe2: {  	[sflag:s20] =	ssyncadd.s32 $0xFFFFF800  }
0xe3: {  	_ =	sfence.sel $0x180000  }
0xe4: {  	[bflag:$0x0] =	sbarrier.arrive $0xFFFF  }
0xe5: {  	p0 =	sne.s32 s0, $0x0;
	_ =	strace $0x90000047  }
0xe6: {  	s0 =	sadd.s32 @!p0 $0x100000, s1;
	[bflag:$0x2] =	sbarrier.arrive $0xFFFF  }
0xe7: {  	[sflag:s0] =	ssyncadd.tile.s32 @!p0 $0x1;
	_ =	shalt  }
.Lfunc_end2:
_tile_overlayer_lowered:
.L_overlay_start_2:
0xe8: {  	(tag) =	ssettag $0x2  }
0xe9: {  	s0 =	rddreg [dreg:$0x0];
	s2 =	stileid.u32  }
0xea: {  	s1 =	rddreg [dreg:$0x1];
	p0 =	sne.s32 s2, $0x0  }
0xeb: {  	s3 =	rddreg [dreg:$0x2];
	[bflag:$0x3] =	sbarrier.arrive $0xFFFF;
	s2 =	simm.s32 @!p0 $0x1C02  }
0xec: {  	[timem:s3], [sflag:s2] =	dma.local @!p0 [hbm:s0], s1  }
0xed: {  	s0 =	simm.s32 @!p0 $0x2  }
0xee: {  	_ =	swait.ge @!p0 [sflag:s0], s1  }
0xef: {  	s1 =	ssub.s32 @!p0 $0x0, s1;
	[sflag:s0] =	ssyncset.done @!p0 $0x0  }
0xf0: {  	[sflag:s0] =	ssyncadd.s32 @!p0 s1  }
0xf1: {  	[bflag:$0x3] =	sbarrier.arrive $0xFFFF  }
0xf2: {  	_ =	shalt  }

</sc_bundles>
